<compile_context>
chip_gen: v7x
topology: tpu7x:2x2x1
jax: 0.10.2.dev20260603
libtpu: 0.0.44.dev20260713+nightly
codegen_flags: <defaults>
</compile_context>

<pallas_src>
import functools

import jax
import jax.numpy as jnp
from jax import lax
from jax.experimental import pallas as pl
from jax.experimental.pallas import tpu as pltpu
from jax.experimental.pallas import tpu_sc as plsc

N = 10000
NPAD = 10240
E = 320000
EPAD = 327680
C = 32
NC = 2
NS = 16
NW = NC * NS
EPW = EPAD // NW
WIN = 128
NWINS = EPW // WIN
RPT = NPAD // NS
EPS = 1e-5

_MESH = plsc.VectorSubcoreMesh(
    core_axis_name="c", subcore_axis_name="s", num_cores=NC, num_subcores=NS
)


@functools.partial(
    pl.kernel,
    out_type=jax.ShapeDtypeStruct((NC, NPAD, C), jnp.float32),
    mesh=_MESH,
    compiler_params=pltpu.CompilerParams(use_tc_tiling_on_sc=False),
    scratch_types=(
        [pltpu.VMEM((NWINS, WIN), jnp.int32)] * 2
        + [pltpu.VMEM((WIN, C), jnp.float32)] * 8
        + [pltpu.VMEM((RPT, C), jnp.float32)]
        + [pltpu.VMEM_SHARED((NPAD, C), jnp.float32)]
        + [pltpu.SemaphoreType.DMA] * 16
    ),
)
def _edge_scatter(t_hbm, src_hbm, dst_hbm, out_hbm, *scr):
    src_a, dst_a = scr[0], scr[1]
    rows = scr[2:10]
    zbuf, acc_sh = scr[10], scr[11]
    t_sh = t_hbm
    gsem = scr[12:20]
    ssem = scr[20:28]
    B = 8

    cid = lax.axis_index("c")
    sid = lax.axis_index("s")
    wid = cid * NS + sid

    idx_src = pltpu.make_async_copy(src_hbm.at[pl.ds(wid * NWINS, NWINS)],
                                    src_a, gsem[0])
    idx_dst = pltpu.make_async_copy(dst_hbm.at[pl.ds(wid * NWINS, NWINS)],
                                    dst_a, gsem[1])
    idx_src.start()
    idx_dst.start()

    zeros = jnp.zeros((16,), jnp.float32)

    @pl.loop(0, RPT)
    def _zero(r):
        zbuf[r, pl.ds(0, 16)] = zeros
        zbuf[r, pl.ds(16, 16)] = zeros

    pltpu.sync_copy(zbuf, acc_sh.at[pl.ds(sid * RPT, RPT)])
    idx_src.wait()
    idx_dst.wait()
    plsc.subcore_barrier()

    def g_start(w, b):
        pltpu.make_async_copy(t_sh.at[src_a.at[w]], rows[b], gsem[b]).start()

    def g_wait(w, b):
        pltpu.make_async_copy(t_sh.at[src_a.at[w]], rows[b], gsem[b]).wait()

    def s_start(w, b):
        pltpu.async_copy(rows[b], acc_sh.at[dst_a.at[w]], ssem[b], add=True)

    def s_wait(w, b):
        pltpu.make_async_copy(rows[b], acc_sh.at[dst_a.at[w]], ssem[b]).wait()

    for b in range(B):
        g_start(b, b)

    @pl.loop(0, NWINS - B, step=B)
    def _main(w0):
        for b in range(B):
            g_wait(w0 + b, b)
            s_start(w0 + b, b)
        for b in range(B):
            s_wait(w0 + b, b)
            g_start(w0 + B + b, b)

    for b in range(B):
        g_wait(NWINS - B + b, b)
        s_start(NWINS - B + b, b)
    for b in range(B):
        s_wait(NWINS - B + b, b)

    plsc.subcore_barrier()
    pltpu.sync_copy(acc_sh.at[pl.ds(sid * RPT, RPT)],
                    out_hbm.at[cid, pl.ds(sid * RPT, RPT)])


N4 = N // 4
NP4 = NPAD // 4


def _mm_body(x_ref, w_ref, o_ref):
    cols = [jnp.dot(x_ref[:, a, :], w_ref[...],
                    preferred_element_type=jnp.float32) for a in range(4)]
    o_ref[:N4] = jnp.concatenate(cols, axis=1)
    o_ref[N4:] = jnp.zeros((NP4 - N4, 128), jnp.float32)


def _fold4(v):
    return v[:, 0:32] + v[:, 32:64] + v[:, 64:96] + v[:, 96:128]


def _bn_scale_shift(hp, g_ref, b_ref):
    s1 = _fold4(jnp.sum(hp, axis=0, keepdims=True))
    s2 = _fold4(jnp.sum(hp * hp, axis=0, keepdims=True))
    mu = s1 * (1.0 / N)
    var = s2 * (1.0 / N) - mu * mu
    scale = g_ref[...] * lax.rsqrt(var + EPS)
    shift = b_ref[...] - mu * scale
    scale128 = jnp.concatenate([scale] * 4, axis=1)
    shift128 = jnp.concatenate([shift] * 4, axis=1)
    return scale128, shift128


def _bn_mm_body(p_ref, g_ref, b_ref, w_ref, t_ref, h_ref):
    hp = p_ref[0, :N4] + p_ref[1, :N4]
    scale, shift = _bn_scale_shift(hp, g_ref, b_ref)
    h = jnp.maximum(hp * scale + shift, 0.0)
    h_ref[...] = h
    t_ref[:N4] = jnp.dot(h, w_ref[...], preferred_element_type=jnp.float32)
    t_ref[N4:] = jnp.zeros((NP4 - N4, 128), jnp.float32)


def _final_body(p_ref, g_ref, b_ref, h2_ref, o_ref):
    hp = p_ref[0, :N4] + p_ref[1, :N4]
    scale, shift = _bn_scale_shift(hp, g_ref, b_ref)
    r2 = hp * scale + shift
    o_ref[...] = jnp.maximum(h2_ref[...] + r2, 0.0)


_f32 = jnp.float32
_mm = pl.pallas_call(_mm_body, out_shape=jax.ShapeDtypeStruct((NP4, 128), _f32))
_bn_mm = pl.pallas_call(
    _bn_mm_body,
    out_shape=(jax.ShapeDtypeStruct((NP4, 128), _f32),
               jax.ShapeDtypeStruct((N4, 128), _f32)),
)
_final = pl.pallas_call(_final_body,
                        out_shape=jax.ShapeDtypeStruct((N4, 128), _f32))


def kernel(x, edge_index, W0, g0, b0, W1, g1, b1, Wa, ga, ba, Wb, gb, bb):
    npad = EPAD - E
    pad_src = (jnp.arange(npad, dtype=jnp.int32) * 131) % N
    pad_dst = N + (jnp.arange(npad, dtype=jnp.int32) % (NPAD - N))
    src = jnp.concatenate([edge_index[0], pad_src]).reshape(EPAD // WIN, WIN)
    dst = jnp.concatenate([edge_index[1], pad_dst]).reshape(EPAD // WIN, WIN)

    g0, b0 = g0.reshape(1, C), b0.reshape(1, C)
    g1, b1 = g1.reshape(1, C), b1.reshape(1, C)
    ga, ba = ga.reshape(1, C), ba.reshape(1, C)
    gb, bb = gb.reshape(1, C), bb.reshape(1, C)

    eye4 = jnp.eye(4, dtype=_f32)
    W1b = jnp.kron(eye4, W1)
    Wab = jnp.kron(eye4, Wa)
    Wbb = jnp.kron(eye4, Wb)

    tp = _mm(x.reshape(N4, 4, 128), W0)
    p = _edge_scatter(tp.reshape(NPAD, C), src, dst)
    tp, _ = _bn_mm(p.reshape(NC, NP4, 128), g0, b0, W1b)
    p = _edge_scatter(tp.reshape(NPAD, C), src, dst)
    tp, h2 = _bn_mm(p.reshape(NC, NP4, 128), g1, b1, Wab)
    p = _edge_scatter(tp.reshape(NPAD, C), src, dst)
    tp, _ = _bn_mm(p.reshape(NC, NP4, 128), ga, ba, Wbb)
    p = _edge_scatter(tp.reshape(NPAD, C), src, dst)
    outp = _final(p.reshape(NC, NP4, 128), gb, bb, h2)
    return outp.reshape(N, C)

# --- scband reference (transcript-rebuilt; emitter-appended) ---
"""Pipeline reference for scband-mink-unet-18588618457312 (READ-ONLY COPY).

The authoritative reference and input builder live on the scoring server;
editing this copy changes nothing except your own understanding.
"""

import jax, jax.numpy as jnp
import numpy as np

N = 10000
E = 320000
D_IN = 128
C0 = 32  # cs[0] = int(cr * planes[0])


def setup_inputs(seed: int = 0) -> dict:
    key = jax.random.key(seed)
    ks = jax.random.split(key, 16)
    x = jax.random.normal(ks[0], (N, D_IN), dtype=jnp.float32)
    edge_index = jax.random.randint(ks[1], (2, E), 0, N, dtype=jnp.int32)
    # Learned parameters sized per init_kwargs (stem: in_channels->cs0->cs0;
    # first ResidualBlock of stage-equivalent: cs0->cs0->cs0).
    s = 1.0 / np.sqrt(D_IN)
    W0 = jax.random.normal(ks[2], (D_IN, C0), dtype=jnp.float32) * s
    g0 = jnp.ones((C0,), jnp.float32)
    b0 = jnp.zeros((C0,), jnp.float32)
    s2 = 1.0 / np.sqrt(C0)
    W1 = jax.random.normal(ks[3], (C0, C0), dtype=jnp.float32) * s2
    g1 = jnp.ones((C0,), jnp.float32)
    b1 = jnp.zeros((C0,), jnp.float32)
    Wa = jax.random.normal(ks[4], (C0, C0), dtype=jnp.float32) * s2
    ga = jnp.ones((C0,), jnp.float32)
    ba = jnp.zeros((C0,), jnp.float32)
    Wb = jax.random.normal(ks[5], (C0, C0), dtype=jnp.float32) * s2
    gb = jnp.ones((C0,), jnp.float32)
    bb = jnp.zeros((C0,), jnp.float32)
    return {"x": x, "edge_index": edge_index,
            "W0": W0, "g0": g0, "b0": b0,
            "W1": W1, "g1": g1, "b1": b1,
            "Wa": Wa, "ga": ga, "ba": ba,
            "Wb": Wb, "gb": gb, "bb": bb}


def _bn(h, g, b, eps=1e-5):
    mu = jnp.mean(h, axis=0, keepdims=True)
    var = jnp.var(h, axis=0, keepdims=True)
    return (h - mu) * jax.lax.rsqrt(var + eps) * g + b


def _gconv(h, src, dst, W, g, b):
    # sparse conv kernel-map emulation: gather along src, transform, scatter-add to dst
    msg = jnp.take(h, src, axis=0) @ W
    agg = jax.ops.segment_sum(msg, dst, num_segments=N)
    return _bn(agg, g, b)


def reference(x, edge_index, W0, g0, b0, W1, g1, b1, Wa, ga, ba, Wb, gb, bb):
    src = edge_index[0]
    dst = edge_index[1]
    # stem: Conv3d -> BN -> ReLU -> Conv3d -> BN -> ReLU
    h = jax.nn.relu(_gconv(x, src, dst, W0, g0, b0))
    h = jax.nn.relu(_gconv(h, src, dst, W1, g1, b1))
    # ResidualBlock: conv-bn-relu-conv-bn + identity downsample, then ReLU
    r = jax.nn.relu(_gconv(h, src, dst, Wa, ga, ba))
    r = _gconv(r, src, dst, Wb, gb, bb)
    out = jax.nn.relu(h + r)
    return out

if __name__ == "__main__":
    import jax
    _d = setup_inputs()
    print(jax.jit(kernel)(*tuple(_d.values())))

</pallas_src>

<mosaic_0001>
#map = affine_map<(d0, d1) -> (0, 0)>
#map1 = affine_map<(d0, d1) -> (0, 0, 0)>
module attributes {stable_mosaic.version = 14 : i64} {
  func.func @_edge_scatter(%arg0: i32, %arg1: i32, %arg2: memref<10240x32xf32, #tpu.memory_space<hbm>>, %arg3: memref<2560x128xi32, #tpu.memory_space<hbm>>, %arg4: memref<2560x128xi32, #tpu.memory_space<hbm>>, %arg5: memref<2x10240x32xf32, #tpu.memory_space<hbm>>, %arg6: memref<80x128xi32, #tpu.memory_space<vmem>>, %arg7: memref<80x128xi32, #tpu.memory_space<vmem>>, %arg8: memref<128x32xf32, #tpu.memory_space<vmem>>, %arg9: memref<128x32xf32, #tpu.memory_space<vmem>>, %arg10: memref<128x32xf32, #tpu.memory_space<vmem>>, %arg11: memref<128x32xf32, #tpu.memory_space<vmem>>, %arg12: memref<128x32xf32, #tpu.memory_space<vmem>>, %arg13: memref<128x32xf32, #tpu.memory_space<vmem>>, %arg14: memref<128x32xf32, #tpu.memory_space<vmem>>, %arg15: memref<128x32xf32, #tpu.memory_space<vmem>>, %arg16: memref<640x32xf32, #tpu.memory_space<vmem>>, %arg17: memref<10240x32xf32, #tpu.memory_space<vmem_shared>>, %arg18: memref<!tpu.dma_semaphore, #tpu.memory_space<semaphore_mem>>, %arg19: memref<!tpu.dma_semaphore, #tpu.memory_space<semaphore_mem>>, %arg20: memref<!tpu.dma_semaphore, #tpu.memory_space<semaphore_mem>>, %arg21: memref<!tpu.dma_semaphore, #tpu.memory_space<semaphore_mem>>, %arg22: memref<!tpu.dma_semaphore, #tpu.memory_space<semaphore_mem>>, %arg23: memref<!tpu.dma_semaphore, #tpu.memory_space<semaphore_mem>>, %arg24: memref<!tpu.dma_semaphore, #tpu.memory_space<semaphore_mem>>, %arg25: memref<!tpu.dma_semaphore, #tpu.memory_space<semaphore_mem>>, %arg26: memref<!tpu.dma_semaphore, #tpu.memory_space<semaphore_mem>>, %arg27: memref<!tpu.dma_semaphore, #tpu.memory_space<semaphore_mem>>, %arg28: memref<!tpu.dma_semaphore, #tpu.memory_space<semaphore_mem>>, %arg29: memref<!tpu.dma_semaphore, #tpu.memory_space<semaphore_mem>>, %arg30: memref<!tpu.dma_semaphore, #tpu.memory_space<semaphore_mem>>, %arg31: memref<!tpu.dma_semaphore, #tpu.memory_space<semaphore_mem>>, %arg32: memref<!tpu.dma_semaphore, #tpu.memory_space<semaphore_mem>>, %arg33: memref<!tpu.dma_semaphore, #tpu.memory_space<semaphore_mem>>) attributes {dimension_semantics = [#tpu.dimension_semantics<core_parallel>, #tpu.dimension_semantics<subcore_parallel>], iteration_bounds = array<i64: 2, 16>, scalar_prefetch = 0 : i64, scratch_operands = 28 : i64, tpu.core_type = #tpu.core_type<sc_vector_subcore>, window_params = [{transform_indices = #map}, {transform_indices = #map}, {transform_indices = #map}, {transform_indices = #map1}]} {
    %mul3A = arith.constant 16 : i32
    %mul3A_0 = arith.muli %arg0, %mul3A : i32
    %add3A = arith.addi %mul3A_0, %arg1 : i32
    %mul3A_1 = arith.constant 80 : i32
    %mul3A_2 = arith.muli %add3A, %mul3A_1 : i32
    %mul3A_3 = arith.constant 80 : i32
    %mul3A_4 = arith.muli %add3A, %mul3A_3 : i32
    %dma_start3A = arith.constant 0 : i32
    %dma_start3A_5 = tpu.memref_slice %arg3[%mul3A_2, %dma_start3A] : memref<2560x128xi32, #tpu.memory_space<hbm>> -> memref<80x128xi32, #tpu.memory_space<hbm>>
    %dma_start3A_6 = arith.constant 0 : i32
    %dma_start3A_7 = tpu.memref_slice %arg3[%mul3A_2, %dma_start3A_6] : memref<2560x128xi32, #tpu.memory_space<hbm>> -> memref<80x128xi32, #tpu.memory_space<hbm>>
    tpu.enqueue_dma source(%dma_start3A_7 : memref<80x128xi32, #tpu.memory_space<hbm>>) target(%arg6 : memref<80x128xi32, #tpu.memory_space<vmem>>) target_semaphore(%arg18 : memref<!tpu.dma_semaphore, #tpu.memory_space<semaphore_mem>>)
    %dma_start3A_8 = arith.constant 0 : i32
    %dma_start3A_9 = tpu.memref_slice %arg4[%mul3A_4, %dma_start3A_8] : memref<2560x128xi32, #tpu.memory_space<hbm>> -> memref<80x128xi32, #tpu.memory_space<hbm>>
    %dma_start3A_10 = arith.constant 0 : i32
    %dma_start3A_11 = tpu.memref_slice %arg4[%mul3A_4, %dma_start3A_10] : memref<2560x128xi32, #tpu.memory_space<hbm>> -> memref<80x128xi32, #tpu.memory_space<hbm>>
    tpu.enqueue_dma source(%dma_start3A_11 : memref<80x128xi32, #tpu.memory_space<hbm>>) target(%arg7 : memref<80x128xi32, #tpu.memory_space<vmem>>) target_semaphore(%arg19 : memref<!tpu.dma_semaphore, #tpu.memory_space<semaphore_mem>>)
    %broadcast_in_dim3A = arith.constant 0.000000e+00 : f32
    %broadcast_in_dim3A_12 = vector.broadcast %broadcast_in_dim3A : f32 to vector<16xf32>
    %scan3A = arith.constant 0 : i32
    %scan3A_13 = arith.constant 640 : i32
    %scan3A_14 = arith.addi %scan3A, %scan3A_13 : i32
    %scan3A_15 = arith.constant 1 : i32
    scf.for %scan3A_260 = %scan3A to %scan3A_14 step %scan3A_15  : i32 {
      %mul3A_261 = arith.constant 1 : i32
      %mul3A_262 = arith.muli %scan3A_260, %mul3A_261 : i32
      %add3A_263 = arith.constant 0 : i32
      %add3A_264 = arith.addi %add3A_263, %mul3A_262 : i32
      %swap3A = arith.index_cast %add3A_264 : i32 to index
      %swap3A_265 = arith.constant 0 : index
      %swap3A_266 = tpu.vector_load %arg16[%swap3A, %swap3A_265] {strides = array<i32>} : memref<640x32xf32, #tpu.memory_space<vmem>>, vector<1x16xf32>,
      %swap3A_267 = vector.shape_cast %swap3A_266 : vector<1x16xf32> to vector<16xf32>
      %swap3A_268 = vector.shape_cast %broadcast_in_dim3A_12 : vector<16xf32> to vector<1x16xf32>
      tpu.vector_store %arg16[%swap3A, %swap3A_265], %swap3A_268 {strides = array<i32>} : memref<640x32xf32, #tpu.memory_space<vmem>>, vector<1x16xf32>,
      %swap3A_269 = arith.index_cast %add3A_264 : i32 to index
      %swap3A_270 = arith.constant 16 : index
      %swap3A_271 = tpu.vector_load %arg16[%swap3A_269, %swap3A_270] {strides = array<i32>} : memref<640x32xf32, #tpu.memory_space<vmem>>, vector<1x16xf32>,
      %swap3A_272 = vector.shape_cast %swap3A_271 : vector<1x16xf32> to vector<16xf32>
      %swap3A_273 = vector.shape_cast %broadcast_in_dim3A_12 : vector<16xf32> to vector<1x16xf32>
      tpu.vector_store %arg16[%swap3A_269, %swap3A_270], %swap3A_273 {strides = array<i32>} : memref<640x32xf32, #tpu.memory_space<vmem>>, vector<1x16xf32>,
    }
    %scan3A_16 = arith.constant 640 : i32
    %mul3A_17 = arith.constant 640 : i32
    %mul3A_18 = arith.muli %arg1, %mul3A_17 : i32
    "tpu.region"() ({
      %run_scoped3A = tpu.sem_alloc : memref<!tpu.dma_semaphore, #tpu.memory_space<semaphore_mem>>
      %dma_start3A_260 = arith.constant 0 : i32
      %dma_start3A_261 = tpu.memref_slice %arg17[%mul3A_18, %dma_start3A_260] : memref<10240x32xf32, #tpu.memory_space<vmem_shared>> -> memref<640x32xf32, #tpu.memory_space<vmem_shared>>
      %dma_start3A_262 = arith.constant 0 : i32
      %dma_start3A_263 = tpu.memref_slice %arg17[%mul3A_18, %dma_start3A_262] : memref<10240x32xf32, #tpu.memory_space<vmem_shared>> -> memref<640x32xf32, #tpu.memory_space<vmem_shared>>
      tpu.enqueue_dma source(%arg16 : memref<640x32xf32, #tpu.memory_space<vmem>>) target(%dma_start3A_263 : memref<640x32xf32, #tpu.memory_space<vmem_shared>>) target_semaphore(%run_scoped3A : memref<!tpu.dma_semaphore, #tpu.memory_space<semaphore_mem>>)
      %dma_wait3A_264 = arith.constant 0 : i32
      %dma_wait3A_265 = tpu.memref_slice %arg17[%mul3A_18, %dma_wait3A_264] : memref<10240x32xf32, #tpu.memory_space<vmem_shared>> -> memref<640x32xf32, #tpu.memory_space<vmem_shared>>
      %dma_wait3A_266 = arith.constant 0 : i32
      %dma_wait3A_267 = tpu.memref_slice %arg17[%mul3A_18, %dma_wait3A_266] : memref<10240x32xf32, #tpu.memory_space<vmem_shared>> -> memref<640x32xf32, #tpu.memory_space<vmem_shared>>
      tpu.wait_dma2 semaphore(%run_scoped3A : memref<!tpu.dma_semaphore, #tpu.memory_space<semaphore_mem>>) src(%arg16 : memref<640x32xf32, #tpu.memory_space<vmem>>) dst(%dma_wait3A_267 : memref<640x32xf32, #tpu.memory_space<vmem_shared>>)
      tpu.yield
    }) : () -> ()
    %dma_wait3A = arith.constant 0 : i32
    %dma_wait3A_19 = tpu.memref_slice %arg3[%mul3A_2, %dma_wait3A] : memref<2560x128xi32, #tpu.memory_space<hbm>> -> memref<80x128xi32, #tpu.memory_space<hbm>>
    %dma_wait3A_20 = arith.constant 0 : i32
    %dma_wait3A_21 = tpu.memref_slice %arg3[%mul3A_2, %dma_wait3A_20] : memref<2560x128xi32, #tpu.memory_space<hbm>> -> memref<80x128xi32, #tpu.memory_space<hbm>>
    tpu.wait_dma2 semaphore(%arg18 : memref<!tpu.dma_semaphore, #tpu.memory_space<semaphore_mem>>) src(%dma_wait3A_21 : memref<80x128xi32, #tpu.memory_space<hbm>>) dst(%arg6 : memref<80x128xi32, #tpu.memory_space<vmem>>)
    %dma_wait3A_22 = arith.constant 0 : i32
    %dma_wait3A_23 = tpu.memref_slice %arg4[%mul3A_4, %dma_wait3A_22] : memref<2560x128xi32, #tpu.memory_space<hbm>> -> memref<80x128xi32, #tpu.memory_space<hbm>>
    %dma_wait3A_24 = arith.constant 0 : i32
    %dma_wait3A_25 = tpu.memref_slice %arg4[%mul3A_4, %dma_wait3A_24] : memref<2560x128xi32, #tpu.memory_space<hbm>> -> memref<80x128xi32, #tpu.memory_space<hbm>>
    tpu.wait_dma2 semaphore(%arg19 : memref<!tpu.dma_semaphore, #tpu.memory_space<semaphore_mem>>) src(%dma_wait3A_25 : memref<80x128xi32, #tpu.memory_space<hbm>>) dst(%arg7 : memref<80x128xi32, #tpu.memory_space<vmem>>)
    %barrier3A = arith.constant 0 : index
    tpu.barrier barrier_id(%barrier3A)
    %dma_start3A_26 = arith.constant 0 : i32
    %dma_start3A_27 = arith.constant 0 : i32
    %dma_start3A_28 = tpu.memref_slice %arg6[%dma_start3A_26, %dma_start3A_27] : memref<80x128xi32, #tpu.memory_space<vmem>> -> memref<1x128xi32, #tpu.memory_space<vmem>>
    %dma_start3A_29 = tpu.memref_squeeze %dma_start3A_28 : memref<1x128xi32, #tpu.memory_space<vmem>> -> memref<128xi32, #tpu.memory_space<vmem>>
    %dma_start3A_30 = arith.constant 0 : i32
    %dma_start3A_31 = arith.constant 0 : i32
    %dma_start3A_32 = tpu.memref_slice %arg2[%dma_start3A_30, %dma_start3A_31] : memref<10240x32xf32, #tpu.memory_space<hbm>> -> memref<10240x32xf32, #tpu.memory_space<hbm>>
    tpu.enqueue_indirect_dma source(%dma_start3A_32 : memref<10240x32xf32, #tpu.memory_space<hbm>>) target(%arg8 : memref<128x32xf32, #tpu.memory_space<vmem>>) offsets(%dma_start3A_29 : memref<128xi32, #tpu.memory_space<vmem>>) semaphore(%arg18 : memref<!tpu.dma_semaphore, #tpu.memory_space<semaphore_mem>>)
    %dma_start3A_33 = arith.constant 1 : i32
    %dma_start3A_34 = arith.constant 0 : i32
    %dma_start3A_35 = tpu.memref_slice %arg6[%dma_start3A_33, %dma_start3A_34] : memref<80x128xi32, #tpu.memory_space<vmem>> -> memref<1x128xi32, #tpu.memory_space<vmem>>
    %dma_start3A_36 = tpu.memref_squeeze %dma_start3A_35 : memref<1x128xi32, #tpu.memory_space<vmem>> -> memref<128xi32, #tpu.memory_space<vmem>>
    %dma_start3A_37 = arith.constant 0 : i32
    %dma_start3A_38 = arith.constant 0 : i32
    %dma_start3A_39 = tpu.memref_slice %arg2[%dma_start3A_37, %dma_start3A_38] : memref<10240x32xf32, #tpu.memory_space<hbm>> -> memref<10240x32xf32, #tpu.memory_space<hbm>>
    tpu.enqueue_indirect_dma source(%dma_start3A_39 : memref<10240x32xf32, #tpu.memory_space<hbm>>) target(%arg9 : memref<128x32xf32, #tpu.memory_space<vmem>>) offsets(%dma_start3A_36 : memref<128xi32, #tpu.memory_space<vmem>>) semaphore(%arg19 : memref<!tpu.dma_semaphore, #tpu.memory_space<semaphore_mem>>)
    %dma_start3A_40 = arith.constant 2 : i32
    %dma_start3A_41 = arith.constant 0 : i32
    %dma_start3A_42 = tpu.memref_slice %arg6[%dma_start3A_40, %dma_start3A_41] : memref<80x128xi32, #tpu.memory_space<vmem>> -> memref<1x128xi32, #tpu.memory_space<vmem>>
    %dma_start3A_43 = tpu.memref_squeeze %dma_start3A_42 : memref<1x128xi32, #tpu.memory_space<vmem>> -> memref<128xi32, #tpu.memory_space<vmem>>
    %dma_start3A_44 = arith.constant 0 : i32
    %dma_start3A_45 = arith.constant 0 : i32
    %dma_start3A_46 = tpu.memref_slice %arg2[%dma_start3A_44, %dma_start3A_45] : memref<10240x32xf32, #tpu.memory_space<hbm>> -> memref<10240x32xf32, #tpu.memory_space<hbm>>
    tpu.enqueue_indirect_dma source(%dma_start3A_46 : memref<10240x32xf32, #tpu.memory_space<hbm>>) target(%arg10 : memref<128x32xf32, #tpu.memory_space<vmem>>) offsets(%dma_start3A_43 : memref<128xi32, #tpu.memory_space<vmem>>) semaphore(%arg20 : memref<!tpu.dma_semaphore, #tpu.memory_space<semaphore_mem>>)
    %dma_start3A_47 = arith.constant 3 : i32
    %dma_start3A_48 = arith.constant 0 : i32
    %dma_start3A_49 = tpu.memref_slice %arg6[%dma_start3A_47, %dma_start3A_48] : memref<80x128xi32, #tpu.memory_space<vmem>> -> memref<1x128xi32, #tpu.memory_space<vmem>>
    %dma_start3A_50 = tpu.memref_squeeze %dma_start3A_49 : memref<1x128xi32, #tpu.memory_space<vmem>> -> memref<128xi32, #tpu.memory_space<vmem>>
    %dma_start3A_51 = arith.constant 0 : i32
    %dma_start3A_52 = arith.constant 0 : i32
    %dma_start3A_53 = tpu.memref_slice %arg2[%dma_start3A_51, %dma_start3A_52] : memref<10240x32xf32, #tpu.memory_space<hbm>> -> memref<10240x32xf32, #tpu.memory_space<hbm>>
    tpu.enqueue_indirect_dma source(%dma_start3A_53 : memref<10240x32xf32, #tpu.memory_space<hbm>>) target(%arg11 : memref<128x32xf32, #tpu.memory_space<vmem>>) offsets(%dma_start3A_50 : memref<128xi32, #tpu.memory_space<vmem>>) semaphore(%arg21 : memref<!tpu.dma_semaphore, #tpu.memory_space<semaphore_mem>>)
    %dma_start3A_54 = arith.constant 4 : i32
    %dma_start3A_55 = arith.constant 0 : i32
    %dma_start3A_56 = tpu.memref_slice %arg6[%dma_start3A_54, %dma_start3A_55] : memref<80x128xi32, #tpu.memory_space<vmem>> -> memref<1x128xi32, #tpu.memory_space<vmem>>
    %dma_start3A_57 = tpu.memref_squeeze %dma_start3A_56 : memref<1x128xi32, #tpu.memory_space<vmem>> -> memref<128xi32, #tpu.memory_space<vmem>>
    %dma_start3A_58 = arith.constant 0 : i32
    %dma_start3A_59 = arith.constant 0 : i32
    %dma_start3A_60 = tpu.memref_slice %arg2[%dma_start3A_58, %dma_start3A_59] : memref<10240x32xf32, #tpu.memory_space<hbm>> -> memref<10240x32xf32, #tpu.memory_space<hbm>>
    tpu.enqueue_indirect_dma source(%dma_start3A_60 : memref<10240x32xf32, #tpu.memory_space<hbm>>) target(%arg12 : memref<128x32xf32, #tpu.memory_space<vmem>>) offsets(%dma_start3A_57 : memref<128xi32, #tpu.memory_space<vmem>>) semaphore(%arg22 : memref<!tpu.dma_semaphore, #tpu.memory_space<semaphore_mem>>)
    %dma_start3A_61 = arith.constant 5 : i32
    %dma_start3A_62 = arith.constant 0 : i32
    %dma_start3A_63 = tpu.memref_slice %arg6[%dma_start3A_61, %dma_start3A_62] : memref<80x128xi32, #tpu.memory_space<vmem>> -> memref<1x128xi32, #tpu.memory_space<vmem>>
    %dma_start3A_64 = tpu.memref_squeeze %dma_start3A_63 : memref<1x128xi32, #tpu.memory_space<vmem>> -> memref<128xi32, #tpu.memory_space<vmem>>
    %dma_start3A_65 = arith.constant 0 : i32
    %dma_start3A_66 = arith.constant 0 : i32
    %dma_start3A_67 = tpu.memref_slice %arg2[%dma_start3A_65, %dma_start3A_66] : memref<10240x32xf32, #tpu.memory_space<hbm>> -> memref<10240x32xf32, #tpu.memory_space<hbm>>
    tpu.enqueue_indirect_dma source(%dma_start3A_67 : memref<10240x32xf32, #tpu.memory_space<hbm>>) target(%arg13 : memref<128x32xf32, #tpu.memory_space<vmem>>) offsets(%dma_start3A_64 : memref<128xi32, #tpu.memory_space<vmem>>) semaphore(%arg23 : memref<!tpu.dma_semaphore, #tpu.memory_space<semaphore_mem>>)
    %dma_start3A_68 = arith.constant 6 : i32
    %dma_start3A_69 = arith.constant 0 : i32
    %dma_start3A_70 = tpu.memref_slice %arg6[%dma_start3A_68, %dma_start3A_69] : memref<80x128xi32, #tpu.memory_space<vmem>> -> memref<1x128xi32, #tpu.memory_space<vmem>>
    %dma_start3A_71 = tpu.memref_squeeze %dma_start3A_70 : memref<1x128xi32, #tpu.memory_space<vmem>> -> memref<128xi32, #tpu.memory_space<vmem>>
    %dma_start3A_72 = arith.constant 0 : i32
    %dma_start3A_73 = arith.constant 0 : i32
    %dma_start3A_74 = tpu.memref_slice %arg2[%dma_start3A_72, %dma_start3A_73] : memref<10240x32xf32, #tpu.memory_space<hbm>> -> memref<10240x32xf32, #tpu.memory_space<hbm>>
    tpu.enqueue_indirect_dma source(%dma_start3A_74 : memref<10240x32xf32, #tpu.memory_space<hbm>>) target(%arg14 : memref<128x32xf32, #tpu.memory_space<vmem>>) offsets(%dma_start3A_71 : memref<128xi32, #tpu.memory_space<vmem>>) semaphore(%arg24 : memref<!tpu.dma_semaphore, #tpu.memory_space<semaphore_mem>>)
    %dma_start3A_75 = arith.constant 7 : i32
    %dma_start3A_76 = arith.constant 0 : i32
    %dma_start3A_77 = tpu.memref_slice %arg6[%dma_start3A_75, %dma_start3A_76] : memref<80x128xi32, #tpu.memory_space<vmem>> -> memref<1x128xi32, #tpu.memory_space<vmem>>
    %dma_start3A_78 = tpu.memref_squeeze %dma_start3A_77 : memref<1x128xi32, #tpu.memory_space<vmem>> -> memref<128xi32, #tpu.memory_space<vmem>>
    %dma_start3A_79 = arith.constant 0 : i32
    %dma_start3A_80 = arith.constant 0 : i32
    %dma_start3A_81 = tpu.memref_slice %arg2[%dma_start3A_79, %dma_start3A_80] : memref<10240x32xf32, #tpu.memory_space<hbm>> -> memref<10240x32xf32, #tpu.memory_space<hbm>>
    tpu.enqueue_indirect_dma source(%dma_start3A_81 : memref<10240x32xf32, #tpu.memory_space<hbm>>) target(%arg15 : memref<128x32xf32, #tpu.memory_space<vmem>>) offsets(%dma_start3A_78 : memref<128xi32, #tpu.memory_space<vmem>>) semaphore(%arg25 : memref<!tpu.dma_semaphore, #tpu.memory_space<semaphore_mem>>)
    %scan3A_82 = arith.constant 0 : i32
    %scan3A_83 = arith.constant 9 : i32
    %scan3A_84 = arith.addi %scan3A_82, %scan3A_83 : i32
    %scan3A_85 = arith.constant 1 : i32
    scf.for %scan3A_260 = %scan3A_82 to %scan3A_84 step %scan3A_85  : i32 {
      %mul3A_261 = arith.constant 8 : i32
      %mul3A_262 = arith.muli %scan3A_260, %mul3A_261 : i32
      %add3A_263 = arith.constant 0 : i32
      %add3A_264 = arith.addi %add3A_263, %mul3A_262 : i32
      %add3A_265 = arith.constant 0 : i32
      %add3A_266 = arith.addi %add3A_264, %add3A_265 : i32
      %dma_wait3A_267 = arith.constant 0 : i32
      %dma_wait3A_268 = tpu.memref_slice %arg6[%add3A_266, %dma_wait3A_267] : memref<80x128xi32, #tpu.memory_space<vmem>> -> memref<1x128xi32, #tpu.memory_space<vmem>>
      %dma_wait3A_269 = tpu.memref_squeeze %dma_wait3A_268 : memref<1x128xi32, #tpu.memory_space<vmem>> -> memref<128xi32, #tpu.memory_space<vmem>>
      %dma_wait3A_270 = arith.constant 0 : i32
      %dma_wait3A_271 = arith.constant 0 : i32
      %dma_wait3A_272 = tpu.memref_slice %arg2[%dma_wait3A_270, %dma_wait3A_271] : memref<10240x32xf32, #tpu.memory_space<hbm>> -> memref<10240x32xf32, #tpu.memory_space<hbm>>
      tpu.wait_indirect_dma semaphore(%arg18 : memref<!tpu.dma_semaphore, #tpu.memory_space<semaphore_mem>>) src(%dma_wait3A_272 : memref<10240x32xf32, #tpu.memory_space<hbm>>) dst(%arg8 : memref<128x32xf32, #tpu.memory_space<vmem>>)
      %add3A_273 = arith.constant 0 : i32
      %add3A_274 = arith.addi %add3A_264, %add3A_273 : i32
      %dma_start3A_275 = arith.constant 0 : i32
      %dma_start3A_276 = tpu.memref_slice %arg7[%add3A_274, %dma_start3A_275] : memref<80x128xi32, #tpu.memory_space<vmem>> -> memref<1x128xi32, #tpu.memory_space<vmem>>
      %dma_start3A_277 = tpu.memref_squeeze %dma_start3A_276 : memref<1x128xi32, #tpu.memory_space<vmem>> -> memref<128xi32, #tpu.memory_space<vmem>>
      %dma_start3A_278 = arith.constant 0 : i32
      %dma_start3A_279 = arith.constant 0 : i32
      %dma_start3A_280 = tpu.memref_slice %arg17[%dma_start3A_278, %dma_start3A_279] : memref<10240x32xf32, #tpu.memory_space<vmem_shared>> -> memref<10240x32xf32, #tpu.memory_space<vmem_shared>>
      tpu.enqueue_indirect_dma source(%arg8 : memref<128x32xf32, #tpu.memory_space<vmem>>) target(%dma_start3A_280 : memref<10240x32xf32, #tpu.memory_space<vmem_shared>>) offsets(%dma_start3A_277 : memref<128xi32, #tpu.memory_space<vmem>>) semaphore(%arg26 : memref<!tpu.dma_semaphore, #tpu.memory_space<semaphore_mem>>) {add = true}
      %add3A_281 = arith.constant 1 : i32
      %add3A_282 = arith.addi %add3A_264, %add3A_281 : i32
      %dma_wait3A_283 = arith.constant 0 : i32
      %dma_wait3A_284 = tpu.memref_slice %arg6[%add3A_282, %dma_wait3A_283] : memref<80x128xi32, #tpu.memory_space<vmem>> -> memref<1x128xi32, #tpu.memory_space<vmem>>
      %dma_wait3A_285 = tpu.memref_squeeze %dma_wait3A_284 : memref<1x128xi32, #tpu.memory_space<vmem>> -> memref<128xi32, #tpu.memory_space<vmem>>
      %dma_wait3A_286 = arith.constant 0 : i32
      %dma_wait3A_287 = arith.constant 0 : i32
      %dma_wait3A_288 = tpu.memref_slice %arg2[%dma_wait3A_286, %dma_wait3A_287] : memref<10240x32xf32, #tpu.memory_space<hbm>> -> memref<10240x32xf32, #tpu.memory_space<hbm>>
      tpu.wait_indirect_dma semaphore(%arg19 : memref<!tpu.dma_semaphore, #tpu.memory_space<semaphore_mem>>) src(%dma_wait3A_288 : memref<10240x32xf32, #tpu.memory_space<hbm>>) dst(%arg9 : memref<128x32xf32, #tpu.memory_space<vmem>>)
      %add3A_289 = arith.constant 1 : i32
      %add3A_290 = arith.addi %add3A_264, %add3A_289 : i32
      %dma_start3A_291 = arith.constant 0 : i32
      %dma_start3A_292 = tpu.memref_slice %arg7[%add3A_290, %dma_start3A_291] : memref<80x128xi32, #tpu.memory_space<vmem>> -> memref<1x128xi32, #tpu.memory_space<vmem>>
      %dma_start3A_293 = tpu.memref_squeeze %dma_start3A_292 : memref<1x128xi32, #tpu.memory_space<vmem>> -> memref<128xi32, #tpu.memory_space<vmem>>
      %dma_start3A_294 = arith.constant 0 : i32
      %dma_start3A_295 = arith.constant 0 : i32
      %dma_start3A_296 = tpu.memref_slice %arg17[%dma_start3A_294, %dma_start3A_295] : memref<10240x32xf32, #tpu.memory_space<vmem_shared>> -> memref<10240x32xf32, #tpu.memory_space<vmem_shared>>
      tpu.enqueue_indirect_dma source(%arg9 : memref<128x32xf32, #tpu.memory_space<vmem>>) target(%dma_start3A_296 : memref<10240x32xf32, #tpu.memory_space<vmem_shared>>) offsets(%dma_start3A_293 : memref<128xi32, #tpu.memory_space<vmem>>) semaphore(%arg27 : memref<!tpu.dma_semaphore, #tpu.memory_space<semaphore_mem>>) {add = true}
      %add3A_297 = arith.constant 2 : i32
      %add3A_298 = arith.addi %add3A_264, %add3A_297 : i32
      %dma_wait3A_299 = arith.constant 0 : i32
      %dma_wait3A_300 = tpu.memref_slice %arg6[%add3A_298, %dma_wait3A_299] : memref<80x128xi32, #tpu.memory_space<vmem>> -> memref<1x128xi32, #tpu.memory_space<vmem>>
      %dma_wait3A_301 = tpu.memref_squeeze %dma_wait3A_300 : memref<1x128xi32, #tpu.memory_space<vmem>> -> memref<128xi32, #tpu.memory_space<vmem>>
      %dma_wait3A_302 = arith.constant 0 : i32
      %dma_wait3A_303 = arith.constant 0 : i32
      %dma_wait3A_304 = tpu.memref_slice %arg2[%dma_wait3A_302, %dma_wait3A_303] : memref<10240x32xf32, #tpu.memory_space<hbm>> -> memref<10240x32xf32, #tpu.memory_space<hbm>>
      tpu.wait_indirect_dma semaphore(%arg20 : memref<!tpu.dma_semaphore, #tpu.memory_space<semaphore_mem>>) src(%dma_wait3A_304 : memref<10240x32xf32, #tpu.memory_space<hbm>>) dst(%arg10 : memref<128x32xf32, #tpu.memory_space<vmem>>)
      %add3A_305 = arith.constant 2 : i32
      %add3A_306 = arith.addi %add3A_264, %add3A_305 : i32
      %dma_start3A_307 = arith.constant 0 : i32
      %dma_start3A_308 = tpu.memref_slice %arg7[%add3A_306, %dma_start3A_307] : memref<80x128xi32, #tpu.memory_space<vmem>> -> memref<1x128xi32, #tpu.memory_space<vmem>>
      %dma_start3A_309 = tpu.memref_squeeze %dma_start3A_308 : memref<1x128xi32, #tpu.memory_space<vmem>> -> memref<128xi32, #tpu.memory_space<vmem>>
      %dma_start3A_310 = arith.constant 0 : i32
      %dma_start3A_311 = arith.constant 0 : i32
      %dma_start3A_312 = tpu.memref_slice %arg17[%dma_start3A_310, %dma_start3A_311] : memref<10240x32xf32, #tpu.memory_space<vmem_shared>> -> memref<10240x32xf32, #tpu.memory_space<vmem_shared>>
      tpu.enqueue_indirect_dma source(%arg10 : memref<128x32xf32, #tpu.memory_space<vmem>>) target(%dma_start3A_312 : memref<10240x32xf32, #tpu.memory_space<vmem_shared>>) offsets(%dma_start3A_309 : memref<128xi32, #tpu.memory_space<vmem>>) semaphore(%arg28 : memref<!tpu.dma_semaphore, #tpu.memory_space<semaphore_mem>>) {add = true}
      %add3A_313 = arith.constant 3 : i32
      %add3A_314 = arith.addi %add3A_264, %add3A_313 : i32
      %dma_wait3A_315 = arith.constant 0 : i32
      %dma_wait3A_316 = tpu.memref_slice %arg6[%add3A_314, %dma_wait3A_315] : memref<80x128xi32, #tpu.memory_space<vmem>> -> memref<1x128xi32, #tpu.memory_space<vmem>>
      %dma_wait3A_317 = tpu.memref_squeeze %dma_wait3A_316 : memref<1x128xi32, #tpu.memory_space<vmem>> -> memref<128xi32, #tpu.memory_space<vmem>>
      %dma_wait3A_318 = arith.constant 0 : i32
      %dma_wait3A_319 = arith.constant 0 : i32
      %dma_wait3A_320 = tpu.memref_slice %arg2[%dma_wait3A_318, %dma_wait3A_319] : memref<10240x32xf32, #tpu.memory_space<hbm>> -> memref<10240x32xf32, #tpu.memory_space<hbm>>
      tpu.wait_indirect_dma semaphore(%arg21 : memref<!tpu.dma_semaphore, #tpu.memory_space<semaphore_mem>>) src(%dma_wait3A_320 : memref<10240x32xf32, #tpu.memory_space<hbm>>) dst(%arg11 : memref<128x32xf32, #tpu.memory_space<vmem>>)
      %add3A_321 = arith.constant 3 : i32
      %add3A_322 = arith.addi %add3A_264, %add3A_321 : i32
      %dma_start3A_323 = arith.constant 0 : i32
      %dma_start3A_324 = tpu.memref_slice %arg7[%add3A_322, %dma_start3A_323] : memref<80x128xi32, #tpu.memory_space<vmem>> -> memref<1x128xi32, #tpu.memory_space<vmem>>
      %dma_start3A_325 = tpu.memref_squeeze %dma_start3A_324 : memref<1x128xi32, #tpu.memory_space<vmem>> -> memref<128xi32, #tpu.memory_space<vmem>>
      %dma_start3A_326 = arith.constant 0 : i32
      %dma_start3A_327 = arith.constant 0 : i32
      %dma_start3A_328 = tpu.memref_slice %arg17[%dma_start3A_326, %dma_start3A_327] : memref<10240x32xf32, #tpu.memory_space<vmem_shared>> -> memref<10240x32xf32, #tpu.memory_space<vmem_shared>>
      tpu.enqueue_indirect_dma source(%arg11 : memref<128x32xf32, #tpu.memory_space<vmem>>) target(%dma_start3A_328 : memref<10240x32xf32, #tpu.memory_space<vmem_shared>>) offsets(%dma_start3A_325 : memref<128xi32, #tpu.memory_space<vmem>>) semaphore(%arg29 : memref<!tpu.dma_semaphore, #tpu.memory_space<semaphore_mem>>) {add = true}
      %add3A_329 = arith.constant 4 : i32
      %add3A_330 = arith.addi %add3A_264, %add3A_329 : i32
      %dma_wait3A_331 = arith.constant 0 : i32
      %dma_wait3A_332 = tpu.memref_slice %arg6[%add3A_330, %dma_wait3A_331] : memref<80x128xi32, #tpu.memory_space<vmem>> -> memref<1x128xi32, #tpu.memory_space<vmem>>
      %dma_wait3A_333 = tpu.memref_squeeze %dma_wait3A_332 : memref<1x128xi32, #tpu.memory_space<vmem>> -> memref<128xi32, #tpu.memory_space<vmem>>
      %dma_wait3A_334 = arith.constant 0 : i32
      %dma_wait3A_335 = arith.constant 0 : i32
      %dma_wait3A_336 = tpu.memref_slice %arg2[%dma_wait3A_334, %dma_wait3A_335] : memref<10240x32xf32, #tpu.memory_space<hbm>> -> memref<10240x32xf32, #tpu.memory_space<hbm>>
      tpu.wait_indirect_dma semaphore(%arg22 : memref<!tpu.dma_semaphore, #tpu.memory_space<semaphore_mem>>) src(%dma_wait3A_336 : memref<10240x32xf32, #tpu.memory_space<hbm>>) dst(%arg12 : memref<128x32xf32, #tpu.memory_space<vmem>>)
      %add3A_337 = arith.constant 4 : i32
      %add3A_338 = arith.addi %add3A_264, %add3A_337 : i32
      %dma_start3A_339 = arith.constant 0 : i32
      %dma_start3A_340 = tpu.memref_slice %arg7[%add3A_338, %dma_start3A_339] : memref<80x128xi32, #tpu.memory_space<vmem>> -> memref<1x128xi32, #tpu.memory_space<vmem>>
      %dma_start3A_341 = tpu.memref_squeeze %dma_start3A_340 : memref<1x128xi32, #tpu.memory_space<vmem>> -> memref<128xi32, #tpu.memory_space<vmem>>
      %dma_start3A_342 = arith.constant 0 : i32
      %dma_start3A_343 = arith.constant 0 : i32
      %dma_start3A_344 = tpu.memref_slice %arg17[%dma_start3A_342, %dma_start3A_343] : memref<10240x32xf32, #tpu.memory_space<vmem_shared>> -> memref<10240x32xf32, #tpu.memory_space<vmem_shared>>
      tpu.enqueue_indirect_dma source(%arg12 : memref<128x32xf32, #tpu.memory_space<vmem>>) target(%dma_start3A_344 : memref<10240x32xf32, #tpu.memory_space<vmem_shared>>) offsets(%dma_start3A_341 : memref<128xi32, #tpu.memory_space<vmem>>) semaphore(%arg30 : memref<!tpu.dma_semaphore, #tpu.memory_space<semaphore_mem>>) {add = true}
      %add3A_345 = arith.constant 5 : i32
      %add3A_346 = arith.addi %add3A_264, %add3A_345 : i32
      %dma_wait3A_347 = arith.constant 0 : i32
      %dma_wait3A_348 = tpu.memref_slice %arg6[%add3A_346, %dma_wait3A_347] : memref<80x128xi32, #tpu.memory_space<vmem>> -> memref<1x128xi32, #tpu.memory_space<vmem>>
      %dma_wait3A_349 = tpu.memref_squeeze %dma_wait3A_348 : memref<1x128xi32, #tpu.memory_space<vmem>> -> memref<128xi32, #tpu.memory_space<vmem>>
      %dma_wait3A_350 = arith.constant 0 : i32
      %dma_wait3A_351 = arith.constant 0 : i32
      %dma_wait3A_352 = tpu.memref_slice %arg2[%dma_wait3A_350, %dma_wait3A_351] : memref<10240x32xf32, #tpu.memory_space<hbm>> -> memref<10240x32xf32, #tpu.memory_space<hbm>>
      tpu.wait_indirect_dma semaphore(%arg23 : memref<!tpu.dma_semaphore, #tpu.memory_space<semaphore_mem>>) src(%dma_wait3A_352 : memref<10240x32xf32, #tpu.memory_space<hbm>>) dst(%arg13 : memref<128x32xf32, #tpu.memory_space<vmem>>)
      %add3A_353 = arith.constant 5 : i32
      %add3A_354 = arith.addi %add3A_264, %add3A_353 : i32
      %dma_start3A_355 = arith.constant 0 : i32
      %dma_start3A_356 = tpu.memref_slice %arg7[%add3A_354, %dma_start3A_355] : memref<80x128xi32, #tpu.memory_space<vmem>> -> memref<1x128xi32, #tpu.memory_space<vmem>>
      %dma_start3A_357 = tpu.memref_squeeze %dma_start3A_356 : memref<1x128xi32, #tpu.memory_space<vmem>> -> memref<128xi32, #tpu.memory_space<vmem>>
      %dma_start3A_358 = arith.constant 0 : i32
      %dma_start3A_359 = arith.constant 0 : i32
      %dma_start3A_360 = tpu.memref_slice %arg17[%dma_start3A_358, %dma_start3A_359] : memref<10240x32xf32, #tpu.memory_space<vmem_shared>> -> memref<10240x32xf32, #tpu.memory_space<vmem_shared>>
      tpu.enqueue_indirect_dma source(%arg13 : memref<128x32xf32, #tpu.memory_space<vmem>>) target(%dma_start3A_360 : memref<10240x32xf32, #tpu.memory_space<vmem_shared>>) offsets(%dma_start3A_357 : memref<128xi32, #tpu.memory_space<vmem>>) semaphore(%arg31 : memref<!tpu.dma_semaphore, #tpu.memory_space<semaphore_mem>>) {add = true}
      %add3A_361 = arith.constant 6 : i32
      %add3A_362 = arith.addi %add3A_264, %add3A_361 : i32
      %dma_wait3A_363 = arith.constant 0 : i32
      %dma_wait3A_364 = tpu.memref_slice %arg6[%add3A_362, %dma_wait3A_363] : memref<80x128xi32, #tpu.memory_space<vmem>> -> memref<1x128xi32, #tpu.memory_space<vmem>>
      %dma_wait3A_365 = tpu.memref_squeeze %dma_wait3A_364 : memref<1x128xi32, #tpu.memory_space<vmem>> -> memref<128xi32, #tpu.memory_space<vmem>>
      %dma_wait3A_366 = arith.constant 0 : i32
      %dma_wait3A_367 = arith.constant 0 : i32
      %dma_wait3A_368 = tpu.memref_slice %arg2[%dma_wait3A_366, %dma_wait3A_367] : memref<10240x32xf32, #tpu.memory_space<hbm>> -> memref<10240x32xf32, #tpu.memory_space<hbm>>
      tpu.wait_indirect_dma semaphore(%arg24 : memref<!tpu.dma_semaphore, #tpu.memory_space<semaphore_mem>>) src(%dma_wait3A_368 : memref<10240x32xf32, #tpu.memory_space<hbm>>) dst(%arg14 : memref<128x32xf32, #tpu.memory_space<vmem>>)
      %add3A_369 = arith.constant 6 : i32
      %add3A_370 = arith.addi %add3A_264, %add3A_369 : i32
      %dma_start3A_371 = arith.constant 0 : i32
      %dma_start3A_372 = tpu.memref_slice %arg7[%add3A_370, %dma_start3A_371] : memref<80x128xi32, #tpu.memory_space<vmem>> -> memref<1x128xi32, #tpu.memory_space<vmem>>
      %dma_start3A_373 = tpu.memref_squeeze %dma_start3A_372 : memref<1x128xi32, #tpu.memory_space<vmem>> -> memref<128xi32, #tpu.memory_space<vmem>>
      %dma_start3A_374 = arith.constant 0 : i32
      %dma_start3A_375 = arith.constant 0 : i32
      %dma_start3A_376 = tpu.memref_slice %arg17[%dma_start3A_374, %dma_start3A_375] : memref<10240x32xf32, #tpu.memory_space<vmem_shared>> -> memref<10240x32xf32, #tpu.memory_space<vmem_shared>>
      tpu.enqueue_indirect_dma source(%arg14 : memref<128x32xf32, #tpu.memory_space<vmem>>) target(%dma_start3A_376 : memref<10240x32xf32, #tpu.memory_space<vmem_shared>>) offsets(%dma_start3A_373 : memref<128xi32, #tpu.memory_space<vmem>>) semaphore(%arg32 : memref<!tpu.dma_semaphore, #tpu.memory_space<semaphore_mem>>) {add = true}
      %add3A_377 = arith.constant 7 : i32
      %add3A_378 = arith.addi %add3A_264, %add3A_377 : i32
      %dma_wait3A_379 = arith.constant 0 : i32
      %dma_wait3A_380 = tpu.memref_slice %arg6[%add3A_378, %dma_wait3A_379] : memref<80x128xi32, #tpu.memory_space<vmem>> -> memref<1x128xi32, #tpu.memory_space<vmem>>
      %dma_wait3A_381 = tpu.memref_squeeze %dma_wait3A_380 : memref<1x128xi32, #tpu.memory_space<vmem>> -> memref<128xi32, #tpu.memory_space<vmem>>
      %dma_wait3A_382 = arith.constant 0 : i32
      %dma_wait3A_383 = arith.constant 0 : i32
      %dma_wait3A_384 = tpu.memref_slice %arg2[%dma_wait3A_382, %dma_wait3A_383] : memref<10240x32xf32, #tpu.memory_space<hbm>> -> memref<10240x32xf32, #tpu.memory_space<hbm>>
      tpu.wait_indirect_dma semaphore(%arg25 : memref<!tpu.dma_semaphore, #tpu.memory_space<semaphore_mem>>) src(%dma_wait3A_384 : memref<10240x32xf32, #tpu.memory_space<hbm>>) dst(%arg15 : memref<128x32xf32, #tpu.memory_space<vmem>>)
      %add3A_385 = arith.constant 7 : i32
      %add3A_386 = arith.addi %add3A_264, %add3A_385 : i32
      %dma_start3A_387 = arith.constant 0 : i32
      %dma_start3A_388 = tpu.memref_slice %arg7[%add3A_386, %dma_start3A_387] : memref<80x128xi32, #tpu.memory_space<vmem>> -> memref<1x128xi32, #tpu.memory_space<vmem>>
      %dma_start3A_389 = tpu.memref_squeeze %dma_start3A_388 : memref<1x128xi32, #tpu.memory_space<vmem>> -> memref<128xi32, #tpu.memory_space<vmem>>
      %dma_start3A_390 = arith.constant 0 : i32
      %dma_start3A_391 = arith.constant 0 : i32
      %dma_start3A_392 = tpu.memref_slice %arg17[%dma_start3A_390, %dma_start3A_391] : memref<10240x32xf32, #tpu.memory_space<vmem_shared>> -> memref<10240x32xf32, #tpu.memory_space<vmem_shared>>
      tpu.enqueue_indirect_dma source(%arg15 : memref<128x32xf32, #tpu.memory_space<vmem>>) target(%dma_start3A_392 : memref<10240x32xf32, #tpu.memory_space<vmem_shared>>) offsets(%dma_start3A_389 : memref<128xi32, #tpu.memory_space<vmem>>) semaphore(%arg33 : memref<!tpu.dma_semaphore, #tpu.memory_space<semaphore_mem>>) {add = true}
      %add3A_393 = arith.constant 0 : i32
      %add3A_394 = arith.addi %add3A_264, %add3A_393 : i32
      %dma_wait3A_395 = arith.constant 0 : i32
      %dma_wait3A_396 = tpu.memref_slice %arg7[%add3A_394, %dma_wait3A_395] : memref<80x128xi32, #tpu.memory_space<vmem>> -> memref<1x128xi32, #tpu.memory_space<vmem>>
      %dma_wait3A_397 = tpu.memref_squeeze %dma_wait3A_396 : memref<1x128xi32, #tpu.memory_space<vmem>> -> memref<128xi32, #tpu.memory_space<vmem>>
      %dma_wait3A_398 = arith.constant 0 : i32
      %dma_wait3A_399 = arith.constant 0 : i32
      %dma_wait3A_400 = tpu.memref_slice %arg17[%dma_wait3A_398, %dma_wait3A_399] : memref<10240x32xf32, #tpu.memory_space<vmem_shared>> -> memref<10240x32xf32, #tpu.memory_space<vmem_shared>>
      tpu.wait_indirect_dma semaphore(%arg26 : memref<!tpu.dma_semaphore, #tpu.memory_space<semaphore_mem>>) src(%arg8 : memref<128x32xf32, #tpu.memory_space<vmem>>) dst(%dma_wait3A_400 : memref<10240x32xf32, #tpu.memory_space<vmem_shared>>)
      %add3A_401 = arith.constant 8 : i32
      %add3A_402 = arith.addi %add3A_264, %add3A_401 : i32
      %add3A_403 = arith.constant 0 : i32
      %add3A_404 = arith.addi %add3A_402, %add3A_403 : i32
      %dma_start3A_405 = arith.constant 0 : i32
      %dma_start3A_406 = tpu.memref_slice %arg6[%add3A_404, %dma_start3A_405] : memref<80x128xi32, #tpu.memory_space<vmem>> -> memref<1x128xi32, #tpu.memory_space<vmem>>
      %dma_start3A_407 = tpu.memref_squeeze %dma_start3A_406 : memref<1x128xi32, #tpu.memory_space<vmem>> -> memref<128xi32, #tpu.memory_space<vmem>>
      %dma_start3A_408 = arith.constant 0 : i32
      %dma_start3A_409 = arith.constant 0 : i32
      %dma_start3A_410 = tpu.memref_slice %arg2[%dma_start3A_408, %dma_start3A_409] : memref<10240x32xf32, #tpu.memory_space<hbm>> -> memref<10240x32xf32, #tpu.memory_space<hbm>>
      tpu.enqueue_indirect_dma source(%dma_start3A_410 : memref<10240x32xf32, #tpu.memory_space<hbm>>) target(%arg8 : memref<128x32xf32, #tpu.memory_space<vmem>>) offsets(%dma_start3A_407 : memref<128xi32, #tpu.memory_space<vmem>>) semaphore(%arg18 : memref<!tpu.dma_semaphore, #tpu.memory_space<semaphore_mem>>)
      %add3A_411 = arith.constant 1 : i32
      %add3A_412 = arith.addi %add3A_264, %add3A_411 : i32
      %dma_wait3A_413 = arith.constant 0 : i32
      %dma_wait3A_414 = tpu.memref_slice %arg7[%add3A_412, %dma_wait3A_413] : memref<80x128xi32, #tpu.memory_space<vmem>> -> memref<1x128xi32, #tpu.memory_space<vmem>>
      %dma_wait3A_415 = tpu.memref_squeeze %dma_wait3A_414 : memref<1x128xi32, #tpu.memory_space<vmem>> -> memref<128xi32, #tpu.memory_space<vmem>>
      %dma_wait3A_416 = arith.constant 0 : i32
      %dma_wait3A_417 = arith.constant 0 : i32
      %dma_wait3A_418 = tpu.memref_slice %arg17[%dma_wait3A_416, %dma_wait3A_417] : memref<10240x32xf32, #tpu.memory_space<vmem_shared>> -> memref<10240x32xf32, #tpu.memory_space<vmem_shared>>
      tpu.wait_indirect_dma semaphore(%arg27 : memref<!tpu.dma_semaphore, #tpu.memory_space<semaphore_mem>>) src(%arg9 : memref<128x32xf32, #tpu.memory_space<vmem>>) dst(%dma_wait3A_418 : memref<10240x32xf32, #tpu.memory_space<vmem_shared>>)
      %add3A_419 = arith.constant 8 : i32
      %add3A_420 = arith.addi %add3A_264, %add3A_419 : i32
      %add3A_421 = arith.constant 1 : i32
      %add3A_422 = arith.addi %add3A_420, %add3A_421 : i32
      %dma_start3A_423 = arith.constant 0 : i32
      %dma_start3A_424 = tpu.memref_slice %arg6[%add3A_422, %dma_start3A_423] : memref<80x128xi32, #tpu.memory_space<vmem>> -> memref<1x128xi32, #tpu.memory_space<vmem>>
      %dma_start3A_425 = tpu.memref_squeeze %dma_start3A_424 : memref<1x128xi32, #tpu.memory_space<vmem>> -> memref<128xi32, #tpu.memory_space<vmem>>
      %dma_start3A_426 = arith.constant 0 : i32
      %dma_start3A_427 = arith.constant 0 : i32
      %dma_start3A_428 = tpu.memref_slice %arg2[%dma_start3A_426, %dma_start3A_427] : memref<10240x32xf32, #tpu.memory_space<hbm>> -> memref<10240x32xf32, #tpu.memory_space<hbm>>
      tpu.enqueue_indirect_dma source(%dma_start3A_428 : memref<10240x32xf32, #tpu.memory_space<hbm>>) target(%arg9 : memref<128x32xf32, #tpu.memory_space<vmem>>) offsets(%dma_start3A_425 : memref<128xi32, #tpu.memory_space<vmem>>) semaphore(%arg19 : memref<!tpu.dma_semaphore, #tpu.memory_space<semaphore_mem>>)
      %add3A_429 = arith.constant 2 : i32
      %add3A_430 = arith.addi %add3A_264, %add3A_429 : i32
      %dma_wait3A_431 = arith.constant 0 : i32
      %dma_wait3A_432 = tpu.memref_slice %arg7[%add3A_430, %dma_wait3A_431] : memref<80x128xi32, #tpu.memory_space<vmem>> -> memref<1x128xi32, #tpu.memory_space<vmem>>
      %dma_wait3A_433 = tpu.memref_squeeze %dma_wait3A_432 : memref<1x128xi32, #tpu.memory_space<vmem>> -> memref<128xi32, #tpu.memory_space<vmem>>
      %dma_wait3A_434 = arith.constant 0 : i32
      %dma_wait3A_435 = arith.constant 0 : i32
      %dma_wait3A_436 = tpu.memref_slice %arg17[%dma_wait3A_434, %dma_wait3A_435] : memref<10240x32xf32, #tpu.memory_space<vmem_shared>> -> memref<10240x32xf32, #tpu.memory_space<vmem_shared>>
      tpu.wait_indirect_dma semaphore(%arg28 : memref<!tpu.dma_semaphore, #tpu.memory_space<semaphore_mem>>) src(%arg10 : memref<128x32xf32, #tpu.memory_space<vmem>>) dst(%dma_wait3A_436 : memref<10240x32xf32, #tpu.memory_space<vmem_shared>>)
      %add3A_437 = arith.constant 8 : i32
      %add3A_438 = arith.addi %add3A_264, %add3A_437 : i32
      %add3A_439 = arith.constant 2 : i32
      %add3A_440 = arith.addi %add3A_438, %add3A_439 : i32
      %dma_start3A_441 = arith.constant 0 : i32
      %dma_start3A_442 = tpu.memref_slice %arg6[%add3A_440, %dma_start3A_441] : memref<80x128xi32, #tpu.memory_space<vmem>> -> memref<1x128xi32, #tpu.memory_space<vmem>>
      %dma_start3A_443 = tpu.memref_squeeze %dma_start3A_442 : memref<1x128xi32, #tpu.memory_space<vmem>> -> memref<128xi32, #tpu.memory_space<vmem>>
      %dma_start3A_444 = arith.constant 0 : i32
      %dma_start3A_445 = arith.constant 0 : i32
      %dma_start3A_446 = tpu.memref_slice %arg2[%dma_start3A_444, %dma_start3A_445] : memref<10240x32xf32, #tpu.memory_space<hbm>> -> memref<10240x32xf32, #tpu.memory_space<hbm>>
      tpu.enqueue_indirect_dma source(%dma_start3A_446 : memref<10240x32xf32, #tpu.memory_space<hbm>>) target(%arg10 : memref<128x32xf32, #tpu.memory_space<vmem>>) offsets(%dma_start3A_443 : memref<128xi32, #tpu.memory_space<vmem>>) semaphore(%arg20 : memref<!tpu.dma_semaphore, #tpu.memory_space<semaphore_mem>>)
      %add3A_447 = arith.constant 3 : i32
      %add3A_448 = arith.addi %add3A_264, %add3A_447 : i32
      %dma_wait3A_449 = arith.constant 0 : i32
      %dma_wait3A_450 = tpu.memref_slice %arg7[%add3A_448, %dma_wait3A_449] : memref<80x128xi32, #tpu.memory_space<vmem>> -> memref<1x128xi32, #tpu.memory_space<vmem>>
      %dma_wait3A_451 = tpu.memref_squeeze %dma_wait3A_450 : memref<1x128xi32, #tpu.memory_space<vmem>> -> memref<128xi32, #tpu.memory_space<vmem>>
      %dma_wait3A_452 = arith.constant 0 : i32
      %dma_wait3A_453 = arith.constant 0 : i32
      %dma_wait3A_454 = tpu.memref_slice %arg17[%dma_wait3A_452, %dma_wait3A_453] : memref<10240x32xf32, #tpu.memory_space<vmem_shared>> -> memref<10240x32xf32, #tpu.memory_space<vmem_shared>>
      tpu.wait_indirect_dma semaphore(%arg29 : memref<!tpu.dma_semaphore, #tpu.memory_space<semaphore_mem>>) src(%arg11 : memref<128x32xf32, #tpu.memory_space<vmem>>) dst(%dma_wait3A_454 : memref<10240x32xf32, #tpu.memory_space<vmem_shared>>)
      %add3A_455 = arith.constant 8 : i32
      %add3A_456 = arith.addi %add3A_264, %add3A_455 : i32
      %add3A_457 = arith.constant 3 : i32
      %add3A_458 = arith.addi %add3A_456, %add3A_457 : i32
      %dma_start3A_459 = arith.constant 0 : i32
      %dma_start3A_460 = tpu.memref_slice %arg6[%add3A_458, %dma_start3A_459] : memref<80x128xi32, #tpu.memory_space<vmem>> -> memref<1x128xi32, #tpu.memory_space<vmem>>
      %dma_start3A_461 = tpu.memref_squeeze %dma_start3A_460 : memref<1x128xi32, #tpu.memory_space<vmem>> -> memref<128xi32, #tpu.memory_space<vmem>>
      %dma_start3A_462 = arith.constant 0 : i32
      %dma_start3A_463 = arith.constant 0 : i32
      %dma_start3A_464 = tpu.memref_slice %arg2[%dma_start3A_462, %dma_start3A_463] : memref<10240x32xf32, #tpu.memory_space<hbm>> -> memref<10240x32xf32, #tpu.memory_space<hbm>>
      tpu.enqueue_indirect_dma source(%dma_start3A_464 : memref<10240x32xf32, #tpu.memory_space<hbm>>) target(%arg11 : memref<128x32xf32, #tpu.memory_space<vmem>>) offsets(%dma_start3A_461 : memref<128xi32, #tpu.memory_space<vmem>>) semaphore(%arg21 : memref<!tpu.dma_semaphore, #tpu.memory_space<semaphore_mem>>)
      %add3A_465 = arith.constant 4 : i32
      %add3A_466 = arith.addi %add3A_264, %add3A_465 : i32
      %dma_wait3A_467 = arith.constant 0 : i32
      %dma_wait3A_468 = tpu.memref_slice %arg7[%add3A_466, %dma_wait3A_467] : memref<80x128xi32, #tpu.memory_space<vmem>> -> memref<1x128xi32, #tpu.memory_space<vmem>>
      %dma_wait3A_469 = tpu.memref_squeeze %dma_wait3A_468 : memref<1x128xi32, #tpu.memory_space<vmem>> -> memref<128xi32, #tpu.memory_space<vmem>>
      %dma_wait3A_470 = arith.constant 0 : i32
      %dma_wait3A_471 = arith.constant 0 : i32
      %dma_wait3A_472 = tpu.memref_slice %arg17[%dma_wait3A_470, %dma_wait3A_471] : memref<10240x32xf32, #tpu.memory_space<vmem_shared>> -> memref<10240x32xf32, #tpu.memory_space<vmem_shared>>
      tpu.wait_indirect_dma semaphore(%arg30 : memref<!tpu.dma_semaphore, #tpu.memory_space<semaphore_mem>>) src(%arg12 : memref<128x32xf32, #tpu.memory_space<vmem>>) dst(%dma_wait3A_472 : memref<10240x32xf32, #tpu.memory_space<vmem_shared>>)
      %add3A_473 = arith.constant 8 : i32
      %add3A_474 = arith.addi %add3A_264, %add3A_473 : i32
      %add3A_475 = arith.constant 4 : i32
      %add3A_476 = arith.addi %add3A_474, %add3A_475 : i32
      %dma_start3A_477 = arith.constant 0 : i32
      %dma_start3A_478 = tpu.memref_slice %arg6[%add3A_476, %dma_start3A_477] : memref<80x128xi32, #tpu.memory_space<vmem>> -> memref<1x128xi32, #tpu.memory_space<vmem>>
      %dma_start3A_479 = tpu.memref_squeeze %dma_start3A_478 : memref<1x128xi32, #tpu.memory_space<vmem>> -> memref<128xi32, #tpu.memory_space<vmem>>
      %dma_start3A_480 = arith.constant 0 : i32
      %dma_start3A_481 = arith.constant 0 : i32
      %dma_start3A_482 = tpu.memref_slice %arg2[%dma_start3A_480, %dma_start3A_481] : memref<10240x32xf32, #tpu.memory_space<hbm>> -> memref<10240x32xf32, #tpu.memory_space<hbm>>
      tpu.enqueue_indirect_dma source(%dma_start3A_482 : memref<10240x32xf32, #tpu.memory_space<hbm>>) target(%arg12 : memref<128x32xf32, #tpu.memory_space<vmem>>) offsets(%dma_start3A_479 : memref<128xi32, #tpu.memory_space<vmem>>) semaphore(%arg22 : memref<!tpu.dma_semaphore, #tpu.memory_space<semaphore_mem>>)
      %add3A_483 = arith.constant 5 : i32
      %add3A_484 = arith.addi %add3A_264, %add3A_483 : i32
      %dma_wait3A_485 = arith.constant 0 : i32
      %dma_wait3A_486 = tpu.memref_slice %arg7[%add3A_484, %dma_wait3A_485] : memref<80x128xi32, #tpu.memory_space<vmem>> -> memref<1x128xi32, #tpu.memory_space<vmem>>
      %dma_wait3A_487 = tpu.memref_squeeze %dma_wait3A_486 : memref<1x128xi32, #tpu.memory_space<vmem>> -> memref<128xi32, #tpu.memory_space<vmem>>
      %dma_wait3A_488 = arith.constant 0 : i32
      %dma_wait3A_489 = arith.constant 0 : i32
      %dma_wait3A_490 = tpu.memref_slice %arg17[%dma_wait3A_488, %dma_wait3A_489] : memref<10240x32xf32, #tpu.memory_space<vmem_shared>> -> memref<10240x32xf32, #tpu.memory_space<vmem_shared>>
      tpu.wait_indirect_dma semaphore(%arg31 : memref<!tpu.dma_semaphore, #tpu.memory_space<semaphore_mem>>) src(%arg13 : memref<128x32xf32, #tpu.memory_space<vmem>>) dst(%dma_wait3A_490 : memref<10240x32xf32, #tpu.memory_space<vmem_shared>>)
      %add3A_491 = arith.constant 8 : i32
      %add3A_492 = arith.addi %add3A_264, %add3A_491 : i32
      %add3A_493 = arith.constant 5 : i32
      %add3A_494 = arith.addi %add3A_492, %add3A_493 : i32
      %dma_start3A_495 = arith.constant 0 : i32
      %dma_start3A_496 = tpu.memref_slice %arg6[%add3A_494, %dma_start3A_495] : memref<80x128xi32, #tpu.memory_space<vmem>> -> memref<1x128xi32, #tpu.memory_space<vmem>>
      %dma_start3A_497 = tpu.memref_squeeze %dma_start3A_496 : memref<1x128xi32, #tpu.memory_space<vmem>> -> memref<128xi32, #tpu.memory_space<vmem>>
      %dma_start3A_498 = arith.constant 0 : i32
      %dma_start3A_499 = arith.constant 0 : i32
      %dma_start3A_500 = tpu.memref_slice %arg2[%dma_start3A_498, %dma_start3A_499] : memref<10240x32xf32, #tpu.memory_space<hbm>> -> memref<10240x32xf32, #tpu.memory_space<hbm>>
      tpu.enqueue_indirect_dma source(%dma_start3A_500 : memref<10240x32xf32, #tpu.memory_space<hbm>>) target(%arg13 : memref<128x32xf32, #tpu.memory_space<vmem>>) offsets(%dma_start3A_497 : memref<128xi32, #tpu.memory_space<vmem>>) semaphore(%arg23 : memref<!tpu.dma_semaphore, #tpu.memory_space<semaphore_mem>>)
      %add3A_501 = arith.constant 6 : i32
      %add3A_502 = arith.addi %add3A_264, %add3A_501 : i32
      %dma_wait3A_503 = arith.constant 0 : i32
      %dma_wait3A_504 = tpu.memref_slice %arg7[%add3A_502, %dma_wait3A_503] : memref<80x128xi32, #tpu.memory_space<vmem>> -> memref<1x128xi32, #tpu.memory_space<vmem>>
      %dma_wait3A_505 = tpu.memref_squeeze %dma_wait3A_504 : memref<1x128xi32, #tpu.memory_space<vmem>> -> memref<128xi32, #tpu.memory_space<vmem>>
      %dma_wait3A_506 = arith.constant 0 : i32
      %dma_wait3A_507 = arith.constant 0 : i32
      %dma_wait3A_508 = tpu.memref_slice %arg17[%dma_wait3A_506, %dma_wait3A_507] : memref<10240x32xf32, #tpu.memory_space<vmem_shared>> -> memref<10240x32xf32, #tpu.memory_space<vmem_shared>>
      tpu.wait_indirect_dma semaphore(%arg32 : memref<!tpu.dma_semaphore, #tpu.memory_space<semaphore_mem>>) src(%arg14 : memref<128x32xf32, #tpu.memory_space<vmem>>) dst(%dma_wait3A_508 : memref<10240x32xf32, #tpu.memory_space<vmem_shared>>)
      %add3A_509 = arith.constant 8 : i32
      %add3A_510 = arith.addi %add3A_264, %add3A_509 : i32
      %add3A_511 = arith.constant 6 : i32
      %add3A_512 = arith.addi %add3A_510, %add3A_511 : i32
      %dma_start3A_513 = arith.constant 0 : i32
      %dma_start3A_514 = tpu.memref_slice %arg6[%add3A_512, %dma_start3A_513] : memref<80x128xi32, #tpu.memory_space<vmem>> -> memref<1x128xi32, #tpu.memory_space<vmem>>
      %dma_start3A_515 = tpu.memref_squeeze %dma_start3A_514 : memref<1x128xi32, #tpu.memory_space<vmem>> -> memref<128xi32, #tpu.memory_space<vmem>>
      %dma_start3A_516 = arith.constant 0 : i32
      %dma_start3A_517 = arith.constant 0 : i32
      %dma_start3A_518 = tpu.memref_slice %arg2[%dma_start3A_516, %dma_start3A_517] : memref<10240x32xf32, #tpu.memory_space<hbm>> -> memref<10240x32xf32, #tpu.memory_space<hbm>>
      tpu.enqueue_indirect_dma source(%dma_start3A_518 : memref<10240x32xf32, #tpu.memory_space<hbm>>) target(%arg14 : memref<128x32xf32, #tpu.memory_space<vmem>>) offsets(%dma_start3A_515 : memref<128xi32, #tpu.memory_space<vmem>>) semaphore(%arg24 : memref<!tpu.dma_semaphore, #tpu.memory_space<semaphore_mem>>)
      %add3A_519 = arith.constant 7 : i32
      %add3A_520 = arith.addi %add3A_264, %add3A_519 : i32
      %dma_wait3A_521 = arith.constant 0 : i32
      %dma_wait3A_522 = tpu.memref_slice %arg7[%add3A_520, %dma_wait3A_521] : memref<80x128xi32, #tpu.memory_space<vmem>> -> memref<1x128xi32, #tpu.memory_space<vmem>>
      %dma_wait3A_523 = tpu.memref_squeeze %dma_wait3A_522 : memref<1x128xi32, #tpu.memory_space<vmem>> -> memref<128xi32, #tpu.memory_space<vmem>>
      %dma_wait3A_524 = arith.constant 0 : i32
      %dma_wait3A_525 = arith.constant 0 : i32
      %dma_wait3A_526 = tpu.memref_slice %arg17[%dma_wait3A_524, %dma_wait3A_525] : memref<10240x32xf32, #tpu.memory_space<vmem_shared>> -> memref<10240x32xf32, #tpu.memory_space<vmem_shared>>
      tpu.wait_indirect_dma semaphore(%arg33 : memref<!tpu.dma_semaphore, #tpu.memory_space<semaphore_mem>>) src(%arg15 : memref<128x32xf32, #tpu.memory_space<vmem>>) dst(%dma_wait3A_526 : memref<10240x32xf32, #tpu.memory_space<vmem_shared>>)
      %add3A_527 = arith.constant 8 : i32
      %add3A_528 = arith.addi %add3A_264, %add3A_527 : i32
      %add3A_529 = arith.constant 7 : i32
      %add3A_530 = arith.addi %add3A_528, %add3A_529 : i32
      %dma_start3A_531 = arith.constant 0 : i32
      %dma_start3A_532 = tpu.memref_slice %arg6[%add3A_530, %dma_start3A_531] : memref<80x128xi32, #tpu.memory_space<vmem>> -> memref<1x128xi32, #tpu.memory_space<vmem>>
      %dma_start3A_533 = tpu.memref_squeeze %dma_start3A_532 : memref<1x128xi32, #tpu.memory_space<vmem>> -> memref<128xi32, #tpu.memory_space<vmem>>
      %dma_start3A_534 = arith.constant 0 : i32
      %dma_start3A_535 = arith.constant 0 : i32
      %dma_start3A_536 = tpu.memref_slice %arg2[%dma_start3A_534, %dma_start3A_535] : memref<10240x32xf32, #tpu.memory_space<hbm>> -> memref<10240x32xf32, #tpu.memory_space<hbm>>
      tpu.enqueue_indirect_dma source(%dma_start3A_536 : memref<10240x32xf32, #tpu.memory_space<hbm>>) target(%arg15 : memref<128x32xf32, #tpu.memory_space<vmem>>) offsets(%dma_start3A_533 : memref<128xi32, #tpu.memory_space<vmem>>) semaphore(%arg25 : memref<!tpu.dma_semaphore, #tpu.memory_space<semaphore_mem>>)
    }
    %scan3A_86 = arith.constant 9 : i32
    %dma_wait3A_87 = arith.constant 72 : i32
    %dma_wait3A_88 = arith.constant 0 : i32
    %dma_wait3A_89 = tpu.memref_slice %arg6[%dma_wait3A_87, %dma_wait3A_88] : memref<80x128xi32, #tpu.memory_space<vmem>> -> memref<1x128xi32, #tpu.memory_space<vmem>>
    %dma_wait3A_90 = tpu.memref_squeeze %dma_wait3A_89 : memref<1x128xi32, #tpu.memory_space<vmem>> -> memref<128xi32, #tpu.memory_space<vmem>>
    %dma_wait3A_91 = arith.constant 0 : i32
    %dma_wait3A_92 = arith.constant 0 : i32
    %dma_wait3A_93 = tpu.memref_slice %arg2[%dma_wait3A_91, %dma_wait3A_92] : memref<10240x32xf32, #tpu.memory_space<hbm>> -> memref<10240x32xf32, #tpu.memory_space<hbm>>
    tpu.wait_indirect_dma semaphore(%arg18 : memref<!tpu.dma_semaphore, #tpu.memory_space<semaphore_mem>>) src(%dma_wait3A_93 : memref<10240x32xf32, #tpu.memory_space<hbm>>) dst(%arg8 : memref<128x32xf32, #tpu.memory_space<vmem>>)
    %dma_start3A_94 = arith.constant 72 : i32
    %dma_start3A_95 = arith.constant 0 : i32
    %dma_start3A_96 = tpu.memref_slice %arg7[%dma_start3A_94, %dma_start3A_95] : memref<80x128xi32, #tpu.memory_space<vmem>> -> memref<1x128xi32, #tpu.memory_space<vmem>>
    %dma_start3A_97 = tpu.memref_squeeze %dma_start3A_96 : memref<1x128xi32, #tpu.memory_space<vmem>> -> memref<128xi32, #tpu.memory_space<vmem>>
    %dma_start3A_98 = arith.constant 0 : i32
    %dma_start3A_99 = arith.constant 0 : i32
    %dma_start3A_100 = tpu.memref_slice %arg17[%dma_start3A_98, %dma_start3A_99] : memref<10240x32xf32, #tpu.memory_space<vmem_shared>> -> memref<10240x32xf32, #tpu.memory_space<vmem_shared>>
    tpu.enqueue_indirect_dma source(%arg8 : memref<128x32xf32, #tpu.memory_space<vmem>>) target(%dma_start3A_100 : memref<10240x32xf32, #tpu.memory_space<vmem_shared>>) offsets(%dma_start3A_97 : memref<128xi32, #tpu.memory_space<vmem>>) semaphore(%arg26 : memref<!tpu.dma_semaphore, #tpu.memory_space<semaphore_mem>>) {add = true}
    %dma_wait3A_101 = arith.constant 73 : i32
    %dma_wait3A_102 = arith.constant 0 : i32
    %dma_wait3A_103 = tpu.memref_slice %arg6[%dma_wait3A_101, %dma_wait3A_102] : memref<80x128xi32, #tpu.memory_space<vmem>> -> memref<1x128xi32, #tpu.memory_space<vmem>>
    %dma_wait3A_104 = tpu.memref_squeeze %dma_wait3A_103 : memref<1x128xi32, #tpu.memory_space<vmem>> -> memref<128xi32, #tpu.memory_space<vmem>>
    %dma_wait3A_105 = arith.constant 0 : i32
    %dma_wait3A_106 = arith.constant 0 : i32
    %dma_wait3A_107 = tpu.memref_slice %arg2[%dma_wait3A_105, %dma_wait3A_106] : memref<10240x32xf32, #tpu.memory_space<hbm>> -> memref<10240x32xf32, #tpu.memory_space<hbm>>
    tpu.wait_indirect_dma semaphore(%arg19 : memref<!tpu.dma_semaphore, #tpu.memory_space<semaphore_mem>>) src(%dma_wait3A_107 : memref<10240x32xf32, #tpu.memory_space<hbm>>) dst(%arg9 : memref<128x32xf32, #tpu.memory_space<vmem>>)
    %dma_start3A_108 = arith.constant 73 : i32
    %dma_start3A_109 = arith.constant 0 : i32
    %dma_start3A_110 = tpu.memref_slice %arg7[%dma_start3A_108, %dma_start3A_109] : memref<80x128xi32, #tpu.memory_space<vmem>> -> memref<1x128xi32, #tpu.memory_space<vmem>>
    %dma_start3A_111 = tpu.memref_squeeze %dma_start3A_110 : memref<1x128xi32, #tpu.memory_space<vmem>> -> memref<128xi32, #tpu.memory_space<vmem>>
    %dma_start3A_112 = arith.constant 0 : i32
    %dma_start3A_113 = arith.constant 0 : i32
    %dma_start3A_114 = tpu.memref_slice %arg17[%dma_start3A_112, %dma_start3A_113] : memref<10240x32xf32, #tpu.memory_space<vmem_shared>> -> memref<10240x32xf32, #tpu.memory_space<vmem_shared>>
    tpu.enqueue_indirect_dma source(%arg9 : memref<128x32xf32, #tpu.memory_space<vmem>>) target(%dma_start3A_114 : memref<10240x32xf32, #tpu.memory_space<vmem_shared>>) offsets(%dma_start3A_111 : memref<128xi32, #tpu.memory_space<vmem>>) semaphore(%arg27 : memref<!tpu.dma_semaphore, #tpu.memory_space<semaphore_mem>>) {add = true}
    %dma_wait3A_115 = arith.constant 74 : i32
    %dma_wait3A_116 = arith.constant 0 : i32
    %dma_wait3A_117 = tpu.memref_slice %arg6[%dma_wait3A_115, %dma_wait3A_116] : memref<80x128xi32, #tpu.memory_space<vmem>> -> memref<1x128xi32, #tpu.memory_space<vmem>>
    %dma_wait3A_118 = tpu.memref_squeeze %dma_wait3A_117 : memref<1x128xi32, #tpu.memory_space<vmem>> -> memref<128xi32, #tpu.memory_space<vmem>>
    %dma_wait3A_119 = arith.constant 0 : i32
    %dma_wait3A_120 = arith.constant 0 : i32
    %dma_wait3A_121 = tpu.memref_slice %arg2[%dma_wait3A_119, %dma_wait3A_120] : memref<10240x32xf32, #tpu.memory_space<hbm>> -> memref<10240x32xf32, #tpu.memory_space<hbm>>
    tpu.wait_indirect_dma semaphore(%arg20 : memref<!tpu.dma_semaphore, #tpu.memory_space<semaphore_mem>>) src(%dma_wait3A_121 : memref<10240x32xf32, #tpu.memory_space<hbm>>) dst(%arg10 : memref<128x32xf32, #tpu.memory_space<vmem>>)
    %dma_start3A_122 = arith.constant 74 : i32
    %dma_start3A_123 = arith.constant 0 : i32
    %dma_start3A_124 = tpu.memref_slice %arg7[%dma_start3A_122, %dma_start3A_123] : memref<80x128xi32, #tpu.memory_space<vmem>> -> memref<1x128xi32, #tpu.memory_space<vmem>>
    %dma_start3A_125 = tpu.memref_squeeze %dma_start3A_124 : memref<1x128xi32, #tpu.memory_space<vmem>> -> memref<128xi32, #tpu.memory_space<vmem>>
    %dma_start3A_126 = arith.constant 0 : i32
    %dma_start3A_127 = arith.constant 0 : i32
    %dma_start3A_128 = tpu.memref_slice %arg17[%dma_start3A_126, %dma_start3A_127] : memref<10240x32xf32, #tpu.memory_space<vmem_shared>> -> memref<10240x32xf32, #tpu.memory_space<vmem_shared>>
    tpu.enqueue_indirect_dma source(%arg10 : memref<128x32xf32, #tpu.memory_space<vmem>>) target(%dma_start3A_128 : memref<10240x32xf32, #tpu.memory_space<vmem_shared>>) offsets(%dma_start3A_125 : memref<128xi32, #tpu.memory_space<vmem>>) semaphore(%arg28 : memref<!tpu.dma_semaphore, #tpu.memory_space<semaphore_mem>>) {add = true}
    %dma_wait3A_129 = arith.constant 75 : i32
    %dma_wait3A_130 = arith.constant 0 : i32
    %dma_wait3A_131 = tpu.memref_slice %arg6[%dma_wait3A_129, %dma_wait3A_130] : memref<80x128xi32, #tpu.memory_space<vmem>> -> memref<1x128xi32, #tpu.memory_space<vmem>>
    %dma_wait3A_132 = tpu.memref_squeeze %dma_wait3A_131 : memref<1x128xi32, #tpu.memory_space<vmem>> -> memref<128xi32, #tpu.memory_space<vmem>>
    %dma_wait3A_133 = arith.constant 0 : i32
    %dma_wait3A_134 = arith.constant 0 : i32
    %dma_wait3A_135 = tpu.memref_slice %arg2[%dma_wait3A_133, %dma_wait3A_134] : memref<10240x32xf32, #tpu.memory_space<hbm>> -> memref<10240x32xf32, #tpu.memory_space<hbm>>
    tpu.wait_indirect_dma semaphore(%arg21 : memref<!tpu.dma_semaphore, #tpu.memory_space<semaphore_mem>>) src(%dma_wait3A_135 : memref<10240x32xf32, #tpu.memory_space<hbm>>) dst(%arg11 : memref<128x32xf32, #tpu.memory_space<vmem>>)
    %dma_start3A_136 = arith.constant 75 : i32
    %dma_start3A_137 = arith.constant 0 : i32
    %dma_start3A_138 = tpu.memref_slice %arg7[%dma_start3A_136, %dma_start3A_137] : memref<80x128xi32, #tpu.memory_space<vmem>> -> memref<1x128xi32, #tpu.memory_space<vmem>>
    %dma_start3A_139 = tpu.memref_squeeze %dma_start3A_138 : memref<1x128xi32, #tpu.memory_space<vmem>> -> memref<128xi32, #tpu.memory_space<vmem>>
    %dma_start3A_140 = arith.constant 0 : i32
    %dma_start3A_141 = arith.constant 0 : i32
    %dma_start3A_142 = tpu.memref_slice %arg17[%dma_start3A_140, %dma_start3A_141] : memref<10240x32xf32, #tpu.memory_space<vmem_shared>> -> memref<10240x32xf32, #tpu.memory_space<vmem_shared>>
    tpu.enqueue_indirect_dma source(%arg11 : memref<128x32xf32, #tpu.memory_space<vmem>>) target(%dma_start3A_142 : memref<10240x32xf32, #tpu.memory_space<vmem_shared>>) offsets(%dma_start3A_139 : memref<128xi32, #tpu.memory_space<vmem>>) semaphore(%arg29 : memref<!tpu.dma_semaphore, #tpu.memory_space<semaphore_mem>>) {add = true}
    %dma_wait3A_143 = arith.constant 76 : i32
    %dma_wait3A_144 = arith.constant 0 : i32
    %dma_wait3A_145 = tpu.memref_slice %arg6[%dma_wait3A_143, %dma_wait3A_144] : memref<80x128xi32, #tpu.memory_space<vmem>> -> memref<1x128xi32, #tpu.memory_space<vmem>>
    %dma_wait3A_146 = tpu.memref_squeeze %dma_wait3A_145 : memref<1x128xi32, #tpu.memory_space<vmem>> -> memref<128xi32, #tpu.memory_space<vmem>>
    %dma_wait3A_147 = arith.constant 0 : i32
    %dma_wait3A_148 = arith.constant 0 : i32
    %dma_wait3A_149 = tpu.memref_slice %arg2[%dma_wait3A_147, %dma_wait3A_148] : memref<10240x32xf32, #tpu.memory_space<hbm>> -> memref<10240x32xf32, #tpu.memory_space<hbm>>
    tpu.wait_indirect_dma semaphore(%arg22 : memref<!tpu.dma_semaphore, #tpu.memory_space<semaphore_mem>>) src(%dma_wait3A_149 : memref<10240x32xf32, #tpu.memory_space<hbm>>) dst(%arg12 : memref<128x32xf32, #tpu.memory_space<vmem>>)
    %dma_start3A_150 = arith.constant 76 : i32
    %dma_start3A_151 = arith.constant 0 : i32
    %dma_start3A_152 = tpu.memref_slice %arg7[%dma_start3A_150, %dma_start3A_151] : memref<80x128xi32, #tpu.memory_space<vmem>> -> memref<1x128xi32, #tpu.memory_space<vmem>>
    %dma_start3A_153 = tpu.memref_squeeze %dma_start3A_152 : memref<1x128xi32, #tpu.memory_space<vmem>> -> memref<128xi32, #tpu.memory_space<vmem>>
    %dma_start3A_154 = arith.constant 0 : i32
    %dma_start3A_155 = arith.constant 0 : i32
    %dma_start3A_156 = tpu.memref_slice %arg17[%dma_start3A_154, %dma_start3A_155] : memref<10240x32xf32, #tpu.memory_space<vmem_shared>> -> memref<10240x32xf32, #tpu.memory_space<vmem_shared>>
    tpu.enqueue_indirect_dma source(%arg12 : memref<128x32xf32, #tpu.memory_space<vmem>>) target(%dma_start3A_156 : memref<10240x32xf32, #tpu.memory_space<vmem_shared>>) offsets(%dma_start3A_153 : memref<128xi32, #tpu.memory_space<vmem>>) semaphore(%arg30 : memref<!tpu.dma_semaphore, #tpu.memory_space<semaphore_mem>>) {add = true}
    %dma_wait3A_157 = arith.constant 77 : i32
    %dma_wait3A_158 = arith.constant 0 : i32
    %dma_wait3A_159 = tpu.memref_slice %arg6[%dma_wait3A_157, %dma_wait3A_158] : memref<80x128xi32, #tpu.memory_space<vmem>> -> memref<1x128xi32, #tpu.memory_space<vmem>>
    %dma_wait3A_160 = tpu.memref_squeeze %dma_wait3A_159 : memref<1x128xi32, #tpu.memory_space<vmem>> -> memref<128xi32, #tpu.memory_space<vmem>>
    %dma_wait3A_161 = arith.constant 0 : i32
    %dma_wait3A_162 = arith.constant 0 : i32
    %dma_wait3A_163 = tpu.memref_slice %arg2[%dma_wait3A_161, %dma_wait3A_162] : memref<10240x32xf32, #tpu.memory_space<hbm>> -> memref<10240x32xf32, #tpu.memory_space<hbm>>
    tpu.wait_indirect_dma semaphore(%arg23 : memref<!tpu.dma_semaphore, #tpu.memory_space<semaphore_mem>>) src(%dma_wait3A_163 : memref<10240x32xf32, #tpu.memory_space<hbm>>) dst(%arg13 : memref<128x32xf32, #tpu.memory_space<vmem>>)
    %dma_start3A_164 = arith.constant 77 : i32
    %dma_start3A_165 = arith.constant 0 : i32
    %dma_start3A_166 = tpu.memref_slice %arg7[%dma_start3A_164, %dma_start3A_165] : memref<80x128xi32, #tpu.memory_space<vmem>> -> memref<1x128xi32, #tpu.memory_space<vmem>>
    %dma_start3A_167 = tpu.memref_squeeze %dma_start3A_166 : memref<1x128xi32, #tpu.memory_space<vmem>> -> memref<128xi32, #tpu.memory_space<vmem>>
    %dma_start3A_168 = arith.constant 0 : i32
    %dma_start3A_169 = arith.constant 0 : i32
    %dma_start3A_170 = tpu.memref_slice %arg17[%dma_start3A_168, %dma_start3A_169] : memref<10240x32xf32, #tpu.memory_space<vmem_shared>> -> memref<10240x32xf32, #tpu.memory_space<vmem_shared>>
    tpu.enqueue_indirect_dma source(%arg13 : memref<128x32xf32, #tpu.memory_space<vmem>>) target(%dma_start3A_170 : memref<10240x32xf32, #tpu.memory_space<vmem_shared>>) offsets(%dma_start3A_167 : memref<128xi32, #tpu.memory_space<vmem>>) semaphore(%arg31 : memref<!tpu.dma_semaphore, #tpu.memory_space<semaphore_mem>>) {add = true}
    %dma_wait3A_171 = arith.constant 78 : i32
    %dma_wait3A_172 = arith.constant 0 : i32
    %dma_wait3A_173 = tpu.memref_slice %arg6[%dma_wait3A_171, %dma_wait3A_172] : memref<80x128xi32, #tpu.memory_space<vmem>> -> memref<1x128xi32, #tpu.memory_space<vmem>>
    %dma_wait3A_174 = tpu.memref_squeeze %dma_wait3A_173 : memref<1x128xi32, #tpu.memory_space<vmem>> -> memref<128xi32, #tpu.memory_space<vmem>>
    %dma_wait3A_175 = arith.constant 0 : i32
    %dma_wait3A_176 = arith.constant 0 : i32
    %dma_wait3A_177 = tpu.memref_slice %arg2[%dma_wait3A_175, %dma_wait3A_176] : memref<10240x32xf32, #tpu.memory_space<hbm>> -> memref<10240x32xf32, #tpu.memory_space<hbm>>
    tpu.wait_indirect_dma semaphore(%arg24 : memref<!tpu.dma_semaphore, #tpu.memory_space<semaphore_mem>>) src(%dma_wait3A_177 : memref<10240x32xf32, #tpu.memory_space<hbm>>) dst(%arg14 : memref<128x32xf32, #tpu.memory_space<vmem>>)
    %dma_start3A_178 = arith.constant 78 : i32
    %dma_start3A_179 = arith.constant 0 : i32
    %dma_start3A_180 = tpu.memref_slice %arg7[%dma_start3A_178, %dma_start3A_179] : memref<80x128xi32, #tpu.memory_space<vmem>> -> memref<1x128xi32, #tpu.memory_space<vmem>>
    %dma_start3A_181 = tpu.memref_squeeze %dma_start3A_180 : memref<1x128xi32, #tpu.memory_space<vmem>> -> memref<128xi32, #tpu.memory_space<vmem>>
    %dma_start3A_182 = arith.constant 0 : i32
    %dma_start3A_183 = arith.constant 0 : i32
    %dma_start3A_184 = tpu.memref_slice %arg17[%dma_start3A_182, %dma_start3A_183] : memref<10240x32xf32, #tpu.memory_space<vmem_shared>> -> memref<10240x32xf32, #tpu.memory_space<vmem_shared>>
    tpu.enqueue_indirect_dma source(%arg14 : memref<128x32xf32, #tpu.memory_space<vmem>>) target(%dma_start3A_184 : memref<10240x32xf32, #tpu.memory_space<vmem_shared>>) offsets(%dma_start3A_181 : memref<128xi32, #tpu.memory_space<vmem>>) semaphore(%arg32 : memref<!tpu.dma_semaphore, #tpu.memory_space<semaphore_mem>>) {add = true}
    %dma_wait3A_185 = arith.constant 79 : i32
    %dma_wait3A_186 = arith.constant 0 : i32
    %dma_wait3A_187 = tpu.memref_slice %arg6[%dma_wait3A_185, %dma_wait3A_186] : memref<80x128xi32, #tpu.memory_space<vmem>> -> memref<1x128xi32, #tpu.memory_space<vmem>>
    %dma_wait3A_188 = tpu.memref_squeeze %dma_wait3A_187 : memref<1x128xi32, #tpu.memory_space<vmem>> -> memref<128xi32, #tpu.memory_space<vmem>>
    %dma_wait3A_189 = arith.constant 0 : i32
    %dma_wait3A_190 = arith.constant 0 : i32
    %dma_wait3A_191 = tpu.memref_slice %arg2[%dma_wait3A_189, %dma_wait3A_190] : memref<10240x32xf32, #tpu.memory_space<hbm>> -> memref<10240x32xf32, #tpu.memory_space<hbm>>
    tpu.wait_indirect_dma semaphore(%arg25 : memref<!tpu.dma_semaphore, #tpu.memory_space<semaphore_mem>>) src(%dma_wait3A_191 : memref<10240x32xf32, #tpu.memory_space<hbm>>) dst(%arg15 : memref<128x32xf32, #tpu.memory_space<vmem>>)
    %dma_start3A_192 = arith.constant 79 : i32
    %dma_start3A_193 = arith.constant 0 : i32
    %dma_start3A_194 = tpu.memref_slice %arg7[%dma_start3A_192, %dma_start3A_193] : memref<80x128xi32, #tpu.memory_space<vmem>> -> memref<1x128xi32, #tpu.memory_space<vmem>>
    %dma_start3A_195 = tpu.memref_squeeze %dma_start3A_194 : memref<1x128xi32, #tpu.memory_space<vmem>> -> memref<128xi32, #tpu.memory_space<vmem>>
    %dma_start3A_196 = arith.constant 0 : i32
    %dma_start3A_197 = arith.constant 0 : i32
    %dma_start3A_198 = tpu.memref_slice %arg17[%dma_start3A_196, %dma_start3A_197] : memref<10240x32xf32, #tpu.memory_space<vmem_shared>> -> memref<10240x32xf32, #tpu.memory_space<vmem_shared>>
    tpu.enqueue_indirect_dma source(%arg15 : memref<128x32xf32, #tpu.memory_space<vmem>>) target(%dma_start3A_198 : memref<10240x32xf32, #tpu.memory_space<vmem_shared>>) offsets(%dma_start3A_195 : memref<128xi32, #tpu.memory_space<vmem>>) semaphore(%arg33 : memref<!tpu.dma_semaphore, #tpu.memory_space<semaphore_mem>>) {add = true}
    %dma_wait3A_199 = arith.constant 72 : i32
    %dma_wait3A_200 = arith.constant 0 : i32
    %dma_wait3A_201 = tpu.memref_slice %arg7[%dma_wait3A_199, %dma_wait3A_200] : memref<80x128xi32, #tpu.memory_space<vmem>> -> memref<1x128xi32, #tpu.memory_space<vmem>>
    %dma_wait3A_202 = tpu.memref_squeeze %dma_wait3A_201 : memref<1x128xi32, #tpu.memory_space<vmem>> -> memref<128xi32, #tpu.memory_space<vmem>>
    %dma_wait3A_203 = arith.constant 0 : i32
    %dma_wait3A_204 = arith.constant 0 : i32
    %dma_wait3A_205 = tpu.memref_slice %arg17[%dma_wait3A_203, %dma_wait3A_204] : memref<10240x32xf32, #tpu.memory_space<vmem_shared>> -> memref<10240x32xf32, #tpu.memory_space<vmem_shared>>
    tpu.wait_indirect_dma semaphore(%arg26 : memref<!tpu.dma_semaphore, #tpu.memory_space<semaphore_mem>>) src(%arg8 : memref<128x32xf32, #tpu.memory_space<vmem>>) dst(%dma_wait3A_205 : memref<10240x32xf32, #tpu.memory_space<vmem_shared>>)
    %dma_wait3A_206 = arith.constant 73 : i32
    %dma_wait3A_207 = arith.constant 0 : i32
    %dma_wait3A_208 = tpu.memref_slice %arg7[%dma_wait3A_206, %dma_wait3A_207] : memref<80x128xi32, #tpu.memory_space<vmem>> -> memref<1x128xi32, #tpu.memory_space<vmem>>
    %dma_wait3A_209 = tpu.memref_squeeze %dma_wait3A_208 : memref<1x128xi32, #tpu.memory_space<vmem>> -> memref<128xi32, #tpu.memory_space<vmem>>
    %dma_wait3A_210 = arith.constant 0 : i32
    %dma_wait3A_211 = arith.constant 0 : i32
    %dma_wait3A_212 = tpu.memref_slice %arg17[%dma_wait3A_210, %dma_wait3A_211] : memref<10240x32xf32, #tpu.memory_space<vmem_shared>> -> memref<10240x32xf32, #tpu.memory_space<vmem_shared>>
    tpu.wait_indirect_dma semaphore(%arg27 : memref<!tpu.dma_semaphore, #tpu.memory_space<semaphore_mem>>) src(%arg9 : memref<128x32xf32, #tpu.memory_space<vmem>>) dst(%dma_wait3A_212 : memref<10240x32xf32, #tpu.memory_space<vmem_shared>>)
    %dma_wait3A_213 = arith.constant 74 : i32
    %dma_wait3A_214 = arith.constant 0 : i32
    %dma_wait3A_215 = tpu.memref_slice %arg7[%dma_wait3A_213, %dma_wait3A_214] : memref<80x128xi32, #tpu.memory_space<vmem>> -> memref<1x128xi32, #tpu.memory_space<vmem>>
    %dma_wait3A_216 = tpu.memref_squeeze %dma_wait3A_215 : memref<1x128xi32, #tpu.memory_space<vmem>> -> memref<128xi32, #tpu.memory_space<vmem>>
    %dma_wait3A_217 = arith.constant 0 : i32
    %dma_wait3A_218 = arith.constant 0 : i32
    %dma_wait3A_219 = tpu.memref_slice %arg17[%dma_wait3A_217, %dma_wait3A_218] : memref<10240x32xf32, #tpu.memory_space<vmem_shared>> -> memref<10240x32xf32, #tpu.memory_space<vmem_shared>>
    tpu.wait_indirect_dma semaphore(%arg28 : memref<!tpu.dma_semaphore, #tpu.memory_space<semaphore_mem>>) src(%arg10 : memref<128x32xf32, #tpu.memory_space<vmem>>) dst(%dma_wait3A_219 : memref<10240x32xf32, #tpu.memory_space<vmem_shared>>)
    %dma_wait3A_220 = arith.constant 75 : i32
    %dma_wait3A_221 = arith.constant 0 : i32
    %dma_wait3A_222 = tpu.memref_slice %arg7[%dma_wait3A_220, %dma_wait3A_221] : memref<80x128xi32, #tpu.memory_space<vmem>> -> memref<1x128xi32, #tpu.memory_space<vmem>>
    %dma_wait3A_223 = tpu.memref_squeeze %dma_wait3A_222 : memref<1x128xi32, #tpu.memory_space<vmem>> -> memref<128xi32, #tpu.memory_space<vmem>>
    %dma_wait3A_224 = arith.constant 0 : i32
    %dma_wait3A_225 = arith.constant 0 : i32
    %dma_wait3A_226 = tpu.memref_slice %arg17[%dma_wait3A_224, %dma_wait3A_225] : memref<10240x32xf32, #tpu.memory_space<vmem_shared>> -> memref<10240x32xf32, #tpu.memory_space<vmem_shared>>
    tpu.wait_indirect_dma semaphore(%arg29 : memref<!tpu.dma_semaphore, #tpu.memory_space<semaphore_mem>>) src(%arg11 : memref<128x32xf32, #tpu.memory_space<vmem>>) dst(%dma_wait3A_226 : memref<10240x32xf32, #tpu.memory_space<vmem_shared>>)
    %dma_wait3A_227 = arith.constant 76 : i32
    %dma_wait3A_228 = arith.constant 0 : i32
    %dma_wait3A_229 = tpu.memref_slice %arg7[%dma_wait3A_227, %dma_wait3A_228] : memref<80x128xi32, #tpu.memory_space<vmem>> -> memref<1x128xi32, #tpu.memory_space<vmem>>
    %dma_wait3A_230 = tpu.memref_squeeze %dma_wait3A_229 : memref<1x128xi32, #tpu.memory_space<vmem>> -> memref<128xi32, #tpu.memory_space<vmem>>
    %dma_wait3A_231 = arith.constant 0 : i32
    %dma_wait3A_232 = arith.constant 0 : i32
    %dma_wait3A_233 = tpu.memref_slice %arg17[%dma_wait3A_231, %dma_wait3A_232] : memref<10240x32xf32, #tpu.memory_space<vmem_shared>> -> memref<10240x32xf32, #tpu.memory_space<vmem_shared>>
    tpu.wait_indirect_dma semaphore(%arg30 : memref<!tpu.dma_semaphore, #tpu.memory_space<semaphore_mem>>) src(%arg12 : memref<128x32xf32, #tpu.memory_space<vmem>>) dst(%dma_wait3A_233 : memref<10240x32xf32, #tpu.memory_space<vmem_shared>>)
    %dma_wait3A_234 = arith.constant 77 : i32
    %dma_wait3A_235 = arith.constant 0 : i32
    %dma_wait3A_236 = tpu.memref_slice %arg7[%dma_wait3A_234, %dma_wait3A_235] : memref<80x128xi32, #tpu.memory_space<vmem>> -> memref<1x128xi32, #tpu.memory_space<vmem>>
    %dma_wait3A_237 = tpu.memref_squeeze %dma_wait3A_236 : memref<1x128xi32, #tpu.memory_space<vmem>> -> memref<128xi32, #tpu.memory_space<vmem>>
    %dma_wait3A_238 = arith.constant 0 : i32
    %dma_wait3A_239 = arith.constant 0 : i32
    %dma_wait3A_240 = tpu.memref_slice %arg17[%dma_wait3A_238, %dma_wait3A_239] : memref<10240x32xf32, #tpu.memory_space<vmem_shared>> -> memref<10240x32xf32, #tpu.memory_space<vmem_shared>>
    tpu.wait_indirect_dma semaphore(%arg31 : memref<!tpu.dma_semaphore, #tpu.memory_space<semaphore_mem>>) src(%arg13 : memref<128x32xf32, #tpu.memory_space<vmem>>) dst(%dma_wait3A_240 : memref<10240x32xf32, #tpu.memory_space<vmem_shared>>)
    %dma_wait3A_241 = arith.constant 78 : i32
    %dma_wait3A_242 = arith.constant 0 : i32
    %dma_wait3A_243 = tpu.memref_slice %arg7[%dma_wait3A_241, %dma_wait3A_242] : memref<80x128xi32, #tpu.memory_space<vmem>> -> memref<1x128xi32, #tpu.memory_space<vmem>>
    %dma_wait3A_244 = tpu.memref_squeeze %dma_wait3A_243 : memref<1x128xi32, #tpu.memory_space<vmem>> -> memref<128xi32, #tpu.memory_space<vmem>>
    %dma_wait3A_245 = arith.constant 0 : i32
    %dma_wait3A_246 = arith.constant 0 : i32
    %dma_wait3A_247 = tpu.memref_slice %arg17[%dma_wait3A_245, %dma_wait3A_246] : memref<10240x32xf32, #tpu.memory_space<vmem_shared>> -> memref<10240x32xf32, #tpu.memory_space<vmem_shared>>
    tpu.wait_indirect_dma semaphore(%arg32 : memref<!tpu.dma_semaphore, #tpu.memory_space<semaphore_mem>>) src(%arg14 : memref<128x32xf32, #tpu.memory_space<vmem>>) dst(%dma_wait3A_247 : memref<10240x32xf32, #tpu.memory_space<vmem_shared>>)
    %dma_wait3A_248 = arith.constant 79 : i32
    %dma_wait3A_249 = arith.constant 0 : i32
    %dma_wait3A_250 = tpu.memref_slice %arg7[%dma_wait3A_248, %dma_wait3A_249] : memref<80x128xi32, #tpu.memory_space<vmem>> -> memref<1x128xi32, #tpu.memory_space<vmem>>
    %dma_wait3A_251 = tpu.memref_squeeze %dma_wait3A_250 : memref<1x128xi32, #tpu.memory_space<vmem>> -> memref<128xi32, #tpu.memory_space<vmem>>
    %dma_wait3A_252 = arith.constant 0 : i32
    %dma_wait3A_253 = arith.constant 0 : i32
    %dma_wait3A_254 = tpu.memref_slice %arg17[%dma_wait3A_252, %dma_wait3A_253] : memref<10240x32xf32, #tpu.memory_space<vmem_shared>> -> memref<10240x32xf32, #tpu.memory_space<vmem_shared>>
    tpu.wait_indirect_dma semaphore(%arg33 : memref<!tpu.dma_semaphore, #tpu.memory_space<semaphore_mem>>) src(%arg15 : memref<128x32xf32, #tpu.memory_space<vmem>>) dst(%dma_wait3A_254 : memref<10240x32xf32, #tpu.memory_space<vmem_shared>>)
    %barrier3A_255 = arith.constant 0 : index
    tpu.barrier barrier_id(%barrier3A_255)
    %mul3A_256 = arith.constant 640 : i32
    %mul3A_257 = arith.muli %arg1, %mul3A_256 : i32
    %mul3A_258 = arith.constant 640 : i32
    %mul3A_259 = arith.muli %arg1, %mul3A_258 : i32
    "tpu.region"() ({
      %run_scoped3A = tpu.sem_alloc : memref<!tpu.dma_semaphore, #tpu.memory_space<semaphore_mem>>
      %dma_start3A_260 = arith.constant 0 : i32
      %dma_start3A_261 = tpu.memref_slice %arg5[%arg0, %mul3A_259, %dma_start3A_260] : memref<2x10240x32xf32, #tpu.memory_space<hbm>> -> memref<1x640x32xf32, #tpu.memory_space<hbm>>
      %dma_start3A_262 = tpu.memref_squeeze %dma_start3A_261 : memref<1x640x32xf32, #tpu.memory_space<hbm>> -> memref<640x32xf32, #tpu.memory_space<hbm>>
      %dma_start3A_263 = arith.constant 0 : i32
      %dma_start3A_264 = tpu.memref_slice %arg17[%mul3A_257, %dma_start3A_263] : memref<10240x32xf32, #tpu.memory_space<vmem_shared>> -> memref<640x32xf32, #tpu.memory_space<vmem_shared>>
      tpu.enqueue_dma source(%dma_start3A_264 : memref<640x32xf32, #tpu.memory_space<vmem_shared>>) target(%dma_start3A_262 : memref<640x32xf32, #tpu.memory_space<hbm>>) target_semaphore(%run_scoped3A : memref<!tpu.dma_semaphore, #tpu.memory_space<semaphore_mem>>)
      %dma_wait3A_265 = arith.constant 0 : i32
      %dma_wait3A_266 = tpu.memref_slice %arg5[%arg0, %mul3A_259, %dma_wait3A_265] : memref<2x10240x32xf32, #tpu.memory_space<hbm>> -> memref<1x640x32xf32, #tpu.memory_space<hbm>>
      %dma_wait3A_267 = tpu.memref_squeeze %dma_wait3A_266 : memref<1x640x32xf32, #tpu.memory_space<hbm>> -> memref<640x32xf32, #tpu.memory_space<hbm>>
      %dma_wait3A_268 = arith.constant 0 : i32
      %dma_wait3A_269 = tpu.memref_slice %arg17[%mul3A_257, %dma_wait3A_268] : memref<10240x32xf32, #tpu.memory_space<vmem_shared>> -> memref<640x32xf32, #tpu.memory_space<vmem_shared>>
      tpu.wait_dma2 semaphore(%run_scoped3A : memref<!tpu.dma_semaphore, #tpu.memory_space<semaphore_mem>>) src(%dma_wait3A_269 : memref<640x32xf32, #tpu.memory_space<vmem_shared>>) dst(%dma_wait3A_267 : memref<640x32xf32, #tpu.memory_space<hbm>>)
      tpu.yield
    }) : () -> ()
    return
  }
}

#map = affine_map<(d0, d1) -> (0, 0)>
#map1 = affine_map<(d0, d1) -> (0, 0, 0)>
module attributes {stable_mosaic.version = 14 : i64} {
  func.func @_edge_scatter(%arg0: i32, %arg1: i32, %arg2: memref<10240x32xf32, #tpu.memory_space<hbm>>, %arg3: memref<2560x128xi32, #tpu.memory_space<hbm>>, %arg4: memref<2560x128xi32, #tpu.memory_space<hbm>>, %arg5: memref<2x10240x32xf32, #tpu.memory_space<hbm>>, %arg6: memref<80x128xi32, #tpu.memory_space<vmem>>, %arg7: memref<80x128xi32, #tpu.memory_space<vmem>>, %arg8: memref<128x32xf32, #tpu.memory_space<vmem>>, %arg9: memref<128x32xf32, #tpu.memory_space<vmem>>, %arg10: memref<128x32xf32, #tpu.memory_space<vmem>>, %arg11: memref<128x32xf32, #tpu.memory_space<vmem>>, %arg12: memref<128x32xf32, #tpu.memory_space<vmem>>, %arg13: memref<128x32xf32, #tpu.memory_space<vmem>>, %arg14: memref<128x32xf32, #tpu.memory_space<vmem>>, %arg15: memref<128x32xf32, #tpu.memory_space<vmem>>, %arg16: memref<640x32xf32, #tpu.memory_space<vmem>>, %arg17: memref<10240x32xf32, #tpu.memory_space<vmem_shared>>, %arg18: memref<!tpu.dma_semaphore, #tpu.memory_space<semaphore_mem>>, %arg19: memref<!tpu.dma_semaphore, #tpu.memory_space<semaphore_mem>>, %arg20: memref<!tpu.dma_semaphore, #tpu.memory_space<semaphore_mem>>, %arg21: memref<!tpu.dma_semaphore, #tpu.memory_space<semaphore_mem>>, %arg22: memref<!tpu.dma_semaphore, #tpu.memory_space<semaphore_mem>>, %arg23: memref<!tpu.dma_semaphore, #tpu.memory_space<semaphore_mem>>, %arg24: memref<!tpu.dma_semaphore, #tpu.memory_space<semaphore_mem>>, %arg25: memref<!tpu.dma_semaphore, #tpu.memory_space<semaphore_mem>>, %arg26: memref<!tpu.dma_semaphore, #tpu.memory_space<semaphore_mem>>, %arg27: memref<!tpu.dma_semaphore, #tpu.memory_space<semaphore_mem>>, %arg28: memref<!tpu.dma_semaphore, #tpu.memory_space<semaphore_mem>>, %arg29: memref<!tpu.dma_semaphore, #tpu.memory_space<semaphore_mem>>, %arg30: memref<!tpu.dma_semaphore, #tpu.memory_space<semaphore_mem>>, %arg31: memref<!tpu.dma_semaphore, #tpu.memory_space<semaphore_mem>>, %arg32: memref<!tpu.dma_semaphore, #tpu.memory_space<semaphore_mem>>, %arg33: memref<!tpu.dma_semaphore, #tpu.memory_space<semaphore_mem>>) attributes {dimension_semantics = [#tpu.dimension_semantics<core_parallel>, #tpu.dimension_semantics<subcore_parallel>], iteration_bounds = array<i64: 2, 16>, scalar_prefetch = 0 : i64, scratch_operands = 28 : i64, tpu.core_type = #tpu.core_type<sc_vector_subcore>, window_params = [{transform_indices = #map}, {transform_indices = #map}, {transform_indices = #map}, {transform_indices = #map1}]} {
    %mul3A = arith.constant 16 : i32
    %mul3A_0 = arith.muli %arg0, %mul3A : i32
    %add3A = arith.addi %mul3A_0, %arg1 : i32
    %mul3A_1 = arith.constant 80 : i32
    %mul3A_2 = arith.muli %add3A, %mul3A_1 : i32
    %mul3A_3 = arith.constant 80 : i32
    %mul3A_4 = arith.muli %add3A, %mul3A_3 : i32
    %dma_start3A = arith.constant 0 : i32
    %dma_start3A_5 = tpu.memref_slice %arg3[%mul3A_2, %dma_start3A] : memref<2560x128xi32, #tpu.memory_space<hbm>> -> memref<80x128xi32, #tpu.memory_space<hbm>>
    %dma_start3A_6 = arith.constant 0 : i32
    %dma_start3A_7 = tpu.memref_slice %arg3[%mul3A_2, %dma_start3A_6] : memref<2560x128xi32, #tpu.memory_space<hbm>> -> memref<80x128xi32, #tpu.memory_space<hbm>>
    tpu.enqueue_dma source(%dma_start3A_7 : memref<80x128xi32, #tpu.memory_space<hbm>>) target(%arg6 : memref<80x128xi32, #tpu.memory_space<vmem>>) target_semaphore(%arg18 : memref<!tpu.dma_semaphore, #tpu.memory_space<semaphore_mem>>)
    %dma_start3A_8 = arith.constant 0 : i32
    %dma_start3A_9 = tpu.memref_slice %arg4[%mul3A_4, %dma_start3A_8] : memref<2560x128xi32, #tpu.memory_space<hbm>> -> memref<80x128xi32, #tpu.memory_space<hbm>>
    %dma_start3A_10 = arith.constant 0 : i32
    %dma_start3A_11 = tpu.memref_slice %arg4[%mul3A_4, %dma_start3A_10] : memref<2560x128xi32, #tpu.memory_space<hbm>> -> memref<80x128xi32, #tpu.memory_space<hbm>>
    tpu.enqueue_dma source(%dma_start3A_11 : memref<80x128xi32, #tpu.memory_space<hbm>>) target(%arg7 : memref<80x128xi32, #tpu.memory_space<vmem>>) target_semaphore(%arg19 : memref<!tpu.dma_semaphore, #tpu.memory_space<semaphore_mem>>)
    %broadcast_in_dim3A = arith.constant 0.000000e+00 : f32
    %broadcast_in_dim3A_12 = vector.broadcast %broadcast_in_dim3A : f32 to vector<16xf32>
    %scan3A = arith.constant 0 : i32
    %scan3A_13 = arith.constant 640 : i32
    %scan3A_14 = arith.addi %scan3A, %scan3A_13 : i32
    %scan3A_15 = arith.constant 1 : i32
    scf.for %scan3A_260 = %scan3A to %scan3A_14 step %scan3A_15  : i32 {
      %mul3A_261 = arith.constant 1 : i32
      %mul3A_262 = arith.muli %scan3A_260, %mul3A_261 : i32
      %add3A_263 = arith.constant 0 : i32
      %add3A_264 = arith.addi %add3A_263, %mul3A_262 : i32
      %swap3A = arith.index_cast %add3A_264 : i32 to index
      %swap3A_265 = arith.constant 0 : index
      %swap3A_266 = tpu.vector_load %arg16[%swap3A, %swap3A_265] {strides = array<i32>} : memref<640x32xf32, #tpu.memory_space<vmem>>, vector<1x16xf32>,
      %swap3A_267 = vector.shape_cast %swap3A_266 : vector<1x16xf32> to vector<16xf32>
      %swap3A_268 = vector.shape_cast %broadcast_in_dim3A_12 : vector<16xf32> to vector<1x16xf32>
      tpu.vector_store %arg16[%swap3A, %swap3A_265], %swap3A_268 {strides = array<i32>} : memref<640x32xf32, #tpu.memory_space<vmem>>, vector<1x16xf32>,
      %swap3A_269 = arith.index_cast %add3A_264 : i32 to index
      %swap3A_270 = arith.constant 16 : index
      %swap3A_271 = tpu.vector_load %arg16[%swap3A_269, %swap3A_270] {strides = array<i32>} : memref<640x32xf32, #tpu.memory_space<vmem>>, vector<1x16xf32>,
      %swap3A_272 = vector.shape_cast %swap3A_271 : vector<1x16xf32> to vector<16xf32>
      %swap3A_273 = vector.shape_cast %broadcast_in_dim3A_12 : vector<16xf32> to vector<1x16xf32>
      tpu.vector_store %arg16[%swap3A_269, %swap3A_270], %swap3A_273 {strides = array<i32>} : memref<640x32xf32, #tpu.memory_space<vmem>>, vector<1x16xf32>,
    }
    %scan3A_16 = arith.constant 640 : i32
    %mul3A_17 = arith.constant 640 : i32
    %mul3A_18 = arith.muli %arg1, %mul3A_17 : i32
    "tpu.region"() ({
      %run_scoped3A = tpu.sem_alloc : memref<!tpu.dma_semaphore, #tpu.memory_space<semaphore_mem>>
      %dma_start3A_260 = arith.constant 0 : i32
      %dma_start3A_261 = tpu.memref_slice %arg17[%mul3A_18, %dma_start3A_260] : memref<10240x32xf32, #tpu.memory_space<vmem_shared>> -> memref<640x32xf32, #tpu.memory_space<vmem_shared>>
      %dma_start3A_262 = arith.constant 0 : i32
      %dma_start3A_263 = tpu.memref_slice %arg17[%mul3A_18, %dma_start3A_262] : memref<10240x32xf32, #tpu.memory_space<vmem_shared>> -> memref<640x32xf32, #tpu.memory_space<vmem_shared>>
      tpu.enqueue_dma source(%arg16 : memref<640x32xf32, #tpu.memory_space<vmem>>) target(%dma_start3A_263 : memref<640x32xf32, #tpu.memory_space<vmem_shared>>) target_semaphore(%run_scoped3A : memref<!tpu.dma_semaphore, #tpu.memory_space<semaphore_mem>>)
      %dma_wait3A_264 = arith.constant 0 : i32
      %dma_wait3A_265 = tpu.memref_slice %arg17[%mul3A_18, %dma_wait3A_264] : memref<10240x32xf32, #tpu.memory_space<vmem_shared>> -> memref<640x32xf32, #tpu.memory_space<vmem_shared>>
      %dma_wait3A_266 = arith.constant 0 : i32
      %dma_wait3A_267 = tpu.memref_slice %arg17[%mul3A_18, %dma_wait3A_266] : memref<10240x32xf32, #tpu.memory_space<vmem_shared>> -> memref<640x32xf32, #tpu.memory_space<vmem_shared>>
      tpu.wait_dma2 semaphore(%run_scoped3A : memref<!tpu.dma_semaphore, #tpu.memory_space<semaphore_mem>>) src(%arg16 : memref<640x32xf32, #tpu.memory_space<vmem>>) dst(%dma_wait3A_267 : memref<640x32xf32, #tpu.memory_space<vmem_shared>>)
      tpu.yield
    }) : () -> ()
    %dma_wait3A = arith.constant 0 : i32
    %dma_wait3A_19 = tpu.memref_slice %arg3[%mul3A_2, %dma_wait3A] : memref<2560x128xi32, #tpu.memory_space<hbm>> -> memref<80x128xi32, #tpu.memory_space<hbm>>
    %dma_wait3A_20 = arith.constant 0 : i32
    %dma_wait3A_21 = tpu.memref_slice %arg3[%mul3A_2, %dma_wait3A_20] : memref<2560x128xi32, #tpu.memory_space<hbm>> -> memref<80x128xi32, #tpu.memory_space<hbm>>
    tpu.wait_dma2 semaphore(%arg18 : memref<!tpu.dma_semaphore, #tpu.memory_space<semaphore_mem>>) src(%dma_wait3A_21 : memref<80x128xi32, #tpu.memory_space<hbm>>) dst(%arg6 : memref<80x128xi32, #tpu.memory_space<vmem>>)
    %dma_wait3A_22 = arith.constant 0 : i32
    %dma_wait3A_23 = tpu.memref_slice %arg4[%mul3A_4, %dma_wait3A_22] : memref<2560x128xi32, #tpu.memory_space<hbm>> -> memref<80x128xi32, #tpu.memory_space<hbm>>
    %dma_wait3A_24 = arith.constant 0 : i32
    %dma_wait3A_25 = tpu.memref_slice %arg4[%mul3A_4, %dma_wait3A_24] : memref<2560x128xi32, #tpu.memory_space<hbm>> -> memref<80x128xi32, #tpu.memory_space<hbm>>
    tpu.wait_dma2 semaphore(%arg19 : memref<!tpu.dma_semaphore, #tpu.memory_space<semaphore_mem>>) src(%dma_wait3A_25 : memref<80x128xi32, #tpu.memory_space<hbm>>) dst(%arg7 : memref<80x128xi32, #tpu.memory_space<vmem>>)
    %barrier3A = arith.constant 0 : index
    tpu.barrier barrier_id(%barrier3A)
    %dma_start3A_26 = arith.constant 0 : i32
    %dma_start3A_27 = arith.constant 0 : i32
    %dma_start3A_28 = tpu.memref_slice %arg6[%dma_start3A_26, %dma_start3A_27] : memref<80x128xi32, #tpu.memory_space<vmem>> -> memref<1x128xi32, #tpu.memory_space<vmem>>
    %dma_start3A_29 = tpu.memref_squeeze %dma_start3A_28 : memref<1x128xi32, #tpu.memory_space<vmem>> -> memref<128xi32, #tpu.memory_space<vmem>>
    %dma_start3A_30 = arith.constant 0 : i32
    %dma_start3A_31 = arith.constant 0 : i32
    %dma_start3A_32 = tpu.memref_slice %arg2[%dma_start3A_30, %dma_start3A_31] : memref<10240x32xf32, #tpu.memory_space<hbm>> -> memref<10240x32xf32, #tpu.memory_space<hbm>>
    tpu.enqueue_indirect_dma source(%dma_start3A_32 : memref<10240x32xf32, #tpu.memory_space<hbm>>) target(%arg8 : memref<128x32xf32, #tpu.memory_space<vmem>>) offsets(%dma_start3A_29 : memref<128xi32, #tpu.memory_space<vmem>>) semaphore(%arg18 : memref<!tpu.dma_semaphore, #tpu.memory_space<semaphore_mem>>)
    %dma_start3A_33 = arith.constant 1 : i32
    %dma_start3A_34 = arith.constant 0 : i32
    %dma_start3A_35 = tpu.memref_slice %arg6[%dma_start3A_33, %dma_start3A_34] : memref<80x128xi32, #tpu.memory_space<vmem>> -> memref<1x128xi32, #tpu.memory_space<vmem>>
    %dma_start3A_36 = tpu.memref_squeeze %dma_start3A_35 : memref<1x128xi32, #tpu.memory_space<vmem>> -> memref<128xi32, #tpu.memory_space<vmem>>
    %dma_start3A_37 = arith.constant 0 : i32
    %dma_start3A_38 = arith.constant 0 : i32
    %dma_start3A_39 = tpu.memref_slice %arg2[%dma_start3A_37, %dma_start3A_38] : memref<10240x32xf32, #tpu.memory_space<hbm>> -> memref<10240x32xf32, #tpu.memory_space<hbm>>
    tpu.enqueue_indirect_dma source(%dma_start3A_39 : memref<10240x32xf32, #tpu.memory_space<hbm>>) target(%arg9 : memref<128x32xf32, #tpu.memory_space<vmem>>) offsets(%dma_start3A_36 : memref<128xi32, #tpu.memory_space<vmem>>) semaphore(%arg19 : memref<!tpu.dma_semaphore, #tpu.memory_space<semaphore_mem>>)
    %dma_start3A_40 = arith.constant 2 : i32
    %dma_start3A_41 = arith.constant 0 : i32
    %dma_start3A_42 = tpu.memref_slice %arg6[%dma_start3A_40, %dma_start3A_41] : memref<80x128xi32, #tpu.memory_space<vmem>> -> memref<1x128xi32, #tpu.memory_space<vmem>>
    %dma_start3A_43 = tpu.memref_squeeze %dma_start3A_42 : memref<1x128xi32, #tpu.memory_space<vmem>> -> memref<128xi32, #tpu.memory_space<vmem>>
    %dma_start3A_44 = arith.constant 0 : i32
    %dma_start3A_45 = arith.constant 0 : i32
    %dma_start3A_46 = tpu.memref_slice %arg2[%dma_start3A_44, %dma_start3A_45] : memref<10240x32xf32, #tpu.memory_space<hbm>> -> memref<10240x32xf32, #tpu.memory_space<hbm>>
    tpu.enqueue_indirect_dma source(%dma_start3A_46 : memref<10240x32xf32, #tpu.memory_space<hbm>>) target(%arg10 : memref<128x32xf32, #tpu.memory_space<vmem>>) offsets(%dma_start3A_43 : memref<128xi32, #tpu.memory_space<vmem>>) semaphore(%arg20 : memref<!tpu.dma_semaphore, #tpu.memory_space<semaphore_mem>>)
    %dma_start3A_47 = arith.constant 3 : i32
    %dma_start3A_48 = arith.constant 0 : i32
    %dma_start3A_49 = tpu.memref_slice %arg6[%dma_start3A_47, %dma_start3A_48] : memref<80x128xi32, #tpu.memory_space<vmem>> -> memref<1x128xi32, #tpu.memory_space<vmem>>
    %dma_start3A_50 = tpu.memref_squeeze %dma_start3A_49 : memref<1x128xi32, #tpu.memory_space<vmem>> -> memref<128xi32, #tpu.memory_space<vmem>>
    %dma_start3A_51 = arith.constant 0 : i32
    %dma_start3A_52 = arith.constant 0 : i32
    %dma_start3A_53 = tpu.memref_slice %arg2[%dma_start3A_51, %dma_start3A_52] : memref<10240x32xf32, #tpu.memory_space<hbm>> -> memref<10240x32xf32, #tpu.memory_space<hbm>>
    tpu.enqueue_indirect_dma source(%dma_start3A_53 : memref<10240x32xf32, #tpu.memory_space<hbm>>) target(%arg11 : memref<128x32xf32, #tpu.memory_space<vmem>>) offsets(%dma_start3A_50 : memref<128xi32, #tpu.memory_space<vmem>>) semaphore(%arg21 : memref<!tpu.dma_semaphore, #tpu.memory_space<semaphore_mem>>)
    %dma_start3A_54 = arith.constant 4 : i32
    %dma_start3A_55 = arith.constant 0 : i32
    %dma_start3A_56 = tpu.memref_slice %arg6[%dma_start3A_54, %dma_start3A_55] : memref<80x128xi32, #tpu.memory_space<vmem>> -> memref<1x128xi32, #tpu.memory_space<vmem>>
    %dma_start3A_57 = tpu.memref_squeeze %dma_start3A_56 : memref<1x128xi32, #tpu.memory_space<vmem>> -> memref<128xi32, #tpu.memory_space<vmem>>
    %dma_start3A_58 = arith.constant 0 : i32
    %dma_start3A_59 = arith.constant 0 : i32
    %dma_start3A_60 = tpu.memref_slice %arg2[%dma_start3A_58, %dma_start3A_59] : memref<10240x32xf32, #tpu.memory_space<hbm>> -> memref<10240x32xf32, #tpu.memory_space<hbm>>
    tpu.enqueue_indirect_dma source(%dma_start3A_60 : memref<10240x32xf32, #tpu.memory_space<hbm>>) target(%arg12 : memref<128x32xf32, #tpu.memory_space<vmem>>) offsets(%dma_start3A_57 : memref<128xi32, #tpu.memory_space<vmem>>) semaphore(%arg22 : memref<!tpu.dma_semaphore, #tpu.memory_space<semaphore_mem>>)
    %dma_start3A_61 = arith.constant 5 : i32
    %dma_start3A_62 = arith.constant 0 : i32
    %dma_start3A_63 = tpu.memref_slice %arg6[%dma_start3A_61, %dma_start3A_62] : memref<80x128xi32, #tpu.memory_space<vmem>> -> memref<1x128xi32, #tpu.memory_space<vmem>>
    %dma_start3A_64 = tpu.memref_squeeze %dma_start3A_63 : memref<1x128xi32, #tpu.memory_space<vmem>> -> memref<128xi32, #tpu.memory_space<vmem>>
    %dma_start3A_65 = arith.constant 0 : i32
    %dma_start3A_66 = arith.constant 0 : i32
    %dma_start3A_67 = tpu.memref_slice %arg2[%dma_start3A_65, %dma_start3A_66] : memref<10240x32xf32, #tpu.memory_space<hbm>> -> memref<10240x32xf32, #tpu.memory_space<hbm>>
    tpu.enqueue_indirect_dma source(%dma_start3A_67 : memref<10240x32xf32, #tpu.memory_space<hbm>>) target(%arg13 : memref<128x32xf32, #tpu.memory_space<vmem>>) offsets(%dma_start3A_64 : memref<128xi32, #tpu.memory_space<vmem>>) semaphore(%arg23 : memref<!tpu.dma_semaphore, #tpu.memory_space<semaphore_mem>>)
    %dma_start3A_68 = arith.constant 6 : i32
    %dma_start3A_69 = arith.constant 0 : i32
    %dma_start3A_70 = tpu.memref_slice %arg6[%dma_start3A_68, %dma_start3A_69] : memref<80x128xi32, #tpu.memory_space<vmem>> -> memref<1x128xi32, #tpu.memory_space<vmem>>
    %dma_start3A_71 = tpu.memref_squeeze %dma_start3A_70 : memref<1x128xi32, #tpu.memory_space<vmem>> -> memref<128xi32, #tpu.memory_space<vmem>>
    %dma_start3A_72 = arith.constant 0 : i32
    %dma_start3A_73 = arith.constant 0 : i32
    %dma_start3A_74 = tpu.memref_slice %arg2[%dma_start3A_72, %dma_start3A_73] : memref<10240x32xf32, #tpu.memory_space<hbm>> -> memref<10240x32xf32, #tpu.memory_space<hbm>>
    tpu.enqueue_indirect_dma source(%dma_start3A_74 : memref<10240x32xf32, #tpu.memory_space<hbm>>) target(%arg14 : memref<128x32xf32, #tpu.memory_space<vmem>>) offsets(%dma_start3A_71 : memref<128xi32, #tpu.memory_space<vmem>>) semaphore(%arg24 : memref<!tpu.dma_semaphore, #tpu.memory_space<semaphore_mem>>)
    %dma_start3A_75 = arith.constant 7 : i32
    %dma_start3A_76 = arith.constant 0 : i32
    %dma_start3A_77 = tpu.memref_slice %arg6[%dma_start3A_75, %dma_start3A_76] : memref<80x128xi32, #tpu.memory_space<vmem>> -> memref<1x128xi32, #tpu.memory_space<vmem>>
    %dma_start3A_78 = tpu.memref_squeeze %dma_start3A_77 : memref<1x128xi32, #tpu.memory_space<vmem>> -> memref<128xi32, #tpu.memory_space<vmem>>
    %dma_start3A_79 = arith.constant 0 : i32
    %dma_start3A_80 = arith.constant 0 : i32
    %dma_start3A_81 = tpu.memref_slice %arg2[%dma_start3A_79, %dma_start3A_80] : memref<10240x32xf32, #tpu.memory_space<hbm>> -> memref<10240x32xf32, #tpu.memory_space<hbm>>
    tpu.enqueue_indirect_dma source(%dma_start3A_81 : memref<10240x32xf32, #tpu.memory_space<hbm>>) target(%arg15 : memref<128x32xf32, #tpu.memory_space<vmem>>) offsets(%dma_start3A_78 : memref<128xi32, #tpu.memory_space<vmem>>) semaphore(%arg25 : memref<!tpu.dma_semaphore, #tpu.memory_space<semaphore_mem>>)
    %scan3A_82 = arith.constant 0 : i32
    %scan3A_83 = arith.constant 9 : i32
    %scan3A_84 = arith.addi %scan3A_82, %scan3A_83 : i32
    %scan3A_85 = arith.constant 1 : i32
    scf.for %scan3A_260 = %scan3A_82 to %scan3A_84 step %scan3A_85  : i32 {
      %mul3A_261 = arith.constant 8 : i32
      %mul3A_262 = arith.muli %scan3A_260, %mul3A_261 : i32
      %add3A_263 = arith.constant 0 : i32
      %add3A_264 = arith.addi %add3A_263, %mul3A_262 : i32
      %add3A_265 = arith.constant 0 : i32
      %add3A_266 = arith.addi %add3A_264, %add3A_265 : i32
      %dma_wait3A_267 = arith.constant 0 : i32
      %dma_wait3A_268 = tpu.memref_slice %arg6[%add3A_266, %dma_wait3A_267] : memref<80x128xi32, #tpu.memory_space<vmem>> -> memref<1x128xi32, #tpu.memory_space<vmem>>
      %dma_wait3A_269 = tpu.memref_squeeze %dma_wait3A_268 : memref<1x128xi32, #tpu.memory_space<vmem>> -> memref<128xi32, #tpu.memory_space<vmem>>
      %dma_wait3A_270 = arith.constant 0 : i32
      %dma_wait3A_271 = arith.constant 0 : i32
      %dma_wait3A_272 = tpu.memref_slice %arg2[%dma_wait3A_270, %dma_wait3A_271] : memref<10240x32xf32, #tpu.memory_space<hbm>> -> memref<10240x32xf32, #tpu.memory_space<hbm>>
      tpu.wait_indirect_dma semaphore(%arg18 : memref<!tpu.dma_semaphore, #tpu.memory_space<semaphore_mem>>) src(%dma_wait3A_272 : memref<10240x32xf32, #tpu.memory_space<hbm>>) dst(%arg8 : memref<128x32xf32, #tpu.memory_space<vmem>>)
      %add3A_273 = arith.constant 0 : i32
      %add3A_274 = arith.addi %add3A_264, %add3A_273 : i32
      %dma_start3A_275 = arith.constant 0 : i32
      %dma_start3A_276 = tpu.memref_slice %arg7[%add3A_274, %dma_start3A_275] : memref<80x128xi32, #tpu.memory_space<vmem>> -> memref<1x128xi32, #tpu.memory_space<vmem>>
      %dma_start3A_277 = tpu.memref_squeeze %dma_start3A_276 : memref<1x128xi32, #tpu.memory_space<vmem>> -> memref<128xi32, #tpu.memory_space<vmem>>
      %dma_start3A_278 = arith.constant 0 : i32
      %dma_start3A_279 = arith.constant 0 : i32
      %dma_start3A_280 = tpu.memref_slice %arg17[%dma_start3A_278, %dma_start3A_279] : memref<10240x32xf32, #tpu.memory_space<vmem_shared>> -> memref<10240x32xf32, #tpu.memory_space<vmem_shared>>
      tpu.enqueue_indirect_dma source(%arg8 : memref<128x32xf32, #tpu.memory_space<vmem>>) target(%dma_start3A_280 : memref<10240x32xf32, #tpu.memory_space<vmem_shared>>) offsets(%dma_start3A_277 : memref<128xi32, #tpu.memory_space<vmem>>) semaphore(%arg26 : memref<!tpu.dma_semaphore, #tpu.memory_space<semaphore_mem>>) {add = true}
      %add3A_281 = arith.constant 1 : i32
      %add3A_282 = arith.addi %add3A_264, %add3A_281 : i32
      %dma_wait3A_283 = arith.constant 0 : i32
      %dma_wait3A_284 = tpu.memref_slice %arg6[%add3A_282, %dma_wait3A_283] : memref<80x128xi32, #tpu.memory_space<vmem>> -> memref<1x128xi32, #tpu.memory_space<vmem>>
      %dma_wait3A_285 = tpu.memref_squeeze %dma_wait3A_284 : memref<1x128xi32, #tpu.memory_space<vmem>> -> memref<128xi32, #tpu.memory_space<vmem>>
      %dma_wait3A_286 = arith.constant 0 : i32
      %dma_wait3A_287 = arith.constant 0 : i32
      %dma_wait3A_288 = tpu.memref_slice %arg2[%dma_wait3A_286, %dma_wait3A_287] : memref<10240x32xf32, #tpu.memory_space<hbm>> -> memref<10240x32xf32, #tpu.memory_space<hbm>>
      tpu.wait_indirect_dma semaphore(%arg19 : memref<!tpu.dma_semaphore, #tpu.memory_space<semaphore_mem>>) src(%dma_wait3A_288 : memref<10240x32xf32, #tpu.memory_space<hbm>>) dst(%arg9 : memref<128x32xf32, #tpu.memory_space<vmem>>)
      %add3A_289 = arith.constant 1 : i32
      %add3A_290 = arith.addi %add3A_264, %add3A_289 : i32
      %dma_start3A_291 = arith.constant 0 : i32
      %dma_start3A_292 = tpu.memref_slice %arg7[%add3A_290, %dma_start3A_291] : memref<80x128xi32, #tpu.memory_space<vmem>> -> memref<1x128xi32, #tpu.memory_space<vmem>>
      %dma_start3A_293 = tpu.memref_squeeze %dma_start3A_292 : memref<1x128xi32, #tpu.memory_space<vmem>> -> memref<128xi32, #tpu.memory_space<vmem>>
      %dma_start3A_294 = arith.constant 0 : i32
      %dma_start3A_295 = arith.constant 0 : i32
      %dma_start3A_296 = tpu.memref_slice %arg17[%dma_start3A_294, %dma_start3A_295] : memref<10240x32xf32, #tpu.memory_space<vmem_shared>> -> memref<10240x32xf32, #tpu.memory_space<vmem_shared>>
      tpu.enqueue_indirect_dma source(%arg9 : memref<128x32xf32, #tpu.memory_space<vmem>>) target(%dma_start3A_296 : memref<10240x32xf32, #tpu.memory_space<vmem_shared>>) offsets(%dma_start3A_293 : memref<128xi32, #tpu.memory_space<vmem>>) semaphore(%arg27 : memref<!tpu.dma_semaphore, #tpu.memory_space<semaphore_mem>>) {add = true}
      %add3A_297 = arith.constant 2 : i32
      %add3A_298 = arith.addi %add3A_264, %add3A_297 : i32
      %dma_wait3A_299 = arith.constant 0 : i32
      %dma_wait3A_300 = tpu.memref_slice %arg6[%add3A_298, %dma_wait3A_299] : memref<80x128xi32, #tpu.memory_space<vmem>> -> memref<1x128xi32, #tpu.memory_space<vmem>>
      %dma_wait3A_301 = tpu.memref_squeeze %dma_wait3A_300 : memref<1x128xi32, #tpu.memory_space<vmem>> -> memref<128xi32, #tpu.memory_space<vmem>>
      %dma_wait3A_302 = arith.constant 0 : i32
      %dma_wait3A_303 = arith.constant 0 : i32
      %dma_wait3A_304 = tpu.memref_slice %arg2[%dma_wait3A_302, %dma_wait3A_303] : memref<10240x32xf32, #tpu.memory_space<hbm>> -> memref<10240x32xf32, #tpu.memory_space<hbm>>
      tpu.wait_indirect_dma semaphore(%arg20 : memref<!tpu.dma_semaphore, #tpu.memory_space<semaphore_mem>>) src(%dma_wait3A_304 : memref<10240x32xf32, #tpu.memory_space<hbm>>) dst(%arg10 : memref<128x32xf32, #tpu.memory_space<vmem>>)
      %add3A_305 = arith.constant 2 : i32
      %add3A_306 = arith.addi %add3A_264, %add3A_305 : i32
      %dma_start3A_307 = arith.constant 0 : i32
      %dma_start3A_308 = tpu.memref_slice %arg7[%add3A_306, %dma_start3A_307] : memref<80x128xi32, #tpu.memory_space<vmem>> -> memref<1x128xi32, #tpu.memory_space<vmem>>
      %dma_start3A_309 = tpu.memref_squeeze %dma_start3A_308 : memref<1x128xi32, #tpu.memory_space<vmem>> -> memref<128xi32, #tpu.memory_space<vmem>>
      %dma_start3A_310 = arith.constant 0 : i32
      %dma_start3A_311 = arith.constant 0 : i32
      %dma_start3A_312 = tpu.memref_slice %arg17[%dma_start3A_310, %dma_start3A_311] : memref<10240x32xf32, #tpu.memory_space<vmem_shared>> -> memref<10240x32xf32, #tpu.memory_space<vmem_shared>>
      tpu.enqueue_indirect_dma source(%arg10 : memref<128x32xf32, #tpu.memory_space<vmem>>) target(%dma_start3A_312 : memref<10240x32xf32, #tpu.memory_space<vmem_shared>>) offsets(%dma_start3A_309 : memref<128xi32, #tpu.memory_space<vmem>>) semaphore(%arg28 : memref<!tpu.dma_semaphore, #tpu.memory_space<semaphore_mem>>) {add = true}
      %add3A_313 = arith.constant 3 : i32
      %add3A_314 = arith.addi %add3A_264, %add3A_313 : i32
      %dma_wait3A_315 = arith.constant 0 : i32
      %dma_wait3A_316 = tpu.memref_slice %arg6[%add3A_314, %dma_wait3A_315] : memref<80x128xi32, #tpu.memory_space<vmem>> -> memref<1x128xi32, #tpu.memory_space<vmem>>
      %dma_wait3A_317 = tpu.memref_squeeze %dma_wait3A_316 : memref<1x128xi32, #tpu.memory_space<vmem>> -> memref<128xi32, #tpu.memory_space<vmem>>
      %dma_wait3A_318 = arith.constant 0 : i32
      %dma_wait3A_319 = arith.constant 0 : i32
      %dma_wait3A_320 = tpu.memref_slice %arg2[%dma_wait3A_318, %dma_wait3A_319] : memref<10240x32xf32, #tpu.memory_space<hbm>> -> memref<10240x32xf32, #tpu.memory_space<hbm>>
      tpu.wait_indirect_dma semaphore(%arg21 : memref<!tpu.dma_semaphore, #tpu.memory_space<semaphore_mem>>) src(%dma_wait3A_320 : memref<10240x32xf32, #tpu.memory_space<hbm>>) dst(%arg11 : memref<128x32xf32, #tpu.memory_space<vmem>>)
      %add3A_321 = arith.constant 3 : i32
      %add3A_322 = arith.addi %add3A_264, %add3A_321 : i32
      %dma_start3A_323 = arith.constant 0 : i32
      %dma_start3A_324 = tpu.memref_slice %arg7[%add3A_322, %dma_start3A_323] : memref<80x128xi32, #tpu.memory_space<vmem>> -> memref<1x128xi32, #tpu.memory_space<vmem>>
      %dma_start3A_325 = tpu.memref_squeeze %dma_start3A_324 : memref<1x128xi32, #tpu.memory_space<vmem>> -> memref<128xi32, #tpu.memory_space<vmem>>
      %dma_start3A_326 = arith.constant 0 : i32
      %dma_start3A_327 = arith.constant 0 : i32
      %dma_start3A_328 = tpu.memref_slice %arg17[%dma_start3A_326, %dma_start3A_327] : memref<10240x32xf32, #tpu.memory_space<vmem_shared>> -> memref<10240x32xf32, #tpu.memory_space<vmem_shared>>
      tpu.enqueue_indirect_dma source(%arg11 : memref<128x32xf32, #tpu.memory_space<vmem>>) target(%dma_start3A_328 : memref<10240x32xf32, #tpu.memory_space<vmem_shared>>) offsets(%dma_start3A_325 : memref<128xi32, #tpu.memory_space<vmem>>) semaphore(%arg29 : memref<!tpu.dma_semaphore, #tpu.memory_space<semaphore_mem>>) {add = true}
      %add3A_329 = arith.constant 4 : i32
      %add3A_330 = arith.addi %add3A_264, %add3A_329 : i32
      %dma_wait3A_331 = arith.constant 0 : i32
      %dma_wait3A_332 = tpu.memref_slice %arg6[%add3A_330, %dma_wait3A_331] : memref<80x128xi32, #tpu.memory_space<vmem>> -> memref<1x128xi32, #tpu.memory_space<vmem>>
      %dma_wait3A_333 = tpu.memref_squeeze %dma_wait3A_332 : memref<1x128xi32, #tpu.memory_space<vmem>> -> memref<128xi32, #tpu.memory_space<vmem>>
      %dma_wait3A_334 = arith.constant 0 : i32
      %dma_wait3A_335 = arith.constant 0 : i32
      %dma_wait3A_336 = tpu.memref_slice %arg2[%dma_wait3A_334, %dma_wait3A_335] : memref<10240x32xf32, #tpu.memory_space<hbm>> -> memref<10240x32xf32, #tpu.memory_space<hbm>>
      tpu.wait_indirect_dma semaphore(%arg22 : memref<!tpu.dma_semaphore, #tpu.memory_space<semaphore_mem>>) src(%dma_wait3A_336 : memref<10240x32xf32, #tpu.memory_space<hbm>>) dst(%arg12 : memref<128x32xf32, #tpu.memory_space<vmem>>)
      %add3A_337 = arith.constant 4 : i32
      %add3A_338 = arith.addi %add3A_264, %add3A_337 : i32
      %dma_start3A_339 = arith.constant 0 : i32
      %dma_start3A_340 = tpu.memref_slice %arg7[%add3A_338, %dma_start3A_339] : memref<80x128xi32, #tpu.memory_space<vmem>> -> memref<1x128xi32, #tpu.memory_space<vmem>>
      %dma_start3A_341 = tpu.memref_squeeze %dma_start3A_340 : memref<1x128xi32, #tpu.memory_space<vmem>> -> memref<128xi32, #tpu.memory_space<vmem>>
      %dma_start3A_342 = arith.constant 0 : i32
      %dma_start3A_343 = arith.constant 0 : i32
      %dma_start3A_344 = tpu.memref_slice %arg17[%dma_start3A_342, %dma_start3A_343] : memref<10240x32xf32, #tpu.memory_space<vmem_shared>> -> memref<10240x32xf32, #tpu.memory_space<vmem_shared>>
      tpu.enqueue_indirect_dma source(%arg12 : memref<128x32xf32, #tpu.memory_space<vmem>>) target(%dma_start3A_344 : memref<10240x32xf32, #tpu.memory_space<vmem_shared>>) offsets(%dma_start3A_341 : memref<128xi32, #tpu.memory_space<vmem>>) semaphore(%arg30 : memref<!tpu.dma_semaphore, #tpu.memory_space<semaphore_mem>>) {add = true}
      %add3A_345 = arith.constant 5 : i32
      %add3A_346 = arith.addi %add3A_264, %add3A_345 : i32
      %dma_wait3A_347 = arith.constant 0 : i32
      %dma_wait3A_348 = tpu.memref_slice %arg6[%add3A_346, %dma_wait3A_347] : memref<80x128xi32, #tpu.memory_space<vmem>> -> memref<1x128xi32, #tpu.memory_space<vmem>>
      %dma_wait3A_349 = tpu.memref_squeeze %dma_wait3A_348 : memref<1x128xi32, #tpu.memory_space<vmem>> -> memref<128xi32, #tpu.memory_space<vmem>>
      %dma_wait3A_350 = arith.constant 0 : i32
      %dma_wait3A_351 = arith.constant 0 : i32
      %dma_wait3A_352 = tpu.memref_slice %arg2[%dma_wait3A_350, %dma_wait3A_351] : memref<10240x32xf32, #tpu.memory_space<hbm>> -> memref<10240x32xf32, #tpu.memory_space<hbm>>
      tpu.wait_indirect_dma semaphore(%arg23 : memref<!tpu.dma_semaphore, #tpu.memory_space<semaphore_mem>>) src(%dma_wait3A_352 : memref<10240x32xf32, #tpu.memory_space<hbm>>) dst(%arg13 : memref<128x32xf32, #tpu.memory_space<vmem>>)
      %add3A_353 = arith.constant 5 : i32
      %add3A_354 = arith.addi %add3A_264, %add3A_353 : i32
      %dma_start3A_355 = arith.constant 0 : i32
      %dma_start3A_356 = tpu.memref_slice %arg7[%add3A_354, %dma_start3A_355] : memref<80x128xi32, #tpu.memory_space<vmem>> -> memref<1x128xi32, #tpu.memory_space<vmem>>
      %dma_start3A_357 = tpu.memref_squeeze %dma_start3A_356 : memref<1x128xi32, #tpu.memory_space<vmem>> -> memref<128xi32, #tpu.memory_space<vmem>>
      %dma_start3A_358 = arith.constant 0 : i32
      %dma_start3A_359 = arith.constant 0 : i32
      %dma_start3A_360 = tpu.memref_slice %arg17[%dma_start3A_358, %dma_start3A_359] : memref<10240x32xf32, #tpu.memory_space<vmem_shared>> -> memref<10240x32xf32, #tpu.memory_space<vmem_shared>>
      tpu.enqueue_indirect_dma source(%arg13 : memref<128x32xf32, #tpu.memory_space<vmem>>) target(%dma_start3A_360 : memref<10240x32xf32, #tpu.memory_space<vmem_shared>>) offsets(%dma_start3A_357 : memref<128xi32, #tpu.memory_space<vmem>>) semaphore(%arg31 : memref<!tpu.dma_semaphore, #tpu.memory_space<semaphore_mem>>) {add = true}
      %add3A_361 = arith.constant 6 : i32
      %add3A_362 = arith.addi %add3A_264, %add3A_361 : i32
      %dma_wait3A_363 = arith.constant 0 : i32
      %dma_wait3A_364 = tpu.memref_slice %arg6[%add3A_362, %dma_wait3A_363] : memref<80x128xi32, #tpu.memory_space<vmem>> -> memref<1x128xi32, #tpu.memory_space<vmem>>
      %dma_wait3A_365 = tpu.memref_squeeze %dma_wait3A_364 : memref<1x128xi32, #tpu.memory_space<vmem>> -> memref<128xi32, #tpu.memory_space<vmem>>
      %dma_wait3A_366 = arith.constant 0 : i32
      %dma_wait3A_367 = arith.constant 0 : i32
      %dma_wait3A_368 = tpu.memref_slice %arg2[%dma_wait3A_366, %dma_wait3A_367] : memref<10240x32xf32, #tpu.memory_space<hbm>> -> memref<10240x32xf32, #tpu.memory_space<hbm>>
      tpu.wait_indirect_dma semaphore(%arg24 : memref<!tpu.dma_semaphore, #tpu.memory_space<semaphore_mem>>) src(%dma_wait3A_368 : memref<10240x32xf32, #tpu.memory_space<hbm>>) dst(%arg14 : memref<128x32xf32, #tpu.memory_space<vmem>>)
      %add3A_369 = arith.constant 6 : i32
      %add3A_370 = arith.addi %add3A_264, %add3A_369 : i32
      %dma_start3A_371 = arith.constant 0 : i32
      %dma_start3A_372 = tpu.memref_slice %arg7[%add3A_370, %dma_start3A_371] : memref<80x128xi32, #tpu.memory_space<vmem>> -> memref<1x128xi32, #tpu.memory_space<vmem>>
      %dma_start3A_373 = tpu.memref_squeeze %dma_start3A_372 : memref<1x128xi32, #tpu.memory_space<vmem>> -> memref<128xi32, #tpu.memory_space<vmem>>
      %dma_start3A_374 = arith.constant 0 : i32
      %dma_start3A_375 = arith.constant 0 : i32
      %dma_start3A_376 = tpu.memref_slice %arg17[%dma_start3A_374, %dma_start3A_375] : memref<10240x32xf32, #tpu.memory_space<vmem_shared>> -> memref<10240x32xf32, #tpu.memory_space<vmem_shared>>
      tpu.enqueue_indirect_dma source(%arg14 : memref<128x32xf32, #tpu.memory_space<vmem>>) target(%dma_start3A_376 : memref<10240x32xf32, #tpu.memory_space<vmem_shared>>) offsets(%dma_start3A_373 : memref<128xi32, #tpu.memory_space<vmem>>) semaphore(%arg32 : memref<!tpu.dma_semaphore, #tpu.memory_space<semaphore_mem>>) {add = true}
      %add3A_377 = arith.constant 7 : i32
      %add3A_378 = arith.addi %add3A_264, %add3A_377 : i32
      %dma_wait3A_379 = arith.constant 0 : i32
      %dma_wait3A_380 = tpu.memref_slice %arg6[%add3A_378, %dma_wait3A_379] : memref<80x128xi32, #tpu.memory_space<vmem>> -> memref<1x128xi32, #tpu.memory_space<vmem>>
      %dma_wait3A_381 = tpu.memref_squeeze %dma_wait3A_380 : memref<1x128xi32, #tpu.memory_space<vmem>> -> memref<128xi32, #tpu.memory_space<vmem>>
      %dma_wait3A_382 = arith.constant 0 : i32
      %dma_wait3A_383 = arith.constant 0 : i32
      %dma_wait3A_384 = tpu.memref_slice %arg2[%dma_wait3A_382, %dma_wait3A_383] : memref<10240x32xf32, #tpu.memory_space<hbm>> -> memref<10240x32xf32, #tpu.memory_space<hbm>>
      tpu.wait_indirect_dma semaphore(%arg25 : memref<!tpu.dma_semaphore, #tpu.memory_space<semaphore_mem>>) src(%dma_wait3A_384 : memref<10240x32xf32, #tpu.memory_space<hbm>>) dst(%arg15 : memref<128x32xf32, #tpu.memory_space<vmem>>)
      %add3A_385 = arith.constant 7 : i32
      %add3A_386 = arith.addi %add3A_264, %add3A_385 : i32
      %dma_start3A_387 = arith.constant 0 : i32
      %dma_start3A_388 = tpu.memref_slice %arg7[%add3A_386, %dma_start3A_387] : memref<80x128xi32, #tpu.memory_space<vmem>> -> memref<1x128xi32, #tpu.memory_space<vmem>>
      %dma_start3A_389 = tpu.memref_squeeze %dma_start3A_388 : memref<1x128xi32, #tpu.memory_space<vmem>> -> memref<128xi32, #tpu.memory_space<vmem>>
      %dma_start3A_390 = arith.constant 0 : i32
      %dma_start3A_391 = arith.constant 0 : i32
      %dma_start3A_392 = tpu.memref_slice %arg17[%dma_start3A_390, %dma_start3A_391] : memref<10240x32xf32, #tpu.memory_space<vmem_shared>> -> memref<10240x32xf32, #tpu.memory_space<vmem_shared>>
      tpu.enqueue_indirect_dma source(%arg15 : memref<128x32xf32, #tpu.memory_space<vmem>>) target(%dma_start3A_392 : memref<10240x32xf32, #tpu.memory_space<vmem_shared>>) offsets(%dma_start3A_389 : memref<128xi32, #tpu.memory_space<vmem>>) semaphore(%arg33 : memref<!tpu.dma_semaphore, #tpu.memory_space<semaphore_mem>>) {add = true}
      %add3A_393 = arith.constant 0 : i32
      %add3A_394 = arith.addi %add3A_264, %add3A_393 : i32
      %dma_wait3A_395 = arith.constant 0 : i32
      %dma_wait3A_396 = tpu.memref_slice %arg7[%add3A_394, %dma_wait3A_395] : memref<80x128xi32, #tpu.memory_space<vmem>> -> memref<1x128xi32, #tpu.memory_space<vmem>>
      %dma_wait3A_397 = tpu.memref_squeeze %dma_wait3A_396 : memref<1x128xi32, #tpu.memory_space<vmem>> -> memref<128xi32, #tpu.memory_space<vmem>>
      %dma_wait3A_398 = arith.constant 0 : i32
      %dma_wait3A_399 = arith.constant 0 : i32
      %dma_wait3A_400 = tpu.memref_slice %arg17[%dma_wait3A_398, %dma_wait3A_399] : memref<10240x32xf32, #tpu.memory_space<vmem_shared>> -> memref<10240x32xf32, #tpu.memory_space<vmem_shared>>
      tpu.wait_indirect_dma semaphore(%arg26 : memref<!tpu.dma_semaphore, #tpu.memory_space<semaphore_mem>>) src(%arg8 : memref<128x32xf32, #tpu.memory_space<vmem>>) dst(%dma_wait3A_400 : memref<10240x32xf32, #tpu.memory_space<vmem_shared>>)
      %add3A_401 = arith.constant 8 : i32
      %add3A_402 = arith.addi %add3A_264, %add3A_401 : i32
      %add3A_403 = arith.constant 0 : i32
      %add3A_404 = arith.addi %add3A_402, %add3A_403 : i32
      %dma_start3A_405 = arith.constant 0 : i32
      %dma_start3A_406 = tpu.memref_slice %arg6[%add3A_404, %dma_start3A_405] : memref<80x128xi32, #tpu.memory_space<vmem>> -> memref<1x128xi32, #tpu.memory_space<vmem>>
      %dma_start3A_407 = tpu.memref_squeeze %dma_start3A_406 : memref<1x128xi32, #tpu.memory_space<vmem>> -> memref<128xi32, #tpu.memory_space<vmem>>
      %dma_start3A_408 = arith.constant 0 : i32
      %dma_start3A_409 = arith.constant 0 : i32
      %dma_start3A_410 = tpu.memref_slice %arg2[%dma_start3A_408, %dma_start3A_409] : memref<10240x32xf32, #tpu.memory_space<hbm>> -> memref<10240x32xf32, #tpu.memory_space<hbm>>
      tpu.enqueue_indirect_dma source(%dma_start3A_410 : memref<10240x32xf32, #tpu.memory_space<hbm>>) target(%arg8 : memref<128x32xf32, #tpu.memory_space<vmem>>) offsets(%dma_start3A_407 : memref<128xi32, #tpu.memory_space<vmem>>) semaphore(%arg18 : memref<!tpu.dma_semaphore, #tpu.memory_space<semaphore_mem>>)
      %add3A_411 = arith.constant 1 : i32
      %add3A_412 = arith.addi %add3A_264, %add3A_411 : i32
      %dma_wait3A_413 = arith.constant 0 : i32
      %dma_wait3A_414 = tpu.memref_slice %arg7[%add3A_412, %dma_wait3A_413] : memref<80x128xi32, #tpu.memory_space<vmem>> -> memref<1x128xi32, #tpu.memory_space<vmem>>
      %dma_wait3A_415 = tpu.memref_squeeze %dma_wait3A_414 : memref<1x128xi32, #tpu.memory_space<vmem>> -> memref<128xi32, #tpu.memory_space<vmem>>
      %dma_wait3A_416 = arith.constant 0 : i32
      %dma_wait3A_417 = arith.constant 0 : i32
      %dma_wait3A_418 = tpu.memref_slice %arg17[%dma_wait3A_416, %dma_wait3A_417] : memref<10240x32xf32, #tpu.memory_space<vmem_shared>> -> memref<10240x32xf32, #tpu.memory_space<vmem_shared>>
      tpu.wait_indirect_dma semaphore(%arg27 : memref<!tpu.dma_semaphore, #tpu.memory_space<semaphore_mem>>) src(%arg9 : memref<128x32xf32, #tpu.memory_space<vmem>>) dst(%dma_wait3A_418 : memref<10240x32xf32, #tpu.memory_space<vmem_shared>>)
      %add3A_419 = arith.constant 8 : i32
      %add3A_420 = arith.addi %add3A_264, %add3A_419 : i32
      %add3A_421 = arith.constant 1 : i32
      %add3A_422 = arith.addi %add3A_420, %add3A_421 : i32
      %dma_start3A_423 = arith.constant 0 : i32
      %dma_start3A_424 = tpu.memref_slice %arg6[%add3A_422, %dma_start3A_423] : memref<80x128xi32, #tpu.memory_space<vmem>> -> memref<1x128xi32, #tpu.memory_space<vmem>>
      %dma_start3A_425 = tpu.memref_squeeze %dma_start3A_424 : memref<1x128xi32, #tpu.memory_space<vmem>> -> memref<128xi32, #tpu.memory_space<vmem>>
      %dma_start3A_426 = arith.constant 0 : i32
      %dma_start3A_427 = arith.constant 0 : i32
      %dma_start3A_428 = tpu.memref_slice %arg2[%dma_start3A_426, %dma_start3A_427] : memref<10240x32xf32, #tpu.memory_space<hbm>> -> memref<10240x32xf32, #tpu.memory_space<hbm>>
      tpu.enqueue_indirect_dma source(%dma_start3A_428 : memref<10240x32xf32, #tpu.memory_space<hbm>>) target(%arg9 : memref<128x32xf32, #tpu.memory_space<vmem>>) offsets(%dma_start3A_425 : memref<128xi32, #tpu.memory_space<vmem>>) semaphore(%arg19 : memref<!tpu.dma_semaphore, #tpu.memory_space<semaphore_mem>>)
      %add3A_429 = arith.constant 2 : i32
      %add3A_430 = arith.addi %add3A_264, %add3A_429 : i32
      %dma_wait3A_431 = arith.constant 0 : i32
      %dma_wait3A_432 = tpu.memref_slice %arg7[%add3A_430, %dma_wait3A_431] : memref<80x128xi32, #tpu.memory_space<vmem>> -> memref<1x128xi32, #tpu.memory_space<vmem>>
      %dma_wait3A_433 = tpu.memref_squeeze %dma_wait3A_432 : memref<1x128xi32, #tpu.memory_space<vmem>> -> memref<128xi32, #tpu.memory_space<vmem>>
      %dma_wait3A_434 = arith.constant 0 : i32
      %dma_wait3A_435 = arith.constant 0 : i32
      %dma_wait3A_436 = tpu.memref_slice %arg17[%dma_wait3A_434, %dma_wait3A_435] : memref<10240x32xf32, #tpu.memory_space<vmem_shared>> -> memref<10240x32xf32, #tpu.memory_space<vmem_shared>>
      tpu.wait_indirect_dma semaphore(%arg28 : memref<!tpu.dma_semaphore, #tpu.memory_space<semaphore_mem>>) src(%arg10 : memref<128x32xf32, #tpu.memory_space<vmem>>) dst(%dma_wait3A_436 : memref<10240x32xf32, #tpu.memory_space<vmem_shared>>)
      %add3A_437 = arith.constant 8 : i32
      %add3A_438 = arith.addi %add3A_264, %add3A_437 : i32
      %add3A_439 = arith.constant 2 : i32
      %add3A_440 = arith.addi %add3A_438, %add3A_439 : i32
      %dma_start3A_441 = arith.constant 0 : i32
      %dma_start3A_442 = tpu.memref_slice %arg6[%add3A_440, %dma_start3A_441] : memref<80x128xi32, #tpu.memory_space<vmem>> -> memref<1x128xi32, #tpu.memory_space<vmem>>
      %dma_start3A_443 = tpu.memref_squeeze %dma_start3A_442 : memref<1x128xi32, #tpu.memory_space<vmem>> -> memref<128xi32, #tpu.memory_space<vmem>>
      %dma_start3A_444 = arith.constant 0 : i32
      %dma_start3A_445 = arith.constant 0 : i32
      %dma_start3A_446 = tpu.memref_slice %arg2[%dma_start3A_444, %dma_start3A_445] : memref<10240x32xf32, #tpu.memory_space<hbm>> -> memref<10240x32xf32, #tpu.memory_space<hbm>>
      tpu.enqueue_indirect_dma source(%dma_start3A_446 : memref<10240x32xf32, #tpu.memory_space<hbm>>) target(%arg10 : memref<128x32xf32, #tpu.memory_space<vmem>>) offsets(%dma_start3A_443 : memref<128xi32, #tpu.memory_space<vmem>>) semaphore(%arg20 : memref<!tpu.dma_semaphore, #tpu.memory_space<semaphore_mem>>)
      %add3A_447 = arith.constant 3 : i32
      %add3A_448 = arith.addi %add3A_264, %add3A_447 : i32
      %dma_wait3A_449 = arith.constant 0 : i32
      %dma_wait3A_450 = tpu.memref_slice %arg7[%add3A_448, %dma_wait3A_449] : memref<80x128xi32, #tpu.memory_space<vmem>> -> memref<1x128xi32, #tpu.memory_space<vmem>>
      %dma_wait3A_451 = tpu.memref_squeeze %dma_wait3A_450 : memref<1x128xi32, #tpu.memory_space<vmem>> -> memref<128xi32, #tpu.memory_space<vmem>>
      %dma_wait3A_452 = arith.constant 0 : i32
      %dma_wait3A_453 = arith.constant 0 : i32
      %dma_wait3A_454 = tpu.memref_slice %arg17[%dma_wait3A_452, %dma_wait3A_453] : memref<10240x32xf32, #tpu.memory_space<vmem_shared>> -> memref<10240x32xf32, #tpu.memory_space<vmem_shared>>
      tpu.wait_indirect_dma semaphore(%arg29 : memref<!tpu.dma_semaphore, #tpu.memory_space<semaphore_mem>>) src(%arg11 : memref<128x32xf32, #tpu.memory_space<vmem>>) dst(%dma_wait3A_454 : memref<10240x32xf32, #tpu.memory_space<vmem_shared>>)
      %add3A_455 = arith.constant 8 : i32
      %add3A_456 = arith.addi %add3A_264, %add3A_455 : i32
      %add3A_457 = arith.constant 3 : i32
      %add3A_458 = arith.addi %add3A_456, %add3A_457 : i32
      %dma_start3A_459 = arith.constant 0 : i32
      %dma_start3A_460 = tpu.memref_slice %arg6[%add3A_458, %dma_start3A_459] : memref<80x128xi32, #tpu.memory_space<vmem>> -> memref<1x128xi32, #tpu.memory_space<vmem>>
      %dma_start3A_461 = tpu.memref_squeeze %dma_start3A_460 : memref<1x128xi32, #tpu.memory_space<vmem>> -> memref<128xi32, #tpu.memory_space<vmem>>
      %dma_start3A_462 = arith.constant 0 : i32
      %dma_start3A_463 = arith.constant 0 : i32
      %dma_start3A_464 = tpu.memref_slice %arg2[%dma_start3A_462, %dma_start3A_463] : memref<10240x32xf32, #tpu.memory_space<hbm>> -> memref<10240x32xf32, #tpu.memory_space<hbm>>
      tpu.enqueue_indirect_dma source(%dma_start3A_464 : memref<10240x32xf32, #tpu.memory_space<hbm>>) target(%arg11 : memref<128x32xf32, #tpu.memory_space<vmem>>) offsets(%dma_start3A_461 : memref<128xi32, #tpu.memory_space<vmem>>) semaphore(%arg21 : memref<!tpu.dma_semaphore, #tpu.memory_space<semaphore_mem>>)
      %add3A_465 = arith.constant 4 : i32
      %add3A_466 = arith.addi %add3A_264, %add3A_465 : i32
      %dma_wait3A_467 = arith.constant 0 : i32
      %dma_wait3A_468 = tpu.memref_slice %arg7[%add3A_466, %dma_wait3A_467] : memref<80x128xi32, #tpu.memory_space<vmem>> -> memref<1x128xi32, #tpu.memory_space<vmem>>
      %dma_wait3A_469 = tpu.memref_squeeze %dma_wait3A_468 : memref<1x128xi32, #tpu.memory_space<vmem>> -> memref<128xi32, #tpu.memory_space<vmem>>
      %dma_wait3A_470 = arith.constant 0 : i32
      %dma_wait3A_471 = arith.constant 0 : i32
      %dma_wait3A_472 = tpu.memref_slice %arg17[%dma_wait3A_470, %dma_wait3A_471] : memref<10240x32xf32, #tpu.memory_space<vmem_shared>> -> memref<10240x32xf32, #tpu.memory_space<vmem_shared>>
      tpu.wait_indirect_dma semaphore(%arg30 : memref<!tpu.dma_semaphore, #tpu.memory_space<semaphore_mem>>) src(%arg12 : memref<128x32xf32, #tpu.memory_space<vmem>>) dst(%dma_wait3A_472 : memref<10240x32xf32, #tpu.memory_space<vmem_shared>>)
      %add3A_473 = arith.constant 8 : i32
      %add3A_474 = arith.addi %add3A_264, %add3A_473 : i32
      %add3A_475 = arith.constant 4 : i32
      %add3A_476 = arith.addi %add3A_474, %add3A_475 : i32
      %dma_start3A_477 = arith.constant 0 : i32
      %dma_start3A_478 = tpu.memref_slice %arg6[%add3A_476, %dma_start3A_477] : memref<80x128xi32, #tpu.memory_space<vmem>> -> memref<1x128xi32, #tpu.memory_space<vmem>>
      %dma_start3A_479 = tpu.memref_squeeze %dma_start3A_478 : memref<1x128xi32, #tpu.memory_space<vmem>> -> memref<128xi32, #tpu.memory_space<vmem>>
      %dma_start3A_480 = arith.constant 0 : i32
      %dma_start3A_481 = arith.constant 0 : i32
      %dma_start3A_482 = tpu.memref_slice %arg2[%dma_start3A_480, %dma_start3A_481] : memref<10240x32xf32, #tpu.memory_space<hbm>> -> memref<10240x32xf32, #tpu.memory_space<hbm>>
      tpu.enqueue_indirect_dma source(%dma_start3A_482 : memref<10240x32xf32, #tpu.memory_space<hbm>>) target(%arg12 : memref<128x32xf32, #tpu.memory_space<vmem>>) offsets(%dma_start3A_479 : memref<128xi32, #tpu.memory_space<vmem>>) semaphore(%arg22 : memref<!tpu.dma_semaphore, #tpu.memory_space<semaphore_mem>>)
      %add3A_483 = arith.constant 5 : i32
      %add3A_484 = arith.addi %add3A_264, %add3A_483 : i32
      %dma_wait3A_485 = arith.constant 0 : i32
      %dma_wait3A_486 = tpu.memref_slice %arg7[%add3A_484, %dma_wait3A_485] : memref<80x128xi32, #tpu.memory_space<vmem>> -> memref<1x128xi32, #tpu.memory_space<vmem>>
      %dma_wait3A_487 = tpu.memref_squeeze %dma_wait3A_486 : memref<1x128xi32, #tpu.memory_space<vmem>> -> memref<128xi32, #tpu.memory_space<vmem>>
      %dma_wait3A_488 = arith.constant 0 : i32
      %dma_wait3A_489 = arith.constant 0 : i32
      %dma_wait3A_490 = tpu.memref_slice %arg17[%dma_wait3A_488, %dma_wait3A_489] : memref<10240x32xf32, #tpu.memory_space<vmem_shared>> -> memref<10240x32xf32, #tpu.memory_space<vmem_shared>>
      tpu.wait_indirect_dma semaphore(%arg31 : memref<!tpu.dma_semaphore, #tpu.memory_space<semaphore_mem>>) src(%arg13 : memref<128x32xf32, #tpu.memory_space<vmem>>) dst(%dma_wait3A_490 : memref<10240x32xf32, #tpu.memory_space<vmem_shared>>)
      %add3A_491 = arith.constant 8 : i32
      %add3A_492 = arith.addi %add3A_264, %add3A_491 : i32
      %add3A_493 = arith.constant 5 : i32
      %add3A_494 = arith.addi %add3A_492, %add3A_493 : i32
      %dma_start3A_495 = arith.constant 0 : i32
      %dma_start3A_496 = tpu.memref_slice %arg6[%add3A_494, %dma_start3A_495] : memref<80x128xi32, #tpu.memory_space<vmem>> -> memref<1x128xi32, #tpu.memory_space<vmem>>
      %dma_start3A_497 = tpu.memref_squeeze %dma_start3A_496 : memref<1x128xi32, #tpu.memory_space<vmem>> -> memref<128xi32, #tpu.memory_space<vmem>>
      %dma_start3A_498 = arith.constant 0 : i32
      %dma_start3A_499 = arith.constant 0 : i32
      %dma_start3A_500 = tpu.memref_slice %arg2[%dma_start3A_498, %dma_start3A_499] : memref<10240x32xf32, #tpu.memory_space<hbm>> -> memref<10240x32xf32, #tpu.memory_space<hbm>>
      tpu.enqueue_indirect_dma source(%dma_start3A_500 : memref<10240x32xf32, #tpu.memory_space<hbm>>) target(%arg13 : memref<128x32xf32, #tpu.memory_space<vmem>>) offsets(%dma_start3A_497 : memref<128xi32, #tpu.memory_space<vmem>>) semaphore(%arg23 : memref<!tpu.dma_semaphore, #tpu.memory_space<semaphore_mem>>)
      %add3A_501 = arith.constant 6 : i32
      %add3A_502 = arith.addi %add3A_264, %add3A_501 : i32
      %dma_wait3A_503 = arith.constant 0 : i32
      %dma_wait3A_504 = tpu.memref_slice %arg7[%add3A_502, %dma_wait3A_503] : memref<80x128xi32, #tpu.memory_space<vmem>> -> memref<1x128xi32, #tpu.memory_space<vmem>>
      %dma_wait3A_505 = tpu.memref_squeeze %dma_wait3A_504 : memref<1x128xi32, #tpu.memory_space<vmem>> -> memref<128xi32, #tpu.memory_space<vmem>>
      %dma_wait3A_506 = arith.constant 0 : i32
      %dma_wait3A_507 = arith.constant 0 : i32
      %dma_wait3A_508 = tpu.memref_slice %arg17[%dma_wait3A_506, %dma_wait3A_507] : memref<10240x32xf32, #tpu.memory_space<vmem_shared>> -> memref<10240x32xf32, #tpu.memory_space<vmem_shared>>
      tpu.wait_indirect_dma semaphore(%arg32 : memref<!tpu.dma_semaphore, #tpu.memory_space<semaphore_mem>>) src(%arg14 : memref<128x32xf32, #tpu.memory_space<vmem>>) dst(%dma_wait3A_508 : memref<10240x32xf32, #tpu.memory_space<vmem_shared>>)
      %add3A_509 = arith.constant 8 : i32
      %add3A_510 = arith.addi %add3A_264, %add3A_509 : i32
      %add3A_511 = arith.constant 6 : i32
      %add3A_512 = arith.addi %add3A_510, %add3A_511 : i32
      %dma_start3A_513 = arith.constant 0 : i32
      %dma_start3A_514 = tpu.memref_slice %arg6[%add3A_512, %dma_start3A_513] : memref<80x128xi32, #tpu.memory_space<vmem>> -> memref<1x128xi32, #tpu.memory_space<vmem>>
      %dma_start3A_515 = tpu.memref_squeeze %dma_start3A_514 : memref<1x128xi32, #tpu.memory_space<vmem>> -> memref<128xi32, #tpu.memory_space<vmem>>
      %dma_start3A_516 = arith.constant 0 : i32
      %dma_start3A_517 = arith.constant 0 : i32
      %dma_start3A_518 = tpu.memref_slice %arg2[%dma_start3A_516, %dma_start3A_517] : memref<10240x32xf32, #tpu.memory_space<hbm>> -> memref<10240x32xf32, #tpu.memory_space<hbm>>
      tpu.enqueue_indirect_dma source(%dma_start3A_518 : memref<10240x32xf32, #tpu.memory_space<hbm>>) target(%arg14 : memref<128x32xf32, #tpu.memory_space<vmem>>) offsets(%dma_start3A_515 : memref<128xi32, #tpu.memory_space<vmem>>) semaphore(%arg24 : memref<!tpu.dma_semaphore, #tpu.memory_space<semaphore_mem>>)
      %add3A_519 = arith.constant 7 : i32
      %add3A_520 = arith.addi %add3A_264, %add3A_519 : i32
      %dma_wait3A_521 = arith.constant 0 : i32
      %dma_wait3A_522 = tpu.memref_slice %arg7[%add3A_520, %dma_wait3A_521] : memref<80x128xi32, #tpu.memory_space<vmem>> -> memref<1x128xi32, #tpu.memory_space<vmem>>
      %dma_wait3A_523 = tpu.memref_squeeze %dma_wait3A_522 : memref<1x128xi32, #tpu.memory_space<vmem>> -> memref<128xi32, #tpu.memory_space<vmem>>
      %dma_wait3A_524 = arith.constant 0 : i32
      %dma_wait3A_525 = arith.constant 0 : i32
      %dma_wait3A_526 = tpu.memref_slice %arg17[%dma_wait3A_524, %dma_wait3A_525] : memref<10240x32xf32, #tpu.memory_space<vmem_shared>> -> memref<10240x32xf32, #tpu.memory_space<vmem_shared>>
      tpu.wait_indirect_dma semaphore(%arg33 : memref<!tpu.dma_semaphore, #tpu.memory_space<semaphore_mem>>) src(%arg15 : memref<128x32xf32, #tpu.memory_space<vmem>>) dst(%dma_wait3A_526 : memref<10240x32xf32, #tpu.memory_space<vmem_shared>>)
      %add3A_527 = arith.constant 8 : i32
      %add3A_528 = arith.addi %add3A_264, %add3A_527 : i32
      %add3A_529 = arith.constant 7 : i32
      %add3A_530 = arith.addi %add3A_528, %add3A_529 : i32
      %dma_start3A_531 = arith.constant 0 : i32
      %dma_start3A_532 = tpu.memref_slice %arg6[%add3A_530, %dma_start3A_531] : memref<80x128xi32, #tpu.memory_space<vmem>> -> memref<1x128xi32, #tpu.memory_space<vmem>>
      %dma_start3A_533 = tpu.memref_squeeze %dma_start3A_532 : memref<1x128xi32, #tpu.memory_space<vmem>> -> memref<128xi32, #tpu.memory_space<vmem>>
      %dma_start3A_534 = arith.constant 0 : i32
      %dma_start3A_535 = arith.constant 0 : i32
      %dma_start3A_536 = tpu.memref_slice %arg2[%dma_start3A_534, %dma_start3A_535] : memref<10240x32xf32, #tpu.memory_space<hbm>> -> memref<10240x32xf32, #tpu.memory_space<hbm>>
      tpu.enqueue_indirect_dma source(%dma_start3A_536 : memref<10240x32xf32, #tpu.memory_space<hbm>>) target(%arg15 : memref<128x32xf32, #tpu.memory_space<vmem>>) offsets(%dma_start3A_533 : memref<128xi32, #tpu.memory_space<vmem>>) semaphore(%arg25 : memref<!tpu.dma_semaphore, #tpu.memory_space<semaphore_mem>>)
    }
    %scan3A_86 = arith.constant 9 : i32
    %dma_wait3A_87 = arith.constant 72 : i32
    %dma_wait3A_88 = arith.constant 0 : i32
    %dma_wait3A_89 = tpu.memref_slice %arg6[%dma_wait3A_87, %dma_wait3A_88] : memref<80x128xi32, #tpu.memory_space<vmem>> -> memref<1x128xi32, #tpu.memory_space<vmem>>
    %dma_wait3A_90 = tpu.memref_squeeze %dma_wait3A_89 : memref<1x128xi32, #tpu.memory_space<vmem>> -> memref<128xi32, #tpu.memory_space<vmem>>
    %dma_wait3A_91 = arith.constant 0 : i32
    %dma_wait3A_92 = arith.constant 0 : i32
    %dma_wait3A_93 = tpu.memref_slice %arg2[%dma_wait3A_91, %dma_wait3A_92] : memref<10240x32xf32, #tpu.memory_space<hbm>> -> memref<10240x32xf32, #tpu.memory_space<hbm>>
    tpu.wait_indirect_dma semaphore(%arg18 : memref<!tpu.dma_semaphore, #tpu.memory_space<semaphore_mem>>) src(%dma_wait3A_93 : memref<10240x32xf32, #tpu.memory_space<hbm>>) dst(%arg8 : memref<128x32xf32, #tpu.memory_space<vmem>>)
    %dma_start3A_94 = arith.constant 72 : i32
    %dma_start3A_95 = arith.constant 0 : i32
    %dma_start3A_96 = tpu.memref_slice %arg7[%dma_start3A_94, %dma_start3A_95] : memref<80x128xi32, #tpu.memory_space<vmem>> -> memref<1x128xi32, #tpu.memory_space<vmem>>
    %dma_start3A_97 = tpu.memref_squeeze %dma_start3A_96 : memref<1x128xi32, #tpu.memory_space<vmem>> -> memref<128xi32, #tpu.memory_space<vmem>>
    %dma_start3A_98 = arith.constant 0 : i32
    %dma_start3A_99 = arith.constant 0 : i32
    %dma_start3A_100 = tpu.memref_slice %arg17[%dma_start3A_98, %dma_start3A_99] : memref<10240x32xf32, #tpu.memory_space<vmem_shared>> -> memref<10240x32xf32, #tpu.memory_space<vmem_shared>>
    tpu.enqueue_indirect_dma source(%arg8 : memref<128x32xf32, #tpu.memory_space<vmem>>) target(%dma_start3A_100 : memref<10240x32xf32, #tpu.memory_space<vmem_shared>>) offsets(%dma_start3A_97 : memref<128xi32, #tpu.memory_space<vmem>>) semaphore(%arg26 : memref<!tpu.dma_semaphore, #tpu.memory_space<semaphore_mem>>) {add = true}
    %dma_wait3A_101 = arith.constant 73 : i32
    %dma_wait3A_102 = arith.constant 0 : i32
    %dma_wait3A_103 = tpu.memref_slice %arg6[%dma_wait3A_101, %dma_wait3A_102] : memref<80x128xi32, #tpu.memory_space<vmem>> -> memref<1x128xi32, #tpu.memory_space<vmem>>
    %dma_wait3A_104 = tpu.memref_squeeze %dma_wait3A_103 : memref<1x128xi32, #tpu.memory_space<vmem>> -> memref<128xi32, #tpu.memory_space<vmem>>
    %dma_wait3A_105 = arith.constant 0 : i32
    %dma_wait3A_106 = arith.constant 0 : i32
    %dma_wait3A_107 = tpu.memref_slice %arg2[%dma_wait3A_105, %dma_wait3A_106] : memref<10240x32xf32, #tpu.memory_space<hbm>> -> memref<10240x32xf32, #tpu.memory_space<hbm>>
    tpu.wait_indirect_dma semaphore(%arg19 : memref<!tpu.dma_semaphore, #tpu.memory_space<semaphore_mem>>) src(%dma_wait3A_107 : memref<10240x32xf32, #tpu.memory_space<hbm>>) dst(%arg9 : memref<128x32xf32, #tpu.memory_space<vmem>>)
    %dma_start3A_108 = arith.constant 73 : i32
    %dma_start3A_109 = arith.constant 0 : i32
    %dma_start3A_110 = tpu.memref_slice %arg7[%dma_start3A_108, %dma_start3A_109] : memref<80x128xi32, #tpu.memory_space<vmem>> -> memref<1x128xi32, #tpu.memory_space<vmem>>
    %dma_start3A_111 = tpu.memref_squeeze %dma_start3A_110 : memref<1x128xi32, #tpu.memory_space<vmem>> -> memref<128xi32, #tpu.memory_space<vmem>>
    %dma_start3A_112 = arith.constant 0 : i32
    %dma_start3A_113 = arith.constant 0 : i32
    %dma_start3A_114 = tpu.memref_slice %arg17[%dma_start3A_112, %dma_start3A_113] : memref<10240x32xf32, #tpu.memory_space<vmem_shared>> -> memref<10240x32xf32, #tpu.memory_space<vmem_shared>>
    tpu.enqueue_indirect_dma source(%arg9 : memref<128x32xf32, #tpu.memory_space<vmem>>) target(%dma_start3A_114 : memref<10240x32xf32, #tpu.memory_space<vmem_shared>>) offsets(%dma_start3A_111 : memref<128xi32, #tpu.memory_space<vmem>>) semaphore(%arg27 : memref<!tpu.dma_semaphore, #tpu.memory_space<semaphore_mem>>) {add = true}
    %dma_wait3A_115 = arith.constant 74 : i32
    %dma_wait3A_116 = arith.constant 0 : i32
    %dma_wait3A_117 = tpu.memref_slice %arg6[%dma_wait3A_115, %dma_wait3A_116] : memref<80x128xi32, #tpu.memory_space<vmem>> -> memref<1x128xi32, #tpu.memory_space<vmem>>
    %dma_wait3A_118 = tpu.memref_squeeze %dma_wait3A_117 : memref<1x128xi32, #tpu.memory_space<vmem>> -> memref<128xi32, #tpu.memory_space<vmem>>
    %dma_wait3A_119 = arith.constant 0 : i32
    %dma_wait3A_120 = arith.constant 0 : i32
    %dma_wait3A_121 = tpu.memref_slice %arg2[%dma_wait3A_119, %dma_wait3A_120] : memref<10240x32xf32, #tpu.memory_space<hbm>> -> memref<10240x32xf32, #tpu.memory_space<hbm>>
    tpu.wait_indirect_dma semaphore(%arg20 : memref<!tpu.dma_semaphore, #tpu.memory_space<semaphore_mem>>) src(%dma_wait3A_121 : memref<10240x32xf32, #tpu.memory_space<hbm>>) dst(%arg10 : memref<128x32xf32, #tpu.memory_space<vmem>>)
    %dma_start3A_122 = arith.constant 74 : i32
    %dma_start3A_123 = arith.constant 0 : i32
    %dma_start3A_124 = tpu.memref_slice %arg7[%dma_start3A_122, %dma_start3A_123] : memref<80x128xi32, #tpu.memory_space<vmem>> -> memref<1x128xi32, #tpu.memory_space<vmem>>
    %dma_start3A_125 = tpu.memref_squeeze %dma_start3A_124 : memref<1x128xi32, #tpu.memory_space<vmem>> -> memref<128xi32, #tpu.memory_space<vmem>>
    %dma_start3A_126 = arith.constant 0 : i32
    %dma_start3A_127 = arith.constant 0 : i32
    %dma_start3A_128 = tpu.memref_slice %arg17[%dma_start3A_126, %dma_start3A_127] : memref<10240x32xf32, #tpu.memory_space<vmem_shared>> -> memref<10240x32xf32, #tpu.memory_space<vmem_shared>>
    tpu.enqueue_indirect_dma source(%arg10 : memref<128x32xf32, #tpu.memory_space<vmem>>) target(%dma_start3A_128 : memref<10240x32xf32, #tpu.memory_space<vmem_shared>>) offsets(%dma_start3A_125 : memref<128xi32, #tpu.memory_space<vmem>>) semaphore(%arg28 : memref<!tpu.dma_semaphore, #tpu.memory_space<semaphore_mem>>) {add = true}
    %dma_wait3A_129 = arith.constant 75 : i32
    %dma_wait3A_130 = arith.constant 0 : i32
    %dma_wait3A_131 = tpu.memref_slice %arg6[%dma_wait3A_129, %dma_wait3A_130] : memref<80x128xi32, #tpu.memory_space<vmem>> -> memref<1x128xi32, #tpu.memory_space<vmem>>
    %dma_wait3A_132 = tpu.memref_squeeze %dma_wait3A_131 : memref<1x128xi32, #tpu.memory_space<vmem>> -> memref<128xi32, #tpu.memory_space<vmem>>
    %dma_wait3A_133 = arith.constant 0 : i32
    %dma_wait3A_134 = arith.constant 0 : i32
    %dma_wait3A_135 = tpu.memref_slice %arg2[%dma_wait3A_133, %dma_wait3A_134] : memref<10240x32xf32, #tpu.memory_space<hbm>> -> memref<10240x32xf32, #tpu.memory_space<hbm>>
    tpu.wait_indirect_dma semaphore(%arg21 : memref<!tpu.dma_semaphore, #tpu.memory_space<semaphore_mem>>) src(%dma_wait3A_135 : memref<10240x32xf32, #tpu.memory_space<hbm>>) dst(%arg11 : memref<128x32xf32, #tpu.memory_space<vmem>>)
    %dma_start3A_136 = arith.constant 75 : i32
    %dma_start3A_137 = arith.constant 0 : i32
    %dma_start3A_138 = tpu.memref_slice %arg7[%dma_start3A_136, %dma_start3A_137] : memref<80x128xi32, #tpu.memory_space<vmem>> -> memref<1x128xi32, #tpu.memory_space<vmem>>
    %dma_start3A_139 = tpu.memref_squeeze %dma_start3A_138 : memref<1x128xi32, #tpu.memory_space<vmem>> -> memref<128xi32, #tpu.memory_space<vmem>>
    %dma_start3A_140 = arith.constant 0 : i32
    %dma_start3A_141 = arith.constant 0 : i32
    %dma_start3A_142 = tpu.memref_slice %arg17[%dma_start3A_140, %dma_start3A_141] : memref<10240x32xf32, #tpu.memory_space<vmem_shared>> -> memref<10240x32xf32, #tpu.memory_space<vmem_shared>>
    tpu.enqueue_indirect_dma source(%arg11 : memref<128x32xf32, #tpu.memory_space<vmem>>) target(%dma_start3A_142 : memref<10240x32xf32, #tpu.memory_space<vmem_shared>>) offsets(%dma_start3A_139 : memref<128xi32, #tpu.memory_space<vmem>>) semaphore(%arg29 : memref<!tpu.dma_semaphore, #tpu.memory_space<semaphore_mem>>) {add = true}
    %dma_wait3A_143 = arith.constant 76 : i32
    %dma_wait3A_144 = arith.constant 0 : i32
    %dma_wait3A_145 = tpu.memref_slice %arg6[%dma_wait3A_143, %dma_wait3A_144] : memref<80x128xi32, #tpu.memory_space<vmem>> -> memref<1x128xi32, #tpu.memory_space<vmem>>
    %dma_wait3A_146 = tpu.memref_squeeze %dma_wait3A_145 : memref<1x128xi32, #tpu.memory_space<vmem>> -> memref<128xi32, #tpu.memory_space<vmem>>
    %dma_wait3A_147 = arith.constant 0 : i32
    %dma_wait3A_148 = arith.constant 0 : i32
    %dma_wait3A_149 = tpu.memref_slice %arg2[%dma_wait3A_147, %dma_wait3A_148] : memref<10240x32xf32, #tpu.memory_space<hbm>> -> memref<10240x32xf32, #tpu.memory_space<hbm>>
    tpu.wait_indirect_dma semaphore(%arg22 : memref<!tpu.dma_semaphore, #tpu.memory_space<semaphore_mem>>) src(%dma_wait3A_149 : memref<10240x32xf32, #tpu.memory_space<hbm>>) dst(%arg12 : memref<128x32xf32, #tpu.memory_space<vmem>>)
    %dma_start3A_150 = arith.constant 76 : i32
    %dma_start3A_151 = arith.constant 0 : i32
    %dma_start3A_152 = tpu.memref_slice %arg7[%dma_start3A_150, %dma_start3A_151] : memref<80x128xi32, #tpu.memory_space<vmem>> -> memref<1x128xi32, #tpu.memory_space<vmem>>
    %dma_start3A_153 = tpu.memref_squeeze %dma_start3A_152 : memref<1x128xi32, #tpu.memory_space<vmem>> -> memref<128xi32, #tpu.memory_space<vmem>>
    %dma_start3A_154 = arith.constant 0 : i32
    %dma_start3A_155 = arith.constant 0 : i32
    %dma_start3A_156 = tpu.memref_slice %arg17[%dma_start3A_154, %dma_start3A_155] : memref<10240x32xf32, #tpu.memory_space<vmem_shared>> -> memref<10240x32xf32, #tpu.memory_space<vmem_shared>>
    tpu.enqueue_indirect_dma source(%arg12 : memref<128x32xf32, #tpu.memory_space<vmem>>) target(%dma_start3A_156 : memref<10240x32xf32, #tpu.memory_space<vmem_shared>>) offsets(%dma_start3A_153 : memref<128xi32, #tpu.memory_space<vmem>>) semaphore(%arg30 : memref<!tpu.dma_semaphore, #tpu.memory_space<semaphore_mem>>) {add = true}
    %dma_wait3A_157 = arith.constant 77 : i32
    %dma_wait3A_158 = arith.constant 0 : i32
    %dma_wait3A_159 = tpu.memref_slice %arg6[%dma_wait3A_157, %dma_wait3A_158] : memref<80x128xi32, #tpu.memory_space<vmem>> -> memref<1x128xi32, #tpu.memory_space<vmem>>
    %dma_wait3A_160 = tpu.memref_squeeze %dma_wait3A_159 : memref<1x128xi32, #tpu.memory_space<vmem>> -> memref<128xi32, #tpu.memory_space<vmem>>
    %dma_wait3A_161 = arith.constant 0 : i32
    %dma_wait3A_162 = arith.constant 0 : i32
    %dma_wait3A_163 = tpu.memref_slice %arg2[%dma_wait3A_161, %dma_wait3A_162] : memref<10240x32xf32, #tpu.memory_space<hbm>> -> memref<10240x32xf32, #tpu.memory_space<hbm>>
    tpu.wait_indirect_dma semaphore(%arg23 : memref<!tpu.dma_semaphore, #tpu.memory_space<semaphore_mem>>) src(%dma_wait3A_163 : memref<10240x32xf32, #tpu.memory_space<hbm>>) dst(%arg13 : memref<128x32xf32, #tpu.memory_space<vmem>>)
    %dma_start3A_164 = arith.constant 77 : i32
    %dma_start3A_165 = arith.constant 0 : i32
    %dma_start3A_166 = tpu.memref_slice %arg7[%dma_start3A_164, %dma_start3A_165] : memref<80x128xi32, #tpu.memory_space<vmem>> -> memref<1x128xi32, #tpu.memory_space<vmem>>
    %dma_start3A_167 = tpu.memref_squeeze %dma_start3A_166 : memref<1x128xi32, #tpu.memory_space<vmem>> -> memref<128xi32, #tpu.memory_space<vmem>>
    %dma_start3A_168 = arith.constant 0 : i32
    %dma_start3A_169 = arith.constant 0 : i32
    %dma_start3A_170 = tpu.memref_slice %arg17[%dma_start3A_168, %dma_start3A_169] : memref<10240x32xf32, #tpu.memory_space<vmem_shared>> -> memref<10240x32xf32, #tpu.memory_space<vmem_shared>>
    tpu.enqueue_indirect_dma source(%arg13 : memref<128x32xf32, #tpu.memory_space<vmem>>) target(%dma_start3A_170 : memref<10240x32xf32, #tpu.memory_space<vmem_shared>>) offsets(%dma_start3A_167 : memref<128xi32, #tpu.memory_space<vmem>>) semaphore(%arg31 : memref<!tpu.dma_semaphore, #tpu.memory_space<semaphore_mem>>) {add = true}
    %dma_wait3A_171 = arith.constant 78 : i32
    %dma_wait3A_172 = arith.constant 0 : i32
    %dma_wait3A_173 = tpu.memref_slice %arg6[%dma_wait3A_171, %dma_wait3A_172] : memref<80x128xi32, #tpu.memory_space<vmem>> -> memref<1x128xi32, #tpu.memory_space<vmem>>
    %dma_wait3A_174 = tpu.memref_squeeze %dma_wait3A_173 : memref<1x128xi32, #tpu.memory_space<vmem>> -> memref<128xi32, #tpu.memory_space<vmem>>
    %dma_wait3A_175 = arith.constant 0 : i32
    %dma_wait3A_176 = arith.constant 0 : i32
    %dma_wait3A_177 = tpu.memref_slice %arg2[%dma_wait3A_175, %dma_wait3A_176] : memref<10240x32xf32, #tpu.memory_space<hbm>> -> memref<10240x32xf32, #tpu.memory_space<hbm>>
    tpu.wait_indirect_dma semaphore(%arg24 : memref<!tpu.dma_semaphore, #tpu.memory_space<semaphore_mem>>) src(%dma_wait3A_177 : memref<10240x32xf32, #tpu.memory_space<hbm>>) dst(%arg14 : memref<128x32xf32, #tpu.memory_space<vmem>>)
    %dma_start3A_178 = arith.constant 78 : i32
    %dma_start3A_179 = arith.constant 0 : i32
    %dma_start3A_180 = tpu.memref_slice %arg7[%dma_start3A_178, %dma_start3A_179] : memref<80x128xi32, #tpu.memory_space<vmem>> -> memref<1x128xi32, #tpu.memory_space<vmem>>
    %dma_start3A_181 = tpu.memref_squeeze %dma_start3A_180 : memref<1x128xi32, #tpu.memory_space<vmem>> -> memref<128xi32, #tpu.memory_space<vmem>>
    %dma_start3A_182 = arith.constant 0 : i32
    %dma_start3A_183 = arith.constant 0 : i32
    %dma_start3A_184 = tpu.memref_slice %arg17[%dma_start3A_182, %dma_start3A_183] : memref<10240x32xf32, #tpu.memory_space<vmem_shared>> -> memref<10240x32xf32, #tpu.memory_space<vmem_shared>>
    tpu.enqueue_indirect_dma source(%arg14 : memref<128x32xf32, #tpu.memory_space<vmem>>) target(%dma_start3A_184 : memref<10240x32xf32, #tpu.memory_space<vmem_shared>>) offsets(%dma_start3A_181 : memref<128xi32, #tpu.memory_space<vmem>>) semaphore(%arg32 : memref<!tpu.dma_semaphore, #tpu.memory_space<semaphore_mem>>) {add = true}
    %dma_wait3A_185 = arith.constant 79 : i32
    %dma_wait3A_186 = arith.constant 0 : i32
    %dma_wait3A_187 = tpu.memref_slice %arg6[%dma_wait3A_185, %dma_wait3A_186] : memref<80x128xi32, #tpu.memory_space<vmem>> -> memref<1x128xi32, #tpu.memory_space<vmem>>
    %dma_wait3A_188 = tpu.memref_squeeze %dma_wait3A_187 : memref<1x128xi32, #tpu.memory_space<vmem>> -> memref<128xi32, #tpu.memory_space<vmem>>
    %dma_wait3A_189 = arith.constant 0 : i32
    %dma_wait3A_190 = arith.constant 0 : i32
    %dma_wait3A_191 = tpu.memref_slice %arg2[%dma_wait3A_189, %dma_wait3A_190] : memref<10240x32xf32, #tpu.memory_space<hbm>> -> memref<10240x32xf32, #tpu.memory_space<hbm>>
    tpu.wait_indirect_dma semaphore(%arg25 : memref<!tpu.dma_semaphore, #tpu.memory_space<semaphore_mem>>) src(%dma_wait3A_191 : memref<10240x32xf32, #tpu.memory_space<hbm>>) dst(%arg15 : memref<128x32xf32, #tpu.memory_space<vmem>>)
    %dma_start3A_192 = arith.constant 79 : i32
    %dma_start3A_193 = arith.constant 0 : i32
    %dma_start3A_194 = tpu.memref_slice %arg7[%dma_start3A_192, %dma_start3A_193] : memref<80x128xi32, #tpu.memory_space<vmem>> -> memref<1x128xi32, #tpu.memory_space<vmem>>
    %dma_start3A_195 = tpu.memref_squeeze %dma_start3A_194 : memref<1x128xi32, #tpu.memory_space<vmem>> -> memref<128xi32, #tpu.memory_space<vmem>>
    %dma_start3A_196 = arith.constant 0 : i32
    %dma_start3A_197 = arith.constant 0 : i32
    %dma_start3A_198 = tpu.memref_slice %arg17[%dma_start3A_196, %dma_start3A_197] : memref<10240x32xf32, #tpu.memory_space<vmem_shared>> -> memref<10240x32xf32, #tpu.memory_space<vmem_shared>>
    tpu.enqueue_indirect_dma source(%arg15 : memref<128x32xf32, #tpu.memory_space<vmem>>) target(%dma_start3A_198 : memref<10240x32xf32, #tpu.memory_space<vmem_shared>>) offsets(%dma_start3A_195 : memref<128xi32, #tpu.memory_space<vmem>>) semaphore(%arg33 : memref<!tpu.dma_semaphore, #tpu.memory_space<semaphore_mem>>) {add = true}
    %dma_wait3A_199 = arith.constant 72 : i32
    %dma_wait3A_200 = arith.constant 0 : i32
    %dma_wait3A_201 = tpu.memref_slice %arg7[%dma_wait3A_199, %dma_wait3A_200] : memref<80x128xi32, #tpu.memory_space<vmem>> -> memref<1x128xi32, #tpu.memory_space<vmem>>
    %dma_wait3A_202 = tpu.memref_squeeze %dma_wait3A_201 : memref<1x128xi32, #tpu.memory_space<vmem>> -> memref<128xi32, #tpu.memory_space<vmem>>
    %dma_wait3A_203 = arith.constant 0 : i32
    %dma_wait3A_204 = arith.constant 0 : i32
    %dma_wait3A_205 = tpu.memref_slice %arg17[%dma_wait3A_203, %dma_wait3A_204] : memref<10240x32xf32, #tpu.memory_space<vmem_shared>> -> memref<10240x32xf32, #tpu.memory_space<vmem_shared>>
    tpu.wait_indirect_dma semaphore(%arg26 : memref<!tpu.dma_semaphore, #tpu.memory_space<semaphore_mem>>) src(%arg8 : memref<128x32xf32, #tpu.memory_space<vmem>>) dst(%dma_wait3A_205 : memref<10240x32xf32, #tpu.memory_space<vmem_shared>>)
    %dma_wait3A_206 = arith.constant 73 : i32
    %dma_wait3A_207 = arith.constant 0 : i32
    %dma_wait3A_208 = tpu.memref_slice %arg7[%dma_wait3A_206, %dma_wait3A_207] : memref<80x128xi32, #tpu.memory_space<vmem>> -> memref<1x128xi32, #tpu.memory_space<vmem>>
    %dma_wait3A_209 = tpu.memref_squeeze %dma_wait3A_208 : memref<1x128xi32, #tpu.memory_space<vmem>> -> memref<128xi32, #tpu.memory_space<vmem>>
    %dma_wait3A_210 = arith.constant 0 : i32
    %dma_wait3A_211 = arith.constant 0 : i32
    %dma_wait3A_212 = tpu.memref_slice %arg17[%dma_wait3A_210, %dma_wait3A_211] : memref<10240x32xf32, #tpu.memory_space<vmem_shared>> -> memref<10240x32xf32, #tpu.memory_space<vmem_shared>>
    tpu.wait_indirect_dma semaphore(%arg27 : memref<!tpu.dma_semaphore, #tpu.memory_space<semaphore_mem>>) src(%arg9 : memref<128x32xf32, #tpu.memory_space<vmem>>) dst(%dma_wait3A_212 : memref<10240x32xf32, #tpu.memory_space<vmem_shared>>)
    %dma_wait3A_213 = arith.constant 74 : i32
    %dma_wait3A_214 = arith.constant 0 : i32
    %dma_wait3A_215 = tpu.memref_slice %arg7[%dma_wait3A_213, %dma_wait3A_214] : memref<80x128xi32, #tpu.memory_space<vmem>> -> memref<1x128xi32, #tpu.memory_space<vmem>>
    %dma_wait3A_216 = tpu.memref_squeeze %dma_wait3A_215 : memref<1x128xi32, #tpu.memory_space<vmem>> -> memref<128xi32, #tpu.memory_space<vmem>>
    %dma_wait3A_217 = arith.constant 0 : i32
    %dma_wait3A_218 = arith.constant 0 : i32
    %dma_wait3A_219 = tpu.memref_slice %arg17[%dma_wait3A_217, %dma_wait3A_218] : memref<10240x32xf32, #tpu.memory_space<vmem_shared>> -> memref<10240x32xf32, #tpu.memory_space<vmem_shared>>
    tpu.wait_indirect_dma semaphore(%arg28 : memref<!tpu.dma_semaphore, #tpu.memory_space<semaphore_mem>>) src(%arg10 : memref<128x32xf32, #tpu.memory_space<vmem>>) dst(%dma_wait3A_219 : memref<10240x32xf32, #tpu.memory_space<vmem_shared>>)
    %dma_wait3A_220 = arith.constant 75 : i32
    %dma_wait3A_221 = arith.constant 0 : i32
    %dma_wait3A_222 = tpu.memref_slice %arg7[%dma_wait3A_220, %dma_wait3A_221] : memref<80x128xi32, #tpu.memory_space<vmem>> -> memref<1x128xi32, #tpu.memory_space<vmem>>
    %dma_wait3A_223 = tpu.memref_squeeze %dma_wait3A_222 : memref<1x128xi32, #tpu.memory_space<vmem>> -> memref<128xi32, #tpu.memory_space<vmem>>
    %dma_wait3A_224 = arith.constant 0 : i32
    %dma_wait3A_225 = arith.constant 0 : i32
    %dma_wait3A_226 = tpu.memref_slice %arg17[%dma_wait3A_224, %dma_wait3A_225] : memref<10240x32xf32, #tpu.memory_space<vmem_shared>> -> memref<10240x32xf32, #tpu.memory_space<vmem_shared>>
    tpu.wait_indirect_dma semaphore(%arg29 : memref<!tpu.dma_semaphore, #tpu.memory_space<semaphore_mem>>) src(%arg11 : memref<128x32xf32, #tpu.memory_space<vmem>>) dst(%dma_wait3A_226 : memref<10240x32xf32, #tpu.memory_space<vmem_shared>>)
    %dma_wait3A_227 = arith.constant 76 : i32
    %dma_wait3A_228 = arith.constant 0 : i32
    %dma_wait3A_229 = tpu.memref_slice %arg7[%dma_wait3A_227, %dma_wait3A_228] : memref<80x128xi32, #tpu.memory_space<vmem>> -> memref<1x128xi32, #tpu.memory_space<vmem>>
    %dma_wait3A_230 = tpu.memref_squeeze %dma_wait3A_229 : memref<1x128xi32, #tpu.memory_space<vmem>> -> memref<128xi32, #tpu.memory_space<vmem>>
    %dma_wait3A_231 = arith.constant 0 : i32
    %dma_wait3A_232 = arith.constant 0 : i32
    %dma_wait3A_233 = tpu.memref_slice %arg17[%dma_wait3A_231, %dma_wait3A_232] : memref<10240x32xf32, #tpu.memory_space<vmem_shared>> -> memref<10240x32xf32, #tpu.memory_space<vmem_shared>>
    tpu.wait_indirect_dma semaphore(%arg30 : memref<!tpu.dma_semaphore, #tpu.memory_space<semaphore_mem>>) src(%arg12 : memref<128x32xf32, #tpu.memory_space<vmem>>) dst(%dma_wait3A_233 : memref<10240x32xf32, #tpu.memory_space<vmem_shared>>)
    %dma_wait3A_234 = arith.constant 77 : i32
    %dma_wait3A_235 = arith.constant 0 : i32
    %dma_wait3A_236 = tpu.memref_slice %arg7[%dma_wait3A_234, %dma_wait3A_235] : memref<80x128xi32, #tpu.memory_space<vmem>> -> memref<1x128xi32, #tpu.memory_space<vmem>>
    %dma_wait3A_237 = tpu.memref_squeeze %dma_wait3A_236 : memref<1x128xi32, #tpu.memory_space<vmem>> -> memref<128xi32, #tpu.memory_space<vmem>>
    %dma_wait3A_238 = arith.constant 0 : i32
    %dma_wait3A_239 = arith.constant 0 : i32
    %dma_wait3A_240 = tpu.memref_slice %arg17[%dma_wait3A_238, %dma_wait3A_239] : memref<10240x32xf32, #tpu.memory_space<vmem_shared>> -> memref<10240x32xf32, #tpu.memory_space<vmem_shared>>
    tpu.wait_indirect_dma semaphore(%arg31 : memref<!tpu.dma_semaphore, #tpu.memory_space<semaphore_mem>>) src(%arg13 : memref<128x32xf32, #tpu.memory_space<vmem>>) dst(%dma_wait3A_240 : memref<10240x32xf32, #tpu.memory_space<vmem_shared>>)
    %dma_wait3A_241 = arith.constant 78 : i32
    %dma_wait3A_242 = arith.constant 0 : i32
    %dma_wait3A_243 = tpu.memref_slice %arg7[%dma_wait3A_241, %dma_wait3A_242] : memref<80x128xi32, #tpu.memory_space<vmem>> -> memref<1x128xi32, #tpu.memory_space<vmem>>
    %dma_wait3A_244 = tpu.memref_squeeze %dma_wait3A_243 : memref<1x128xi32, #tpu.memory_space<vmem>> -> memref<128xi32, #tpu.memory_space<vmem>>
    %dma_wait3A_245 = arith.constant 0 : i32
    %dma_wait3A_246 = arith.constant 0 : i32
    %dma_wait3A_247 = tpu.memref_slice %arg17[%dma_wait3A_245, %dma_wait3A_246] : memref<10240x32xf32, #tpu.memory_space<vmem_shared>> -> memref<10240x32xf32, #tpu.memory_space<vmem_shared>>
    tpu.wait_indirect_dma semaphore(%arg32 : memref<!tpu.dma_semaphore, #tpu.memory_space<semaphore_mem>>) src(%arg14 : memref<128x32xf32, #tpu.memory_space<vmem>>) dst(%dma_wait3A_247 : memref<10240x32xf32, #tpu.memory_space<vmem_shared>>)
    %dma_wait3A_248 = arith.constant 79 : i32
    %dma_wait3A_249 = arith.constant 0 : i32
    %dma_wait3A_250 = tpu.memref_slice %arg7[%dma_wait3A_248, %dma_wait3A_249] : memref<80x128xi32, #tpu.memory_space<vmem>> -> memref<1x128xi32, #tpu.memory_space<vmem>>
    %dma_wait3A_251 = tpu.memref_squeeze %dma_wait3A_250 : memref<1x128xi32, #tpu.memory_space<vmem>> -> memref<128xi32, #tpu.memory_space<vmem>>
    %dma_wait3A_252 = arith.constant 0 : i32
    %dma_wait3A_253 = arith.constant 0 : i32
    %dma_wait3A_254 = tpu.memref_slice %arg17[%dma_wait3A_252, %dma_wait3A_253] : memref<10240x32xf32, #tpu.memory_space<vmem_shared>> -> memref<10240x32xf32, #tpu.memory_space<vmem_shared>>
    tpu.wait_indirect_dma semaphore(%arg33 : memref<!tpu.dma_semaphore, #tpu.memory_space<semaphore_mem>>) src(%arg15 : memref<128x32xf32, #tpu.memory_space<vmem>>) dst(%dma_wait3A_254 : memref<10240x32xf32, #tpu.memory_space<vmem_shared>>)
    %barrier3A_255 = arith.constant 0 : index
    tpu.barrier barrier_id(%barrier3A_255)
    %mul3A_256 = arith.constant 640 : i32
    %mul3A_257 = arith.muli %arg1, %mul3A_256 : i32
    %mul3A_258 = arith.constant 640 : i32
    %mul3A_259 = arith.muli %arg1, %mul3A_258 : i32
    "tpu.region"() ({
      %run_scoped3A = tpu.sem_alloc : memref<!tpu.dma_semaphore, #tpu.memory_space<semaphore_mem>>
      %dma_start3A_260 = arith.constant 0 : i32
      %dma_start3A_261 = tpu.memref_slice %arg5[%arg0, %mul3A_259, %dma_start3A_260] : memref<2x10240x32xf32, #tpu.memory_space<hbm>> -> memref<1x640x32xf32, #tpu.memory_space<hbm>>
      %dma_start3A_262 = tpu.memref_squeeze %dma_start3A_261 : memref<1x640x32xf32, #tpu.memory_space<hbm>> -> memref<640x32xf32, #tpu.memory_space<hbm>>
      %dma_start3A_263 = arith.constant 0 : i32
      %dma_start3A_264 = tpu.memref_slice %arg17[%mul3A_257, %dma_start3A_263] : memref<10240x32xf32, #tpu.memory_space<vmem_shared>> -> memref<640x32xf32, #tpu.memory_space<vmem_shared>>
      tpu.enqueue_dma source(%dma_start3A_264 : memref<640x32xf32, #tpu.memory_space<vmem_shared>>) target(%dma_start3A_262 : memref<640x32xf32, #tpu.memory_space<hbm>>) target_semaphore(%run_scoped3A : memref<!tpu.dma_semaphore, #tpu.memory_space<semaphore_mem>>)
      %dma_wait3A_265 = arith.constant 0 : i32
      %dma_wait3A_266 = tpu.memref_slice %arg5[%arg0, %mul3A_259, %dma_wait3A_265] : memref<2x10240x32xf32, #tpu.memory_space<hbm>> -> memref<1x640x32xf32, #tpu.memory_space<hbm>>
      %dma_wait3A_267 = tpu.memref_squeeze %dma_wait3A_266 : memref<1x640x32xf32, #tpu.memory_space<hbm>> -> memref<640x32xf32, #tpu.memory_space<hbm>>
      %dma_wait3A_268 = arith.constant 0 : i32
      %dma_wait3A_269 = tpu.memref_slice %arg17[%mul3A_257, %dma_wait3A_268] : memref<10240x32xf32, #tpu.memory_space<vmem_shared>> -> memref<640x32xf32, #tpu.memory_space<vmem_shared>>
      tpu.wait_dma2 semaphore(%run_scoped3A : memref<!tpu.dma_semaphore, #tpu.memory_space<semaphore_mem>>) src(%dma_wait3A_269 : memref<640x32xf32, #tpu.memory_space<vmem_shared>>) dst(%dma_wait3A_267 : memref<640x32xf32, #tpu.memory_space<hbm>>)
      tpu.yield
    }) : () -> ()
    return
  }
}

#map = affine_map<(d0, d1) -> (0, 0)>
#map1 = affine_map<(d0, d1) -> (0, 0, 0)>
module attributes {stable_mosaic.version = 14 : i64} {
  func.func @_edge_scatter(%arg0: i32, %arg1: i32, %arg2: memref<10240x32xf32, #tpu.memory_space<hbm>>, %arg3: memref<2560x128xi32, #tpu.memory_space<hbm>>, %arg4: memref<2560x128xi32, #tpu.memory_space<hbm>>, %arg5: memref<2x10240x32xf32, #tpu.memory_space<hbm>>, %arg6: memref<80x128xi32, #tpu.memory_space<vmem>>, %arg7: memref<80x128xi32, #tpu.memory_space<vmem>>, %arg8: memref<128x32xf32, #tpu.memory_space<vmem>>, %arg9: memref<128x32xf32, #tpu.memory_space<vmem>>, %arg10: memref<128x32xf32, #tpu.memory_space<vmem>>, %arg11: memref<128x32xf32, #tpu.memory_space<vmem>>, %arg12: memref<128x32xf32, #tpu.memory_space<vmem>>, %arg13: memref<128x32xf32, #tpu.memory_space<vmem>>, %arg14: memref<128x32xf32, #tpu.memory_space<vmem>>, %arg15: memref<128x32xf32, #tpu.memory_space<vmem>>, %arg16: memref<640x32xf32, #tpu.memory_space<vmem>>, %arg17: memref<10240x32xf32, #tpu.memory_space<vmem_shared>>, %arg18: memref<!tpu.dma_semaphore, #tpu.memory_space<semaphore_mem>>, %arg19: memref<!tpu.dma_semaphore, #tpu.memory_space<semaphore_mem>>, %arg20: memref<!tpu.dma_semaphore, #tpu.memory_space<semaphore_mem>>, %arg21: memref<!tpu.dma_semaphore, #tpu.memory_space<semaphore_mem>>, %arg22: memref<!tpu.dma_semaphore, #tpu.memory_space<semaphore_mem>>, %arg23: memref<!tpu.dma_semaphore, #tpu.memory_space<semaphore_mem>>, %arg24: memref<!tpu.dma_semaphore, #tpu.memory_space<semaphore_mem>>, %arg25: memref<!tpu.dma_semaphore, #tpu.memory_space<semaphore_mem>>, %arg26: memref<!tpu.dma_semaphore, #tpu.memory_space<semaphore_mem>>, %arg27: memref<!tpu.dma_semaphore, #tpu.memory_space<semaphore_mem>>, %arg28: memref<!tpu.dma_semaphore, #tpu.memory_space<semaphore_mem>>, %arg29: memref<!tpu.dma_semaphore, #tpu.memory_space<semaphore_mem>>, %arg30: memref<!tpu.dma_semaphore, #tpu.memory_space<semaphore_mem>>, %arg31: memref<!tpu.dma_semaphore, #tpu.memory_space<semaphore_mem>>, %arg32: memref<!tpu.dma_semaphore, #tpu.memory_space<semaphore_mem>>, %arg33: memref<!tpu.dma_semaphore, #tpu.memory_space<semaphore_mem>>) attributes {dimension_semantics = [#tpu.dimension_semantics<core_parallel>, #tpu.dimension_semantics<subcore_parallel>], iteration_bounds = array<i64: 2, 16>, scalar_prefetch = 0 : i64, scratch_operands = 28 : i64, tpu.core_type = #tpu.core_type<sc_vector_subcore>, window_params = [{transform_indices = #map}, {transform_indices = #map}, {transform_indices = #map}, {transform_indices = #map1}]} {
    %mul3A = arith.constant 16 : i32
    %mul3A_0 = arith.muli %arg0, %mul3A : i32
    %add3A = arith.addi %mul3A_0, %arg1 : i32
    %mul3A_1 = arith.constant 80 : i32
    %mul3A_2 = arith.muli %add3A, %mul3A_1 : i32
    %mul3A_3 = arith.constant 80 : i32
    %mul3A_4 = arith.muli %add3A, %mul3A_3 : i32
    %dma_start3A = arith.constant 0 : i32
    %dma_start3A_5 = tpu.memref_slice %arg3[%mul3A_2, %dma_start3A] : memref<2560x128xi32, #tpu.memory_space<hbm>> -> memref<80x128xi32, #tpu.memory_space<hbm>>
    %dma_start3A_6 = arith.constant 0 : i32
    %dma_start3A_7 = tpu.memref_slice %arg3[%mul3A_2, %dma_start3A_6] : memref<2560x128xi32, #tpu.memory_space<hbm>> -> memref<80x128xi32, #tpu.memory_space<hbm>>
    tpu.enqueue_dma source(%dma_start3A_7 : memref<80x128xi32, #tpu.memory_space<hbm>>) target(%arg6 : memref<80x128xi32, #tpu.memory_space<vmem>>) target_semaphore(%arg18 : memref<!tpu.dma_semaphore, #tpu.memory_space<semaphore_mem>>)
    %dma_start3A_8 = arith.constant 0 : i32
    %dma_start3A_9 = tpu.memref_slice %arg4[%mul3A_4, %dma_start3A_8] : memref<2560x128xi32, #tpu.memory_space<hbm>> -> memref<80x128xi32, #tpu.memory_space<hbm>>
    %dma_start3A_10 = arith.constant 0 : i32
    %dma_start3A_11 = tpu.memref_slice %arg4[%mul3A_4, %dma_start3A_10] : memref<2560x128xi32, #tpu.memory_space<hbm>> -> memref<80x128xi32, #tpu.memory_space<hbm>>
    tpu.enqueue_dma source(%dma_start3A_11 : memref<80x128xi32, #tpu.memory_space<hbm>>) target(%arg7 : memref<80x128xi32, #tpu.memory_space<vmem>>) target_semaphore(%arg19 : memref<!tpu.dma_semaphore, #tpu.memory_space<semaphore_mem>>)
    %broadcast_in_dim3A = arith.constant 0.000000e+00 : f32
    %broadcast_in_dim3A_12 = vector.broadcast %broadcast_in_dim3A : f32 to vector<16xf32>
    %scan3A = arith.constant 0 : i32
    %scan3A_13 = arith.constant 640 : i32
    %scan3A_14 = arith.addi %scan3A, %scan3A_13 : i32
    %scan3A_15 = arith.constant 1 : i32
    scf.for %scan3A_260 = %scan3A to %scan3A_14 step %scan3A_15  : i32 {
      %mul3A_261 = arith.constant 1 : i32
      %mul3A_262 = arith.muli %scan3A_260, %mul3A_261 : i32
      %add3A_263 = arith.constant 0 : i32
      %add3A_264 = arith.addi %add3A_263, %mul3A_262 : i32
      %swap3A = arith.index_cast %add3A_264 : i32 to index
      %swap3A_265 = arith.constant 0 : index
      %swap3A_266 = tpu.vector_load %arg16[%swap3A, %swap3A_265] {strides = array<i32>} : memref<640x32xf32, #tpu.memory_space<vmem>>, vector<1x16xf32>,
      %swap3A_267 = vector.shape_cast %swap3A_266 : vector<1x16xf32> to vector<16xf32>
      %swap3A_268 = vector.shape_cast %broadcast_in_dim3A_12 : vector<16xf32> to vector<1x16xf32>
      tpu.vector_store %arg16[%swap3A, %swap3A_265], %swap3A_268 {strides = array<i32>} : memref<640x32xf32, #tpu.memory_space<vmem>>, vector<1x16xf32>,
      %swap3A_269 = arith.index_cast %add3A_264 : i32 to index
      %swap3A_270 = arith.constant 16 : index
      %swap3A_271 = tpu.vector_load %arg16[%swap3A_269, %swap3A_270] {strides = array<i32>} : memref<640x32xf32, #tpu.memory_space<vmem>>, vector<1x16xf32>,
      %swap3A_272 = vector.shape_cast %swap3A_271 : vector<1x16xf32> to vector<16xf32>
      %swap3A_273 = vector.shape_cast %broadcast_in_dim3A_12 : vector<16xf32> to vector<1x16xf32>
      tpu.vector_store %arg16[%swap3A_269, %swap3A_270], %swap3A_273 {strides = array<i32>} : memref<640x32xf32, #tpu.memory_space<vmem>>, vector<1x16xf32>,
    }
    %scan3A_16 = arith.constant 640 : i32
    %mul3A_17 = arith.constant 640 : i32
    %mul3A_18 = arith.muli %arg1, %mul3A_17 : i32
    "tpu.region"() ({
      %run_scoped3A = tpu.sem_alloc : memref<!tpu.dma_semaphore, #tpu.memory_space<semaphore_mem>>
      %dma_start3A_260 = arith.constant 0 : i32
      %dma_start3A_261 = tpu.memref_slice %arg17[%mul3A_18, %dma_start3A_260] : memref<10240x32xf32, #tpu.memory_space<vmem_shared>> -> memref<640x32xf32, #tpu.memory_space<vmem_shared>>
      %dma_start3A_262 = arith.constant 0 : i32
      %dma_start3A_263 = tpu.memref_slice %arg17[%mul3A_18, %dma_start3A_262] : memref<10240x32xf32, #tpu.memory_space<vmem_shared>> -> memref<640x32xf32, #tpu.memory_space<vmem_shared>>
      tpu.enqueue_dma source(%arg16 : memref<640x32xf32, #tpu.memory_space<vmem>>) target(%dma_start3A_263 : memref<640x32xf32, #tpu.memory_space<vmem_shared>>) target_semaphore(%run_scoped3A : memref<!tpu.dma_semaphore, #tpu.memory_space<semaphore_mem>>)
      %dma_wait3A_264 = arith.constant 0 : i32
      %dma_wait3A_265 = tpu.memref_slice %arg17[%mul3A_18, %dma_wait3A_264] : memref<10240x32xf32, #tpu.memory_space<vmem_shared>> -> memref<640x32xf32, #tpu.memory_space<vmem_shared>>
      %dma_wait3A_266 = arith.constant 0 : i32
      %dma_wait3A_267 = tpu.memref_slice %arg17[%mul3A_18, %dma_wait3A_266] : memref<10240x32xf32, #tpu.memory_space<vmem_shared>> -> memref<640x32xf32, #tpu.memory_space<vmem_shared>>
      tpu.wait_dma2 semaphore(%run_scoped3A : memref<!tpu.dma_semaphore, #tpu.memory_space<semaphore_mem>>) src(%arg16 : memref<640x32xf32, #tpu.memory_space<vmem>>) dst(%dma_wait3A_267 : memref<640x32xf32, #tpu.memory_space<vmem_shared>>)
      tpu.yield
    }) : () -> ()
    %dma_wait3A = arith.constant 0 : i32
    %dma_wait3A_19 = tpu.memref_slice %arg3[%mul3A_2, %dma_wait3A] : memref<2560x128xi32, #tpu.memory_space<hbm>> -> memref<80x128xi32, #tpu.memory_space<hbm>>
    %dma_wait3A_20 = arith.constant 0 : i32
    %dma_wait3A_21 = tpu.memref_slice %arg3[%mul3A_2, %dma_wait3A_20] : memref<2560x128xi32, #tpu.memory_space<hbm>> -> memref<80x128xi32, #tpu.memory_space<hbm>>
    tpu.wait_dma2 semaphore(%arg18 : memref<!tpu.dma_semaphore, #tpu.memory_space<semaphore_mem>>) src(%dma_wait3A_21 : memref<80x128xi32, #tpu.memory_space<hbm>>) dst(%arg6 : memref<80x128xi32, #tpu.memory_space<vmem>>)
    %dma_wait3A_22 = arith.constant 0 : i32
    %dma_wait3A_23 = tpu.memref_slice %arg4[%mul3A_4, %dma_wait3A_22] : memref<2560x128xi32, #tpu.memory_space<hbm>> -> memref<80x128xi32, #tpu.memory_space<hbm>>
    %dma_wait3A_24 = arith.constant 0 : i32
    %dma_wait3A_25 = tpu.memref_slice %arg4[%mul3A_4, %dma_wait3A_24] : memref<2560x128xi32, #tpu.memory_space<hbm>> -> memref<80x128xi32, #tpu.memory_space<hbm>>
    tpu.wait_dma2 semaphore(%arg19 : memref<!tpu.dma_semaphore, #tpu.memory_space<semaphore_mem>>) src(%dma_wait3A_25 : memref<80x128xi32, #tpu.memory_space<hbm>>) dst(%arg7 : memref<80x128xi32, #tpu.memory_space<vmem>>)
    %barrier3A = arith.constant 0 : index
    tpu.barrier barrier_id(%barrier3A)
    %dma_start3A_26 = arith.constant 0 : i32
    %dma_start3A_27 = arith.constant 0 : i32
    %dma_start3A_28 = tpu.memref_slice %arg6[%dma_start3A_26, %dma_start3A_27] : memref<80x128xi32, #tpu.memory_space<vmem>> -> memref<1x128xi32, #tpu.memory_space<vmem>>
    %dma_start3A_29 = tpu.memref_squeeze %dma_start3A_28 : memref<1x128xi32, #tpu.memory_space<vmem>> -> memref<128xi32, #tpu.memory_space<vmem>>
    %dma_start3A_30 = arith.constant 0 : i32
    %dma_start3A_31 = arith.constant 0 : i32
    %dma_start3A_32 = tpu.memref_slice %arg2[%dma_start3A_30, %dma_start3A_31] : memref<10240x32xf32, #tpu.memory_space<hbm>> -> memref<10240x32xf32, #tpu.memory_space<hbm>>
    tpu.enqueue_indirect_dma source(%dma_start3A_32 : memref<10240x32xf32, #tpu.memory_space<hbm>>) target(%arg8 : memref<128x32xf32, #tpu.memory_space<vmem>>) offsets(%dma_start3A_29 : memref<128xi32, #tpu.memory_space<vmem>>) semaphore(%arg18 : memref<!tpu.dma_semaphore, #tpu.memory_space<semaphore_mem>>)
    %dma_start3A_33 = arith.constant 1 : i32
    %dma_start3A_34 = arith.constant 0 : i32
    %dma_start3A_35 = tpu.memref_slice %arg6[%dma_start3A_33, %dma_start3A_34] : memref<80x128xi32, #tpu.memory_space<vmem>> -> memref<1x128xi32, #tpu.memory_space<vmem>>
    %dma_start3A_36 = tpu.memref_squeeze %dma_start3A_35 : memref<1x128xi32, #tpu.memory_space<vmem>> -> memref<128xi32, #tpu.memory_space<vmem>>
    %dma_start3A_37 = arith.constant 0 : i32
    %dma_start3A_38 = arith.constant 0 : i32
    %dma_start3A_39 = tpu.memref_slice %arg2[%dma_start3A_37, %dma_start3A_38] : memref<10240x32xf32, #tpu.memory_space<hbm>> -> memref<10240x32xf32, #tpu.memory_space<hbm>>
    tpu.enqueue_indirect_dma source(%dma_start3A_39 : memref<10240x32xf32, #tpu.memory_space<hbm>>) target(%arg9 : memref<128x32xf32, #tpu.memory_space<vmem>>) offsets(%dma_start3A_36 : memref<128xi32, #tpu.memory_space<vmem>>) semaphore(%arg19 : memref<!tpu.dma_semaphore, #tpu.memory_space<semaphore_mem>>)
    %dma_start3A_40 = arith.constant 2 : i32
    %dma_start3A_41 = arith.constant 0 : i32
    %dma_start3A_42 = tpu.memref_slice %arg6[%dma_start3A_40, %dma_start3A_41] : memref<80x128xi32, #tpu.memory_space<vmem>> -> memref<1x128xi32, #tpu.memory_space<vmem>>
    %dma_start3A_43 = tpu.memref_squeeze %dma_start3A_42 : memref<1x128xi32, #tpu.memory_space<vmem>> -> memref<128xi32, #tpu.memory_space<vmem>>
    %dma_start3A_44 = arith.constant 0 : i32
    %dma_start3A_45 = arith.constant 0 : i32
    %dma_start3A_46 = tpu.memref_slice %arg2[%dma_start3A_44, %dma_start3A_45] : memref<10240x32xf32, #tpu.memory_space<hbm>> -> memref<10240x32xf32, #tpu.memory_space<hbm>>
    tpu.enqueue_indirect_dma source(%dma_start3A_46 : memref<10240x32xf32, #tpu.memory_space<hbm>>) target(%arg10 : memref<128x32xf32, #tpu.memory_space<vmem>>) offsets(%dma_start3A_43 : memref<128xi32, #tpu.memory_space<vmem>>) semaphore(%arg20 : memref<!tpu.dma_semaphore, #tpu.memory_space<semaphore_mem>>)
    %dma_start3A_47 = arith.constant 3 : i32
    %dma_start3A_48 = arith.constant 0 : i32
    %dma_start3A_49 = tpu.memref_slice %arg6[%dma_start3A_47, %dma_start3A_48] : memref<80x128xi32, #tpu.memory_space<vmem>> -> memref<1x128xi32, #tpu.memory_space<vmem>>
    %dma_start3A_50 = tpu.memref_squeeze %dma_start3A_49 : memref<1x128xi32, #tpu.memory_space<vmem>> -> memref<128xi32, #tpu.memory_space<vmem>>
    %dma_start3A_51 = arith.constant 0 : i32
    %dma_start3A_52 = arith.constant 0 : i32
    %dma_start3A_53 = tpu.memref_slice %arg2[%dma_start3A_51, %dma_start3A_52] : memref<10240x32xf32, #tpu.memory_space<hbm>> -> memref<10240x32xf32, #tpu.memory_space<hbm>>
    tpu.enqueue_indirect_dma source(%dma_start3A_53 : memref<10240x32xf32, #tpu.memory_space<hbm>>) target(%arg11 : memref<128x32xf32, #tpu.memory_space<vmem>>) offsets(%dma_start3A_50 : memref<128xi32, #tpu.memory_space<vmem>>) semaphore(%arg21 : memref<!tpu.dma_semaphore, #tpu.memory_space<semaphore_mem>>)
    %dma_start3A_54 = arith.constant 4 : i32
    %dma_start3A_55 = arith.constant 0 : i32
    %dma_start3A_56 = tpu.memref_slice %arg6[%dma_start3A_54, %dma_start3A_55] : memref<80x128xi32, #tpu.memory_space<vmem>> -> memref<1x128xi32, #tpu.memory_space<vmem>>
    %dma_start3A_57 = tpu.memref_squeeze %dma_start3A_56 : memref<1x128xi32, #tpu.memory_space<vmem>> -> memref<128xi32, #tpu.memory_space<vmem>>
    %dma_start3A_58 = arith.constant 0 : i32
    %dma_start3A_59 = arith.constant 0 : i32
    %dma_start3A_60 = tpu.memref_slice %arg2[%dma_start3A_58, %dma_start3A_59] : memref<10240x32xf32, #tpu.memory_space<hbm>> -> memref<10240x32xf32, #tpu.memory_space<hbm>>
    tpu.enqueue_indirect_dma source(%dma_start3A_60 : memref<10240x32xf32, #tpu.memory_space<hbm>>) target(%arg12 : memref<128x32xf32, #tpu.memory_space<vmem>>) offsets(%dma_start3A_57 : memref<128xi32, #tpu.memory_space<vmem>>) semaphore(%arg22 : memref<!tpu.dma_semaphore, #tpu.memory_space<semaphore_mem>>)
    %dma_start3A_61 = arith.constant 5 : i32
    %dma_start3A_62 = arith.constant 0 : i32
    %dma_start3A_63 = tpu.memref_slice %arg6[%dma_start3A_61, %dma_start3A_62] : memref<80x128xi32, #tpu.memory_space<vmem>> -> memref<1x128xi32, #tpu.memory_space<vmem>>
    %dma_start3A_64 = tpu.memref_squeeze %dma_start3A_63 : memref<1x128xi32, #tpu.memory_space<vmem>> -> memref<128xi32, #tpu.memory_space<vmem>>
    %dma_start3A_65 = arith.constant 0 : i32
    %dma_start3A_66 = arith.constant 0 : i32
    %dma_start3A_67 = tpu.memref_slice %arg2[%dma_start3A_65, %dma_start3A_66] : memref<10240x32xf32, #tpu.memory_space<hbm>> -> memref<10240x32xf32, #tpu.memory_space<hbm>>
    tpu.enqueue_indirect_dma source(%dma_start3A_67 : memref<10240x32xf32, #tpu.memory_space<hbm>>) target(%arg13 : memref<128x32xf32, #tpu.memory_space<vmem>>) offsets(%dma_start3A_64 : memref<128xi32, #tpu.memory_space<vmem>>) semaphore(%arg23 : memref<!tpu.dma_semaphore, #tpu.memory_space<semaphore_mem>>)
    %dma_start3A_68 = arith.constant 6 : i32
    %dma_start3A_69 = arith.constant 0 : i32
    %dma_start3A_70 = tpu.memref_slice %arg6[%dma_start3A_68, %dma_start3A_69] : memref<80x128xi32, #tpu.memory_space<vmem>> -> memref<1x128xi32, #tpu.memory_space<vmem>>
    %dma_start3A_71 = tpu.memref_squeeze %dma_start3A_70 : memref<1x128xi32, #tpu.memory_space<vmem>> -> memref<128xi32, #tpu.memory_space<vmem>>
    %dma_start3A_72 = arith.constant 0 : i32
    %dma_start3A_73 = arith.constant 0 : i32
    %dma_start3A_74 = tpu.memref_slice %arg2[%dma_start3A_72, %dma_start3A_73] : memref<10240x32xf32, #tpu.memory_space<hbm>> -> memref<10240x32xf32, #tpu.memory_space<hbm>>
    tpu.enqueue_indirect_dma source(%dma_start3A_74 : memref<10240x32xf32, #tpu.memory_space<hbm>>) target(%arg14 : memref<128x32xf32, #tpu.memory_space<vmem>>) offsets(%dma_start3A_71 : memref<128xi32, #tpu.memory_space<vmem>>) semaphore(%arg24 : memref<!tpu.dma_semaphore, #tpu.memory_space<semaphore_mem>>)
    %dma_start3A_75 = arith.constant 7 : i32
    %dma_start3A_76 = arith.constant 0 : i32
    %dma_start3A_77 = tpu.memref_slice %arg6[%dma_start3A_75, %dma_start3A_76] : memref<80x128xi32, #tpu.memory_space<vmem>> -> memref<1x128xi32, #tpu.memory_space<vmem>>
    %dma_start3A_78 = tpu.memref_squeeze %dma_start3A_77 : memref<1x128xi32, #tpu.memory_space<vmem>> -> memref<128xi32, #tpu.memory_space<vmem>>
    %dma_start3A_79 = arith.constant 0 : i32
    %dma_start3A_80 = arith.constant 0 : i32
    %dma_start3A_81 = tpu.memref_slice %arg2[%dma_start3A_79, %dma_start3A_80] : memref<10240x32xf32, #tpu.memory_space<hbm>> -> memref<10240x32xf32, #tpu.memory_space<hbm>>
    tpu.enqueue_indirect_dma source(%dma_start3A_81 : memref<10240x32xf32, #tpu.memory_space<hbm>>) target(%arg15 : memref<128x32xf32, #tpu.memory_space<vmem>>) offsets(%dma_start3A_78 : memref<128xi32, #tpu.memory_space<vmem>>) semaphore(%arg25 : memref<!tpu.dma_semaphore, #tpu.memory_space<semaphore_mem>>)
    %scan3A_82 = arith.constant 0 : i32
    %scan3A_83 = arith.constant 9 : i32
    %scan3A_84 = arith.addi %scan3A_82, %scan3A_83 : i32
    %scan3A_85 = arith.constant 1 : i32
    scf.for %scan3A_260 = %scan3A_82 to %scan3A_84 step %scan3A_85  : i32 {
      %mul3A_261 = arith.constant 8 : i32
      %mul3A_262 = arith.muli %scan3A_260, %mul3A_261 : i32
      %add3A_263 = arith.constant 0 : i32
      %add3A_264 = arith.addi %add3A_263, %mul3A_262 : i32
      %add3A_265 = arith.constant 0 : i32
      %add3A_266 = arith.addi %add3A_264, %add3A_265 : i32
      %dma_wait3A_267 = arith.constant 0 : i32
      %dma_wait3A_268 = tpu.memref_slice %arg6[%add3A_266, %dma_wait3A_267] : memref<80x128xi32, #tpu.memory_space<vmem>> -> memref<1x128xi32, #tpu.memory_space<vmem>>
      %dma_wait3A_269 = tpu.memref_squeeze %dma_wait3A_268 : memref<1x128xi32, #tpu.memory_space<vmem>> -> memref<128xi32, #tpu.memory_space<vmem>>
      %dma_wait3A_270 = arith.constant 0 : i32
      %dma_wait3A_271 = arith.constant 0 : i32
      %dma_wait3A_272 = tpu.memref_slice %arg2[%dma_wait3A_270, %dma_wait3A_271] : memref<10240x32xf32, #tpu.memory_space<hbm>> -> memref<10240x32xf32, #tpu.memory_space<hbm>>
      tpu.wait_indirect_dma semaphore(%arg18 : memref<!tpu.dma_semaphore, #tpu.memory_space<semaphore_mem>>) src(%dma_wait3A_272 : memref<10240x32xf32, #tpu.memory_space<hbm>>) dst(%arg8 : memref<128x32xf32, #tpu.memory_space<vmem>>)
      %add3A_273 = arith.constant 0 : i32
      %add3A_274 = arith.addi %add3A_264, %add3A_273 : i32
      %dma_start3A_275 = arith.constant 0 : i32
      %dma_start3A_276 = tpu.memref_slice %arg7[%add3A_274, %dma_start3A_275] : memref<80x128xi32, #tpu.memory_space<vmem>> -> memref<1x128xi32, #tpu.memory_space<vmem>>
      %dma_start3A_277 = tpu.memref_squeeze %dma_start3A_276 : memref<1x128xi32, #tpu.memory_space<vmem>> -> memref<128xi32, #tpu.memory_space<vmem>>
      %dma_start3A_278 = arith.constant 0 : i32
      %dma_start3A_279 = arith.constant 0 : i32
      %dma_start3A_280 = tpu.memref_slice %arg17[%dma_start3A_278, %dma_start3A_279] : memref<10240x32xf32, #tpu.memory_space<vmem_shared>> -> memref<10240x32xf32, #tpu.memory_space<vmem_shared>>
      tpu.enqueue_indirect_dma source(%arg8 : memref<128x32xf32, #tpu.memory_space<vmem>>) target(%dma_start3A_280 : memref<10240x32xf32, #tpu.memory_space<vmem_shared>>) offsets(%dma_start3A_277 : memref<128xi32, #tpu.memory_space<vmem>>) semaphore(%arg26 : memref<!tpu.dma_semaphore, #tpu.memory_space<semaphore_mem>>) {add = true}
      %add3A_281 = arith.constant 1 : i32
      %add3A_282 = arith.addi %add3A_264, %add3A_281 : i32
      %dma_wait3A_283 = arith.constant 0 : i32
      %dma_wait3A_284 = tpu.memref_slice %arg6[%add3A_282, %dma_wait3A_283] : memref<80x128xi32, #tpu.memory_space<vmem>> -> memref<1x128xi32, #tpu.memory_space<vmem>>
      %dma_wait3A_285 = tpu.memref_squeeze %dma_wait3A_284 : memref<1x128xi32, #tpu.memory_space<vmem>> -> memref<128xi32, #tpu.memory_space<vmem>>
      %dma_wait3A_286 = arith.constant 0 : i32
      %dma_wait3A_287 = arith.constant 0 : i32
      %dma_wait3A_288 = tpu.memref_slice %arg2[%dma_wait3A_286, %dma_wait3A_287] : memref<10240x32xf32, #tpu.memory_space<hbm>> -> memref<10240x32xf32, #tpu.memory_space<hbm>>
      tpu.wait_indirect_dma semaphore(%arg19 : memref<!tpu.dma_semaphore, #tpu.memory_space<semaphore_mem>>) src(%dma_wait3A_288 : memref<10240x32xf32, #tpu.memory_space<hbm>>) dst(%arg9 : memref<128x32xf32, #tpu.memory_space<vmem>>)
      %add3A_289 = arith.constant 1 : i32
      %add3A_290 = arith.addi %add3A_264, %add3A_289 : i32
      %dma_start3A_291 = arith.constant 0 : i32
      %dma_start3A_292 = tpu.memref_slice %arg7[%add3A_290, %dma_start3A_291] : memref<80x128xi32, #tpu.memory_space<vmem>> -> memref<1x128xi32, #tpu.memory_space<vmem>>
      %dma_start3A_293 = tpu.memref_squeeze %dma_start3A_292 : memref<1x128xi32, #tpu.memory_space<vmem>> -> memref<128xi32, #tpu.memory_space<vmem>>
      %dma_start3A_294 = arith.constant 0 : i32
      %dma_start3A_295 = arith.constant 0 : i32
      %dma_start3A_296 = tpu.memref_slice %arg17[%dma_start3A_294, %dma_start3A_295] : memref<10240x32xf32, #tpu.memory_space<vmem_shared>> -> memref<10240x32xf32, #tpu.memory_space<vmem_shared>>
      tpu.enqueue_indirect_dma source(%arg9 : memref<128x32xf32, #tpu.memory_space<vmem>>) target(%dma_start3A_296 : memref<10240x32xf32, #tpu.memory_space<vmem_shared>>) offsets(%dma_start3A_293 : memref<128xi32, #tpu.memory_space<vmem>>) semaphore(%arg27 : memref<!tpu.dma_semaphore, #tpu.memory_space<semaphore_mem>>) {add = true}
      %add3A_297 = arith.constant 2 : i32
      %add3A_298 = arith.addi %add3A_264, %add3A_297 : i32
      %dma_wait3A_299 = arith.constant 0 : i32
      %dma_wait3A_300 = tpu.memref_slice %arg6[%add3A_298, %dma_wait3A_299] : memref<80x128xi32, #tpu.memory_space<vmem>> -> memref<1x128xi32, #tpu.memory_space<vmem>>
      %dma_wait3A_301 = tpu.memref_squeeze %dma_wait3A_300 : memref<1x128xi32, #tpu.memory_space<vmem>> -> memref<128xi32, #tpu.memory_space<vmem>>
      %dma_wait3A_302 = arith.constant 0 : i32
      %dma_wait3A_303 = arith.constant 0 : i32
      %dma_wait3A_304 = tpu.memref_slice %arg2[%dma_wait3A_302, %dma_wait3A_303] : memref<10240x32xf32, #tpu.memory_space<hbm>> -> memref<10240x32xf32, #tpu.memory_space<hbm>>
      tpu.wait_indirect_dma semaphore(%arg20 : memref<!tpu.dma_semaphore, #tpu.memory_space<semaphore_mem>>) src(%dma_wait3A_304 : memref<10240x32xf32, #tpu.memory_space<hbm>>) dst(%arg10 : memref<128x32xf32, #tpu.memory_space<vmem>>)
      %add3A_305 = arith.constant 2 : i32
      %add3A_306 = arith.addi %add3A_264, %add3A_305 : i32
      %dma_start3A_307 = arith.constant 0 : i32
      %dma_start3A_308 = tpu.memref_slice %arg7[%add3A_306, %dma_start3A_307] : memref<80x128xi32, #tpu.memory_space<vmem>> -> memref<1x128xi32, #tpu.memory_space<vmem>>
      %dma_start3A_309 = tpu.memref_squeeze %dma_start3A_308 : memref<1x128xi32, #tpu.memory_space<vmem>> -> memref<128xi32, #tpu.memory_space<vmem>>
      %dma_start3A_310 = arith.constant 0 : i32
      %dma_start3A_311 = arith.constant 0 : i32
      %dma_start3A_312 = tpu.memref_slice %arg17[%dma_start3A_310, %dma_start3A_311] : memref<10240x32xf32, #tpu.memory_space<vmem_shared>> -> memref<10240x32xf32, #tpu.memory_space<vmem_shared>>
      tpu.enqueue_indirect_dma source(%arg10 : memref<128x32xf32, #tpu.memory_space<vmem>>) target(%dma_start3A_312 : memref<10240x32xf32, #tpu.memory_space<vmem_shared>>) offsets(%dma_start3A_309 : memref<128xi32, #tpu.memory_space<vmem>>) semaphore(%arg28 : memref<!tpu.dma_semaphore, #tpu.memory_space<semaphore_mem>>) {add = true}
      %add3A_313 = arith.constant 3 : i32
      %add3A_314 = arith.addi %add3A_264, %add3A_313 : i32
      %dma_wait3A_315 = arith.constant 0 : i32
      %dma_wait3A_316 = tpu.memref_slice %arg6[%add3A_314, %dma_wait3A_315] : memref<80x128xi32, #tpu.memory_space<vmem>> -> memref<1x128xi32, #tpu.memory_space<vmem>>
      %dma_wait3A_317 = tpu.memref_squeeze %dma_wait3A_316 : memref<1x128xi32, #tpu.memory_space<vmem>> -> memref<128xi32, #tpu.memory_space<vmem>>
      %dma_wait3A_318 = arith.constant 0 : i32
      %dma_wait3A_319 = arith.constant 0 : i32
      %dma_wait3A_320 = tpu.memref_slice %arg2[%dma_wait3A_318, %dma_wait3A_319] : memref<10240x32xf32, #tpu.memory_space<hbm>> -> memref<10240x32xf32, #tpu.memory_space<hbm>>
      tpu.wait_indirect_dma semaphore(%arg21 : memref<!tpu.dma_semaphore, #tpu.memory_space<semaphore_mem>>) src(%dma_wait3A_320 : memref<10240x32xf32, #tpu.memory_space<hbm>>) dst(%arg11 : memref<128x32xf32, #tpu.memory_space<vmem>>)
      %add3A_321 = arith.constant 3 : i32
      %add3A_322 = arith.addi %add3A_264, %add3A_321 : i32
      %dma_start3A_323 = arith.constant 0 : i32
      %dma_start3A_324 = tpu.memref_slice %arg7[%add3A_322, %dma_start3A_323] : memref<80x128xi32, #tpu.memory_space<vmem>> -> memref<1x128xi32, #tpu.memory_space<vmem>>
      %dma_start3A_325 = tpu.memref_squeeze %dma_start3A_324 : memref<1x128xi32, #tpu.memory_space<vmem>> -> memref<128xi32, #tpu.memory_space<vmem>>
      %dma_start3A_326 = arith.constant 0 : i32
      %dma_start3A_327 = arith.constant 0 : i32
      %dma_start3A_328 = tpu.memref_slice %arg17[%dma_start3A_326, %dma_start3A_327] : memref<10240x32xf32, #tpu.memory_space<vmem_shared>> -> memref<10240x32xf32, #tpu.memory_space<vmem_shared>>
      tpu.enqueue_indirect_dma source(%arg11 : memref<128x32xf32, #tpu.memory_space<vmem>>) target(%dma_start3A_328 : memref<10240x32xf32, #tpu.memory_space<vmem_shared>>) offsets(%dma_start3A_325 : memref<128xi32, #tpu.memory_space<vmem>>) semaphore(%arg29 : memref<!tpu.dma_semaphore, #tpu.memory_space<semaphore_mem>>) {add = true}
      %add3A_329 = arith.constant 4 : i32
      %add3A_330 = arith.addi %add3A_264, %add3A_329 : i32
      %dma_wait3A_331 = arith.constant 0 : i32
      %dma_wait3A_332 = tpu.memref_slice %arg6[%add3A_330, %dma_wait3A_331] : memref<80x128xi32, #tpu.memory_space<vmem>> -> memref<1x128xi32, #tpu.memory_space<vmem>>
      %dma_wait3A_333 = tpu.memref_squeeze %dma_wait3A_332 : memref<1x128xi32, #tpu.memory_space<vmem>> -> memref<128xi32, #tpu.memory_space<vmem>>
      %dma_wait3A_334 = arith.constant 0 : i32
      %dma_wait3A_335 = arith.constant 0 : i32
      %dma_wait3A_336 = tpu.memref_slice %arg2[%dma_wait3A_334, %dma_wait3A_335] : memref<10240x32xf32, #tpu.memory_space<hbm>> -> memref<10240x32xf32, #tpu.memory_space<hbm>>
      tpu.wait_indirect_dma semaphore(%arg22 : memref<!tpu.dma_semaphore, #tpu.memory_space<semaphore_mem>>) src(%dma_wait3A_336 : memref<10240x32xf32, #tpu.memory_space<hbm>>) dst(%arg12 : memref<128x32xf32, #tpu.memory_space<vmem>>)
      %add3A_337 = arith.constant 4 : i32
      %add3A_338 = arith.addi %add3A_264, %add3A_337 : i32
      %dma_start3A_339 = arith.constant 0 : i32
      %dma_start3A_340 = tpu.memref_slice %arg7[%add3A_338, %dma_start3A_339] : memref<80x128xi32, #tpu.memory_space<vmem>> -> memref<1x128xi32, #tpu.memory_space<vmem>>
      %dma_start3A_341 = tpu.memref_squeeze %dma_start3A_340 : memref<1x128xi32, #tpu.memory_space<vmem>> -> memref<128xi32, #tpu.memory_space<vmem>>
      %dma_start3A_342 = arith.constant 0 : i32
      %dma_start3A_343 = arith.constant 0 : i32
      %dma_start3A_344 = tpu.memref_slice %arg17[%dma_start3A_342, %dma_start3A_343] : memref<10240x32xf32, #tpu.memory_space<vmem_shared>> -> memref<10240x32xf32, #tpu.memory_space<vmem_shared>>
      tpu.enqueue_indirect_dma source(%arg12 : memref<128x32xf32, #tpu.memory_space<vmem>>) target(%dma_start3A_344 : memref<10240x32xf32, #tpu.memory_space<vmem_shared>>) offsets(%dma_start3A_341 : memref<128xi32, #tpu.memory_space<vmem>>) semaphore(%arg30 : memref<!tpu.dma_semaphore, #tpu.memory_space<semaphore_mem>>) {add = true}
      %add3A_345 = arith.constant 5 : i32
      %add3A_346 = arith.addi %add3A_264, %add3A_345 : i32
      %dma_wait3A_347 = arith.constant 0 : i32
      %dma_wait3A_348 = tpu.memref_slice %arg6[%add3A_346, %dma_wait3A_347] : memref<80x128xi32, #tpu.memory_space<vmem>> -> memref<1x128xi32, #tpu.memory_space<vmem>>
      %dma_wait3A_349 = tpu.memref_squeeze %dma_wait3A_348 : memref<1x128xi32, #tpu.memory_space<vmem>> -> memref<128xi32, #tpu.memory_space<vmem>>
      %dma_wait3A_350 = arith.constant 0 : i32
      %dma_wait3A_351 = arith.constant 0 : i32
      %dma_wait3A_352 = tpu.memref_slice %arg2[%dma_wait3A_350, %dma_wait3A_351] : memref<10240x32xf32, #tpu.memory_space<hbm>> -> memref<10240x32xf32, #tpu.memory_space<hbm>>
      tpu.wait_indirect_dma semaphore(%arg23 : memref<!tpu.dma_semaphore, #tpu.memory_space<semaphore_mem>>) src(%dma_wait3A_352 : memref<10240x32xf32, #tpu.memory_space<hbm>>) dst(%arg13 : memref<128x32xf32, #tpu.memory_space<vmem>>)
      %add3A_353 = arith.constant 5 : i32
      %add3A_354 = arith.addi %add3A_264, %add3A_353 : i32
      %dma_start3A_355 = arith.constant 0 : i32
      %dma_start3A_356 = tpu.memref_slice %arg7[%add3A_354, %dma_start3A_355] : memref<80x128xi32, #tpu.memory_space<vmem>> -> memref<1x128xi32, #tpu.memory_space<vmem>>
      %dma_start3A_357 = tpu.memref_squeeze %dma_start3A_356 : memref<1x128xi32, #tpu.memory_space<vmem>> -> memref<128xi32, #tpu.memory_space<vmem>>
      %dma_start3A_358 = arith.constant 0 : i32
      %dma_start3A_359 = arith.constant 0 : i32
      %dma_start3A_360 = tpu.memref_slice %arg17[%dma_start3A_358, %dma_start3A_359] : memref<10240x32xf32, #tpu.memory_space<vmem_shared>> -> memref<10240x32xf32, #tpu.memory_space<vmem_shared>>
      tpu.enqueue_indirect_dma source(%arg13 : memref<128x32xf32, #tpu.memory_space<vmem>>) target(%dma_start3A_360 : memref<10240x32xf32, #tpu.memory_space<vmem_shared>>) offsets(%dma_start3A_357 : memref<128xi32, #tpu.memory_space<vmem>>) semaphore(%arg31 : memref<!tpu.dma_semaphore, #tpu.memory_space<semaphore_mem>>) {add = true}
      %add3A_361 = arith.constant 6 : i32
      %add3A_362 = arith.addi %add3A_264, %add3A_361 : i32
      %dma_wait3A_363 = arith.constant 0 : i32
      %dma_wait3A_364 = tpu.memref_slice %arg6[%add3A_362, %dma_wait3A_363] : memref<80x128xi32, #tpu.memory_space<vmem>> -> memref<1x128xi32, #tpu.memory_space<vmem>>
      %dma_wait3A_365 = tpu.memref_squeeze %dma_wait3A_364 : memref<1x128xi32, #tpu.memory_space<vmem>> -> memref<128xi32, #tpu.memory_space<vmem>>
      %dma_wait3A_366 = arith.constant 0 : i32
      %dma_wait3A_367 = arith.constant 0 : i32
      %dma_wait3A_368 = tpu.memref_slice %arg2[%dma_wait3A_366, %dma_wait3A_367] : memref<10240x32xf32, #tpu.memory_space<hbm>> -> memref<10240x32xf32, #tpu.memory_space<hbm>>
      tpu.wait_indirect_dma semaphore(%arg24 : memref<!tpu.dma_semaphore, #tpu.memory_space<semaphore_mem>>) src(%dma_wait3A_368 : memref<10240x32xf32, #tpu.memory_space<hbm>>) dst(%arg14 : memref<128x32xf32, #tpu.memory_space<vmem>>)
      %add3A_369 = arith.constant 6 : i32
      %add3A_370 = arith.addi %add3A_264, %add3A_369 : i32
      %dma_start3A_371 = arith.constant 0 : i32
      %dma_start3A_372 = tpu.memref_slice %arg7[%add3A_370, %dma_start3A_371] : memref<80x128xi32, #tpu.memory_space<vmem>> -> memref<1x128xi32, #tpu.memory_space<vmem>>
      %dma_start3A_373 = tpu.memref_squeeze %dma_start3A_372 : memref<1x128xi32, #tpu.memory_space<vmem>> -> memref<128xi32, #tpu.memory_space<vmem>>
      %dma_start3A_374 = arith.constant 0 : i32
      %dma_start3A_375 = arith.constant 0 : i32
      %dma_start3A_376 = tpu.memref_slice %arg17[%dma_start3A_374, %dma_start3A_375] : memref<10240x32xf32, #tpu.memory_space<vmem_shared>> -> memref<10240x32xf32, #tpu.memory_space<vmem_shared>>
      tpu.enqueue_indirect_dma source(%arg14 : memref<128x32xf32, #tpu.memory_space<vmem>>) target(%dma_start3A_376 : memref<10240x32xf32, #tpu.memory_space<vmem_shared>>) offsets(%dma_start3A_373 : memref<128xi32, #tpu.memory_space<vmem>>) semaphore(%arg32 : memref<!tpu.dma_semaphore, #tpu.memory_space<semaphore_mem>>) {add = true}
      %add3A_377 = arith.constant 7 : i32
      %add3A_378 = arith.addi %add3A_264, %add3A_377 : i32
      %dma_wait3A_379 = arith.constant 0 : i32
      %dma_wait3A_380 = tpu.memref_slice %arg6[%add3A_378, %dma_wait3A_379] : memref<80x128xi32, #tpu.memory_space<vmem>> -> memref<1x128xi32, #tpu.memory_space<vmem>>
      %dma_wait3A_381 = tpu.memref_squeeze %dma_wait3A_380 : memref<1x128xi32, #tpu.memory_space<vmem>> -> memref<128xi32, #tpu.memory_space<vmem>>
      %dma_wait3A_382 = arith.constant 0 : i32
      %dma_wait3A_383 = arith.constant 0 : i32
      %dma_wait3A_384 = tpu.memref_slice %arg2[%dma_wait3A_382, %dma_wait3A_383] : memref<10240x32xf32, #tpu.memory_space<hbm>> -> memref<10240x32xf32, #tpu.memory_space<hbm>>
      tpu.wait_indirect_dma semaphore(%arg25 : memref<!tpu.dma_semaphore, #tpu.memory_space<semaphore_mem>>) src(%dma_wait3A_384 : memref<10240x32xf32, #tpu.memory_space<hbm>>) dst(%arg15 : memref<128x32xf32, #tpu.memory_space<vmem>>)
      %add3A_385 = arith.constant 7 : i32
      %add3A_386 = arith.addi %add3A_264, %add3A_385 : i32
      %dma_start3A_387 = arith.constant 0 : i32
      %dma_start3A_388 = tpu.memref_slice %arg7[%add3A_386, %dma_start3A_387] : memref<80x128xi32, #tpu.memory_space<vmem>> -> memref<1x128xi32, #tpu.memory_space<vmem>>
      %dma_start3A_389 = tpu.memref_squeeze %dma_start3A_388 : memref<1x128xi32, #tpu.memory_space<vmem>> -> memref<128xi32, #tpu.memory_space<vmem>>
      %dma_start3A_390 = arith.constant 0 : i32
      %dma_start3A_391 = arith.constant 0 : i32
      %dma_start3A_392 = tpu.memref_slice %arg17[%dma_start3A_390, %dma_start3A_391] : memref<10240x32xf32, #tpu.memory_space<vmem_shared>> -> memref<10240x32xf32, #tpu.memory_space<vmem_shared>>
      tpu.enqueue_indirect_dma source(%arg15 : memref<128x32xf32, #tpu.memory_space<vmem>>) target(%dma_start3A_392 : memref<10240x32xf32, #tpu.memory_space<vmem_shared>>) offsets(%dma_start3A_389 : memref<128xi32, #tpu.memory_space<vmem>>) semaphore(%arg33 : memref<!tpu.dma_semaphore, #tpu.memory_space<semaphore_mem>>) {add = true}
      %add3A_393 = arith.constant 0 : i32
      %add3A_394 = arith.addi %add3A_264, %add3A_393 : i32
      %dma_wait3A_395 = arith.constant 0 : i32
      %dma_wait3A_396 = tpu.memref_slice %arg7[%add3A_394, %dma_wait3A_395] : memref<80x128xi32, #tpu.memory_space<vmem>> -> memref<1x128xi32, #tpu.memory_space<vmem>>
      %dma_wait3A_397 = tpu.memref_squeeze %dma_wait3A_396 : memref<1x128xi32, #tpu.memory_space<vmem>> -> memref<128xi32, #tpu.memory_space<vmem>>
      %dma_wait3A_398 = arith.constant 0 : i32
      %dma_wait3A_399 = arith.constant 0 : i32
      %dma_wait3A_400 = tpu.memref_slice %arg17[%dma_wait3A_398, %dma_wait3A_399] : memref<10240x32xf32, #tpu.memory_space<vmem_shared>> -> memref<10240x32xf32, #tpu.memory_space<vmem_shared>>
      tpu.wait_indirect_dma semaphore(%arg26 : memref<!tpu.dma_semaphore, #tpu.memory_space<semaphore_mem>>) src(%arg8 : memref<128x32xf32, #tpu.memory_space<vmem>>) dst(%dma_wait3A_400 : memref<10240x32xf32, #tpu.memory_space<vmem_shared>>)
      %add3A_401 = arith.constant 8 : i32
      %add3A_402 = arith.addi %add3A_264, %add3A_401 : i32
      %add3A_403 = arith.constant 0 : i32
      %add3A_404 = arith.addi %add3A_402, %add3A_403 : i32
      %dma_start3A_405 = arith.constant 0 : i32
      %dma_start3A_406 = tpu.memref_slice %arg6[%add3A_404, %dma_start3A_405] : memref<80x128xi32, #tpu.memory_space<vmem>> -> memref<1x128xi32, #tpu.memory_space<vmem>>
      %dma_start3A_407 = tpu.memref_squeeze %dma_start3A_406 : memref<1x128xi32, #tpu.memory_space<vmem>> -> memref<128xi32, #tpu.memory_space<vmem>>
      %dma_start3A_408 = arith.constant 0 : i32
      %dma_start3A_409 = arith.constant 0 : i32
      %dma_start3A_410 = tpu.memref_slice %arg2[%dma_start3A_408, %dma_start3A_409] : memref<10240x32xf32, #tpu.memory_space<hbm>> -> memref<10240x32xf32, #tpu.memory_space<hbm>>
      tpu.enqueue_indirect_dma source(%dma_start3A_410 : memref<10240x32xf32, #tpu.memory_space<hbm>>) target(%arg8 : memref<128x32xf32, #tpu.memory_space<vmem>>) offsets(%dma_start3A_407 : memref<128xi32, #tpu.memory_space<vmem>>) semaphore(%arg18 : memref<!tpu.dma_semaphore, #tpu.memory_space<semaphore_mem>>)
      %add3A_411 = arith.constant 1 : i32
      %add3A_412 = arith.addi %add3A_264, %add3A_411 : i32
      %dma_wait3A_413 = arith.constant 0 : i32
      %dma_wait3A_414 = tpu.memref_slice %arg7[%add3A_412, %dma_wait3A_413] : memref<80x128xi32, #tpu.memory_space<vmem>> -> memref<1x128xi32, #tpu.memory_space<vmem>>
      %dma_wait3A_415 = tpu.memref_squeeze %dma_wait3A_414 : memref<1x128xi32, #tpu.memory_space<vmem>> -> memref<128xi32, #tpu.memory_space<vmem>>
      %dma_wait3A_416 = arith.constant 0 : i32
      %dma_wait3A_417 = arith.constant 0 : i32
      %dma_wait3A_418 = tpu.memref_slice %arg17[%dma_wait3A_416, %dma_wait3A_417] : memref<10240x32xf32, #tpu.memory_space<vmem_shared>> -> memref<10240x32xf32, #tpu.memory_space<vmem_shared>>
      tpu.wait_indirect_dma semaphore(%arg27 : memref<!tpu.dma_semaphore, #tpu.memory_space<semaphore_mem>>) src(%arg9 : memref<128x32xf32, #tpu.memory_space<vmem>>) dst(%dma_wait3A_418 : memref<10240x32xf32, #tpu.memory_space<vmem_shared>>)
      %add3A_419 = arith.constant 8 : i32
      %add3A_420 = arith.addi %add3A_264, %add3A_419 : i32
      %add3A_421 = arith.constant 1 : i32
      %add3A_422 = arith.addi %add3A_420, %add3A_421 : i32
      %dma_start3A_423 = arith.constant 0 : i32
      %dma_start3A_424 = tpu.memref_slice %arg6[%add3A_422, %dma_start3A_423] : memref<80x128xi32, #tpu.memory_space<vmem>> -> memref<1x128xi32, #tpu.memory_space<vmem>>
      %dma_start3A_425 = tpu.memref_squeeze %dma_start3A_424 : memref<1x128xi32, #tpu.memory_space<vmem>> -> memref<128xi32, #tpu.memory_space<vmem>>
      %dma_start3A_426 = arith.constant 0 : i32
      %dma_start3A_427 = arith.constant 0 : i32
      %dma_start3A_428 = tpu.memref_slice %arg2[%dma_start3A_426, %dma_start3A_427] : memref<10240x32xf32, #tpu.memory_space<hbm>> -> memref<10240x32xf32, #tpu.memory_space<hbm>>
      tpu.enqueue_indirect_dma source(%dma_start3A_428 : memref<10240x32xf32, #tpu.memory_space<hbm>>) target(%arg9 : memref<128x32xf32, #tpu.memory_space<vmem>>) offsets(%dma_start3A_425 : memref<128xi32, #tpu.memory_space<vmem>>) semaphore(%arg19 : memref<!tpu.dma_semaphore, #tpu.memory_space<semaphore_mem>>)
      %add3A_429 = arith.constant 2 : i32
      %add3A_430 = arith.addi %add3A_264, %add3A_429 : i32
      %dma_wait3A_431 = arith.constant 0 : i32
      %dma_wait3A_432 = tpu.memref_slice %arg7[%add3A_430, %dma_wait3A_431] : memref<80x128xi32, #tpu.memory_space<vmem>> -> memref<1x128xi32, #tpu.memory_space<vmem>>
      %dma_wait3A_433 = tpu.memref_squeeze %dma_wait3A_432 : memref<1x128xi32, #tpu.memory_space<vmem>> -> memref<128xi32, #tpu.memory_space<vmem>>
      %dma_wait3A_434 = arith.constant 0 : i32
      %dma_wait3A_435 = arith.constant 0 : i32
      %dma_wait3A_436 = tpu.memref_slice %arg17[%dma_wait3A_434, %dma_wait3A_435] : memref<10240x32xf32, #tpu.memory_space<vmem_shared>> -> memref<10240x32xf32, #tpu.memory_space<vmem_shared>>
      tpu.wait_indirect_dma semaphore(%arg28 : memref<!tpu.dma_semaphore, #tpu.memory_space<semaphore_mem>>) src(%arg10 : memref<128x32xf32, #tpu.memory_space<vmem>>) dst(%dma_wait3A_436 : memref<10240x32xf32, #tpu.memory_space<vmem_shared>>)
      %add3A_437 = arith.constant 8 : i32
      %add3A_438 = arith.addi %add3A_264, %add3A_437 : i32
      %add3A_439 = arith.constant 2 : i32
      %add3A_440 = arith.addi %add3A_438, %add3A_439 : i32
      %dma_start3A_441 = arith.constant 0 : i32
      %dma_start3A_442 = tpu.memref_slice %arg6[%add3A_440, %dma_start3A_441] : memref<80x128xi32, #tpu.memory_space<vmem>> -> memref<1x128xi32, #tpu.memory_space<vmem>>
      %dma_start3A_443 = tpu.memref_squeeze %dma_start3A_442 : memref<1x128xi32, #tpu.memory_space<vmem>> -> memref<128xi32, #tpu.memory_space<vmem>>
      %dma_start3A_444 = arith.constant 0 : i32
      %dma_start3A_445 = arith.constant 0 : i32
      %dma_start3A_446 = tpu.memref_slice %arg2[%dma_start3A_444, %dma_start3A_445] : memref<10240x32xf32, #tpu.memory_space<hbm>> -> memref<10240x32xf32, #tpu.memory_space<hbm>>
      tpu.enqueue_indirect_dma source(%dma_start3A_446 : memref<10240x32xf32, #tpu.memory_space<hbm>>) target(%arg10 : memref<128x32xf32, #tpu.memory_space<vmem>>) offsets(%dma_start3A_443 : memref<128xi32, #tpu.memory_space<vmem>>) semaphore(%arg20 : memref<!tpu.dma_semaphore, #tpu.memory_space<semaphore_mem>>)
      %add3A_447 = arith.constant 3 : i32
      %add3A_448 = arith.addi %add3A_264, %add3A_447 : i32
      %dma_wait3A_449 = arith.constant 0 : i32
      %dma_wait3A_450 = tpu.memref_slice %arg7[%add3A_448, %dma_wait3A_449] : memref<80x128xi32, #tpu.memory_space<vmem>> -> memref<1x128xi32, #tpu.memory_space<vmem>>
      %dma_wait3A_451 = tpu.memref_squeeze %dma_wait3A_450 : memref<1x128xi32, #tpu.memory_space<vmem>> -> memref<128xi32, #tpu.memory_space<vmem>>
      %dma_wait3A_452 = arith.constant 0 : i32
      %dma_wait3A_453 = arith.constant 0 : i32
      %dma_wait3A_454 = tpu.memref_slice %arg17[%dma_wait3A_452, %dma_wait3A_453] : memref<10240x32xf32, #tpu.memory_space<vmem_shared>> -> memref<10240x32xf32, #tpu.memory_space<vmem_shared>>
      tpu.wait_indirect_dma semaphore(%arg29 : memref<!tpu.dma_semaphore, #tpu.memory_space<semaphore_mem>>) src(%arg11 : memref<128x32xf32, #tpu.memory_space<vmem>>) dst(%dma_wait3A_454 : memref<10240x32xf32, #tpu.memory_space<vmem_shared>>)
      %add3A_455 = arith.constant 8 : i32
      %add3A_456 = arith.addi %add3A_264, %add3A_455 : i32
      %add3A_457 = arith.constant 3 : i32
      %add3A_458 = arith.addi %add3A_456, %add3A_457 : i32
      %dma_start3A_459 = arith.constant 0 : i32
      %dma_start3A_460 = tpu.memref_slice %arg6[%add3A_458, %dma_start3A_459] : memref<80x128xi32, #tpu.memory_space<vmem>> -> memref<1x128xi32, #tpu.memory_space<vmem>>
      %dma_start3A_461 = tpu.memref_squeeze %dma_start3A_460 : memref<1x128xi32, #tpu.memory_space<vmem>> -> memref<128xi32, #tpu.memory_space<vmem>>
      %dma_start3A_462 = arith.constant 0 : i32
      %dma_start3A_463 = arith.constant 0 : i32
      %dma_start3A_464 = tpu.memref_slice %arg2[%dma_start3A_462, %dma_start3A_463] : memref<10240x32xf32, #tpu.memory_space<hbm>> -> memref<10240x32xf32, #tpu.memory_space<hbm>>
      tpu.enqueue_indirect_dma source(%dma_start3A_464 : memref<10240x32xf32, #tpu.memory_space<hbm>>) target(%arg11 : memref<128x32xf32, #tpu.memory_space<vmem>>) offsets(%dma_start3A_461 : memref<128xi32, #tpu.memory_space<vmem>>) semaphore(%arg21 : memref<!tpu.dma_semaphore, #tpu.memory_space<semaphore_mem>>)
      %add3A_465 = arith.constant 4 : i32
      %add3A_466 = arith.addi %add3A_264, %add3A_465 : i32
      %dma_wait3A_467 = arith.constant 0 : i32
      %dma_wait3A_468 = tpu.memref_slice %arg7[%add3A_466, %dma_wait3A_467] : memref<80x128xi32, #tpu.memory_space<vmem>> -> memref<1x128xi32, #tpu.memory_space<vmem>>
      %dma_wait3A_469 = tpu.memref_squeeze %dma_wait3A_468 : memref<1x128xi32, #tpu.memory_space<vmem>> -> memref<128xi32, #tpu.memory_space<vmem>>
      %dma_wait3A_470 = arith.constant 0 : i32
      %dma_wait3A_471 = arith.constant 0 : i32
      %dma_wait3A_472 = tpu.memref_slice %arg17[%dma_wait3A_470, %dma_wait3A_471] : memref<10240x32xf32, #tpu.memory_space<vmem_shared>> -> memref<10240x32xf32, #tpu.memory_space<vmem_shared>>
      tpu.wait_indirect_dma semaphore(%arg30 : memref<!tpu.dma_semaphore, #tpu.memory_space<semaphore_mem>>) src(%arg12 : memref<128x32xf32, #tpu.memory_space<vmem>>) dst(%dma_wait3A_472 : memref<10240x32xf32, #tpu.memory_space<vmem_shared>>)
      %add3A_473 = arith.constant 8 : i32
      %add3A_474 = arith.addi %add3A_264, %add3A_473 : i32
      %add3A_475 = arith.constant 4 : i32
      %add3A_476 = arith.addi %add3A_474, %add3A_475 : i32
      %dma_start3A_477 = arith.constant 0 : i32
      %dma_start3A_478 = tpu.memref_slice %arg6[%add3A_476, %dma_start3A_477] : memref<80x128xi32, #tpu.memory_space<vmem>> -> memref<1x128xi32, #tpu.memory_space<vmem>>
      %dma_start3A_479 = tpu.memref_squeeze %dma_start3A_478 : memref<1x128xi32, #tpu.memory_space<vmem>> -> memref<128xi32, #tpu.memory_space<vmem>>
      %dma_start3A_480 = arith.constant 0 : i32
      %dma_start3A_481 = arith.constant 0 : i32
      %dma_start3A_482 = tpu.memref_slice %arg2[%dma_start3A_480, %dma_start3A_481] : memref<10240x32xf32, #tpu.memory_space<hbm>> -> memref<10240x32xf32, #tpu.memory_space<hbm>>
      tpu.enqueue_indirect_dma source(%dma_start3A_482 : memref<10240x32xf32, #tpu.memory_space<hbm>>) target(%arg12 : memref<128x32xf32, #tpu.memory_space<vmem>>) offsets(%dma_start3A_479 : memref<128xi32, #tpu.memory_space<vmem>>) semaphore(%arg22 : memref<!tpu.dma_semaphore, #tpu.memory_space<semaphore_mem>>)
      %add3A_483 = arith.constant 5 : i32
      %add3A_484 = arith.addi %add3A_264, %add3A_483 : i32
      %dma_wait3A_485 = arith.constant 0 : i32
      %dma_wait3A_486 = tpu.memref_slice %arg7[%add3A_484, %dma_wait3A_485] : memref<80x128xi32, #tpu.memory_space<vmem>> -> memref<1x128xi32, #tpu.memory_space<vmem>>
      %dma_wait3A_487 = tpu.memref_squeeze %dma_wait3A_486 : memref<1x128xi32, #tpu.memory_space<vmem>> -> memref<128xi32, #tpu.memory_space<vmem>>
      %dma_wait3A_488 = arith.constant 0 : i32
      %dma_wait3A_489 = arith.constant 0 : i32
      %dma_wait3A_490 = tpu.memref_slice %arg17[%dma_wait3A_488, %dma_wait3A_489] : memref<10240x32xf32, #tpu.memory_space<vmem_shared>> -> memref<10240x32xf32, #tpu.memory_space<vmem_shared>>
      tpu.wait_indirect_dma semaphore(%arg31 : memref<!tpu.dma_semaphore, #tpu.memory_space<semaphore_mem>>) src(%arg13 : memref<128x32xf32, #tpu.memory_space<vmem>>) dst(%dma_wait3A_490 : memref<10240x32xf32, #tpu.memory_space<vmem_shared>>)
      %add3A_491 = arith.constant 8 : i32
      %add3A_492 = arith.addi %add3A_264, %add3A_491 : i32
      %add3A_493 = arith.constant 5 : i32
      %add3A_494 = arith.addi %add3A_492, %add3A_493 : i32
      %dma_start3A_495 = arith.constant 0 : i32
      %dma_start3A_496 = tpu.memref_slice %arg6[%add3A_494, %dma_start3A_495] : memref<80x128xi32, #tpu.memory_space<vmem>> -> memref<1x128xi32, #tpu.memory_space<vmem>>
      %dma_start3A_497 = tpu.memref_squeeze %dma_start3A_496 : memref<1x128xi32, #tpu.memory_space<vmem>> -> memref<128xi32, #tpu.memory_space<vmem>>
      %dma_start3A_498 = arith.constant 0 : i32
      %dma_start3A_499 = arith.constant 0 : i32
      %dma_start3A_500 = tpu.memref_slice %arg2[%dma_start3A_498, %dma_start3A_499] : memref<10240x32xf32, #tpu.memory_space<hbm>> -> memref<10240x32xf32, #tpu.memory_space<hbm>>
      tpu.enqueue_indirect_dma source(%dma_start3A_500 : memref<10240x32xf32, #tpu.memory_space<hbm>>) target(%arg13 : memref<128x32xf32, #tpu.memory_space<vmem>>) offsets(%dma_start3A_497 : memref<128xi32, #tpu.memory_space<vmem>>) semaphore(%arg23 : memref<!tpu.dma_semaphore, #tpu.memory_space<semaphore_mem>>)
      %add3A_501 = arith.constant 6 : i32
      %add3A_502 = arith.addi %add3A_264, %add3A_501 : i32
      %dma_wait3A_503 = arith.constant 0 : i32
      %dma_wait3A_504 = tpu.memref_slice %arg7[%add3A_502, %dma_wait3A_503] : memref<80x128xi32, #tpu.memory_space<vmem>> -> memref<1x128xi32, #tpu.memory_space<vmem>>
      %dma_wait3A_505 = tpu.memref_squeeze %dma_wait3A_504 : memref<1x128xi32, #tpu.memory_space<vmem>> -> memref<128xi32, #tpu.memory_space<vmem>>
      %dma_wait3A_506 = arith.constant 0 : i32
      %dma_wait3A_507 = arith.constant 0 : i32
      %dma_wait3A_508 = tpu.memref_slice %arg17[%dma_wait3A_506, %dma_wait3A_507] : memref<10240x32xf32, #tpu.memory_space<vmem_shared>> -> memref<10240x32xf32, #tpu.memory_space<vmem_shared>>
      tpu.wait_indirect_dma semaphore(%arg32 : memref<!tpu.dma_semaphore, #tpu.memory_space<semaphore_mem>>) src(%arg14 : memref<128x32xf32, #tpu.memory_space<vmem>>) dst(%dma_wait3A_508 : memref<10240x32xf32, #tpu.memory_space<vmem_shared>>)
      %add3A_509 = arith.constant 8 : i32
      %add3A_510 = arith.addi %add3A_264, %add3A_509 : i32
      %add3A_511 = arith.constant 6 : i32
      %add3A_512 = arith.addi %add3A_510, %add3A_511 : i32
      %dma_start3A_513 = arith.constant 0 : i32
      %dma_start3A_514 = tpu.memref_slice %arg6[%add3A_512, %dma_start3A_513] : memref<80x128xi32, #tpu.memory_space<vmem>> -> memref<1x128xi32, #tpu.memory_space<vmem>>
      %dma_start3A_515 = tpu.memref_squeeze %dma_start3A_514 : memref<1x128xi32, #tpu.memory_space<vmem>> -> memref<128xi32, #tpu.memory_space<vmem>>
      %dma_start3A_516 = arith.constant 0 : i32
      %dma_start3A_517 = arith.constant 0 : i32
      %dma_start3A_518 = tpu.memref_slice %arg2[%dma_start3A_516, %dma_start3A_517] : memref<10240x32xf32, #tpu.memory_space<hbm>> -> memref<10240x32xf32, #tpu.memory_space<hbm>>
      tpu.enqueue_indirect_dma source(%dma_start3A_518 : memref<10240x32xf32, #tpu.memory_space<hbm>>) target(%arg14 : memref<128x32xf32, #tpu.memory_space<vmem>>) offsets(%dma_start3A_515 : memref<128xi32, #tpu.memory_space<vmem>>) semaphore(%arg24 : memref<!tpu.dma_semaphore, #tpu.memory_space<semaphore_mem>>)
      %add3A_519 = arith.constant 7 : i32
      %add3A_520 = arith.addi %add3A_264, %add3A_519 : i32
      %dma_wait3A_521 = arith.constant 0 : i32
      %dma_wait3A_522 = tpu.memref_slice %arg7[%add3A_520, %dma_wait3A_521] : memref<80x128xi32, #tpu.memory_space<vmem>> -> memref<1x128xi32, #tpu.memory_space<vmem>>
      %dma_wait3A_523 = tpu.memref_squeeze %dma_wait3A_522 : memref<1x128xi32, #tpu.memory_space<vmem>> -> memref<128xi32, #tpu.memory_space<vmem>>
      %dma_wait3A_524 = arith.constant 0 : i32
      %dma_wait3A_525 = arith.constant 0 : i32
      %dma_wait3A_526 = tpu.memref_slice %arg17[%dma_wait3A_524, %dma_wait3A_525] : memref<10240x32xf32, #tpu.memory_space<vmem_shared>> -> memref<10240x32xf32, #tpu.memory_space<vmem_shared>>
      tpu.wait_indirect_dma semaphore(%arg33 : memref<!tpu.dma_semaphore, #tpu.memory_space<semaphore_mem>>) src(%arg15 : memref<128x32xf32, #tpu.memory_space<vmem>>) dst(%dma_wait3A_526 : memref<10240x32xf32, #tpu.memory_space<vmem_shared>>)
      %add3A_527 = arith.constant 8 : i32
      %add3A_528 = arith.addi %add3A_264, %add3A_527 : i32
      %add3A_529 = arith.constant 7 : i32
      %add3A_530 = arith.addi %add3A_528, %add3A_529 : i32
      %dma_start3A_531 = arith.constant 0 : i32
      %dma_start3A_532 = tpu.memref_slice %arg6[%add3A_530, %dma_start3A_531] : memref<80x128xi32, #tpu.memory_space<vmem>> -> memref<1x128xi32, #tpu.memory_space<vmem>>
      %dma_start3A_533 = tpu.memref_squeeze %dma_start3A_532 : memref<1x128xi32, #tpu.memory_space<vmem>> -> memref<128xi32, #tpu.memory_space<vmem>>
      %dma_start3A_534 = arith.constant 0 : i32
      %dma_start3A_535 = arith.constant 0 : i32
      %dma_start3A_536 = tpu.memref_slice %arg2[%dma_start3A_534, %dma_start3A_535] : memref<10240x32xf32, #tpu.memory_space<hbm>> -> memref<10240x32xf32, #tpu.memory_space<hbm>>
      tpu.enqueue_indirect_dma source(%dma_start3A_536 : memref<10240x32xf32, #tpu.memory_space<hbm>>) target(%arg15 : memref<128x32xf32, #tpu.memory_space<vmem>>) offsets(%dma_start3A_533 : memref<128xi32, #tpu.memory_space<vmem>>) semaphore(%arg25 : memref<!tpu.dma_semaphore, #tpu.memory_space<semaphore_mem>>)
    }
    %scan3A_86 = arith.constant 9 : i32
    %dma_wait3A_87 = arith.constant 72 : i32
    %dma_wait3A_88 = arith.constant 0 : i32
    %dma_wait3A_89 = tpu.memref_slice %arg6[%dma_wait3A_87, %dma_wait3A_88] : memref<80x128xi32, #tpu.memory_space<vmem>> -> memref<1x128xi32, #tpu.memory_space<vmem>>
    %dma_wait3A_90 = tpu.memref_squeeze %dma_wait3A_89 : memref<1x128xi32, #tpu.memory_space<vmem>> -> memref<128xi32, #tpu.memory_space<vmem>>
    %dma_wait3A_91 = arith.constant 0 : i32
    %dma_wait3A_92 = arith.constant 0 : i32
    %dma_wait3A_93 = tpu.memref_slice %arg2[%dma_wait3A_91, %dma_wait3A_92] : memref<10240x32xf32, #tpu.memory_space<hbm>> -> memref<10240x32xf32, #tpu.memory_space<hbm>>
    tpu.wait_indirect_dma semaphore(%arg18 : memref<!tpu.dma_semaphore, #tpu.memory_space<semaphore_mem>>) src(%dma_wait3A_93 : memref<10240x32xf32, #tpu.memory_space<hbm>>) dst(%arg8 : memref<128x32xf32, #tpu.memory_space<vmem>>)
    %dma_start3A_94 = arith.constant 72 : i32
    %dma_start3A_95 = arith.constant 0 : i32
    %dma_start3A_96 = tpu.memref_slice %arg7[%dma_start3A_94, %dma_start3A_95] : memref<80x128xi32, #tpu.memory_space<vmem>> -> memref<1x128xi32, #tpu.memory_space<vmem>>
    %dma_start3A_97 = tpu.memref_squeeze %dma_start3A_96 : memref<1x128xi32, #tpu.memory_space<vmem>> -> memref<128xi32, #tpu.memory_space<vmem>>
    %dma_start3A_98 = arith.constant 0 : i32
    %dma_start3A_99 = arith.constant 0 : i32
    %dma_start3A_100 = tpu.memref_slice %arg17[%dma_start3A_98, %dma_start3A_99] : memref<10240x32xf32, #tpu.memory_space<vmem_shared>> -> memref<10240x32xf32, #tpu.memory_space<vmem_shared>>
    tpu.enqueue_indirect_dma source(%arg8 : memref<128x32xf32, #tpu.memory_space<vmem>>) target(%dma_start3A_100 : memref<10240x32xf32, #tpu.memory_space<vmem_shared>>) offsets(%dma_start3A_97 : memref<128xi32, #tpu.memory_space<vmem>>) semaphore(%arg26 : memref<!tpu.dma_semaphore, #tpu.memory_space<semaphore_mem>>) {add = true}
    %dma_wait3A_101 = arith.constant 73 : i32
    %dma_wait3A_102 = arith.constant 0 : i32
    %dma_wait3A_103 = tpu.memref_slice %arg6[%dma_wait3A_101, %dma_wait3A_102] : memref<80x128xi32, #tpu.memory_space<vmem>> -> memref<1x128xi32, #tpu.memory_space<vmem>>
    %dma_wait3A_104 = tpu.memref_squeeze %dma_wait3A_103 : memref<1x128xi32, #tpu.memory_space<vmem>> -> memref<128xi32, #tpu.memory_space<vmem>>
    %dma_wait3A_105 = arith.constant 0 : i32
    %dma_wait3A_106 = arith.constant 0 : i32
    %dma_wait3A_107 = tpu.memref_slice %arg2[%dma_wait3A_105, %dma_wait3A_106] : memref<10240x32xf32, #tpu.memory_space<hbm>> -> memref<10240x32xf32, #tpu.memory_space<hbm>>
    tpu.wait_indirect_dma semaphore(%arg19 : memref<!tpu.dma_semaphore, #tpu.memory_space<semaphore_mem>>) src(%dma_wait3A_107 : memref<10240x32xf32, #tpu.memory_space<hbm>>) dst(%arg9 : memref<128x32xf32, #tpu.memory_space<vmem>>)
    %dma_start3A_108 = arith.constant 73 : i32
    %dma_start3A_109 = arith.constant 0 : i32
    %dma_start3A_110 = tpu.memref_slice %arg7[%dma_start3A_108, %dma_start3A_109] : memref<80x128xi32, #tpu.memory_space<vmem>> -> memref<1x128xi32, #tpu.memory_space<vmem>>
    %dma_start3A_111 = tpu.memref_squeeze %dma_start3A_110 : memref<1x128xi32, #tpu.memory_space<vmem>> -> memref<128xi32, #tpu.memory_space<vmem>>
    %dma_start3A_112 = arith.constant 0 : i32
    %dma_start3A_113 = arith.constant 0 : i32
    %dma_start3A_114 = tpu.memref_slice %arg17[%dma_start3A_112, %dma_start3A_113] : memref<10240x32xf32, #tpu.memory_space<vmem_shared>> -> memref<10240x32xf32, #tpu.memory_space<vmem_shared>>
    tpu.enqueue_indirect_dma source(%arg9 : memref<128x32xf32, #tpu.memory_space<vmem>>) target(%dma_start3A_114 : memref<10240x32xf32, #tpu.memory_space<vmem_shared>>) offsets(%dma_start3A_111 : memref<128xi32, #tpu.memory_space<vmem>>) semaphore(%arg27 : memref<!tpu.dma_semaphore, #tpu.memory_space<semaphore_mem>>) {add = true}
    %dma_wait3A_115 = arith.constant 74 : i32
    %dma_wait3A_116 = arith.constant 0 : i32
    %dma_wait3A_117 = tpu.memref_slice %arg6[%dma_wait3A_115, %dma_wait3A_116] : memref<80x128xi32, #tpu.memory_space<vmem>> -> memref<1x128xi32, #tpu.memory_space<vmem>>
    %dma_wait3A_118 = tpu.memref_squeeze %dma_wait3A_117 : memref<1x128xi32, #tpu.memory_space<vmem>> -> memref<128xi32, #tpu.memory_space<vmem>>
    %dma_wait3A_119 = arith.constant 0 : i32
    %dma_wait3A_120 = arith.constant 0 : i32
    %dma_wait3A_121 = tpu.memref_slice %arg2[%dma_wait3A_119, %dma_wait3A_120] : memref<10240x32xf32, #tpu.memory_space<hbm>> -> memref<10240x32xf32, #tpu.memory_space<hbm>>
    tpu.wait_indirect_dma semaphore(%arg20 : memref<!tpu.dma_semaphore, #tpu.memory_space<semaphore_mem>>) src(%dma_wait3A_121 : memref<10240x32xf32, #tpu.memory_space<hbm>>) dst(%arg10 : memref<128x32xf32, #tpu.memory_space<vmem>>)
    %dma_start3A_122 = arith.constant 74 : i32
    %dma_start3A_123 = arith.constant 0 : i32
    %dma_start3A_124 = tpu.memref_slice %arg7[%dma_start3A_122, %dma_start3A_123] : memref<80x128xi32, #tpu.memory_space<vmem>> -> memref<1x128xi32, #tpu.memory_space<vmem>>
    %dma_start3A_125 = tpu.memref_squeeze %dma_start3A_124 : memref<1x128xi32, #tpu.memory_space<vmem>> -> memref<128xi32, #tpu.memory_space<vmem>>
    %dma_start3A_126 = arith.constant 0 : i32
    %dma_start3A_127 = arith.constant 0 : i32
    %dma_start3A_128 = tpu.memref_slice %arg17[%dma_start3A_126, %dma_start3A_127] : memref<10240x32xf32, #tpu.memory_space<vmem_shared>> -> memref<10240x32xf32, #tpu.memory_space<vmem_shared>>
    tpu.enqueue_indirect_dma source(%arg10 : memref<128x32xf32, #tpu.memory_space<vmem>>) target(%dma_start3A_128 : memref<10240x32xf32, #tpu.memory_space<vmem_shared>>) offsets(%dma_start3A_125 : memref<128xi32, #tpu.memory_space<vmem>>) semaphore(%arg28 : memref<!tpu.dma_semaphore, #tpu.memory_space<semaphore_mem>>) {add = true}
    %dma_wait3A_129 = arith.constant 75 : i32
    %dma_wait3A_130 = arith.constant 0 : i32
    %dma_wait3A_131 = tpu.memref_slice %arg6[%dma_wait3A_129, %dma_wait3A_130] : memref<80x128xi32, #tpu.memory_space<vmem>> -> memref<1x128xi32, #tpu.memory_space<vmem>>
    %dma_wait3A_132 = tpu.memref_squeeze %dma_wait3A_131 : memref<1x128xi32, #tpu.memory_space<vmem>> -> memref<128xi32, #tpu.memory_space<vmem>>
    %dma_wait3A_133 = arith.constant 0 : i32
    %dma_wait3A_134 = arith.constant 0 : i32
    %dma_wait3A_135 = tpu.memref_slice %arg2[%dma_wait3A_133, %dma_wait3A_134] : memref<10240x32xf32, #tpu.memory_space<hbm>> -> memref<10240x32xf32, #tpu.memory_space<hbm>>
    tpu.wait_indirect_dma semaphore(%arg21 : memref<!tpu.dma_semaphore, #tpu.memory_space<semaphore_mem>>) src(%dma_wait3A_135 : memref<10240x32xf32, #tpu.memory_space<hbm>>) dst(%arg11 : memref<128x32xf32, #tpu.memory_space<vmem>>)
    %dma_start3A_136 = arith.constant 75 : i32
    %dma_start3A_137 = arith.constant 0 : i32
    %dma_start3A_138 = tpu.memref_slice %arg7[%dma_start3A_136, %dma_start3A_137] : memref<80x128xi32, #tpu.memory_space<vmem>> -> memref<1x128xi32, #tpu.memory_space<vmem>>
    %dma_start3A_139 = tpu.memref_squeeze %dma_start3A_138 : memref<1x128xi32, #tpu.memory_space<vmem>> -> memref<128xi32, #tpu.memory_space<vmem>>
    %dma_start3A_140 = arith.constant 0 : i32
    %dma_start3A_141 = arith.constant 0 : i32
    %dma_start3A_142 = tpu.memref_slice %arg17[%dma_start3A_140, %dma_start3A_141] : memref<10240x32xf32, #tpu.memory_space<vmem_shared>> -> memref<10240x32xf32, #tpu.memory_space<vmem_shared>>
    tpu.enqueue_indirect_dma source(%arg11 : memref<128x32xf32, #tpu.memory_space<vmem>>) target(%dma_start3A_142 : memref<10240x32xf32, #tpu.memory_space<vmem_shared>>) offsets(%dma_start3A_139 : memref<128xi32, #tpu.memory_space<vmem>>) semaphore(%arg29 : memref<!tpu.dma_semaphore, #tpu.memory_space<semaphore_mem>>) {add = true}
    %dma_wait3A_143 = arith.constant 76 : i32
    %dma_wait3A_144 = arith.constant 0 : i32
    %dma_wait3A_145 = tpu.memref_slice %arg6[%dma_wait3A_143, %dma_wait3A_144] : memref<80x128xi32, #tpu.memory_space<vmem>> -> memref<1x128xi32, #tpu.memory_space<vmem>>
    %dma_wait3A_146 = tpu.memref_squeeze %dma_wait3A_145 : memref<1x128xi32, #tpu.memory_space<vmem>> -> memref<128xi32, #tpu.memory_space<vmem>>
    %dma_wait3A_147 = arith.constant 0 : i32
    %dma_wait3A_148 = arith.constant 0 : i32
    %dma_wait3A_149 = tpu.memref_slice %arg2[%dma_wait3A_147, %dma_wait3A_148] : memref<10240x32xf32, #tpu.memory_space<hbm>> -> memref<10240x32xf32, #tpu.memory_space<hbm>>
    tpu.wait_indirect_dma semaphore(%arg22 : memref<!tpu.dma_semaphore, #tpu.memory_space<semaphore_mem>>) src(%dma_wait3A_149 : memref<10240x32xf32, #tpu.memory_space<hbm>>) dst(%arg12 : memref<128x32xf32, #tpu.memory_space<vmem>>)
    %dma_start3A_150 = arith.constant 76 : i32
    %dma_start3A_151 = arith.constant 0 : i32
    %dma_start3A_152 = tpu.memref_slice %arg7[%dma_start3A_150, %dma_start3A_151] : memref<80x128xi32, #tpu.memory_space<vmem>> -> memref<1x128xi32, #tpu.memory_space<vmem>>
    %dma_start3A_153 = tpu.memref_squeeze %dma_start3A_152 : memref<1x128xi32, #tpu.memory_space<vmem>> -> memref<128xi32, #tpu.memory_space<vmem>>
    %dma_start3A_154 = arith.constant 0 : i32
    %dma_start3A_155 = arith.constant 0 : i32
    %dma_start3A_156 = tpu.memref_slice %arg17[%dma_start3A_154, %dma_start3A_155] : memref<10240x32xf32, #tpu.memory_space<vmem_shared>> -> memref<10240x32xf32, #tpu.memory_space<vmem_shared>>
    tpu.enqueue_indirect_dma source(%arg12 : memref<128x32xf32, #tpu.memory_space<vmem>>) target(%dma_start3A_156 : memref<10240x32xf32, #tpu.memory_space<vmem_shared>>) offsets(%dma_start3A_153 : memref<128xi32, #tpu.memory_space<vmem>>) semaphore(%arg30 : memref<!tpu.dma_semaphore, #tpu.memory_space<semaphore_mem>>) {add = true}
    %dma_wait3A_157 = arith.constant 77 : i32
    %dma_wait3A_158 = arith.constant 0 : i32
    %dma_wait3A_159 = tpu.memref_slice %arg6[%dma_wait3A_157, %dma_wait3A_158] : memref<80x128xi32, #tpu.memory_space<vmem>> -> memref<1x128xi32, #tpu.memory_space<vmem>>
    %dma_wait3A_160 = tpu.memref_squeeze %dma_wait3A_159 : memref<1x128xi32, #tpu.memory_space<vmem>> -> memref<128xi32, #tpu.memory_space<vmem>>
    %dma_wait3A_161 = arith.constant 0 : i32
    %dma_wait3A_162 = arith.constant 0 : i32
    %dma_wait3A_163 = tpu.memref_slice %arg2[%dma_wait3A_161, %dma_wait3A_162] : memref<10240x32xf32, #tpu.memory_space<hbm>> -> memref<10240x32xf32, #tpu.memory_space<hbm>>
    tpu.wait_indirect_dma semaphore(%arg23 : memref<!tpu.dma_semaphore, #tpu.memory_space<semaphore_mem>>) src(%dma_wait3A_163 : memref<10240x32xf32, #tpu.memory_space<hbm>>) dst(%arg13 : memref<128x32xf32, #tpu.memory_space<vmem>>)
    %dma_start3A_164 = arith.constant 77 : i32
    %dma_start3A_165 = arith.constant 0 : i32
    %dma_start3A_166 = tpu.memref_slice %arg7[%dma_start3A_164, %dma_start3A_165] : memref<80x128xi32, #tpu.memory_space<vmem>> -> memref<1x128xi32, #tpu.memory_space<vmem>>
    %dma_start3A_167 = tpu.memref_squeeze %dma_start3A_166 : memref<1x128xi32, #tpu.memory_space<vmem>> -> memref<128xi32, #tpu.memory_space<vmem>>
    %dma_start3A_168 = arith.constant 0 : i32
    %dma_start3A_169 = arith.constant 0 : i32
    %dma_start3A_170 = tpu.memref_slice %arg17[%dma_start3A_168, %dma_start3A_169] : memref<10240x32xf32, #tpu.memory_space<vmem_shared>> -> memref<10240x32xf32, #tpu.memory_space<vmem_shared>>
    tpu.enqueue_indirect_dma source(%arg13 : memref<128x32xf32, #tpu.memory_space<vmem>>) target(%dma_start3A_170 : memref<10240x32xf32, #tpu.memory_space<vmem_shared>>) offsets(%dma_start3A_167 : memref<128xi32, #tpu.memory_space<vmem>>) semaphore(%arg31 : memref<!tpu.dma_semaphore, #tpu.memory_space<semaphore_mem>>) {add = true}
    %dma_wait3A_171 = arith.constant 78 : i32
    %dma_wait3A_172 = arith.constant 0 : i32
    %dma_wait3A_173 = tpu.memref_slice %arg6[%dma_wait3A_171, %dma_wait3A_172] : memref<80x128xi32, #tpu.memory_space<vmem>> -> memref<1x128xi32, #tpu.memory_space<vmem>>
    %dma_wait3A_174 = tpu.memref_squeeze %dma_wait3A_173 : memref<1x128xi32, #tpu.memory_space<vmem>> -> memref<128xi32, #tpu.memory_space<vmem>>
    %dma_wait3A_175 = arith.constant 0 : i32
    %dma_wait3A_176 = arith.constant 0 : i32
    %dma_wait3A_177 = tpu.memref_slice %arg2[%dma_wait3A_175, %dma_wait3A_176] : memref<10240x32xf32, #tpu.memory_space<hbm>> -> memref<10240x32xf32, #tpu.memory_space<hbm>>
    tpu.wait_indirect_dma semaphore(%arg24 : memref<!tpu.dma_semaphore, #tpu.memory_space<semaphore_mem>>) src(%dma_wait3A_177 : memref<10240x32xf32, #tpu.memory_space<hbm>>) dst(%arg14 : memref<128x32xf32, #tpu.memory_space<vmem>>)
    %dma_start3A_178 = arith.constant 78 : i32
    %dma_start3A_179 = arith.constant 0 : i32
    %dma_start3A_180 = tpu.memref_slice %arg7[%dma_start3A_178, %dma_start3A_179] : memref<80x128xi32, #tpu.memory_space<vmem>> -> memref<1x128xi32, #tpu.memory_space<vmem>>
    %dma_start3A_181 = tpu.memref_squeeze %dma_start3A_180 : memref<1x128xi32, #tpu.memory_space<vmem>> -> memref<128xi32, #tpu.memory_space<vmem>>
    %dma_start3A_182 = arith.constant 0 : i32
    %dma_start3A_183 = arith.constant 0 : i32
    %dma_start3A_184 = tpu.memref_slice %arg17[%dma_start3A_182, %dma_start3A_183] : memref<10240x32xf32, #tpu.memory_space<vmem_shared>> -> memref<10240x32xf32, #tpu.memory_space<vmem_shared>>
    tpu.enqueue_indirect_dma source(%arg14 : memref<128x32xf32, #tpu.memory_space<vmem>>) target(%dma_start3A_184 : memref<10240x32xf32, #tpu.memory_space<vmem_shared>>) offsets(%dma_start3A_181 : memref<128xi32, #tpu.memory_space<vmem>>) semaphore(%arg32 : memref<!tpu.dma_semaphore, #tpu.memory_space<semaphore_mem>>) {add = true}
    %dma_wait3A_185 = arith.constant 79 : i32
    %dma_wait3A_186 = arith.constant 0 : i32
    %dma_wait3A_187 = tpu.memref_slice %arg6[%dma_wait3A_185, %dma_wait3A_186] : memref<80x128xi32, #tpu.memory_space<vmem>> -> memref<1x128xi32, #tpu.memory_space<vmem>>
    %dma_wait3A_188 = tpu.memref_squeeze %dma_wait3A_187 : memref<1x128xi32, #tpu.memory_space<vmem>> -> memref<128xi32, #tpu.memory_space<vmem>>
    %dma_wait3A_189 = arith.constant 0 : i32
    %dma_wait3A_190 = arith.constant 0 : i32
    %dma_wait3A_191 = tpu.memref_slice %arg2[%dma_wait3A_189, %dma_wait3A_190] : memref<10240x32xf32, #tpu.memory_space<hbm>> -> memref<10240x32xf32, #tpu.memory_space<hbm>>
    tpu.wait_indirect_dma semaphore(%arg25 : memref<!tpu.dma_semaphore, #tpu.memory_space<semaphore_mem>>) src(%dma_wait3A_191 : memref<10240x32xf32, #tpu.memory_space<hbm>>) dst(%arg15 : memref<128x32xf32, #tpu.memory_space<vmem>>)
    %dma_start3A_192 = arith.constant 79 : i32
    %dma_start3A_193 = arith.constant 0 : i32
    %dma_start3A_194 = tpu.memref_slice %arg7[%dma_start3A_192, %dma_start3A_193] : memref<80x128xi32, #tpu.memory_space<vmem>> -> memref<1x128xi32, #tpu.memory_space<vmem>>
    %dma_start3A_195 = tpu.memref_squeeze %dma_start3A_194 : memref<1x128xi32, #tpu.memory_space<vmem>> -> memref<128xi32, #tpu.memory_space<vmem>>
    %dma_start3A_196 = arith.constant 0 : i32
    %dma_start3A_197 = arith.constant 0 : i32
    %dma_start3A_198 = tpu.memref_slice %arg17[%dma_start3A_196, %dma_start3A_197] : memref<10240x32xf32, #tpu.memory_space<vmem_shared>> -> memref<10240x32xf32, #tpu.memory_space<vmem_shared>>
    tpu.enqueue_indirect_dma source(%arg15 : memref<128x32xf32, #tpu.memory_space<vmem>>) target(%dma_start3A_198 : memref<10240x32xf32, #tpu.memory_space<vmem_shared>>) offsets(%dma_start3A_195 : memref<128xi32, #tpu.memory_space<vmem>>) semaphore(%arg33 : memref<!tpu.dma_semaphore, #tpu.memory_space<semaphore_mem>>) {add = true}
    %dma_wait3A_199 = arith.constant 72 : i32
    %dma_wait3A_200 = arith.constant 0 : i32
    %dma_wait3A_201 = tpu.memref_slice %arg7[%dma_wait3A_199, %dma_wait3A_200] : memref<80x128xi32, #tpu.memory_space<vmem>> -> memref<1x128xi32, #tpu.memory_space<vmem>>
    %dma_wait3A_202 = tpu.memref_squeeze %dma_wait3A_201 : memref<1x128xi32, #tpu.memory_space<vmem>> -> memref<128xi32, #tpu.memory_space<vmem>>
    %dma_wait3A_203 = arith.constant 0 : i32
    %dma_wait3A_204 = arith.constant 0 : i32
    %dma_wait3A_205 = tpu.memref_slice %arg17[%dma_wait3A_203, %dma_wait3A_204] : memref<10240x32xf32, #tpu.memory_space<vmem_shared>> -> memref<10240x32xf32, #tpu.memory_space<vmem_shared>>
    tpu.wait_indirect_dma semaphore(%arg26 : memref<!tpu.dma_semaphore, #tpu.memory_space<semaphore_mem>>) src(%arg8 : memref<128x32xf32, #tpu.memory_space<vmem>>) dst(%dma_wait3A_205 : memref<10240x32xf32, #tpu.memory_space<vmem_shared>>)
    %dma_wait3A_206 = arith.constant 73 : i32
    %dma_wait3A_207 = arith.constant 0 : i32
    %dma_wait3A_208 = tpu.memref_slice %arg7[%dma_wait3A_206, %dma_wait3A_207] : memref<80x128xi32, #tpu.memory_space<vmem>> -> memref<1x128xi32, #tpu.memory_space<vmem>>
    %dma_wait3A_209 = tpu.memref_squeeze %dma_wait3A_208 : memref<1x128xi32, #tpu.memory_space<vmem>> -> memref<128xi32, #tpu.memory_space<vmem>>
    %dma_wait3A_210 = arith.constant 0 : i32
    %dma_wait3A_211 = arith.constant 0 : i32
    %dma_wait3A_212 = tpu.memref_slice %arg17[%dma_wait3A_210, %dma_wait3A_211] : memref<10240x32xf32, #tpu.memory_space<vmem_shared>> -> memref<10240x32xf32, #tpu.memory_space<vmem_shared>>
    tpu.wait_indirect_dma semaphore(%arg27 : memref<!tpu.dma_semaphore, #tpu.memory_space<semaphore_mem>>) src(%arg9 : memref<128x32xf32, #tpu.memory_space<vmem>>) dst(%dma_wait3A_212 : memref<10240x32xf32, #tpu.memory_space<vmem_shared>>)
    %dma_wait3A_213 = arith.constant 74 : i32
    %dma_wait3A_214 = arith.constant 0 : i32
    %dma_wait3A_215 = tpu.memref_slice %arg7[%dma_wait3A_213, %dma_wait3A_214] : memref<80x128xi32, #tpu.memory_space<vmem>> -> memref<1x128xi32, #tpu.memory_space<vmem>>
    %dma_wait3A_216 = tpu.memref_squeeze %dma_wait3A_215 : memref<1x128xi32, #tpu.memory_space<vmem>> -> memref<128xi32, #tpu.memory_space<vmem>>
    %dma_wait3A_217 = arith.constant 0 : i32
    %dma_wait3A_218 = arith.constant 0 : i32
    %dma_wait3A_219 = tpu.memref_slice %arg17[%dma_wait3A_217, %dma_wait3A_218] : memref<10240x32xf32, #tpu.memory_space<vmem_shared>> -> memref<10240x32xf32, #tpu.memory_space<vmem_shared>>
    tpu.wait_indirect_dma semaphore(%arg28 : memref<!tpu.dma_semaphore, #tpu.memory_space<semaphore_mem>>) src(%arg10 : memref<128x32xf32, #tpu.memory_space<vmem>>) dst(%dma_wait3A_219 : memref<10240x32xf32, #tpu.memory_space<vmem_shared>>)
    %dma_wait3A_220 = arith.constant 75 : i32
    %dma_wait3A_221 = arith.constant 0 : i32
    %dma_wait3A_222 = tpu.memref_slice %arg7[%dma_wait3A_220, %dma_wait3A_221] : memref<80x128xi32, #tpu.memory_space<vmem>> -> memref<1x128xi32, #tpu.memory_space<vmem>>
    %dma_wait3A_223 = tpu.memref_squeeze %dma_wait3A_222 : memref<1x128xi32, #tpu.memory_space<vmem>> -> memref<128xi32, #tpu.memory_space<vmem>>
    %dma_wait3A_224 = arith.constant 0 : i32
    %dma_wait3A_225 = arith.constant 0 : i32
    %dma_wait3A_226 = tpu.memref_slice %arg17[%dma_wait3A_224, %dma_wait3A_225] : memref<10240x32xf32, #tpu.memory_space<vmem_shared>> -> memref<10240x32xf32, #tpu.memory_space<vmem_shared>>
    tpu.wait_indirect_dma semaphore(%arg29 : memref<!tpu.dma_semaphore, #tpu.memory_space<semaphore_mem>>) src(%arg11 : memref<128x32xf32, #tpu.memory_space<vmem>>) dst(%dma_wait3A_226 : memref<10240x32xf32, #tpu.memory_space<vmem_shared>>)
    %dma_wait3A_227 = arith.constant 76 : i32
    %dma_wait3A_228 = arith.constant 0 : i32
    %dma_wait3A_229 = tpu.memref_slice %arg7[%dma_wait3A_227, %dma_wait3A_228] : memref<80x128xi32, #tpu.memory_space<vmem>> -> memref<1x128xi32, #tpu.memory_space<vmem>>
    %dma_wait3A_230 = tpu.memref_squeeze %dma_wait3A_229 : memref<1x128xi32, #tpu.memory_space<vmem>> -> memref<128xi32, #tpu.memory_space<vmem>>
    %dma_wait3A_231 = arith.constant 0 : i32
    %dma_wait3A_232 = arith.constant 0 : i32
    %dma_wait3A_233 = tpu.memref_slice %arg17[%dma_wait3A_231, %dma_wait3A_232] : memref<10240x32xf32, #tpu.memory_space<vmem_shared>> -> memref<10240x32xf32, #tpu.memory_space<vmem_shared>>
    tpu.wait_indirect_dma semaphore(%arg30 : memref<!tpu.dma_semaphore, #tpu.memory_space<semaphore_mem>>) src(%arg12 : memref<128x32xf32, #tpu.memory_space<vmem>>) dst(%dma_wait3A_233 : memref<10240x32xf32, #tpu.memory_space<vmem_shared>>)
    %dma_wait3A_234 = arith.constant 77 : i32
    %dma_wait3A_235 = arith.constant 0 : i32
    %dma_wait3A_236 = tpu.memref_slice %arg7[%dma_wait3A_234, %dma_wait3A_235] : memref<80x128xi32, #tpu.memory_space<vmem>> -> memref<1x128xi32, #tpu.memory_space<vmem>>
    %dma_wait3A_237 = tpu.memref_squeeze %dma_wait3A_236 : memref<1x128xi32, #tpu.memory_space<vmem>> -> memref<128xi32, #tpu.memory_space<vmem>>
    %dma_wait3A_238 = arith.constant 0 : i32
    %dma_wait3A_239 = arith.constant 0 : i32
    %dma_wait3A_240 = tpu.memref_slice %arg17[%dma_wait3A_238, %dma_wait3A_239] : memref<10240x32xf32, #tpu.memory_space<vmem_shared>> -> memref<10240x32xf32, #tpu.memory_space<vmem_shared>>
    tpu.wait_indirect_dma semaphore(%arg31 : memref<!tpu.dma_semaphore, #tpu.memory_space<semaphore_mem>>) src(%arg13 : memref<128x32xf32, #tpu.memory_space<vmem>>) dst(%dma_wait3A_240 : memref<10240x32xf32, #tpu.memory_space<vmem_shared>>)
    %dma_wait3A_241 = arith.constant 78 : i32
    %dma_wait3A_242 = arith.constant 0 : i32
    %dma_wait3A_243 = tpu.memref_slice %arg7[%dma_wait3A_241, %dma_wait3A_242] : memref<80x128xi32, #tpu.memory_space<vmem>> -> memref<1x128xi32, #tpu.memory_space<vmem>>
    %dma_wait3A_244 = tpu.memref_squeeze %dma_wait3A_243 : memref<1x128xi32, #tpu.memory_space<vmem>> -> memref<128xi32, #tpu.memory_space<vmem>>
    %dma_wait3A_245 = arith.constant 0 : i32
    %dma_wait3A_246 = arith.constant 0 : i32
    %dma_wait3A_247 = tpu.memref_slice %arg17[%dma_wait3A_245, %dma_wait3A_246] : memref<10240x32xf32, #tpu.memory_space<vmem_shared>> -> memref<10240x32xf32, #tpu.memory_space<vmem_shared>>
    tpu.wait_indirect_dma semaphore(%arg32 : memref<!tpu.dma_semaphore, #tpu.memory_space<semaphore_mem>>) src(%arg14 : memref<128x32xf32, #tpu.memory_space<vmem>>) dst(%dma_wait3A_247 : memref<10240x32xf32, #tpu.memory_space<vmem_shared>>)
    %dma_wait3A_248 = arith.constant 79 : i32
    %dma_wait3A_249 = arith.constant 0 : i32
    %dma_wait3A_250 = tpu.memref_slice %arg7[%dma_wait3A_248, %dma_wait3A_249] : memref<80x128xi32, #tpu.memory_space<vmem>> -> memref<1x128xi32, #tpu.memory_space<vmem>>
    %dma_wait3A_251 = tpu.memref_squeeze %dma_wait3A_250 : memref<1x128xi32, #tpu.memory_space<vmem>> -> memref<128xi32, #tpu.memory_space<vmem>>
    %dma_wait3A_252 = arith.constant 0 : i32
    %dma_wait3A_253 = arith.constant 0 : i32
    %dma_wait3A_254 = tpu.memref_slice %arg17[%dma_wait3A_252, %dma_wait3A_253] : memref<10240x32xf32, #tpu.memory_space<vmem_shared>> -> memref<10240x32xf32, #tpu.memory_space<vmem_shared>>
    tpu.wait_indirect_dma semaphore(%arg33 : memref<!tpu.dma_semaphore, #tpu.memory_space<semaphore_mem>>) src(%arg15 : memref<128x32xf32, #tpu.memory_space<vmem>>) dst(%dma_wait3A_254 : memref<10240x32xf32, #tpu.memory_space<vmem_shared>>)
    %barrier3A_255 = arith.constant 0 : index
    tpu.barrier barrier_id(%barrier3A_255)
    %mul3A_256 = arith.constant 640 : i32
    %mul3A_257 = arith.muli %arg1, %mul3A_256 : i32
    %mul3A_258 = arith.constant 640 : i32
    %mul3A_259 = arith.muli %arg1, %mul3A_258 : i32
    "tpu.region"() ({
      %run_scoped3A = tpu.sem_alloc : memref<!tpu.dma_semaphore, #tpu.memory_space<semaphore_mem>>
      %dma_start3A_260 = arith.constant 0 : i32
      %dma_start3A_261 = tpu.memref_slice %arg5[%arg0, %mul3A_259, %dma_start3A_260] : memref<2x10240x32xf32, #tpu.memory_space<hbm>> -> memref<1x640x32xf32, #tpu.memory_space<hbm>>
      %dma_start3A_262 = tpu.memref_squeeze %dma_start3A_261 : memref<1x640x32xf32, #tpu.memory_space<hbm>> -> memref<640x32xf32, #tpu.memory_space<hbm>>
      %dma_start3A_263 = arith.constant 0 : i32
      %dma_start3A_264 = tpu.memref_slice %arg17[%mul3A_257, %dma_start3A_263] : memref<10240x32xf32, #tpu.memory_space<vmem_shared>> -> memref<640x32xf32, #tpu.memory_space<vmem_shared>>
      tpu.enqueue_dma source(%dma_start3A_264 : memref<640x32xf32, #tpu.memory_space<vmem_shared>>) target(%dma_start3A_262 : memref<640x32xf32, #tpu.memory_space<hbm>>) target_semaphore(%run_scoped3A : memref<!tpu.dma_semaphore, #tpu.memory_space<semaphore_mem>>)
      %dma_wait3A_265 = arith.constant 0 : i32
      %dma_wait3A_266 = tpu.memref_slice %arg5[%arg0, %mul3A_259, %dma_wait3A_265] : memref<2x10240x32xf32, #tpu.memory_space<hbm>> -> memref<1x640x32xf32, #tpu.memory_space<hbm>>
      %dma_wait3A_267 = tpu.memref_squeeze %dma_wait3A_266 : memref<1x640x32xf32, #tpu.memory_space<hbm>> -> memref<640x32xf32, #tpu.memory_space<hbm>>
      %dma_wait3A_268 = arith.constant 0 : i32
      %dma_wait3A_269 = tpu.memref_slice %arg17[%mul3A_257, %dma_wait3A_268] : memref<10240x32xf32, #tpu.memory_space<vmem_shared>> -> memref<640x32xf32, #tpu.memory_space<vmem_shared>>
      tpu.wait_dma2 semaphore(%run_scoped3A : memref<!tpu.dma_semaphore, #tpu.memory_space<semaphore_mem>>) src(%dma_wait3A_269 : memref<640x32xf32, #tpu.memory_space<vmem_shared>>) dst(%dma_wait3A_267 : memref<640x32xf32, #tpu.memory_space<hbm>>)
      tpu.yield
    }) : () -> ()
    return
  }
}

#map = affine_map<(d0, d1) -> (0, 0)>
#map1 = affine_map<(d0, d1) -> (0, 0, 0)>
module attributes {stable_mosaic.version = 14 : i64} {
  func.func @_edge_scatter(%arg0: i32, %arg1: i32, %arg2: memref<10240x32xf32, #tpu.memory_space<hbm>>, %arg3: memref<2560x128xi32, #tpu.memory_space<hbm>>, %arg4: memref<2560x128xi32, #tpu.memory_space<hbm>>, %arg5: memref<2x10240x32xf32, #tpu.memory_space<hbm>>, %arg6: memref<80x128xi32, #tpu.memory_space<vmem>>, %arg7: memref<80x128xi32, #tpu.memory_space<vmem>>, %arg8: memref<128x32xf32, #tpu.memory_space<vmem>>, %arg9: memref<128x32xf32, #tpu.memory_space<vmem>>, %arg10: memref<128x32xf32, #tpu.memory_space<vmem>>, %arg11: memref<128x32xf32, #tpu.memory_space<vmem>>, %arg12: memref<128x32xf32, #tpu.memory_space<vmem>>, %arg13: memref<128x32xf32, #tpu.memory_space<vmem>>, %arg14: memref<128x32xf32, #tpu.memory_space<vmem>>, %arg15: memref<128x32xf32, #tpu.memory_space<vmem>>, %arg16: memref<640x32xf32, #tpu.memory_space<vmem>>, %arg17: memref<10240x32xf32, #tpu.memory_space<vmem_shared>>, %arg18: memref<!tpu.dma_semaphore, #tpu.memory_space<semaphore_mem>>, %arg19: memref<!tpu.dma_semaphore, #tpu.memory_space<semaphore_mem>>, %arg20: memref<!tpu.dma_semaphore, #tpu.memory_space<semaphore_mem>>, %arg21: memref<!tpu.dma_semaphore, #tpu.memory_space<semaphore_mem>>, %arg22: memref<!tpu.dma_semaphore, #tpu.memory_space<semaphore_mem>>, %arg23: memref<!tpu.dma_semaphore, #tpu.memory_space<semaphore_mem>>, %arg24: memref<!tpu.dma_semaphore, #tpu.memory_space<semaphore_mem>>, %arg25: memref<!tpu.dma_semaphore, #tpu.memory_space<semaphore_mem>>, %arg26: memref<!tpu.dma_semaphore, #tpu.memory_space<semaphore_mem>>, %arg27: memref<!tpu.dma_semaphore, #tpu.memory_space<semaphore_mem>>, %arg28: memref<!tpu.dma_semaphore, #tpu.memory_space<semaphore_mem>>, %arg29: memref<!tpu.dma_semaphore, #tpu.memory_space<semaphore_mem>>, %arg30: memref<!tpu.dma_semaphore, #tpu.memory_space<semaphore_mem>>, %arg31: memref<!tpu.dma_semaphore, #tpu.memory_space<semaphore_mem>>, %arg32: memref<!tpu.dma_semaphore, #tpu.memory_space<semaphore_mem>>, %arg33: memref<!tpu.dma_semaphore, #tpu.memory_space<semaphore_mem>>) attributes {dimension_semantics = [#tpu.dimension_semantics<core_parallel>, #tpu.dimension_semantics<subcore_parallel>], iteration_bounds = array<i64: 2, 16>, scalar_prefetch = 0 : i64, scratch_operands = 28 : i64, tpu.core_type = #tpu.core_type<sc_vector_subcore>, window_params = [{transform_indices = #map}, {transform_indices = #map}, {transform_indices = #map}, {transform_indices = #map1}]} {
    %mul3A = arith.constant 16 : i32
    %mul3A_0 = arith.muli %arg0, %mul3A : i32
    %add3A = arith.addi %mul3A_0, %arg1 : i32
    %mul3A_1 = arith.constant 80 : i32
    %mul3A_2 = arith.muli %add3A, %mul3A_1 : i32
    %mul3A_3 = arith.constant 80 : i32
    %mul3A_4 = arith.muli %add3A, %mul3A_3 : i32
    %dma_start3A = arith.constant 0 : i32
    %dma_start3A_5 = tpu.memref_slice %arg3[%mul3A_2, %dma_start3A] : memref<2560x128xi32, #tpu.memory_space<hbm>> -> memref<80x128xi32, #tpu.memory_space<hbm>>
    %dma_start3A_6 = arith.constant 0 : i32
    %dma_start3A_7 = tpu.memref_slice %arg3[%mul3A_2, %dma_start3A_6] : memref<2560x128xi32, #tpu.memory_space<hbm>> -> memref<80x128xi32, #tpu.memory_space<hbm>>
    tpu.enqueue_dma source(%dma_start3A_7 : memref<80x128xi32, #tpu.memory_space<hbm>>) target(%arg6 : memref<80x128xi32, #tpu.memory_space<vmem>>) target_semaphore(%arg18 : memref<!tpu.dma_semaphore, #tpu.memory_space<semaphore_mem>>)
    %dma_start3A_8 = arith.constant 0 : i32
    %dma_start3A_9 = tpu.memref_slice %arg4[%mul3A_4, %dma_start3A_8] : memref<2560x128xi32, #tpu.memory_space<hbm>> -> memref<80x128xi32, #tpu.memory_space<hbm>>
    %dma_start3A_10 = arith.constant 0 : i32
    %dma_start3A_11 = tpu.memref_slice %arg4[%mul3A_4, %dma_start3A_10] : memref<2560x128xi32, #tpu.memory_space<hbm>> -> memref<80x128xi32, #tpu.memory_space<hbm>>
    tpu.enqueue_dma source(%dma_start3A_11 : memref<80x128xi32, #tpu.memory_space<hbm>>) target(%arg7 : memref<80x128xi32, #tpu.memory_space<vmem>>) target_semaphore(%arg19 : memref<!tpu.dma_semaphore, #tpu.memory_space<semaphore_mem>>)
    %broadcast_in_dim3A = arith.constant 0.000000e+00 : f32
    %broadcast_in_dim3A_12 = vector.broadcast %broadcast_in_dim3A : f32 to vector<16xf32>
    %scan3A = arith.constant 0 : i32
    %scan3A_13 = arith.constant 640 : i32
    %scan3A_14 = arith.addi %scan3A, %scan3A_13 : i32
    %scan3A_15 = arith.constant 1 : i32
    scf.for %scan3A_260 = %scan3A to %scan3A_14 step %scan3A_15  : i32 {
      %mul3A_261 = arith.constant 1 : i32
      %mul3A_262 = arith.muli %scan3A_260, %mul3A_261 : i32
      %add3A_263 = arith.constant 0 : i32
      %add3A_264 = arith.addi %add3A_263, %mul3A_262 : i32
      %swap3A = arith.index_cast %add3A_264 : i32 to index
      %swap3A_265 = arith.constant 0 : index
      %swap3A_266 = tpu.vector_load %arg16[%swap3A, %swap3A_265] {strides = array<i32>} : memref<640x32xf32, #tpu.memory_space<vmem>>, vector<1x16xf32>,
      %swap3A_267 = vector.shape_cast %swap3A_266 : vector<1x16xf32> to vector<16xf32>
      %swap3A_268 = vector.shape_cast %broadcast_in_dim3A_12 : vector<16xf32> to vector<1x16xf32>
      tpu.vector_store %arg16[%swap3A, %swap3A_265], %swap3A_268 {strides = array<i32>} : memref<640x32xf32, #tpu.memory_space<vmem>>, vector<1x16xf32>,
      %swap3A_269 = arith.index_cast %add3A_264 : i32 to index
      %swap3A_270 = arith.constant 16 : index
      %swap3A_271 = tpu.vector_load %arg16[%swap3A_269, %swap3A_270] {strides = array<i32>} : memref<640x32xf32, #tpu.memory_space<vmem>>, vector<1x16xf32>,
      %swap3A_272 = vector.shape_cast %swap3A_271 : vector<1x16xf32> to vector<16xf32>
      %swap3A_273 = vector.shape_cast %broadcast_in_dim3A_12 : vector<16xf32> to vector<1x16xf32>
      tpu.vector_store %arg16[%swap3A_269, %swap3A_270], %swap3A_273 {strides = array<i32>} : memref<640x32xf32, #tpu.memory_space<vmem>>, vector<1x16xf32>,
    }
    %scan3A_16 = arith.constant 640 : i32
    %mul3A_17 = arith.constant 640 : i32
    %mul3A_18 = arith.muli %arg1, %mul3A_17 : i32
    "tpu.region"() ({
      %run_scoped3A = tpu.sem_alloc : memref<!tpu.dma_semaphore, #tpu.memory_space<semaphore_mem>>
      %dma_start3A_260 = arith.constant 0 : i32
      %dma_start3A_261 = tpu.memref_slice %arg17[%mul3A_18, %dma_start3A_260] : memref<10240x32xf32, #tpu.memory_space<vmem_shared>> -> memref<640x32xf32, #tpu.memory_space<vmem_shared>>
      %dma_start3A_262 = arith.constant 0 : i32
      %dma_start3A_263 = tpu.memref_slice %arg17[%mul3A_18, %dma_start3A_262] : memref<10240x32xf32, #tpu.memory_space<vmem_shared>> -> memref<640x32xf32, #tpu.memory_space<vmem_shared>>
      tpu.enqueue_dma source(%arg16 : memref<640x32xf32, #tpu.memory_space<vmem>>) target(%dma_start3A_263 : memref<640x32xf32, #tpu.memory_space<vmem_shared>>) target_semaphore(%run_scoped3A : memref<!tpu.dma_semaphore, #tpu.memory_space<semaphore_mem>>)
      %dma_wait3A_264 = arith.constant 0 : i32
      %dma_wait3A_265 = tpu.memref_slice %arg17[%mul3A_18, %dma_wait3A_264] : memref<10240x32xf32, #tpu.memory_space<vmem_shared>> -> memref<640x32xf32, #tpu.memory_space<vmem_shared>>
      %dma_wait3A_266 = arith.constant 0 : i32
      %dma_wait3A_267 = tpu.memref_slice %arg17[%mul3A_18, %dma_wait3A_266] : memref<10240x32xf32, #tpu.memory_space<vmem_shared>> -> memref<640x32xf32, #tpu.memory_space<vmem_shared>>
      tpu.wait_dma2 semaphore(%run_scoped3A : memref<!tpu.dma_semaphore, #tpu.memory_space<semaphore_mem>>) src(%arg16 : memref<640x32xf32, #tpu.memory_space<vmem>>) dst(%dma_wait3A_267 : memref<640x32xf32, #tpu.memory_space<vmem_shared>>)
      tpu.yield
    }) : () -> ()
    %dma_wait3A = arith.constant 0 : i32
    %dma_wait3A_19 = tpu.memref_slice %arg3[%mul3A_2, %dma_wait3A] : memref<2560x128xi32, #tpu.memory_space<hbm>> -> memref<80x128xi32, #tpu.memory_space<hbm>>
    %dma_wait3A_20 = arith.constant 0 : i32
    %dma_wait3A_21 = tpu.memref_slice %arg3[%mul3A_2, %dma_wait3A_20] : memref<2560x128xi32, #tpu.memory_space<hbm>> -> memref<80x128xi32, #tpu.memory_space<hbm>>
    tpu.wait_dma2 semaphore(%arg18 : memref<!tpu.dma_semaphore, #tpu.memory_space<semaphore_mem>>) src(%dma_wait3A_21 : memref<80x128xi32, #tpu.memory_space<hbm>>) dst(%arg6 : memref<80x128xi32, #tpu.memory_space<vmem>>)
    %dma_wait3A_22 = arith.constant 0 : i32
    %dma_wait3A_23 = tpu.memref_slice %arg4[%mul3A_4, %dma_wait3A_22] : memref<2560x128xi32, #tpu.memory_space<hbm>> -> memref<80x128xi32, #tpu.memory_space<hbm>>
    %dma_wait3A_24 = arith.constant 0 : i32
    %dma_wait3A_25 = tpu.memref_slice %arg4[%mul3A_4, %dma_wait3A_24] : memref<2560x128xi32, #tpu.memory_space<hbm>> -> memref<80x128xi32, #tpu.memory_space<hbm>>
    tpu.wait_dma2 semaphore(%arg19 : memref<!tpu.dma_semaphore, #tpu.memory_space<semaphore_mem>>) src(%dma_wait3A_25 : memref<80x128xi32, #tpu.memory_space<hbm>>) dst(%arg7 : memref<80x128xi32, #tpu.memory_space<vmem>>)
    %barrier3A = arith.constant 0 : index
    tpu.barrier barrier_id(%barrier3A)
    %dma_start3A_26 = arith.constant 0 : i32
    %dma_start3A_27 = arith.constant 0 : i32
    %dma_start3A_28 = tpu.memref_slice %arg6[%dma_start3A_26, %dma_start3A_27] : memref<80x128xi32, #tpu.memory_space<vmem>> -> memref<1x128xi32, #tpu.memory_space<vmem>>
    %dma_start3A_29 = tpu.memref_squeeze %dma_start3A_28 : memref<1x128xi32, #tpu.memory_space<vmem>> -> memref<128xi32, #tpu.memory_space<vmem>>
    %dma_start3A_30 = arith.constant 0 : i32
    %dma_start3A_31 = arith.constant 0 : i32
    %dma_start3A_32 = tpu.memref_slice %arg2[%dma_start3A_30, %dma_start3A_31] : memref<10240x32xf32, #tpu.memory_space<hbm>> -> memref<10240x32xf32, #tpu.memory_space<hbm>>
    tpu.enqueue_indirect_dma source(%dma_start3A_32 : memref<10240x32xf32, #tpu.memory_space<hbm>>) target(%arg8 : memref<128x32xf32, #tpu.memory_space<vmem>>) offsets(%dma_start3A_29 : memref<128xi32, #tpu.memory_space<vmem>>) semaphore(%arg18 : memref<!tpu.dma_semaphore, #tpu.memory_space<semaphore_mem>>)
    %dma_start3A_33 = arith.constant 1 : i32
    %dma_start3A_34 = arith.constant 0 : i32
    %dma_start3A_35 = tpu.memref_slice %arg6[%dma_start3A_33, %dma_start3A_34] : memref<80x128xi32, #tpu.memory_space<vmem>> -> memref<1x128xi32, #tpu.memory_space<vmem>>
    %dma_start3A_36 = tpu.memref_squeeze %dma_start3A_35 : memref<1x128xi32, #tpu.memory_space<vmem>> -> memref<128xi32, #tpu.memory_space<vmem>>
    %dma_start3A_37 = arith.constant 0 : i32
    %dma_start3A_38 = arith.constant 0 : i32
    %dma_start3A_39 = tpu.memref_slice %arg2[%dma_start3A_37, %dma_start3A_38] : memref<10240x32xf32, #tpu.memory_space<hbm>> -> memref<10240x32xf32, #tpu.memory_space<hbm>>
    tpu.enqueue_indirect_dma source(%dma_start3A_39 : memref<10240x32xf32, #tpu.memory_space<hbm>>) target(%arg9 : memref<128x32xf32, #tpu.memory_space<vmem>>) offsets(%dma_start3A_36 : memref<128xi32, #tpu.memory_space<vmem>>) semaphore(%arg19 : memref<!tpu.dma_semaphore, #tpu.memory_space<semaphore_mem>>)
    %dma_start3A_40 = arith.constant 2 : i32
    %dma_start3A_41 = arith.constant 0 : i32
    %dma_start3A_42 = tpu.memref_slice %arg6[%dma_start3A_40, %dma_start3A_41] : memref<80x128xi32, #tpu.memory_space<vmem>> -> memref<1x128xi32, #tpu.memory_space<vmem>>
    %dma_start3A_43 = tpu.memref_squeeze %dma_start3A_42 : memref<1x128xi32, #tpu.memory_space<vmem>> -> memref<128xi32, #tpu.memory_space<vmem>>
    %dma_start3A_44 = arith.constant 0 : i32
    %dma_start3A_45 = arith.constant 0 : i32
    %dma_start3A_46 = tpu.memref_slice %arg2[%dma_start3A_44, %dma_start3A_45] : memref<10240x32xf32, #tpu.memory_space<hbm>> -> memref<10240x32xf32, #tpu.memory_space<hbm>>
    tpu.enqueue_indirect_dma source(%dma_start3A_46 : memref<10240x32xf32, #tpu.memory_space<hbm>>) target(%arg10 : memref<128x32xf32, #tpu.memory_space<vmem>>) offsets(%dma_start3A_43 : memref<128xi32, #tpu.memory_space<vmem>>) semaphore(%arg20 : memref<!tpu.dma_semaphore, #tpu.memory_space<semaphore_mem>>)
    %dma_start3A_47 = arith.constant 3 : i32
    %dma_start3A_48 = arith.constant 0 : i32
    %dma_start3A_49 = tpu.memref_slice %arg6[%dma_start3A_47, %dma_start3A_48] : memref<80x128xi32, #tpu.memory_space<vmem>> -> memref<1x128xi32, #tpu.memory_space<vmem>>
    %dma_start3A_50 = tpu.memref_squeeze %dma_start3A_49 : memref<1x128xi32, #tpu.memory_space<vmem>> -> memref<128xi32, #tpu.memory_space<vmem>>
    %dma_start3A_51 = arith.constant 0 : i32
    %dma_start3A_52 = arith.constant 0 : i32
    %dma_start3A_53 = tpu.memref_slice %arg2[%dma_start3A_51, %dma_start3A_52] : memref<10240x32xf32, #tpu.memory_space<hbm>> -> memref<10240x32xf32, #tpu.memory_space<hbm>>
    tpu.enqueue_indirect_dma source(%dma_start3A_53 : memref<10240x32xf32, #tpu.memory_space<hbm>>) target(%arg11 : memref<128x32xf32, #tpu.memory_space<vmem>>) offsets(%dma_start3A_50 : memref<128xi32, #tpu.memory_space<vmem>>) semaphore(%arg21 : memref<!tpu.dma_semaphore, #tpu.memory_space<semaphore_mem>>)
    %dma_start3A_54 = arith.constant 4 : i32
    %dma_start3A_55 = arith.constant 0 : i32
    %dma_start3A_56 = tpu.memref_slice %arg6[%dma_start3A_54, %dma_start3A_55] : memref<80x128xi32, #tpu.memory_space<vmem>> -> memref<1x128xi32, #tpu.memory_space<vmem>>
    %dma_start3A_57 = tpu.memref_squeeze %dma_start3A_56 : memref<1x128xi32, #tpu.memory_space<vmem>> -> memref<128xi32, #tpu.memory_space<vmem>>
    %dma_start3A_58 = arith.constant 0 : i32
    %dma_start3A_59 = arith.constant 0 : i32
    %dma_start3A_60 = tpu.memref_slice %arg2[%dma_start3A_58, %dma_start3A_59] : memref<10240x32xf32, #tpu.memory_space<hbm>> -> memref<10240x32xf32, #tpu.memory_space<hbm>>
    tpu.enqueue_indirect_dma source(%dma_start3A_60 : memref<10240x32xf32, #tpu.memory_space<hbm>>) target(%arg12 : memref<128x32xf32, #tpu.memory_space<vmem>>) offsets(%dma_start3A_57 : memref<128xi32, #tpu.memory_space<vmem>>) semaphore(%arg22 : memref<!tpu.dma_semaphore, #tpu.memory_space<semaphore_mem>>)
    %dma_start3A_61 = arith.constant 5 : i32
    %dma_start3A_62 = arith.constant 0 : i32
    %dma_start3A_63 = tpu.memref_slice %arg6[%dma_start3A_61, %dma_start3A_62] : memref<80x128xi32, #tpu.memory_space<vmem>> -> memref<1x128xi32, #tpu.memory_space<vmem>>
    %dma_start3A_64 = tpu.memref_squeeze %dma_start3A_63 : memref<1x128xi32, #tpu.memory_space<vmem>> -> memref<128xi32, #tpu.memory_space<vmem>>
    %dma_start3A_65 = arith.constant 0 : i32
    %dma_start3A_66 = arith.constant 0 : i32
    %dma_start3A_67 = tpu.memref_slice %arg2[%dma_start3A_65, %dma_start3A_66] : memref<10240x32xf32, #tpu.memory_space<hbm>> -> memref<10240x32xf32, #tpu.memory_space<hbm>>
    tpu.enqueue_indirect_dma source(%dma_start3A_67 : memref<10240x32xf32, #tpu.memory_space<hbm>>) target(%arg13 : memref<128x32xf32, #tpu.memory_space<vmem>>) offsets(%dma_start3A_64 : memref<128xi32, #tpu.memory_space<vmem>>) semaphore(%arg23 : memref<!tpu.dma_semaphore, #tpu.memory_space<semaphore_mem>>)
    %dma_start3A_68 = arith.constant 6 : i32
    %dma_start3A_69 = arith.constant 0 : i32
    %dma_start3A_70 = tpu.memref_slice %arg6[%dma_start3A_68, %dma_start3A_69] : memref<80x128xi32, #tpu.memory_space<vmem>> -> memref<1x128xi32, #tpu.memory_space<vmem>>
    %dma_start3A_71 = tpu.memref_squeeze %dma_start3A_70 : memref<1x128xi32, #tpu.memory_space<vmem>> -> memref<128xi32, #tpu.memory_space<vmem>>
    %dma_start3A_72 = arith.constant 0 : i32
    %dma_start3A_73 = arith.constant 0 : i32
    %dma_start3A_74 = tpu.memref_slice %arg2[%dma_start3A_72, %dma_start3A_73] : memref<10240x32xf32, #tpu.memory_space<hbm>> -> memref<10240x32xf32, #tpu.memory_space<hbm>>
    tpu.enqueue_indirect_dma source(%dma_start3A_74 : memref<10240x32xf32, #tpu.memory_space<hbm>>) target(%arg14 : memref<128x32xf32, #tpu.memory_space<vmem>>) offsets(%dma_start3A_71 : memref<128xi32, #tpu.memory_space<vmem>>) semaphore(%arg24 : memref<!tpu.dma_semaphore, #tpu.memory_space<semaphore_mem>>)
    %dma_start3A_75 = arith.constant 7 : i32
    %dma_start3A_76 = arith.constant 0 : i32
    %dma_start3A_77 = tpu.memref_slice %arg6[%dma_start3A_75, %dma_start3A_76] : memref<80x128xi32, #tpu.memory_space<vmem>> -> memref<1x128xi32, #tpu.memory_space<vmem>>
    %dma_start3A_78 = tpu.memref_squeeze %dma_start3A_77 : memref<1x128xi32, #tpu.memory_space<vmem>> -> memref<128xi32, #tpu.memory_space<vmem>>
    %dma_start3A_79 = arith.constant 0 : i32
    %dma_start3A_80 = arith.constant 0 : i32
    %dma_start3A_81 = tpu.memref_slice %arg2[%dma_start3A_79, %dma_start3A_80] : memref<10240x32xf32, #tpu.memory_space<hbm>> -> memref<10240x32xf32, #tpu.memory_space<hbm>>
    tpu.enqueue_indirect_dma source(%dma_start3A_81 : memref<10240x32xf32, #tpu.memory_space<hbm>>) target(%arg15 : memref<128x32xf32, #tpu.memory_space<vmem>>) offsets(%dma_start3A_78 : memref<128xi32, #tpu.memory_space<vmem>>) semaphore(%arg25 : memref<!tpu.dma_semaphore, #tpu.memory_space<semaphore_mem>>)
    %scan3A_82 = arith.constant 0 : i32
    %scan3A_83 = arith.constant 9 : i32
    %scan3A_84 = arith.addi %scan3A_82, %scan3A_83 : i32
    %scan3A_85 = arith.constant 1 : i32
    scf.for %scan3A_260 = %scan3A_82 to %scan3A_84 step %scan3A_85  : i32 {
      %mul3A_261 = arith.constant 8 : i32
      %mul3A_262 = arith.muli %scan3A_260, %mul3A_261 : i32
      %add3A_263 = arith.constant 0 : i32
      %add3A_264 = arith.addi %add3A_263, %mul3A_262 : i32
      %add3A_265 = arith.constant 0 : i32
      %add3A_266 = arith.addi %add3A_264, %add3A_265 : i32
      %dma_wait3A_267 = arith.constant 0 : i32
      %dma_wait3A_268 = tpu.memref_slice %arg6[%add3A_266, %dma_wait3A_267] : memref<80x128xi32, #tpu.memory_space<vmem>> -> memref<1x128xi32, #tpu.memory_space<vmem>>
      %dma_wait3A_269 = tpu.memref_squeeze %dma_wait3A_268 : memref<1x128xi32, #tpu.memory_space<vmem>> -> memref<128xi32, #tpu.memory_space<vmem>>
      %dma_wait3A_270 = arith.constant 0 : i32
      %dma_wait3A_271 = arith.constant 0 : i32
      %dma_wait3A_272 = tpu.memref_slice %arg2[%dma_wait3A_270, %dma_wait3A_271] : memref<10240x32xf32, #tpu.memory_space<hbm>> -> memref<10240x32xf32, #tpu.memory_space<hbm>>
      tpu.wait_indirect_dma semaphore(%arg18 : memref<!tpu.dma_semaphore, #tpu.memory_space<semaphore_mem>>) src(%dma_wait3A_272 : memref<10240x32xf32, #tpu.memory_space<hbm>>) dst(%arg8 : memref<128x32xf32, #tpu.memory_space<vmem>>)
      %add3A_273 = arith.constant 0 : i32
      %add3A_274 = arith.addi %add3A_264, %add3A_273 : i32
      %dma_start3A_275 = arith.constant 0 : i32
      %dma_start3A_276 = tpu.memref_slice %arg7[%add3A_274, %dma_start3A_275] : memref<80x128xi32, #tpu.memory_space<vmem>> -> memref<1x128xi32, #tpu.memory_space<vmem>>
      %dma_start3A_277 = tpu.memref_squeeze %dma_start3A_276 : memref<1x128xi32, #tpu.memory_space<vmem>> -> memref<128xi32, #tpu.memory_space<vmem>>
      %dma_start3A_278 = arith.constant 0 : i32
      %dma_start3A_279 = arith.constant 0 : i32
      %dma_start3A_280 = tpu.memref_slice %arg17[%dma_start3A_278, %dma_start3A_279] : memref<10240x32xf32, #tpu.memory_space<vmem_shared>> -> memref<10240x32xf32, #tpu.memory_space<vmem_shared>>
      tpu.enqueue_indirect_dma source(%arg8 : memref<128x32xf32, #tpu.memory_space<vmem>>) target(%dma_start3A_280 : memref<10240x32xf32, #tpu.memory_space<vmem_shared>>) offsets(%dma_start3A_277 : memref<128xi32, #tpu.memory_space<vmem>>) semaphore(%arg26 : memref<!tpu.dma_semaphore, #tpu.memory_space<semaphore_mem>>) {add = true}
      %add3A_281 = arith.constant 1 : i32
      %add3A_282 = arith.addi %add3A_264, %add3A_281 : i32
      %dma_wait3A_283 = arith.constant 0 : i32
      %dma_wait3A_284 = tpu.memref_slice %arg6[%add3A_282, %dma_wait3A_283] : memref<80x128xi32, #tpu.memory_space<vmem>> -> memref<1x128xi32, #tpu.memory_space<vmem>>
      %dma_wait3A_285 = tpu.memref_squeeze %dma_wait3A_284 : memref<1x128xi32, #tpu.memory_space<vmem>> -> memref<128xi32, #tpu.memory_space<vmem>>
      %dma_wait3A_286 = arith.constant 0 : i32
      %dma_wait3A_287 = arith.constant 0 : i32
      %dma_wait3A_288 = tpu.memref_slice %arg2[%dma_wait3A_286, %dma_wait3A_287] : memref<10240x32xf32, #tpu.memory_space<hbm>> -> memref<10240x32xf32, #tpu.memory_space<hbm>>
      tpu.wait_indirect_dma semaphore(%arg19 : memref<!tpu.dma_semaphore, #tpu.memory_space<semaphore_mem>>) src(%dma_wait3A_288 : memref<10240x32xf32, #tpu.memory_space<hbm>>) dst(%arg9 : memref<128x32xf32, #tpu.memory_space<vmem>>)
      %add3A_289 = arith.constant 1 : i32
      %add3A_290 = arith.addi %add3A_264, %add3A_289 : i32
      %dma_start3A_291 = arith.constant 0 : i32
      %dma_start3A_292 = tpu.memref_slice %arg7[%add3A_290, %dma_start3A_291] : memref<80x128xi32, #tpu.memory_space<vmem>> -> memref<1x128xi32, #tpu.memory_space<vmem>>
      %dma_start3A_293 = tpu.memref_squeeze %dma_start3A_292 : memref<1x128xi32, #tpu.memory_space<vmem>> -> memref<128xi32, #tpu.memory_space<vmem>>
      %dma_start3A_294 = arith.constant 0 : i32
      %dma_start3A_295 = arith.constant 0 : i32
      %dma_start3A_296 = tpu.memref_slice %arg17[%dma_start3A_294, %dma_start3A_295] : memref<10240x32xf32, #tpu.memory_space<vmem_shared>> -> memref<10240x32xf32, #tpu.memory_space<vmem_shared>>
      tpu.enqueue_indirect_dma source(%arg9 : memref<128x32xf32, #tpu.memory_space<vmem>>) target(%dma_start3A_296 : memref<10240x32xf32, #tpu.memory_space<vmem_shared>>) offsets(%dma_start3A_293 : memref<128xi32, #tpu.memory_space<vmem>>) semaphore(%arg27 : memref<!tpu.dma_semaphore, #tpu.memory_space<semaphore_mem>>) {add = true}
      %add3A_297 = arith.constant 2 : i32
      %add3A_298 = arith.addi %add3A_264, %add3A_297 : i32
      %dma_wait3A_299 = arith.constant 0 : i32
      %dma_wait3A_300 = tpu.memref_slice %arg6[%add3A_298, %dma_wait3A_299] : memref<80x128xi32, #tpu.memory_space<vmem>> -> memref<1x128xi32, #tpu.memory_space<vmem>>
      %dma_wait3A_301 = tpu.memref_squeeze %dma_wait3A_300 : memref<1x128xi32, #tpu.memory_space<vmem>> -> memref<128xi32, #tpu.memory_space<vmem>>
      %dma_wait3A_302 = arith.constant 0 : i32
      %dma_wait3A_303 = arith.constant 0 : i32
      %dma_wait3A_304 = tpu.memref_slice %arg2[%dma_wait3A_302, %dma_wait3A_303] : memref<10240x32xf32, #tpu.memory_space<hbm>> -> memref<10240x32xf32, #tpu.memory_space<hbm>>
      tpu.wait_indirect_dma semaphore(%arg20 : memref<!tpu.dma_semaphore, #tpu.memory_space<semaphore_mem>>) src(%dma_wait3A_304 : memref<10240x32xf32, #tpu.memory_space<hbm>>) dst(%arg10 : memref<128x32xf32, #tpu.memory_space<vmem>>)
      %add3A_305 = arith.constant 2 : i32
      %add3A_306 = arith.addi %add3A_264, %add3A_305 : i32
      %dma_start3A_307 = arith.constant 0 : i32
      %dma_start3A_308 = tpu.memref_slice %arg7[%add3A_306, %dma_start3A_307] : memref<80x128xi32, #tpu.memory_space<vmem>> -> memref<1x128xi32, #tpu.memory_space<vmem>>
      %dma_start3A_309 = tpu.memref_squeeze %dma_start3A_308 : memref<1x128xi32, #tpu.memory_space<vmem>> -> memref<128xi32, #tpu.memory_space<vmem>>
      %dma_start3A_310 = arith.constant 0 : i32
      %dma_start3A_311 = arith.constant 0 : i32
      %dma_start3A_312 = tpu.memref_slice %arg17[%dma_start3A_310, %dma_start3A_311] : memref<10240x32xf32, #tpu.memory_space<vmem_shared>> -> memref<10240x32xf32, #tpu.memory_space<vmem_shared>>
      tpu.enqueue_indirect_dma source(%arg10 : memref<128x32xf32, #tpu.memory_space<vmem>>) target(%dma_start3A_312 : memref<10240x32xf32, #tpu.memory_space<vmem_shared>>) offsets(%dma_start3A_309 : memref<128xi32, #tpu.memory_space<vmem>>) semaphore(%arg28 : memref<!tpu.dma_semaphore, #tpu.memory_space<semaphore_mem>>) {add = true}
      %add3A_313 = arith.constant 3 : i32
      %add3A_314 = arith.addi %add3A_264, %add3A_313 : i32
      %dma_wait3A_315 = arith.constant 0 : i32
      %dma_wait3A_316 = tpu.memref_slice %arg6[%add3A_314, %dma_wait3A_315] : memref<80x128xi32, #tpu.memory_space<vmem>> -> memref<1x128xi32, #tpu.memory_space<vmem>>
      %dma_wait3A_317 = tpu.memref_squeeze %dma_wait3A_316 : memref<1x128xi32, #tpu.memory_space<vmem>> -> memref<128xi32, #tpu.memory_space<vmem>>
      %dma_wait3A_318 = arith.constant 0 : i32
      %dma_wait3A_319 = arith.constant 0 : i32
      %dma_wait3A_320 = tpu.memref_slice %arg2[%dma_wait3A_318, %dma_wait3A_319] : memref<10240x32xf32, #tpu.memory_space<hbm>> -> memref<10240x32xf32, #tpu.memory_space<hbm>>
      tpu.wait_indirect_dma semaphore(%arg21 : memref<!tpu.dma_semaphore, #tpu.memory_space<semaphore_mem>>) src(%dma_wait3A_320 : memref<10240x32xf32, #tpu.memory_space<hbm>>) dst(%arg11 : memref<128x32xf32, #tpu.memory_space<vmem>>)
      %add3A_321 = arith.constant 3 : i32
      %add3A_322 = arith.addi %add3A_264, %add3A_321 : i32
      %dma_start3A_323 = arith.constant 0 : i32
      %dma_start3A_324 = tpu.memref_slice %arg7[%add3A_322, %dma_start3A_323] : memref<80x128xi32, #tpu.memory_space<vmem>> -> memref<1x128xi32, #tpu.memory_space<vmem>>
      %dma_start3A_325 = tpu.memref_squeeze %dma_start3A_324 : memref<1x128xi32, #tpu.memory_space<vmem>> -> memref<128xi32, #tpu.memory_space<vmem>>
      %dma_start3A_326 = arith.constant 0 : i32
      %dma_start3A_327 = arith.constant 0 : i32
      %dma_start3A_328 = tpu.memref_slice %arg17[%dma_start3A_326, %dma_start3A_327] : memref<10240x32xf32, #tpu.memory_space<vmem_shared>> -> memref<10240x32xf32, #tpu.memory_space<vmem_shared>>
      tpu.enqueue_indirect_dma source(%arg11 : memref<128x32xf32, #tpu.memory_space<vmem>>) target(%dma_start3A_328 : memref<10240x32xf32, #tpu.memory_space<vmem_shared>>) offsets(%dma_start3A_325 : memref<128xi32, #tpu.memory_space<vmem>>) semaphore(%arg29 : memref<!tpu.dma_semaphore, #tpu.memory_space<semaphore_mem>>) {add = true}
      %add3A_329 = arith.constant 4 : i32
      %add3A_330 = arith.addi %add3A_264, %add3A_329 : i32
      %dma_wait3A_331 = arith.constant 0 : i32
      %dma_wait3A_332 = tpu.memref_slice %arg6[%add3A_330, %dma_wait3A_331] : memref<80x128xi32, #tpu.memory_space<vmem>> -> memref<1x128xi32, #tpu.memory_space<vmem>>
      %dma_wait3A_333 = tpu.memref_squeeze %dma_wait3A_332 : memref<1x128xi32, #tpu.memory_space<vmem>> -> memref<128xi32, #tpu.memory_space<vmem>>
      %dma_wait3A_334 = arith.constant 0 : i32
      %dma_wait3A_335 = arith.constant 0 : i32
      %dma_wait3A_336 = tpu.memref_slice %arg2[%dma_wait3A_334, %dma_wait3A_335] : memref<10240x32xf32, #tpu.memory_space<hbm>> -> memref<10240x32xf32, #tpu.memory_space<hbm>>
      tpu.wait_indirect_dma semaphore(%arg22 : memref<!tpu.dma_semaphore, #tpu.memory_space<semaphore_mem>>) src(%dma_wait3A_336 : memref<10240x32xf32, #tpu.memory_space<hbm>>) dst(%arg12 : memref<128x32xf32, #tpu.memory_space<vmem>>)
      %add3A_337 = arith.constant 4 : i32
      %add3A_338 = arith.addi %add3A_264, %add3A_337 : i32
      %dma_start3A_339 = arith.constant 0 : i32
      %dma_start3A_340 = tpu.memref_slice %arg7[%add3A_338, %dma_start3A_339] : memref<80x128xi32, #tpu.memory_space<vmem>> -> memref<1x128xi32, #tpu.memory_space<vmem>>
      %dma_start3A_341 = tpu.memref_squeeze %dma_start3A_340 : memref<1x128xi32, #tpu.memory_space<vmem>> -> memref<128xi32, #tpu.memory_space<vmem>>
      %dma_start3A_342 = arith.constant 0 : i32
      %dma_start3A_343 = arith.constant 0 : i32
      %dma_start3A_344 = tpu.memref_slice %arg17[%dma_start3A_342, %dma_start3A_343] : memref<10240x32xf32, #tpu.memory_space<vmem_shared>> -> memref<10240x32xf32, #tpu.memory_space<vmem_shared>>
      tpu.enqueue_indirect_dma source(%arg12 : memref<128x32xf32, #tpu.memory_space<vmem>>) target(%dma_start3A_344 : memref<10240x32xf32, #tpu.memory_space<vmem_shared>>) offsets(%dma_start3A_341 : memref<128xi32, #tpu.memory_space<vmem>>) semaphore(%arg30 : memref<!tpu.dma_semaphore, #tpu.memory_space<semaphore_mem>>) {add = true}
      %add3A_345 = arith.constant 5 : i32
      %add3A_346 = arith.addi %add3A_264, %add3A_345 : i32
      %dma_wait3A_347 = arith.constant 0 : i32
      %dma_wait3A_348 = tpu.memref_slice %arg6[%add3A_346, %dma_wait3A_347] : memref<80x128xi32, #tpu.memory_space<vmem>> -> memref<1x128xi32, #tpu.memory_space<vmem>>
      %dma_wait3A_349 = tpu.memref_squeeze %dma_wait3A_348 : memref<1x128xi32, #tpu.memory_space<vmem>> -> memref<128xi32, #tpu.memory_space<vmem>>
      %dma_wait3A_350 = arith.constant 0 : i32
      %dma_wait3A_351 = arith.constant 0 : i32
      %dma_wait3A_352 = tpu.memref_slice %arg2[%dma_wait3A_350, %dma_wait3A_351] : memref<10240x32xf32, #tpu.memory_space<hbm>> -> memref<10240x32xf32, #tpu.memory_space<hbm>>
      tpu.wait_indirect_dma semaphore(%arg23 : memref<!tpu.dma_semaphore, #tpu.memory_space<semaphore_mem>>) src(%dma_wait3A_352 : memref<10240x32xf32, #tpu.memory_space<hbm>>) dst(%arg13 : memref<128x32xf32, #tpu.memory_space<vmem>>)
      %add3A_353 = arith.constant 5 : i32
      %add3A_354 = arith.addi %add3A_264, %add3A_353 : i32
      %dma_start3A_355 = arith.constant 0 : i32
      %dma_start3A_356 = tpu.memref_slice %arg7[%add3A_354, %dma_start3A_355] : memref<80x128xi32, #tpu.memory_space<vmem>> -> memref<1x128xi32, #tpu.memory_space<vmem>>
      %dma_start3A_357 = tpu.memref_squeeze %dma_start3A_356 : memref<1x128xi32, #tpu.memory_space<vmem>> -> memref<128xi32, #tpu.memory_space<vmem>>
      %dma_start3A_358 = arith.constant 0 : i32
      %dma_start3A_359 = arith.constant 0 : i32
      %dma_start3A_360 = tpu.memref_slice %arg17[%dma_start3A_358, %dma_start3A_359] : memref<10240x32xf32, #tpu.memory_space<vmem_shared>> -> memref<10240x32xf32, #tpu.memory_space<vmem_shared>>
      tpu.enqueue_indirect_dma source(%arg13 : memref<128x32xf32, #tpu.memory_space<vmem>>) target(%dma_start3A_360 : memref<10240x32xf32, #tpu.memory_space<vmem_shared>>) offsets(%dma_start3A_357 : memref<128xi32, #tpu.memory_space<vmem>>) semaphore(%arg31 : memref<!tpu.dma_semaphore, #tpu.memory_space<semaphore_mem>>) {add = true}
      %add3A_361 = arith.constant 6 : i32
      %add3A_362 = arith.addi %add3A_264, %add3A_361 : i32
      %dma_wait3A_363 = arith.constant 0 : i32
      %dma_wait3A_364 = tpu.memref_slice %arg6[%add3A_362, %dma_wait3A_363] : memref<80x128xi32, #tpu.memory_space<vmem>> -> memref<1x128xi32, #tpu.memory_space<vmem>>
      %dma_wait3A_365 = tpu.memref_squeeze %dma_wait3A_364 : memref<1x128xi32, #tpu.memory_space<vmem>> -> memref<128xi32, #tpu.memory_space<vmem>>
      %dma_wait3A_366 = arith.constant 0 : i32
      %dma_wait3A_367 = arith.constant 0 : i32
      %dma_wait3A_368 = tpu.memref_slice %arg2[%dma_wait3A_366, %dma_wait3A_367] : memref<10240x32xf32, #tpu.memory_space<hbm>> -> memref<10240x32xf32, #tpu.memory_space<hbm>>
      tpu.wait_indirect_dma semaphore(%arg24 : memref<!tpu.dma_semaphore, #tpu.memory_space<semaphore_mem>>) src(%dma_wait3A_368 : memref<10240x32xf32, #tpu.memory_space<hbm>>) dst(%arg14 : memref<128x32xf32, #tpu.memory_space<vmem>>)
      %add3A_369 = arith.constant 6 : i32
      %add3A_370 = arith.addi %add3A_264, %add3A_369 : i32
      %dma_start3A_371 = arith.constant 0 : i32
      %dma_start3A_372 = tpu.memref_slice %arg7[%add3A_370, %dma_start3A_371] : memref<80x128xi32, #tpu.memory_space<vmem>> -> memref<1x128xi32, #tpu.memory_space<vmem>>
      %dma_start3A_373 = tpu.memref_squeeze %dma_start3A_372 : memref<1x128xi32, #tpu.memory_space<vmem>> -> memref<128xi32, #tpu.memory_space<vmem>>
      %dma_start3A_374 = arith.constant 0 : i32
      %dma_start3A_375 = arith.constant 0 : i32
      %dma_start3A_376 = tpu.memref_slice %arg17[%dma_start3A_374, %dma_start3A_375] : memref<10240x32xf32, #tpu.memory_space<vmem_shared>> -> memref<10240x32xf32, #tpu.memory_space<vmem_shared>>
      tpu.enqueue_indirect_dma source(%arg14 : memref<128x32xf32, #tpu.memory_space<vmem>>) target(%dma_start3A_376 : memref<10240x32xf32, #tpu.memory_space<vmem_shared>>) offsets(%dma_start3A_373 : memref<128xi32, #tpu.memory_space<vmem>>) semaphore(%arg32 : memref<!tpu.dma_semaphore, #tpu.memory_space<semaphore_mem>>) {add = true}
      %add3A_377 = arith.constant 7 : i32
      %add3A_378 = arith.addi %add3A_264, %add3A_377 : i32
      %dma_wait3A_379 = arith.constant 0 : i32
      %dma_wait3A_380 = tpu.memref_slice %arg6[%add3A_378, %dma_wait3A_379] : memref<80x128xi32, #tpu.memory_space<vmem>> -> memref<1x128xi32, #tpu.memory_space<vmem>>
      %dma_wait3A_381 = tpu.memref_squeeze %dma_wait3A_380 : memref<1x128xi32, #tpu.memory_space<vmem>> -> memref<128xi32, #tpu.memory_space<vmem>>
      %dma_wait3A_382 = arith.constant 0 : i32
      %dma_wait3A_383 = arith.constant 0 : i32
      %dma_wait3A_384 = tpu.memref_slice %arg2[%dma_wait3A_382, %dma_wait3A_383] : memref<10240x32xf32, #tpu.memory_space<hbm>> -> memref<10240x32xf32, #tpu.memory_space<hbm>>
      tpu.wait_indirect_dma semaphore(%arg25 : memref<!tpu.dma_semaphore, #tpu.memory_space<semaphore_mem>>) src(%dma_wait3A_384 : memref<10240x32xf32, #tpu.memory_space<hbm>>) dst(%arg15 : memref<128x32xf32, #tpu.memory_space<vmem>>)
      %add3A_385 = arith.constant 7 : i32
      %add3A_386 = arith.addi %add3A_264, %add3A_385 : i32
      %dma_start3A_387 = arith.constant 0 : i32
      %dma_start3A_388 = tpu.memref_slice %arg7[%add3A_386, %dma_start3A_387] : memref<80x128xi32, #tpu.memory_space<vmem>> -> memref<1x128xi32, #tpu.memory_space<vmem>>
      %dma_start3A_389 = tpu.memref_squeeze %dma_start3A_388 : memref<1x128xi32, #tpu.memory_space<vmem>> -> memref<128xi32, #tpu.memory_space<vmem>>
      %dma_start3A_390 = arith.constant 0 : i32
      %dma_start3A_391 = arith.constant 0 : i32
      %dma_start3A_392 = tpu.memref_slice %arg17[%dma_start3A_390, %dma_start3A_391] : memref<10240x32xf32, #tpu.memory_space<vmem_shared>> -> memref<10240x32xf32, #tpu.memory_space<vmem_shared>>
      tpu.enqueue_indirect_dma source(%arg15 : memref<128x32xf32, #tpu.memory_space<vmem>>) target(%dma_start3A_392 : memref<10240x32xf32, #tpu.memory_space<vmem_shared>>) offsets(%dma_start3A_389 : memref<128xi32, #tpu.memory_space<vmem>>) semaphore(%arg33 : memref<!tpu.dma_semaphore, #tpu.memory_space<semaphore_mem>>) {add = true}
      %add3A_393 = arith.constant 0 : i32
      %add3A_394 = arith.addi %add3A_264, %add3A_393 : i32
      %dma_wait3A_395 = arith.constant 0 : i32
      %dma_wait3A_396 = tpu.memref_slice %arg7[%add3A_394, %dma_wait3A_395] : memref<80x128xi32, #tpu.memory_space<vmem>> -> memref<1x128xi32, #tpu.memory_space<vmem>>
      %dma_wait3A_397 = tpu.memref_squeeze %dma_wait3A_396 : memref<1x128xi32, #tpu.memory_space<vmem>> -> memref<128xi32, #tpu.memory_space<vmem>>
      %dma_wait3A_398 = arith.constant 0 : i32
      %dma_wait3A_399 = arith.constant 0 : i32
      %dma_wait3A_400 = tpu.memref_slice %arg17[%dma_wait3A_398, %dma_wait3A_399] : memref<10240x32xf32, #tpu.memory_space<vmem_shared>> -> memref<10240x32xf32, #tpu.memory_space<vmem_shared>>
      tpu.wait_indirect_dma semaphore(%arg26 : memref<!tpu.dma_semaphore, #tpu.memory_space<semaphore_mem>>) src(%arg8 : memref<128x32xf32, #tpu.memory_space<vmem>>) dst(%dma_wait3A_400 : memref<10240x32xf32, #tpu.memory_space<vmem_shared>>)
      %add3A_401 = arith.constant 8 : i32
      %add3A_402 = arith.addi %add3A_264, %add3A_401 : i32
      %add3A_403 = arith.constant 0 : i32
      %add3A_404 = arith.addi %add3A_402, %add3A_403 : i32
      %dma_start3A_405 = arith.constant 0 : i32
      %dma_start3A_406 = tpu.memref_slice %arg6[%add3A_404, %dma_start3A_405] : memref<80x128xi32, #tpu.memory_space<vmem>> -> memref<1x128xi32, #tpu.memory_space<vmem>>
      %dma_start3A_407 = tpu.memref_squeeze %dma_start3A_406 : memref<1x128xi32, #tpu.memory_space<vmem>> -> memref<128xi32, #tpu.memory_space<vmem>>
      %dma_start3A_408 = arith.constant 0 : i32
      %dma_start3A_409 = arith.constant 0 : i32
      %dma_start3A_410 = tpu.memref_slice %arg2[%dma_start3A_408, %dma_start3A_409] : memref<10240x32xf32, #tpu.memory_space<hbm>> -> memref<10240x32xf32, #tpu.memory_space<hbm>>
      tpu.enqueue_indirect_dma source(%dma_start3A_410 : memref<10240x32xf32, #tpu.memory_space<hbm>>) target(%arg8 : memref<128x32xf32, #tpu.memory_space<vmem>>) offsets(%dma_start3A_407 : memref<128xi32, #tpu.memory_space<vmem>>) semaphore(%arg18 : memref<!tpu.dma_semaphore, #tpu.memory_space<semaphore_mem>>)
      %add3A_411 = arith.constant 1 : i32
      %add3A_412 = arith.addi %add3A_264, %add3A_411 : i32
      %dma_wait3A_413 = arith.constant 0 : i32
      %dma_wait3A_414 = tpu.memref_slice %arg7[%add3A_412, %dma_wait3A_413] : memref<80x128xi32, #tpu.memory_space<vmem>> -> memref<1x128xi32, #tpu.memory_space<vmem>>
      %dma_wait3A_415 = tpu.memref_squeeze %dma_wait3A_414 : memref<1x128xi32, #tpu.memory_space<vmem>> -> memref<128xi32, #tpu.memory_space<vmem>>
      %dma_wait3A_416 = arith.constant 0 : i32
      %dma_wait3A_417 = arith.constant 0 : i32
      %dma_wait3A_418 = tpu.memref_slice %arg17[%dma_wait3A_416, %dma_wait3A_417] : memref<10240x32xf32, #tpu.memory_space<vmem_shared>> -> memref<10240x32xf32, #tpu.memory_space<vmem_shared>>
      tpu.wait_indirect_dma semaphore(%arg27 : memref<!tpu.dma_semaphore, #tpu.memory_space<semaphore_mem>>) src(%arg9 : memref<128x32xf32, #tpu.memory_space<vmem>>) dst(%dma_wait3A_418 : memref<10240x32xf32, #tpu.memory_space<vmem_shared>>)
      %add3A_419 = arith.constant 8 : i32
      %add3A_420 = arith.addi %add3A_264, %add3A_419 : i32
      %add3A_421 = arith.constant 1 : i32
      %add3A_422 = arith.addi %add3A_420, %add3A_421 : i32
      %dma_start3A_423 = arith.constant 0 : i32
      %dma_start3A_424 = tpu.memref_slice %arg6[%add3A_422, %dma_start3A_423] : memref<80x128xi32, #tpu.memory_space<vmem>> -> memref<1x128xi32, #tpu.memory_space<vmem>>
      %dma_start3A_425 = tpu.memref_squeeze %dma_start3A_424 : memref<1x128xi32, #tpu.memory_space<vmem>> -> memref<128xi32, #tpu.memory_space<vmem>>
      %dma_start3A_426 = arith.constant 0 : i32
      %dma_start3A_427 = arith.constant 0 : i32
      %dma_start3A_428 = tpu.memref_slice %arg2[%dma_start3A_426, %dma_start3A_427] : memref<10240x32xf32, #tpu.memory_space<hbm>> -> memref<10240x32xf32, #tpu.memory_space<hbm>>
      tpu.enqueue_indirect_dma source(%dma_start3A_428 : memref<10240x32xf32, #tpu.memory_space<hbm>>) target(%arg9 : memref<128x32xf32, #tpu.memory_space<vmem>>) offsets(%dma_start3A_425 : memref<128xi32, #tpu.memory_space<vmem>>) semaphore(%arg19 : memref<!tpu.dma_semaphore, #tpu.memory_space<semaphore_mem>>)
      %add3A_429 = arith.constant 2 : i32
      %add3A_430 = arith.addi %add3A_264, %add3A_429 : i32
      %dma_wait3A_431 = arith.constant 0 : i32
      %dma_wait3A_432 = tpu.memref_slice %arg7[%add3A_430, %dma_wait3A_431] : memref<80x128xi32, #tpu.memory_space<vmem>> -> memref<1x128xi32, #tpu.memory_space<vmem>>
      %dma_wait3A_433 = tpu.memref_squeeze %dma_wait3A_432 : memref<1x128xi32, #tpu.memory_space<vmem>> -> memref<128xi32, #tpu.memory_space<vmem>>
      %dma_wait3A_434 = arith.constant 0 : i32
      %dma_wait3A_435 = arith.constant 0 : i32
      %dma_wait3A_436 = tpu.memref_slice %arg17[%dma_wait3A_434, %dma_wait3A_435] : memref<10240x32xf32, #tpu.memory_space<vmem_shared>> -> memref<10240x32xf32, #tpu.memory_space<vmem_shared>>
      tpu.wait_indirect_dma semaphore(%arg28 : memref<!tpu.dma_semaphore, #tpu.memory_space<semaphore_mem>>) src(%arg10 : memref<128x32xf32, #tpu.memory_space<vmem>>) dst(%dma_wait3A_436 : memref<10240x32xf32, #tpu.memory_space<vmem_shared>>)
      %add3A_437 = arith.constant 8 : i32
      %add3A_438 = arith.addi %add3A_264, %add3A_437 : i32
      %add3A_439 = arith.constant 2 : i32
      %add3A_440 = arith.addi %add3A_438, %add3A_439 : i32
      %dma_start3A_441 = arith.constant 0 : i32
      %dma_start3A_442 = tpu.memref_slice %arg6[%add3A_440, %dma_start3A_441] : memref<80x128xi32, #tpu.memory_space<vmem>> -> memref<1x128xi32, #tpu.memory_space<vmem>>
      %dma_start3A_443 = tpu.memref_squeeze %dma_start3A_442 : memref<1x128xi32, #tpu.memory_space<vmem>> -> memref<128xi32, #tpu.memory_space<vmem>>
      %dma_start3A_444 = arith.constant 0 : i32
      %dma_start3A_445 = arith.constant 0 : i32
      %dma_start3A_446 = tpu.memref_slice %arg2[%dma_start3A_444, %dma_start3A_445] : memref<10240x32xf32, #tpu.memory_space<hbm>> -> memref<10240x32xf32, #tpu.memory_space<hbm>>
      tpu.enqueue_indirect_dma source(%dma_start3A_446 : memref<10240x32xf32, #tpu.memory_space<hbm>>) target(%arg10 : memref<128x32xf32, #tpu.memory_space<vmem>>) offsets(%dma_start3A_443 : memref<128xi32, #tpu.memory_space<vmem>>) semaphore(%arg20 : memref<!tpu.dma_semaphore, #tpu.memory_space<semaphore_mem>>)
      %add3A_447 = arith.constant 3 : i32
      %add3A_448 = arith.addi %add3A_264, %add3A_447 : i32
      %dma_wait3A_449 = arith.constant 0 : i32
      %dma_wait3A_450 = tpu.memref_slice %arg7[%add3A_448, %dma_wait3A_449] : memref<80x128xi32, #tpu.memory_space<vmem>> -> memref<1x128xi32, #tpu.memory_space<vmem>>
      %dma_wait3A_451 = tpu.memref_squeeze %dma_wait3A_450 : memref<1x128xi32, #tpu.memory_space<vmem>> -> memref<128xi32, #tpu.memory_space<vmem>>
      %dma_wait3A_452 = arith.constant 0 : i32
      %dma_wait3A_453 = arith.constant 0 : i32
      %dma_wait3A_454 = tpu.memref_slice %arg17[%dma_wait3A_452, %dma_wait3A_453] : memref<10240x32xf32, #tpu.memory_space<vmem_shared>> -> memref<10240x32xf32, #tpu.memory_space<vmem_shared>>
      tpu.wait_indirect_dma semaphore(%arg29 : memref<!tpu.dma_semaphore, #tpu.memory_space<semaphore_mem>>) src(%arg11 : memref<128x32xf32, #tpu.memory_space<vmem>>) dst(%dma_wait3A_454 : memref<10240x32xf32, #tpu.memory_space<vmem_shared>>)
      %add3A_455 = arith.constant 8 : i32
      %add3A_456 = arith.addi %add3A_264, %add3A_455 : i32
      %add3A_457 = arith.constant 3 : i32
      %add3A_458 = arith.addi %add3A_456, %add3A_457 : i32
      %dma_start3A_459 = arith.constant 0 : i32
      %dma_start3A_460 = tpu.memref_slice %arg6[%add3A_458, %dma_start3A_459] : memref<80x128xi32, #tpu.memory_space<vmem>> -> memref<1x128xi32, #tpu.memory_space<vmem>>
      %dma_start3A_461 = tpu.memref_squeeze %dma_start3A_460 : memref<1x128xi32, #tpu.memory_space<vmem>> -> memref<128xi32, #tpu.memory_space<vmem>>
      %dma_start3A_462 = arith.constant 0 : i32
      %dma_start3A_463 = arith.constant 0 : i32
      %dma_start3A_464 = tpu.memref_slice %arg2[%dma_start3A_462, %dma_start3A_463] : memref<10240x32xf32, #tpu.memory_space<hbm>> -> memref<10240x32xf32, #tpu.memory_space<hbm>>
      tpu.enqueue_indirect_dma source(%dma_start3A_464 : memref<10240x32xf32, #tpu.memory_space<hbm>>) target(%arg11 : memref<128x32xf32, #tpu.memory_space<vmem>>) offsets(%dma_start3A_461 : memref<128xi32, #tpu.memory_space<vmem>>) semaphore(%arg21 : memref<!tpu.dma_semaphore, #tpu.memory_space<semaphore_mem>>)
      %add3A_465 = arith.constant 4 : i32
      %add3A_466 = arith.addi %add3A_264, %add3A_465 : i32
      %dma_wait3A_467 = arith.constant 0 : i32
      %dma_wait3A_468 = tpu.memref_slice %arg7[%add3A_466, %dma_wait3A_467] : memref<80x128xi32, #tpu.memory_space<vmem>> -> memref<1x128xi32, #tpu.memory_space<vmem>>
      %dma_wait3A_469 = tpu.memref_squeeze %dma_wait3A_468 : memref<1x128xi32, #tpu.memory_space<vmem>> -> memref<128xi32, #tpu.memory_space<vmem>>
      %dma_wait3A_470 = arith.constant 0 : i32
      %dma_wait3A_471 = arith.constant 0 : i32
      %dma_wait3A_472 = tpu.memref_slice %arg17[%dma_wait3A_470, %dma_wait3A_471] : memref<10240x32xf32, #tpu.memory_space<vmem_shared>> -> memref<10240x32xf32, #tpu.memory_space<vmem_shared>>
      tpu.wait_indirect_dma semaphore(%arg30 : memref<!tpu.dma_semaphore, #tpu.memory_space<semaphore_mem>>) src(%arg12 : memref<128x32xf32, #tpu.memory_space<vmem>>) dst(%dma_wait3A_472 : memref<10240x32xf32, #tpu.memory_space<vmem_shared>>)
      %add3A_473 = arith.constant 8 : i32
      %add3A_474 = arith.addi %add3A_264, %add3A_473 : i32
      %add3A_475 = arith.constant 4 : i32
      %add3A_476 = arith.addi %add3A_474, %add3A_475 : i32
      %dma_start3A_477 = arith.constant 0 : i32
      %dma_start3A_478 = tpu.memref_slice %arg6[%add3A_476, %dma_start3A_477] : memref<80x128xi32, #tpu.memory_space<vmem>> -> memref<1x128xi32, #tpu.memory_space<vmem>>
      %dma_start3A_479 = tpu.memref_squeeze %dma_start3A_478 : memref<1x128xi32, #tpu.memory_space<vmem>> -> memref<128xi32, #tpu.memory_space<vmem>>
      %dma_start3A_480 = arith.constant 0 : i32
      %dma_start3A_481 = arith.constant 0 : i32
      %dma_start3A_482 = tpu.memref_slice %arg2[%dma_start3A_480, %dma_start3A_481] : memref<10240x32xf32, #tpu.memory_space<hbm>> -> memref<10240x32xf32, #tpu.memory_space<hbm>>
      tpu.enqueue_indirect_dma source(%dma_start3A_482 : memref<10240x32xf32, #tpu.memory_space<hbm>>) target(%arg12 : memref<128x32xf32, #tpu.memory_space<vmem>>) offsets(%dma_start3A_479 : memref<128xi32, #tpu.memory_space<vmem>>) semaphore(%arg22 : memref<!tpu.dma_semaphore, #tpu.memory_space<semaphore_mem>>)
      %add3A_483 = arith.constant 5 : i32
      %add3A_484 = arith.addi %add3A_264, %add3A_483 : i32
      %dma_wait3A_485 = arith.constant 0 : i32
      %dma_wait3A_486 = tpu.memref_slice %arg7[%add3A_484, %dma_wait3A_485] : memref<80x128xi32, #tpu.memory_space<vmem>> -> memref<1x128xi32, #tpu.memory_space<vmem>>
      %dma_wait3A_487 = tpu.memref_squeeze %dma_wait3A_486 : memref<1x128xi32, #tpu.memory_space<vmem>> -> memref<128xi32, #tpu.memory_space<vmem>>
      %dma_wait3A_488 = arith.constant 0 : i32
      %dma_wait3A_489 = arith.constant 0 : i32
      %dma_wait3A_490 = tpu.memref_slice %arg17[%dma_wait3A_488, %dma_wait3A_489] : memref<10240x32xf32, #tpu.memory_space<vmem_shared>> -> memref<10240x32xf32, #tpu.memory_space<vmem_shared>>
      tpu.wait_indirect_dma semaphore(%arg31 : memref<!tpu.dma_semaphore, #tpu.memory_space<semaphore_mem>>) src(%arg13 : memref<128x32xf32, #tpu.memory_space<vmem>>) dst(%dma_wait3A_490 : memref<10240x32xf32, #tpu.memory_space<vmem_shared>>)
      %add3A_491 = arith.constant 8 : i32
      %add3A_492 = arith.addi %add3A_264, %add3A_491 : i32
      %add3A_493 = arith.constant 5 : i32
      %add3A_494 = arith.addi %add3A_492, %add3A_493 : i32
      %dma_start3A_495 = arith.constant 0 : i32
      %dma_start3A_496 = tpu.memref_slice %arg6[%add3A_494, %dma_start3A_495] : memref<80x128xi32, #tpu.memory_space<vmem>> -> memref<1x128xi32, #tpu.memory_space<vmem>>
      %dma_start3A_497 = tpu.memref_squeeze %dma_start3A_496 : memref<1x128xi32, #tpu.memory_space<vmem>> -> memref<128xi32, #tpu.memory_space<vmem>>
      %dma_start3A_498 = arith.constant 0 : i32
      %dma_start3A_499 = arith.constant 0 : i32
      %dma_start3A_500 = tpu.memref_slice %arg2[%dma_start3A_498, %dma_start3A_499] : memref<10240x32xf32, #tpu.memory_space<hbm>> -> memref<10240x32xf32, #tpu.memory_space<hbm>>
      tpu.enqueue_indirect_dma source(%dma_start3A_500 : memref<10240x32xf32, #tpu.memory_space<hbm>>) target(%arg13 : memref<128x32xf32, #tpu.memory_space<vmem>>) offsets(%dma_start3A_497 : memref<128xi32, #tpu.memory_space<vmem>>) semaphore(%arg23 : memref<!tpu.dma_semaphore, #tpu.memory_space<semaphore_mem>>)
      %add3A_501 = arith.constant 6 : i32
      %add3A_502 = arith.addi %add3A_264, %add3A_501 : i32
      %dma_wait3A_503 = arith.constant 0 : i32
      %dma_wait3A_504 = tpu.memref_slice %arg7[%add3A_502, %dma_wait3A_503] : memref<80x128xi32, #tpu.memory_space<vmem>> -> memref<1x128xi32, #tpu.memory_space<vmem>>
      %dma_wait3A_505 = tpu.memref_squeeze %dma_wait3A_504 : memref<1x128xi32, #tpu.memory_space<vmem>> -> memref<128xi32, #tpu.memory_space<vmem>>
      %dma_wait3A_506 = arith.constant 0 : i32
      %dma_wait3A_507 = arith.constant 0 : i32
      %dma_wait3A_508 = tpu.memref_slice %arg17[%dma_wait3A_506, %dma_wait3A_507] : memref<10240x32xf32, #tpu.memory_space<vmem_shared>> -> memref<10240x32xf32, #tpu.memory_space<vmem_shared>>
      tpu.wait_indirect_dma semaphore(%arg32 : memref<!tpu.dma_semaphore, #tpu.memory_space<semaphore_mem>>) src(%arg14 : memref<128x32xf32, #tpu.memory_space<vmem>>) dst(%dma_wait3A_508 : memref<10240x32xf32, #tpu.memory_space<vmem_shared>>)
      %add3A_509 = arith.constant 8 : i32
      %add3A_510 = arith.addi %add3A_264, %add3A_509 : i32
      %add3A_511 = arith.constant 6 : i32
      %add3A_512 = arith.addi %add3A_510, %add3A_511 : i32
      %dma_start3A_513 = arith.constant 0 : i32
      %dma_start3A_514 = tpu.memref_slice %arg6[%add3A_512, %dma_start3A_513] : memref<80x128xi32, #tpu.memory_space<vmem>> -> memref<1x128xi32, #tpu.memory_space<vmem>>
      %dma_start3A_515 = tpu.memref_squeeze %dma_start3A_514 : memref<1x128xi32, #tpu.memory_space<vmem>> -> memref<128xi32, #tpu.memory_space<vmem>>
      %dma_start3A_516 = arith.constant 0 : i32
      %dma_start3A_517 = arith.constant 0 : i32
      %dma_start3A_518 = tpu.memref_slice %arg2[%dma_start3A_516, %dma_start3A_517] : memref<10240x32xf32, #tpu.memory_space<hbm>> -> memref<10240x32xf32, #tpu.memory_space<hbm>>
      tpu.enqueue_indirect_dma source(%dma_start3A_518 : memref<10240x32xf32, #tpu.memory_space<hbm>>) target(%arg14 : memref<128x32xf32, #tpu.memory_space<vmem>>) offsets(%dma_start3A_515 : memref<128xi32, #tpu.memory_space<vmem>>) semaphore(%arg24 : memref<!tpu.dma_semaphore, #tpu.memory_space<semaphore_mem>>)
      %add3A_519 = arith.constant 7 : i32
      %add3A_520 = arith.addi %add3A_264, %add3A_519 : i32
      %dma_wait3A_521 = arith.constant 0 : i32
      %dma_wait3A_522 = tpu.memref_slice %arg7[%add3A_520, %dma_wait3A_521] : memref<80x128xi32, #tpu.memory_space<vmem>> -> memref<1x128xi32, #tpu.memory_space<vmem>>
      %dma_wait3A_523 = tpu.memref_squeeze %dma_wait3A_522 : memref<1x128xi32, #tpu.memory_space<vmem>> -> memref<128xi32, #tpu.memory_space<vmem>>
      %dma_wait3A_524 = arith.constant 0 : i32
      %dma_wait3A_525 = arith.constant 0 : i32
      %dma_wait3A_526 = tpu.memref_slice %arg17[%dma_wait3A_524, %dma_wait3A_525] : memref<10240x32xf32, #tpu.memory_space<vmem_shared>> -> memref<10240x32xf32, #tpu.memory_space<vmem_shared>>
      tpu.wait_indirect_dma semaphore(%arg33 : memref<!tpu.dma_semaphore, #tpu.memory_space<semaphore_mem>>) src(%arg15 : memref<128x32xf32, #tpu.memory_space<vmem>>) dst(%dma_wait3A_526 : memref<10240x32xf32, #tpu.memory_space<vmem_shared>>)
      %add3A_527 = arith.constant 8 : i32
      %add3A_528 = arith.addi %add3A_264, %add3A_527 : i32
      %add3A_529 = arith.constant 7 : i32
      %add3A_530 = arith.addi %add3A_528, %add3A_529 : i32
      %dma_start3A_531 = arith.constant 0 : i32
      %dma_start3A_532 = tpu.memref_slice %arg6[%add3A_530, %dma_start3A_531] : memref<80x128xi32, #tpu.memory_space<vmem>> -> memref<1x128xi32, #tpu.memory_space<vmem>>
      %dma_start3A_533 = tpu.memref_squeeze %dma_start3A_532 : memref<1x128xi32, #tpu.memory_space<vmem>> -> memref<128xi32, #tpu.memory_space<vmem>>
      %dma_start3A_534 = arith.constant 0 : i32
      %dma_start3A_535 = arith.constant 0 : i32
      %dma_start3A_536 = tpu.memref_slice %arg2[%dma_start3A_534, %dma_start3A_535] : memref<10240x32xf32, #tpu.memory_space<hbm>> -> memref<10240x32xf32, #tpu.memory_space<hbm>>
      tpu.enqueue_indirect_dma source(%dma_start3A_536 : memref<10240x32xf32, #tpu.memory_space<hbm>>) target(%arg15 : memref<128x32xf32, #tpu.memory_space<vmem>>) offsets(%dma_start3A_533 : memref<128xi32, #tpu.memory_space<vmem>>) semaphore(%arg25 : memref<!tpu.dma_semaphore, #tpu.memory_space<semaphore_mem>>)
    }
    %scan3A_86 = arith.constant 9 : i32
    %dma_wait3A_87 = arith.constant 72 : i32
    %dma_wait3A_88 = arith.constant 0 : i32
    %dma_wait3A_89 = tpu.memref_slice %arg6[%dma_wait3A_87, %dma_wait3A_88] : memref<80x128xi32, #tpu.memory_space<vmem>> -> memref<1x128xi32, #tpu.memory_space<vmem>>
    %dma_wait3A_90 = tpu.memref_squeeze %dma_wait3A_89 : memref<1x128xi32, #tpu.memory_space<vmem>> -> memref<128xi32, #tpu.memory_space<vmem>>
    %dma_wait3A_91 = arith.constant 0 : i32
    %dma_wait3A_92 = arith.constant 0 : i32
    %dma_wait3A_93 = tpu.memref_slice %arg2[%dma_wait3A_91, %dma_wait3A_92] : memref<10240x32xf32, #tpu.memory_space<hbm>> -> memref<10240x32xf32, #tpu.memory_space<hbm>>
    tpu.wait_indirect_dma semaphore(%arg18 : memref<!tpu.dma_semaphore, #tpu.memory_space<semaphore_mem>>) src(%dma_wait3A_93 : memref<10240x32xf32, #tpu.memory_space<hbm>>) dst(%arg8 : memref<128x32xf32, #tpu.memory_space<vmem>>)
    %dma_start3A_94 = arith.constant 72 : i32
    %dma_start3A_95 = arith.constant 0 : i32
    %dma_start3A_96 = tpu.memref_slice %arg7[%dma_start3A_94, %dma_start3A_95] : memref<80x128xi32, #tpu.memory_space<vmem>> -> memref<1x128xi32, #tpu.memory_space<vmem>>
    %dma_start3A_97 = tpu.memref_squeeze %dma_start3A_96 : memref<1x128xi32, #tpu.memory_space<vmem>> -> memref<128xi32, #tpu.memory_space<vmem>>
    %dma_start3A_98 = arith.constant 0 : i32
    %dma_start3A_99 = arith.constant 0 : i32
    %dma_start3A_100 = tpu.memref_slice %arg17[%dma_start3A_98, %dma_start3A_99] : memref<10240x32xf32, #tpu.memory_space<vmem_shared>> -> memref<10240x32xf32, #tpu.memory_space<vmem_shared>>
    tpu.enqueue_indirect_dma source(%arg8 : memref<128x32xf32, #tpu.memory_space<vmem>>) target(%dma_start3A_100 : memref<10240x32xf32, #tpu.memory_space<vmem_shared>>) offsets(%dma_start3A_97 : memref<128xi32, #tpu.memory_space<vmem>>) semaphore(%arg26 : memref<!tpu.dma_semaphore, #tpu.memory_space<semaphore_mem>>) {add = true}
    %dma_wait3A_101 = arith.constant 73 : i32
    %dma_wait3A_102 = arith.constant 0 : i32
    %dma_wait3A_103 = tpu.memref_slice %arg6[%dma_wait3A_101, %dma_wait3A_102] : memref<80x128xi32, #tpu.memory_space<vmem>> -> memref<1x128xi32, #tpu.memory_space<vmem>>
    %dma_wait3A_104 = tpu.memref_squeeze %dma_wait3A_103 : memref<1x128xi32, #tpu.memory_space<vmem>> -> memref<128xi32, #tpu.memory_space<vmem>>
    %dma_wait3A_105 = arith.constant 0 : i32
    %dma_wait3A_106 = arith.constant 0 : i32
    %dma_wait3A_107 = tpu.memref_slice %arg2[%dma_wait3A_105, %dma_wait3A_106] : memref<10240x32xf32, #tpu.memory_space<hbm>> -> memref<10240x32xf32, #tpu.memory_space<hbm>>
    tpu.wait_indirect_dma semaphore(%arg19 : memref<!tpu.dma_semaphore, #tpu.memory_space<semaphore_mem>>) src(%dma_wait3A_107 : memref<10240x32xf32, #tpu.memory_space<hbm>>) dst(%arg9 : memref<128x32xf32, #tpu.memory_space<vmem>>)
    %dma_start3A_108 = arith.constant 73 : i32
    %dma_start3A_109 = arith.constant 0 : i32
    %dma_start3A_110 = tpu.memref_slice %arg7[%dma_start3A_108, %dma_start3A_109] : memref<80x128xi32, #tpu.memory_space<vmem>> -> memref<1x128xi32, #tpu.memory_space<vmem>>
    %dma_start3A_111 = tpu.memref_squeeze %dma_start3A_110 : memref<1x128xi32, #tpu.memory_space<vmem>> -> memref<128xi32, #tpu.memory_space<vmem>>
    %dma_start3A_112 = arith.constant 0 : i32
    %dma_start3A_113 = arith.constant 0 : i32
    %dma_start3A_114 = tpu.memref_slice %arg17[%dma_start3A_112, %dma_start3A_113] : memref<10240x32xf32, #tpu.memory_space<vmem_shared>> -> memref<10240x32xf32, #tpu.memory_space<vmem_shared>>
    tpu.enqueue_indirect_dma source(%arg9 : memref<128x32xf32, #tpu.memory_space<vmem>>) target(%dma_start3A_114 : memref<10240x32xf32, #tpu.memory_space<vmem_shared>>) offsets(%dma_start3A_111 : memref<128xi32, #tpu.memory_space<vmem>>) semaphore(%arg27 : memref<!tpu.dma_semaphore, #tpu.memory_space<semaphore_mem>>) {add = true}
    %dma_wait3A_115 = arith.constant 74 : i32
    %dma_wait3A_116 = arith.constant 0 : i32
    %dma_wait3A_117 = tpu.memref_slice %arg6[%dma_wait3A_115, %dma_wait3A_116] : memref<80x128xi32, #tpu.memory_space<vmem>> -> memref<1x128xi32, #tpu.memory_space<vmem>>
    %dma_wait3A_118 = tpu.memref_squeeze %dma_wait3A_117 : memref<1x128xi32, #tpu.memory_space<vmem>> -> memref<128xi32, #tpu.memory_space<vmem>>
    %dma_wait3A_119 = arith.constant 0 : i32
    %dma_wait3A_120 = arith.constant 0 : i32
    %dma_wait3A_121 = tpu.memref_slice %arg2[%dma_wait3A_119, %dma_wait3A_120] : memref<10240x32xf32, #tpu.memory_space<hbm>> -> memref<10240x32xf32, #tpu.memory_space<hbm>>
    tpu.wait_indirect_dma semaphore(%arg20 : memref<!tpu.dma_semaphore, #tpu.memory_space<semaphore_mem>>) src(%dma_wait3A_121 : memref<10240x32xf32, #tpu.memory_space<hbm>>) dst(%arg10 : memref<128x32xf32, #tpu.memory_space<vmem>>)
    %dma_start3A_122 = arith.constant 74 : i32
    %dma_start3A_123 = arith.constant 0 : i32
    %dma_start3A_124 = tpu.memref_slice %arg7[%dma_start3A_122, %dma_start3A_123] : memref<80x128xi32, #tpu.memory_space<vmem>> -> memref<1x128xi32, #tpu.memory_space<vmem>>
    %dma_start3A_125 = tpu.memref_squeeze %dma_start3A_124 : memref<1x128xi32, #tpu.memory_space<vmem>> -> memref<128xi32, #tpu.memory_space<vmem>>
    %dma_start3A_126 = arith.constant 0 : i32
    %dma_start3A_127 = arith.constant 0 : i32
    %dma_start3A_128 = tpu.memref_slice %arg17[%dma_start3A_126, %dma_start3A_127] : memref<10240x32xf32, #tpu.memory_space<vmem_shared>> -> memref<10240x32xf32, #tpu.memory_space<vmem_shared>>
    tpu.enqueue_indirect_dma source(%arg10 : memref<128x32xf32, #tpu.memory_space<vmem>>) target(%dma_start3A_128 : memref<10240x32xf32, #tpu.memory_space<vmem_shared>>) offsets(%dma_start3A_125 : memref<128xi32, #tpu.memory_space<vmem>>) semaphore(%arg28 : memref<!tpu.dma_semaphore, #tpu.memory_space<semaphore_mem>>) {add = true}
    %dma_wait3A_129 = arith.constant 75 : i32
    %dma_wait3A_130 = arith.constant 0 : i32
    %dma_wait3A_131 = tpu.memref_slice %arg6[%dma_wait3A_129, %dma_wait3A_130] : memref<80x128xi32, #tpu.memory_space<vmem>> -> memref<1x128xi32, #tpu.memory_space<vmem>>
    %dma_wait3A_132 = tpu.memref_squeeze %dma_wait3A_131 : memref<1x128xi32, #tpu.memory_space<vmem>> -> memref<128xi32, #tpu.memory_space<vmem>>
    %dma_wait3A_133 = arith.constant 0 : i32
    %dma_wait3A_134 = arith.constant 0 : i32
    %dma_wait3A_135 = tpu.memref_slice %arg2[%dma_wait3A_133, %dma_wait3A_134] : memref<10240x32xf32, #tpu.memory_space<hbm>> -> memref<10240x32xf32, #tpu.memory_space<hbm>>
    tpu.wait_indirect_dma semaphore(%arg21 : memref<!tpu.dma_semaphore, #tpu.memory_space<semaphore_mem>>) src(%dma_wait3A_135 : memref<10240x32xf32, #tpu.memory_space<hbm>>) dst(%arg11 : memref<128x32xf32, #tpu.memory_space<vmem>>)
    %dma_start3A_136 = arith.constant 75 : i32
    %dma_start3A_137 = arith.constant 0 : i32
    %dma_start3A_138 = tpu.memref_slice %arg7[%dma_start3A_136, %dma_start3A_137] : memref<80x128xi32, #tpu.memory_space<vmem>> -> memref<1x128xi32, #tpu.memory_space<vmem>>
    %dma_start3A_139 = tpu.memref_squeeze %dma_start3A_138 : memref<1x128xi32, #tpu.memory_space<vmem>> -> memref<128xi32, #tpu.memory_space<vmem>>
    %dma_start3A_140 = arith.constant 0 : i32
    %dma_start3A_141 = arith.constant 0 : i32
    %dma_start3A_142 = tpu.memref_slice %arg17[%dma_start3A_140, %dma_start3A_141] : memref<10240x32xf32, #tpu.memory_space<vmem_shared>> -> memref<10240x32xf32, #tpu.memory_space<vmem_shared>>
    tpu.enqueue_indirect_dma source(%arg11 : memref<128x32xf32, #tpu.memory_space<vmem>>) target(%dma_start3A_142 : memref<10240x32xf32, #tpu.memory_space<vmem_shared>>) offsets(%dma_start3A_139 : memref<128xi32, #tpu.memory_space<vmem>>) semaphore(%arg29 : memref<!tpu.dma_semaphore, #tpu.memory_space<semaphore_mem>>) {add = true}
    %dma_wait3A_143 = arith.constant 76 : i32
    %dma_wait3A_144 = arith.constant 0 : i32
    %dma_wait3A_145 = tpu.memref_slice %arg6[%dma_wait3A_143, %dma_wait3A_144] : memref<80x128xi32, #tpu.memory_space<vmem>> -> memref<1x128xi32, #tpu.memory_space<vmem>>
    %dma_wait3A_146 = tpu.memref_squeeze %dma_wait3A_145 : memref<1x128xi32, #tpu.memory_space<vmem>> -> memref<128xi32, #tpu.memory_space<vmem>>
    %dma_wait3A_147 = arith.constant 0 : i32
    %dma_wait3A_148 = arith.constant 0 : i32
    %dma_wait3A_149 = tpu.memref_slice %arg2[%dma_wait3A_147, %dma_wait3A_148] : memref<10240x32xf32, #tpu.memory_space<hbm>> -> memref<10240x32xf32, #tpu.memory_space<hbm>>
    tpu.wait_indirect_dma semaphore(%arg22 : memref<!tpu.dma_semaphore, #tpu.memory_space<semaphore_mem>>) src(%dma_wait3A_149 : memref<10240x32xf32, #tpu.memory_space<hbm>>) dst(%arg12 : memref<128x32xf32, #tpu.memory_space<vmem>>)
    %dma_start3A_150 = arith.constant 76 : i32
    %dma_start3A_151 = arith.constant 0 : i32
    %dma_start3A_152 = tpu.memref_slice %arg7[%dma_start3A_150, %dma_start3A_151] : memref<80x128xi32, #tpu.memory_space<vmem>> -> memref<1x128xi32, #tpu.memory_space<vmem>>
    %dma_start3A_153 = tpu.memref_squeeze %dma_start3A_152 : memref<1x128xi32, #tpu.memory_space<vmem>> -> memref<128xi32, #tpu.memory_space<vmem>>
    %dma_start3A_154 = arith.constant 0 : i32
    %dma_start3A_155 = arith.constant 0 : i32
    %dma_start3A_156 = tpu.memref_slice %arg17[%dma_start3A_154, %dma_start3A_155] : memref<10240x32xf32, #tpu.memory_space<vmem_shared>> -> memref<10240x32xf32, #tpu.memory_space<vmem_shared>>
    tpu.enqueue_indirect_dma source(%arg12 : memref<128x32xf32, #tpu.memory_space<vmem>>) target(%dma_start3A_156 : memref<10240x32xf32, #tpu.memory_space<vmem_shared>>) offsets(%dma_start3A_153 : memref<128xi32, #tpu.memory_space<vmem>>) semaphore(%arg30 : memref<!tpu.dma_semaphore, #tpu.memory_space<semaphore_mem>>) {add = true}
    %dma_wait3A_157 = arith.constant 77 : i32
    %dma_wait3A_158 = arith.constant 0 : i32
    %dma_wait3A_159 = tpu.memref_slice %arg6[%dma_wait3A_157, %dma_wait3A_158] : memref<80x128xi32, #tpu.memory_space<vmem>> -> memref<1x128xi32, #tpu.memory_space<vmem>>
    %dma_wait3A_160 = tpu.memref_squeeze %dma_wait3A_159 : memref<1x128xi32, #tpu.memory_space<vmem>> -> memref<128xi32, #tpu.memory_space<vmem>>
    %dma_wait3A_161 = arith.constant 0 : i32
    %dma_wait3A_162 = arith.constant 0 : i32
    %dma_wait3A_163 = tpu.memref_slice %arg2[%dma_wait3A_161, %dma_wait3A_162] : memref<10240x32xf32, #tpu.memory_space<hbm>> -> memref<10240x32xf32, #tpu.memory_space<hbm>>
    tpu.wait_indirect_dma semaphore(%arg23 : memref<!tpu.dma_semaphore, #tpu.memory_space<semaphore_mem>>) src(%dma_wait3A_163 : memref<10240x32xf32, #tpu.memory_space<hbm>>) dst(%arg13 : memref<128x32xf32, #tpu.memory_space<vmem>>)
    %dma_start3A_164 = arith.constant 77 : i32
    %dma_start3A_165 = arith.constant 0 : i32
    %dma_start3A_166 = tpu.memref_slice %arg7[%dma_start3A_164, %dma_start3A_165] : memref<80x128xi32, #tpu.memory_space<vmem>> -> memref<1x128xi32, #tpu.memory_space<vmem>>
    %dma_start3A_167 = tpu.memref_squeeze %dma_start3A_166 : memref<1x128xi32, #tpu.memory_space<vmem>> -> memref<128xi32, #tpu.memory_space<vmem>>
    %dma_start3A_168 = arith.constant 0 : i32
    %dma_start3A_169 = arith.constant 0 : i32
    %dma_start3A_170 = tpu.memref_slice %arg17[%dma_start3A_168, %dma_start3A_169] : memref<10240x32xf32, #tpu.memory_space<vmem_shared>> -> memref<10240x32xf32, #tpu.memory_space<vmem_shared>>
    tpu.enqueue_indirect_dma source(%arg13 : memref<128x32xf32, #tpu.memory_space<vmem>>) target(%dma_start3A_170 : memref<10240x32xf32, #tpu.memory_space<vmem_shared>>) offsets(%dma_start3A_167 : memref<128xi32, #tpu.memory_space<vmem>>) semaphore(%arg31 : memref<!tpu.dma_semaphore, #tpu.memory_space<semaphore_mem>>) {add = true}
    %dma_wait3A_171 = arith.constant 78 : i32
    %dma_wait3A_172 = arith.constant 0 : i32
    %dma_wait3A_173 = tpu.memref_slice %arg6[%dma_wait3A_171, %dma_wait3A_172] : memref<80x128xi32, #tpu.memory_space<vmem>> -> memref<1x128xi32, #tpu.memory_space<vmem>>
    %dma_wait3A_174 = tpu.memref_squeeze %dma_wait3A_173 : memref<1x128xi32, #tpu.memory_space<vmem>> -> memref<128xi32, #tpu.memory_space<vmem>>
    %dma_wait3A_175 = arith.constant 0 : i32
    %dma_wait3A_176 = arith.constant 0 : i32
    %dma_wait3A_177 = tpu.memref_slice %arg2[%dma_wait3A_175, %dma_wait3A_176] : memref<10240x32xf32, #tpu.memory_space<hbm>> -> memref<10240x32xf32, #tpu.memory_space<hbm>>
    tpu.wait_indirect_dma semaphore(%arg24 : memref<!tpu.dma_semaphore, #tpu.memory_space<semaphore_mem>>) src(%dma_wait3A_177 : memref<10240x32xf32, #tpu.memory_space<hbm>>) dst(%arg14 : memref<128x32xf32, #tpu.memory_space<vmem>>)
    %dma_start3A_178 = arith.constant 78 : i32
    %dma_start3A_179 = arith.constant 0 : i32
    %dma_start3A_180 = tpu.memref_slice %arg7[%dma_start3A_178, %dma_start3A_179] : memref<80x128xi32, #tpu.memory_space<vmem>> -> memref<1x128xi32, #tpu.memory_space<vmem>>
    %dma_start3A_181 = tpu.memref_squeeze %dma_start3A_180 : memref<1x128xi32, #tpu.memory_space<vmem>> -> memref<128xi32, #tpu.memory_space<vmem>>
    %dma_start3A_182 = arith.constant 0 : i32
    %dma_start3A_183 = arith.constant 0 : i32
    %dma_start3A_184 = tpu.memref_slice %arg17[%dma_start3A_182, %dma_start3A_183] : memref<10240x32xf32, #tpu.memory_space<vmem_shared>> -> memref<10240x32xf32, #tpu.memory_space<vmem_shared>>
    tpu.enqueue_indirect_dma source(%arg14 : memref<128x32xf32, #tpu.memory_space<vmem>>) target(%dma_start3A_184 : memref<10240x32xf32, #tpu.memory_space<vmem_shared>>) offsets(%dma_start3A_181 : memref<128xi32, #tpu.memory_space<vmem>>) semaphore(%arg32 : memref<!tpu.dma_semaphore, #tpu.memory_space<semaphore_mem>>) {add = true}
    %dma_wait3A_185 = arith.constant 79 : i32
    %dma_wait3A_186 = arith.constant 0 : i32
    %dma_wait3A_187 = tpu.memref_slice %arg6[%dma_wait3A_185, %dma_wait3A_186] : memref<80x128xi32, #tpu.memory_space<vmem>> -> memref<1x128xi32, #tpu.memory_space<vmem>>
    %dma_wait3A_188 = tpu.memref_squeeze %dma_wait3A_187 : memref<1x128xi32, #tpu.memory_space<vmem>> -> memref<128xi32, #tpu.memory_space<vmem>>
    %dma_wait3A_189 = arith.constant 0 : i32
    %dma_wait3A_190 = arith.constant 0 : i32
    %dma_wait3A_191 = tpu.memref_slice %arg2[%dma_wait3A_189, %dma_wait3A_190] : memref<10240x32xf32, #tpu.memory_space<hbm>> -> memref<10240x32xf32, #tpu.memory_space<hbm>>
    tpu.wait_indirect_dma semaphore(%arg25 : memref<!tpu.dma_semaphore, #tpu.memory_space<semaphore_mem>>) src(%dma_wait3A_191 : memref<10240x32xf32, #tpu.memory_space<hbm>>) dst(%arg15 : memref<128x32xf32, #tpu.memory_space<vmem>>)
    %dma_start3A_192 = arith.constant 79 : i32
    %dma_start3A_193 = arith.constant 0 : i32
    %dma_start3A_194 = tpu.memref_slice %arg7[%dma_start3A_192, %dma_start3A_193] : memref<80x128xi32, #tpu.memory_space<vmem>> -> memref<1x128xi32, #tpu.memory_space<vmem>>
    %dma_start3A_195 = tpu.memref_squeeze %dma_start3A_194 : memref<1x128xi32, #tpu.memory_space<vmem>> -> memref<128xi32, #tpu.memory_space<vmem>>
    %dma_start3A_196 = arith.constant 0 : i32
    %dma_start3A_197 = arith.constant 0 : i32
    %dma_start3A_198 = tpu.memref_slice %arg17[%dma_start3A_196, %dma_start3A_197] : memref<10240x32xf32, #tpu.memory_space<vmem_shared>> -> memref<10240x32xf32, #tpu.memory_space<vmem_shared>>
    tpu.enqueue_indirect_dma source(%arg15 : memref<128x32xf32, #tpu.memory_space<vmem>>) target(%dma_start3A_198 : memref<10240x32xf32, #tpu.memory_space<vmem_shared>>) offsets(%dma_start3A_195 : memref<128xi32, #tpu.memory_space<vmem>>) semaphore(%arg33 : memref<!tpu.dma_semaphore, #tpu.memory_space<semaphore_mem>>) {add = true}
    %dma_wait3A_199 = arith.constant 72 : i32
    %dma_wait3A_200 = arith.constant 0 : i32
    %dma_wait3A_201 = tpu.memref_slice %arg7[%dma_wait3A_199, %dma_wait3A_200] : memref<80x128xi32, #tpu.memory_space<vmem>> -> memref<1x128xi32, #tpu.memory_space<vmem>>
    %dma_wait3A_202 = tpu.memref_squeeze %dma_wait3A_201 : memref<1x128xi32, #tpu.memory_space<vmem>> -> memref<128xi32, #tpu.memory_space<vmem>>
    %dma_wait3A_203 = arith.constant 0 : i32
    %dma_wait3A_204 = arith.constant 0 : i32
    %dma_wait3A_205 = tpu.memref_slice %arg17[%dma_wait3A_203, %dma_wait3A_204] : memref<10240x32xf32, #tpu.memory_space<vmem_shared>> -> memref<10240x32xf32, #tpu.memory_space<vmem_shared>>
    tpu.wait_indirect_dma semaphore(%arg26 : memref<!tpu.dma_semaphore, #tpu.memory_space<semaphore_mem>>) src(%arg8 : memref<128x32xf32, #tpu.memory_space<vmem>>) dst(%dma_wait3A_205 : memref<10240x32xf32, #tpu.memory_space<vmem_shared>>)
    %dma_wait3A_206 = arith.constant 73 : i32
    %dma_wait3A_207 = arith.constant 0 : i32
    %dma_wait3A_208 = tpu.memref_slice %arg7[%dma_wait3A_206, %dma_wait3A_207] : memref<80x128xi32, #tpu.memory_space<vmem>> -> memref<1x128xi32, #tpu.memory_space<vmem>>
    %dma_wait3A_209 = tpu.memref_squeeze %dma_wait3A_208 : memref<1x128xi32, #tpu.memory_space<vmem>> -> memref<128xi32, #tpu.memory_space<vmem>>
    %dma_wait3A_210 = arith.constant 0 : i32
    %dma_wait3A_211 = arith.constant 0 : i32
    %dma_wait3A_212 = tpu.memref_slice %arg17[%dma_wait3A_210, %dma_wait3A_211] : memref<10240x32xf32, #tpu.memory_space<vmem_shared>> -> memref<10240x32xf32, #tpu.memory_space<vmem_shared>>
    tpu.wait_indirect_dma semaphore(%arg27 : memref<!tpu.dma_semaphore, #tpu.memory_space<semaphore_mem>>) src(%arg9 : memref<128x32xf32, #tpu.memory_space<vmem>>) dst(%dma_wait3A_212 : memref<10240x32xf32, #tpu.memory_space<vmem_shared>>)
    %dma_wait3A_213 = arith.constant 74 : i32
    %dma_wait3A_214 = arith.constant 0 : i32
    %dma_wait3A_215 = tpu.memref_slice %arg7[%dma_wait3A_213, %dma_wait3A_214] : memref<80x128xi32, #tpu.memory_space<vmem>> -> memref<1x128xi32, #tpu.memory_space<vmem>>
    %dma_wait3A_216 = tpu.memref_squeeze %dma_wait3A_215 : memref<1x128xi32, #tpu.memory_space<vmem>> -> memref<128xi32, #tpu.memory_space<vmem>>
    %dma_wait3A_217 = arith.constant 0 : i32
    %dma_wait3A_218 = arith.constant 0 : i32
    %dma_wait3A_219 = tpu.memref_slice %arg17[%dma_wait3A_217, %dma_wait3A_218] : memref<10240x32xf32, #tpu.memory_space<vmem_shared>> -> memref<10240x32xf32, #tpu.memory_space<vmem_shared>>
    tpu.wait_indirect_dma semaphore(%arg28 : memref<!tpu.dma_semaphore, #tpu.memory_space<semaphore_mem>>) src(%arg10 : memref<128x32xf32, #tpu.memory_space<vmem>>) dst(%dma_wait3A_219 : memref<10240x32xf32, #tpu.memory_space<vmem_shared>>)
    %dma_wait3A_220 = arith.constant 75 : i32
    %dma_wait3A_221 = arith.constant 0 : i32
    %dma_wait3A_222 = tpu.memref_slice %arg7[%dma_wait3A_220, %dma_wait3A_221] : memref<80x128xi32, #tpu.memory_space<vmem>> -> memref<1x128xi32, #tpu.memory_space<vmem>>
    %dma_wait3A_223 = tpu.memref_squeeze %dma_wait3A_222 : memref<1x128xi32, #tpu.memory_space<vmem>> -> memref<128xi32, #tpu.memory_space<vmem>>
    %dma_wait3A_224 = arith.constant 0 : i32
    %dma_wait3A_225 = arith.constant 0 : i32
    %dma_wait3A_226 = tpu.memref_slice %arg17[%dma_wait3A_224, %dma_wait3A_225] : memref<10240x32xf32, #tpu.memory_space<vmem_shared>> -> memref<10240x32xf32, #tpu.memory_space<vmem_shared>>
    tpu.wait_indirect_dma semaphore(%arg29 : memref<!tpu.dma_semaphore, #tpu.memory_space<semaphore_mem>>) src(%arg11 : memref<128x32xf32, #tpu.memory_space<vmem>>) dst(%dma_wait3A_226 : memref<10240x32xf32, #tpu.memory_space<vmem_shared>>)
    %dma_wait3A_227 = arith.constant 76 : i32
    %dma_wait3A_228 = arith.constant 0 : i32
    %dma_wait3A_229 = tpu.memref_slice %arg7[%dma_wait3A_227, %dma_wait3A_228] : memref<80x128xi32, #tpu.memory_space<vmem>> -> memref<1x128xi32, #tpu.memory_space<vmem>>
    %dma_wait3A_230 = tpu.memref_squeeze %dma_wait3A_229 : memref<1x128xi32, #tpu.memory_space<vmem>> -> memref<128xi32, #tpu.memory_space<vmem>>
    %dma_wait3A_231 = arith.constant 0 : i32
    %dma_wait3A_232 = arith.constant 0 : i32
    %dma_wait3A_233 = tpu.memref_slice %arg17[%dma_wait3A_231, %dma_wait3A_232] : memref<10240x32xf32, #tpu.memory_space<vmem_shared>> -> memref<10240x32xf32, #tpu.memory_space<vmem_shared>>
    tpu.wait_indirect_dma semaphore(%arg30 : memref<!tpu.dma_semaphore, #tpu.memory_space<semaphore_mem>>) src(%arg12 : memref<128x32xf32, #tpu.memory_space<vmem>>) dst(%dma_wait3A_233 : memref<10240x32xf32, #tpu.memory_space<vmem_shared>>)
    %dma_wait3A_234 = arith.constant 77 : i32
    %dma_wait3A_235 = arith.constant 0 : i32
    %dma_wait3A_236 = tpu.memref_slice %arg7[%dma_wait3A_234, %dma_wait3A_235] : memref<80x128xi32, #tpu.memory_space<vmem>> -> memref<1x128xi32, #tpu.memory_space<vmem>>
    %dma_wait3A_237 = tpu.memref_squeeze %dma_wait3A_236 : memref<1x128xi32, #tpu.memory_space<vmem>> -> memref<128xi32, #tpu.memory_space<vmem>>
    %dma_wait3A_238 = arith.constant 0 : i32
    %dma_wait3A_239 = arith.constant 0 : i32
    %dma_wait3A_240 = tpu.memref_slice %arg17[%dma_wait3A_238, %dma_wait3A_239] : memref<10240x32xf32, #tpu.memory_space<vmem_shared>> -> memref<10240x32xf32, #tpu.memory_space<vmem_shared>>
    tpu.wait_indirect_dma semaphore(%arg31 : memref<!tpu.dma_semaphore, #tpu.memory_space<semaphore_mem>>) src(%arg13 : memref<128x32xf32, #tpu.memory_space<vmem>>) dst(%dma_wait3A_240 : memref<10240x32xf32, #tpu.memory_space<vmem_shared>>)
    %dma_wait3A_241 = arith.constant 78 : i32
    %dma_wait3A_242 = arith.constant 0 : i32
    %dma_wait3A_243 = tpu.memref_slice %arg7[%dma_wait3A_241, %dma_wait3A_242] : memref<80x128xi32, #tpu.memory_space<vmem>> -> memref<1x128xi32, #tpu.memory_space<vmem>>
    %dma_wait3A_244 = tpu.memref_squeeze %dma_wait3A_243 : memref<1x128xi32, #tpu.memory_space<vmem>> -> memref<128xi32, #tpu.memory_space<vmem>>
    %dma_wait3A_245 = arith.constant 0 : i32
    %dma_wait3A_246 = arith.constant 0 : i32
    %dma_wait3A_247 = tpu.memref_slice %arg17[%dma_wait3A_245, %dma_wait3A_246] : memref<10240x32xf32, #tpu.memory_space<vmem_shared>> -> memref<10240x32xf32, #tpu.memory_space<vmem_shared>>
    tpu.wait_indirect_dma semaphore(%arg32 : memref<!tpu.dma_semaphore, #tpu.memory_space<semaphore_mem>>) src(%arg14 : memref<128x32xf32, #tpu.memory_space<vmem>>) dst(%dma_wait3A_247 : memref<10240x32xf32, #tpu.memory_space<vmem_shared>>)
    %dma_wait3A_248 = arith.constant 79 : i32
    %dma_wait3A_249 = arith.constant 0 : i32
    %dma_wait3A_250 = tpu.memref_slice %arg7[%dma_wait3A_248, %dma_wait3A_249] : memref<80x128xi32, #tpu.memory_space<vmem>> -> memref<1x128xi32, #tpu.memory_space<vmem>>
    %dma_wait3A_251 = tpu.memref_squeeze %dma_wait3A_250 : memref<1x128xi32, #tpu.memory_space<vmem>> -> memref<128xi32, #tpu.memory_space<vmem>>
    %dma_wait3A_252 = arith.constant 0 : i32
    %dma_wait3A_253 = arith.constant 0 : i32
    %dma_wait3A_254 = tpu.memref_slice %arg17[%dma_wait3A_252, %dma_wait3A_253] : memref<10240x32xf32, #tpu.memory_space<vmem_shared>> -> memref<10240x32xf32, #tpu.memory_space<vmem_shared>>
    tpu.wait_indirect_dma semaphore(%arg33 : memref<!tpu.dma_semaphore, #tpu.memory_space<semaphore_mem>>) src(%arg15 : memref<128x32xf32, #tpu.memory_space<vmem>>) dst(%dma_wait3A_254 : memref<10240x32xf32, #tpu.memory_space<vmem_shared>>)
    %barrier3A_255 = arith.constant 0 : index
    tpu.barrier barrier_id(%barrier3A_255)
    %mul3A_256 = arith.constant 640 : i32
    %mul3A_257 = arith.muli %arg1, %mul3A_256 : i32
    %mul3A_258 = arith.constant 640 : i32
    %mul3A_259 = arith.muli %arg1, %mul3A_258 : i32
    "tpu.region"() ({
      %run_scoped3A = tpu.sem_alloc : memref<!tpu.dma_semaphore, #tpu.memory_space<semaphore_mem>>
      %dma_start3A_260 = arith.constant 0 : i32
      %dma_start3A_261 = tpu.memref_slice %arg5[%arg0, %mul3A_259, %dma_start3A_260] : memref<2x10240x32xf32, #tpu.memory_space<hbm>> -> memref<1x640x32xf32, #tpu.memory_space<hbm>>
      %dma_start3A_262 = tpu.memref_squeeze %dma_start3A_261 : memref<1x640x32xf32, #tpu.memory_space<hbm>> -> memref<640x32xf32, #tpu.memory_space<hbm>>
      %dma_start3A_263 = arith.constant 0 : i32
      %dma_start3A_264 = tpu.memref_slice %arg17[%mul3A_257, %dma_start3A_263] : memref<10240x32xf32, #tpu.memory_space<vmem_shared>> -> memref<640x32xf32, #tpu.memory_space<vmem_shared>>
      tpu.enqueue_dma source(%dma_start3A_264 : memref<640x32xf32, #tpu.memory_space<vmem_shared>>) target(%dma_start3A_262 : memref<640x32xf32, #tpu.memory_space<hbm>>) target_semaphore(%run_scoped3A : memref<!tpu.dma_semaphore, #tpu.memory_space<semaphore_mem>>)
      %dma_wait3A_265 = arith.constant 0 : i32
      %dma_wait3A_266 = tpu.memref_slice %arg5[%arg0, %mul3A_259, %dma_wait3A_265] : memref<2x10240x32xf32, #tpu.memory_space<hbm>> -> memref<1x640x32xf32, #tpu.memory_space<hbm>>
      %dma_wait3A_267 = tpu.memref_squeeze %dma_wait3A_266 : memref<1x640x32xf32, #tpu.memory_space<hbm>> -> memref<640x32xf32, #tpu.memory_space<hbm>>
      %dma_wait3A_268 = arith.constant 0 : i32
      %dma_wait3A_269 = tpu.memref_slice %arg17[%mul3A_257, %dma_wait3A_268] : memref<10240x32xf32, #tpu.memory_space<vmem_shared>> -> memref<640x32xf32, #tpu.memory_space<vmem_shared>>
      tpu.wait_dma2 semaphore(%run_scoped3A : memref<!tpu.dma_semaphore, #tpu.memory_space<semaphore_mem>>) src(%dma_wait3A_269 : memref<640x32xf32, #tpu.memory_space<vmem_shared>>) dst(%dma_wait3A_267 : memref<640x32xf32, #tpu.memory_space<hbm>>)
      tpu.yield
    }) : () -> ()
    return
  }
}

module attributes {stable_mosaic.version = 14 : i64} {
  func.func @_mm_body(%arg0: memref<2500x4x128xf32, #tpu.memory_space<vmem>>, %arg1: memref<128x32xf32, #tpu.memory_space<vmem>>, %arg2: memref<2560x128xf32, #tpu.memory_space<vmem>>) attributes {dimension_semantics = [], scalar_prefetch = 0 : i64, scratch_operands = 0 : i64, tpu.core_type = #tpu.core_type<tc>} {
    %get3A = arith.constant 0 : index
    %get3A_0 = arith.constant 0 : index
    %get3A_1 = arith.constant 0 : index
    %get3A_2 = vector.load %arg0[%get3A, %get3A_0, %get3A_1] : memref<2500x4x128xf32, #tpu.memory_space<vmem>>, vector<2500x1x128xf32>
    %get3A_3 = vector.shape_cast %get3A_2 : vector<2500x1x128xf32> to vector<2500x128xf32>
    %get3A_4 = arith.constant 0 : index
    %get3A_5 = arith.constant 0 : index
    %get3A_6 = vector.load %arg1[%get3A_4, %get3A_5] : memref<128x32xf32, #tpu.memory_space<vmem>>, vector<128x32xf32>
    %dot_general3A = arith.constant dense<0.000000e+00> : vector<2500x32xf32>
    %dot_general3A_7 = tpu.matmul %get3A_3, %get3A_6, %dot_general3A {dimension_numbers = #tpu.dot_dimension_numbers<[1], [0], [0], [1], [0, 0, 1, 1], [], []>, transpose_lhs_hint = false} : vector<2500x128xf32>, vector<128x32xf32>, vector<2500x32xf32> -> vector<2500x32xf32>
    %get3A_8 = arith.constant 0 : index
    %get3A_9 = arith.constant 1 : index
    %get3A_10 = arith.constant 0 : index
    %get3A_11 = vector.load %arg0[%get3A_8, %get3A_9, %get3A_10] : memref<2500x4x128xf32, #tpu.memory_space<vmem>>, vector<2500x1x128xf32>
    %get3A_12 = vector.shape_cast %get3A_11 : vector<2500x1x128xf32> to vector<2500x128xf32>
    %get3A_13 = arith.constant 0 : index
    %get3A_14 = arith.constant 0 : index
    %get3A_15 = vector.load %arg1[%get3A_13, %get3A_14] : memref<128x32xf32, #tpu.memory_space<vmem>>, vector<128x32xf32>
    %dot_general3A_16 = arith.constant dense<0.000000e+00> : vector<2500x32xf32>
    %dot_general3A_17 = tpu.matmul %get3A_12, %get3A_15, %dot_general3A_16 {dimension_numbers = #tpu.dot_dimension_numbers<[1], [0], [0], [1], [0, 0, 1, 1], [], []>, transpose_lhs_hint = false} : vector<2500x128xf32>, vector<128x32xf32>, vector<2500x32xf32> -> vector<2500x32xf32>
    %get3A_18 = arith.constant 0 : index
    %get3A_19 = arith.constant 2 : index
    %get3A_20 = arith.constant 0 : index
    %get3A_21 = vector.load %arg0[%get3A_18, %get3A_19, %get3A_20] : memref<2500x4x128xf32, #tpu.memory_space<vmem>>, vector<2500x1x128xf32>
    %get3A_22 = vector.shape_cast %get3A_21 : vector<2500x1x128xf32> to vector<2500x128xf32>
    %get3A_23 = arith.constant 0 : index
    %get3A_24 = arith.constant 0 : index
    %get3A_25 = vector.load %arg1[%get3A_23, %get3A_24] : memref<128x32xf32, #tpu.memory_space<vmem>>, vector<128x32xf32>
    %dot_general3A_26 = arith.constant dense<0.000000e+00> : vector<2500x32xf32>
    %dot_general3A_27 = tpu.matmul %get3A_22, %get3A_25, %dot_general3A_26 {dimension_numbers = #tpu.dot_dimension_numbers<[1], [0], [0], [1], [0, 0, 1, 1], [], []>, transpose_lhs_hint = false} : vector<2500x128xf32>, vector<128x32xf32>, vector<2500x32xf32> -> vector<2500x32xf32>
    %get3A_28 = arith.constant 0 : index
    %get3A_29 = arith.constant 3 : index
    %get3A_30 = arith.constant 0 : index
    %get3A_31 = vector.load %arg0[%get3A_28, %get3A_29, %get3A_30] : memref<2500x4x128xf32, #tpu.memory_space<vmem>>, vector<2500x1x128xf32>
    %get3A_32 = vector.shape_cast %get3A_31 : vector<2500x1x128xf32> to vector<2500x128xf32>
    %get3A_33 = arith.constant 0 : index
    %get3A_34 = arith.constant 0 : index
    %get3A_35 = vector.load %arg1[%get3A_33, %get3A_34] : memref<128x32xf32, #tpu.memory_space<vmem>>, vector<128x32xf32>
    %dot_general3A_36 = arith.constant dense<0.000000e+00> : vector<2500x32xf32>
    %dot_general3A_37 = tpu.matmul %get3A_32, %get3A_35, %dot_general3A_36 {dimension_numbers = #tpu.dot_dimension_numbers<[1], [0], [0], [1], [0, 0, 1, 1], [], []>, transpose_lhs_hint = false} : vector<2500x128xf32>, vector<128x32xf32>, vector<2500x32xf32> -> vector<2500x32xf32>
    %concatenate3A = tpu.concatenate %dot_general3A_7, %dot_general3A_17, %dot_general3A_27, %dot_general3A_37 in 1 : vector<2500x32xf32>, vector<2500x32xf32>, vector<2500x32xf32>, vector<2500x32xf32> -> vector<2500x128xf32>
    %swap3A = arith.constant 0 : index
    %swap3A_38 = arith.constant 0 : index
    %swap3A_39 = vector.load %arg2[%swap3A, %swap3A_38] : memref<2560x128xf32, #tpu.memory_space<vmem>>, vector<2500x128xf32>
    tpu.vector_store %arg2[%swap3A, %swap3A_38], %concatenate3A {strides = array<i32>} : memref<2560x128xf32, #tpu.memory_space<vmem>>, vector<2500x128xf32>,
    %broadcast_in_dim3A = arith.constant 0.000000e+00 : f32
    %broadcast_in_dim3A_40 = vector.broadcast %broadcast_in_dim3A : f32 to vector<60x128xf32>
    %swap3A_41 = arith.constant 2500 : index
    %swap3A_42 = arith.constant 0 : index
    %swap3A_43 = vector.load %arg2[%swap3A_41, %swap3A_42] : memref<2560x128xf32, #tpu.memory_space<vmem>>, vector<60x128xf32>
    tpu.vector_store %arg2[%swap3A_41, %swap3A_42], %broadcast_in_dim3A_40 {strides = array<i32>} : memref<2560x128xf32, #tpu.memory_space<vmem>>, vector<60x128xf32>,
    return
  }
}

module attributes {stable_mosaic.version = 14 : i64} {
  func.func @_bn_mm_body(%arg0: memref<2x2560x128xf32, #tpu.memory_space<vmem>>, %arg1: memref<1x32xf32, #tpu.memory_space<vmem>>, %arg2: memref<1x32xf32, #tpu.memory_space<vmem>>, %arg3: memref<128x128xf32, #tpu.memory_space<vmem>>, %arg4: memref<2560x128xf32, #tpu.memory_space<vmem>>, %arg5: memref<2500x128xf32, #tpu.memory_space<vmem>>) attributes {dimension_semantics = [], scalar_prefetch = 0 : i64, scratch_operands = 0 : i64, tpu.core_type = #tpu.core_type<tc>} {
    %get3A = arith.constant 0 : index
    %get3A_0 = arith.constant 0 : index
    %get3A_1 = arith.constant 0 : index
    %get3A_2 = vector.load %arg0[%get3A, %get3A_0, %get3A_1] : memref<2x2560x128xf32, #tpu.memory_space<vmem>>, vector<1x2500x128xf32>
    %get3A_3 = vector.shape_cast %get3A_2 : vector<1x2500x128xf32> to vector<2500x128xf32>
    %get3A_4 = arith.constant 1 : index
    %get3A_5 = arith.constant 0 : index
    %get3A_6 = arith.constant 0 : index
    %get3A_7 = vector.load %arg0[%get3A_4, %get3A_5, %get3A_6] : memref<2x2560x128xf32, #tpu.memory_space<vmem>>, vector<1x2500x128xf32>
    %get3A_8 = vector.shape_cast %get3A_7 : vector<1x2500x128xf32> to vector<2500x128xf32>
    %add3A = arith.addf %get3A_3, %get3A_8 : vector<2500x128xf32>
    %reduce_sum3A = arith.constant dense<0.000000e+00> : vector<128xf32>
    %reduce_sum3A_9 = vector.multi_reduction <add>, %add3A, %reduce_sum3A [0] : vector<2500x128xf32> to vector<128xf32>
    %broadcast_in_dim3A = vector.shape_cast %reduce_sum3A_9 : vector<128xf32> to vector<1x128xf32>
    %slice3A = vector.extract_strided_slice %broadcast_in_dim3A {offsets = [0, 0], sizes = [1, 32], strides = [1, 1]} : vector<1x128xf32> to vector<1x32xf32>
    %slice3A_10 = vector.extract_strided_slice %broadcast_in_dim3A {offsets = [0, 32], sizes = [1, 32], strides = [1, 1]} : vector<1x128xf32> to vector<1x32xf32>
    %add3A_11 = arith.addf %slice3A, %slice3A_10 : vector<1x32xf32>
    %slice3A_12 = vector.extract_strided_slice %broadcast_in_dim3A {offsets = [0, 64], sizes = [1, 32], strides = [1, 1]} : vector<1x128xf32> to vector<1x32xf32>
    %add3A_13 = arith.addf %add3A_11, %slice3A_12 : vector<1x32xf32>
    %slice3A_14 = vector.extract_strided_slice %broadcast_in_dim3A {offsets = [0, 96], sizes = [1, 32], strides = [1, 1]} : vector<1x128xf32> to vector<1x32xf32>
    %add3A_15 = arith.addf %add3A_13, %slice3A_14 : vector<1x32xf32>
    %mul3A = arith.mulf %add3A, %add3A : vector<2500x128xf32>
    %reduce_sum3A_16 = arith.constant dense<0.000000e+00> : vector<128xf32>
    %reduce_sum3A_17 = vector.multi_reduction <add>, %mul3A, %reduce_sum3A_16 [0] : vector<2500x128xf32> to vector<128xf32>
    %broadcast_in_dim3A_18 = vector.shape_cast %reduce_sum3A_17 : vector<128xf32> to vector<1x128xf32>
    %slice3A_19 = vector.extract_strided_slice %broadcast_in_dim3A_18 {offsets = [0, 0], sizes = [1, 32], strides = [1, 1]} : vector<1x128xf32> to vector<1x32xf32>
    %slice3A_20 = vector.extract_strided_slice %broadcast_in_dim3A_18 {offsets = [0, 32], sizes = [1, 32], strides = [1, 1]} : vector<1x128xf32> to vector<1x32xf32>
    %add3A_21 = arith.addf %slice3A_19, %slice3A_20 : vector<1x32xf32>
    %slice3A_22 = vector.extract_strided_slice %broadcast_in_dim3A_18 {offsets = [0, 64], sizes = [1, 32], strides = [1, 1]} : vector<1x128xf32> to vector<1x32xf32>
    %add3A_23 = arith.addf %add3A_21, %slice3A_22 : vector<1x32xf32>
    %slice3A_24 = vector.extract_strided_slice %broadcast_in_dim3A_18 {offsets = [0, 96], sizes = [1, 32], strides = [1, 1]} : vector<1x128xf32> to vector<1x32xf32>
    %add3A_25 = arith.addf %add3A_23, %slice3A_24 : vector<1x32xf32>
    %mul3A_26 = arith.constant 9.99999974E-5 : f32
    %mul3A_27 = vector.broadcast %mul3A_26 : f32 to vector<1x32xf32>
    %mul3A_28 = arith.mulf %add3A_15, %mul3A_27 : vector<1x32xf32>
    %mul3A_29 = arith.constant 9.99999974E-5 : f32
    %mul3A_30 = vector.broadcast %mul3A_29 : f32 to vector<1x32xf32>
    %mul3A_31 = arith.mulf %add3A_25, %mul3A_30 : vector<1x32xf32>
    %mul3A_32 = arith.mulf %mul3A_28, %mul3A_28 : vector<1x32xf32>
    %sub3A = arith.subf %mul3A_31, %mul3A_32 : vector<1x32xf32>
    %get3A_33 = arith.constant 0 : index
    %get3A_34 = arith.constant 0 : index
    %get3A_35 = vector.load %arg1[%get3A_33, %get3A_34] : memref<1x32xf32, #tpu.memory_space<vmem>>, vector<1x32xf32>
    %add3A_36 = arith.constant 9.99999974E-6 : f32
    %add3A_37 = vector.broadcast %add3A_36 : f32 to vector<1x32xf32>
    %add3A_38 = arith.addf %sub3A, %add3A_37 : vector<1x32xf32>
    %rsqrt3A = math.rsqrt %add3A_38 : vector<1x32xf32>
    %mul3A_39 = arith.mulf %get3A_35, %rsqrt3A : vector<1x32xf32>
    %get3A_40 = arith.constant 0 : index
    %get3A_41 = arith.constant 0 : index
    %get3A_42 = vector.load %arg2[%get3A_40, %get3A_41] : memref<1x32xf32, #tpu.memory_space<vmem>>, vector<1x32xf32>
    %mul3A_43 = arith.mulf %mul3A_28, %mul3A_39 : vector<1x32xf32>
    %sub3A_44 = arith.subf %get3A_42, %mul3A_43 : vector<1x32xf32>
    %concatenate3A = tpu.concatenate %mul3A_39, %mul3A_39, %mul3A_39, %mul3A_39 in 1 : vector<1x32xf32>, vector<1x32xf32>, vector<1x32xf32>, vector<1x32xf32> -> vector<1x128xf32>
    %concatenate3A_45 = tpu.concatenate %sub3A_44, %sub3A_44, %sub3A_44, %sub3A_44 in 1 : vector<1x32xf32>, vector<1x32xf32>, vector<1x32xf32>, vector<1x32xf32> -> vector<1x128xf32>
    %mul3A_46 = vector.broadcast %concatenate3A : vector<1x128xf32> to vector<2500x128xf32>
    %mul3A_47 = arith.mulf %add3A, %mul3A_46 : vector<2500x128xf32>
    %add3A_48 = vector.broadcast %concatenate3A_45 : vector<1x128xf32> to vector<2500x128xf32>
    %add3A_49 = arith.addf %mul3A_47, %add3A_48 : vector<2500x128xf32>
    %max3A = arith.constant 0.000000e+00 : f32
    %max3A_50 = vector.broadcast %max3A : f32 to vector<2500x128xf32>
    %max3A_51 = arith.maximumf %add3A_49, %max3A_50 : vector<2500x128xf32>
    %swap3A = arith.constant 0 : index
    %swap3A_52 = arith.constant 0 : index
    %swap3A_53 = vector.load %arg5[%swap3A, %swap3A_52] : memref<2500x128xf32, #tpu.memory_space<vmem>>, vector<2500x128xf32>
    tpu.vector_store %arg5[%swap3A, %swap3A_52], %max3A_51 {strides = array<i32>} : memref<2500x128xf32, #tpu.memory_space<vmem>>, vector<2500x128xf32>,
    %get3A_54 = arith.constant 0 : index
    %get3A_55 = arith.constant 0 : index
    %get3A_56 = vector.load %arg3[%get3A_54, %get3A_55] : memref<128x128xf32, #tpu.memory_space<vmem>>, vector<128x128xf32>
    %dot_general3A = arith.constant dense<0.000000e+00> : vector<2500x128xf32>
    %dot_general3A_57 = tpu.matmul %max3A_51, %get3A_56, %dot_general3A {dimension_numbers = #tpu.dot_dimension_numbers<[1], [0], [0], [1], [0, 0, 1, 1], [], []>, transpose_lhs_hint = false} : vector<2500x128xf32>, vector<128x128xf32>, vector<2500x128xf32> -> vector<2500x128xf32>
    %swap3A_58 = arith.constant 0 : index
    %swap3A_59 = arith.constant 0 : index
    %swap3A_60 = vector.load %arg4[%swap3A_58, %swap3A_59] : memref<2560x128xf32, #tpu.memory_space<vmem>>, vector<2500x128xf32>
    tpu.vector_store %arg4[%swap3A_58, %swap3A_59], %dot_general3A_57 {strides = array<i32>} : memref<2560x128xf32, #tpu.memory_space<vmem>>, vector<2500x128xf32>,
    %broadcast_in_dim3A_61 = arith.constant 0.000000e+00 : f32
    %broadcast_in_dim3A_62 = vector.broadcast %broadcast_in_dim3A_61 : f32 to vector<60x128xf32>
    %swap3A_63 = arith.constant 2500 : index
    %swap3A_64 = arith.constant 0 : index
    %swap3A_65 = vector.load %arg4[%swap3A_63, %swap3A_64] : memref<2560x128xf32, #tpu.memory_space<vmem>>, vector<60x128xf32>
    tpu.vector_store %arg4[%swap3A_63, %swap3A_64], %broadcast_in_dim3A_62 {strides = array<i32>} : memref<2560x128xf32, #tpu.memory_space<vmem>>, vector<60x128xf32>,
    return
  }
}

module attributes {stable_mosaic.version = 14 : i64} {
  func.func @_bn_mm_body(%arg0: memref<2x2560x128xf32, #tpu.memory_space<vmem>>, %arg1: memref<1x32xf32, #tpu.memory_space<vmem>>, %arg2: memref<1x32xf32, #tpu.memory_space<vmem>>, %arg3: memref<128x128xf32, #tpu.memory_space<vmem>>, %arg4: memref<2560x128xf32, #tpu.memory_space<vmem>>, %arg5: memref<2500x128xf32, #tpu.memory_space<vmem>>) attributes {dimension_semantics = [], scalar_prefetch = 0 : i64, scratch_operands = 0 : i64, tpu.core_type = #tpu.core_type<tc>} {
    %get3A = arith.constant 0 : index
    %get3A_0 = arith.constant 0 : index
    %get3A_1 = arith.constant 0 : index
    %get3A_2 = vector.load %arg0[%get3A, %get3A_0, %get3A_1] : memref<2x2560x128xf32, #tpu.memory_space<vmem>>, vector<1x2500x128xf32>
    %get3A_3 = vector.shape_cast %get3A_2 : vector<1x2500x128xf32> to vector<2500x128xf32>
    %get3A_4 = arith.constant 1 : index
    %get3A_5 = arith.constant 0 : index
    %get3A_6 = arith.constant 0 : index
    %get3A_7 = vector.load %arg0[%get3A_4, %get3A_5, %get3A_6] : memref<2x2560x128xf32, #tpu.memory_space<vmem>>, vector<1x2500x128xf32>
    %get3A_8 = vector.shape_cast %get3A_7 : vector<1x2500x128xf32> to vector<2500x128xf32>
    %add3A = arith.addf %get3A_3, %get3A_8 : vector<2500x128xf32>
    %reduce_sum3A = arith.constant dense<0.000000e+00> : vector<128xf32>
    %reduce_sum3A_9 = vector.multi_reduction <add>, %add3A, %reduce_sum3A [0] : vector<2500x128xf32> to vector<128xf32>
    %broadcast_in_dim3A = vector.shape_cast %reduce_sum3A_9 : vector<128xf32> to vector<1x128xf32>
    %slice3A = vector.extract_strided_slice %broadcast_in_dim3A {offsets = [0, 0], sizes = [1, 32], strides = [1, 1]} : vector<1x128xf32> to vector<1x32xf32>
    %slice3A_10 = vector.extract_strided_slice %broadcast_in_dim3A {offsets = [0, 32], sizes = [1, 32], strides = [1, 1]} : vector<1x128xf32> to vector<1x32xf32>
    %add3A_11 = arith.addf %slice3A, %slice3A_10 : vector<1x32xf32>
    %slice3A_12 = vector.extract_strided_slice %broadcast_in_dim3A {offsets = [0, 64], sizes = [1, 32], strides = [1, 1]} : vector<1x128xf32> to vector<1x32xf32>
    %add3A_13 = arith.addf %add3A_11, %slice3A_12 : vector<1x32xf32>
    %slice3A_14 = vector.extract_strided_slice %broadcast_in_dim3A {offsets = [0, 96], sizes = [1, 32], strides = [1, 1]} : vector<1x128xf32> to vector<1x32xf32>
    %add3A_15 = arith.addf %add3A_13, %slice3A_14 : vector<1x32xf32>
    %mul3A = arith.mulf %add3A, %add3A : vector<2500x128xf32>
    %reduce_sum3A_16 = arith.constant dense<0.000000e+00> : vector<128xf32>
    %reduce_sum3A_17 = vector.multi_reduction <add>, %mul3A, %reduce_sum3A_16 [0] : vector<2500x128xf32> to vector<128xf32>
    %broadcast_in_dim3A_18 = vector.shape_cast %reduce_sum3A_17 : vector<128xf32> to vector<1x128xf32>
    %slice3A_19 = vector.extract_strided_slice %broadcast_in_dim3A_18 {offsets = [0, 0], sizes = [1, 32], strides = [1, 1]} : vector<1x128xf32> to vector<1x32xf32>
    %slice3A_20 = vector.extract_strided_slice %broadcast_in_dim3A_18 {offsets = [0, 32], sizes = [1, 32], strides = [1, 1]} : vector<1x128xf32> to vector<1x32xf32>
    %add3A_21 = arith.addf %slice3A_19, %slice3A_20 : vector<1x32xf32>
    %slice3A_22 = vector.extract_strided_slice %broadcast_in_dim3A_18 {offsets = [0, 64], sizes = [1, 32], strides = [1, 1]} : vector<1x128xf32> to vector<1x32xf32>
    %add3A_23 = arith.addf %add3A_21, %slice3A_22 : vector<1x32xf32>
    %slice3A_24 = vector.extract_strided_slice %broadcast_in_dim3A_18 {offsets = [0, 96], sizes = [1, 32], strides = [1, 1]} : vector<1x128xf32> to vector<1x32xf32>
    %add3A_25 = arith.addf %add3A_23, %slice3A_24 : vector<1x32xf32>
    %mul3A_26 = arith.constant 9.99999974E-5 : f32
    %mul3A_27 = vector.broadcast %mul3A_26 : f32 to vector<1x32xf32>
    %mul3A_28 = arith.mulf %add3A_15, %mul3A_27 : vector<1x32xf32>
    %mul3A_29 = arith.constant 9.99999974E-5 : f32
    %mul3A_30 = vector.broadcast %mul3A_29 : f32 to vector<1x32xf32>
    %mul3A_31 = arith.mulf %add3A_25, %mul3A_30 : vector<1x32xf32>
    %mul3A_32 = arith.mulf %mul3A_28, %mul3A_28 : vector<1x32xf32>
    %sub3A = arith.subf %mul3A_31, %mul3A_32 : vector<1x32xf32>
    %get3A_33 = arith.constant 0 : index
    %get3A_34 = arith.constant 0 : index
    %get3A_35 = vector.load %arg1[%get3A_33, %get3A_34] : memref<1x32xf32, #tpu.memory_space<vmem>>, vector<1x32xf32>
    %add3A_36 = arith.constant 9.99999974E-6 : f32
    %add3A_37 = vector.broadcast %add3A_36 : f32 to vector<1x32xf32>
    %add3A_38 = arith.addf %sub3A, %add3A_37 : vector<1x32xf32>
    %rsqrt3A = math.rsqrt %add3A_38 : vector<1x32xf32>
    %mul3A_39 = arith.mulf %get3A_35, %rsqrt3A : vector<1x32xf32>
    %get3A_40 = arith.constant 0 : index
    %get3A_41 = arith.constant 0 : index
    %get3A_42 = vector.load %arg2[%get3A_40, %get3A_41] : memref<1x32xf32, #tpu.memory_space<vmem>>, vector<1x32xf32>
    %mul3A_43 = arith.mulf %mul3A_28, %mul3A_39 : vector<1x32xf32>
    %sub3A_44 = arith.subf %get3A_42, %mul3A_43 : vector<1x32xf32>
    %concatenate3A = tpu.concatenate %mul3A_39, %mul3A_39, %mul3A_39, %mul3A_39 in 1 : vector<1x32xf32>, vector<1x32xf32>, vector<1x32xf32>, vector<1x32xf32> -> vector<1x128xf32>
    %concatenate3A_45 = tpu.concatenate %sub3A_44, %sub3A_44, %sub3A_44, %sub3A_44 in 1 : vector<1x32xf32>, vector<1x32xf32>, vector<1x32xf32>, vector<1x32xf32> -> vector<1x128xf32>
    %mul3A_46 = vector.broadcast %concatenate3A : vector<1x128xf32> to vector<2500x128xf32>
    %mul3A_47 = arith.mulf %add3A, %mul3A_46 : vector<2500x128xf32>
    %add3A_48 = vector.broadcast %concatenate3A_45 : vector<1x128xf32> to vector<2500x128xf32>
    %add3A_49 = arith.addf %mul3A_47, %add3A_48 : vector<2500x128xf32>
    %max3A = arith.constant 0.000000e+00 : f32
    %max3A_50 = vector.broadcast %max3A : f32 to vector<2500x128xf32>
    %max3A_51 = arith.maximumf %add3A_49, %max3A_50 : vector<2500x128xf32>
    %swap3A = arith.constant 0 : index
    %swap3A_52 = arith.constant 0 : index
    %swap3A_53 = vector.load %arg5[%swap3A, %swap3A_52] : memref<2500x128xf32, #tpu.memory_space<vmem>>, vector<2500x128xf32>
    tpu.vector_store %arg5[%swap3A, %swap3A_52], %max3A_51 {strides = array<i32>} : memref<2500x128xf32, #tpu.memory_space<vmem>>, vector<2500x128xf32>,
    %get3A_54 = arith.constant 0 : index
    %get3A_55 = arith.constant 0 : index
    %get3A_56 = vector.load %arg3[%get3A_54, %get3A_55] : memref<128x128xf32, #tpu.memory_space<vmem>>, vector<128x128xf32>
    %dot_general3A = arith.constant dense<0.000000e+00> : vector<2500x128xf32>
    %dot_general3A_57 = tpu.matmul %max3A_51, %get3A_56, %dot_general3A {dimension_numbers = #tpu.dot_dimension_numbers<[1], [0], [0], [1], [0, 0, 1, 1], [], []>, transpose_lhs_hint = false} : vector<2500x128xf32>, vector<128x128xf32>, vector<2500x128xf32> -> vector<2500x128xf32>
    %swap3A_58 = arith.constant 0 : index
    %swap3A_59 = arith.constant 0 : index
    %swap3A_60 = vector.load %arg4[%swap3A_58, %swap3A_59] : memref<2560x128xf32, #tpu.memory_space<vmem>>, vector<2500x128xf32>
    tpu.vector_store %arg4[%swap3A_58, %swap3A_59], %dot_general3A_57 {strides = array<i32>} : memref<2560x128xf32, #tpu.memory_space<vmem>>, vector<2500x128xf32>,
    %broadcast_in_dim3A_61 = arith.constant 0.000000e+00 : f32
    %broadcast_in_dim3A_62 = vector.broadcast %broadcast_in_dim3A_61 : f32 to vector<60x128xf32>
    %swap3A_63 = arith.constant 2500 : index
    %swap3A_64 = arith.constant 0 : index
    %swap3A_65 = vector.load %arg4[%swap3A_63, %swap3A_64] : memref<2560x128xf32, #tpu.memory_space<vmem>>, vector<60x128xf32>
    tpu.vector_store %arg4[%swap3A_63, %swap3A_64], %broadcast_in_dim3A_62 {strides = array<i32>} : memref<2560x128xf32, #tpu.memory_space<vmem>>, vector<60x128xf32>,
    return
  }
}

module attributes {stable_mosaic.version = 14 : i64} {
  func.func @_final_body(%arg0: memref<2x2560x128xf32, #tpu.memory_space<vmem>>, %arg1: memref<1x32xf32, #tpu.memory_space<vmem>>, %arg2: memref<1x32xf32, #tpu.memory_space<vmem>>, %arg3: memref<2500x128xf32, #tpu.memory_space<vmem>>, %arg4: memref<2500x128xf32, #tpu.memory_space<vmem>>) attributes {dimension_semantics = [], scalar_prefetch = 0 : i64, scratch_operands = 0 : i64, tpu.core_type = #tpu.core_type<tc>} {
    %get3A = arith.constant 0 : index
    %get3A_0 = arith.constant 0 : index
    %get3A_1 = arith.constant 0 : index
    %get3A_2 = vector.load %arg0[%get3A, %get3A_0, %get3A_1] : memref<2x2560x128xf32, #tpu.memory_space<vmem>>, vector<1x2500x128xf32>
    %get3A_3 = vector.shape_cast %get3A_2 : vector<1x2500x128xf32> to vector<2500x128xf32>
    %get3A_4 = arith.constant 1 : index
    %get3A_5 = arith.constant 0 : index
    %get3A_6 = arith.constant 0 : index
    %get3A_7 = vector.load %arg0[%get3A_4, %get3A_5, %get3A_6] : memref<2x2560x128xf32, #tpu.memory_space<vmem>>, vector<1x2500x128xf32>
    %get3A_8 = vector.shape_cast %get3A_7 : vector<1x2500x128xf32> to vector<2500x128xf32>
    %add3A = arith.addf %get3A_3, %get3A_8 : vector<2500x128xf32>
    %reduce_sum3A = arith.constant dense<0.000000e+00> : vector<128xf32>
    %reduce_sum3A_9 = vector.multi_reduction <add>, %add3A, %reduce_sum3A [0] : vector<2500x128xf32> to vector<128xf32>
    %broadcast_in_dim3A = vector.shape_cast %reduce_sum3A_9 : vector<128xf32> to vector<1x128xf32>
    %slice3A = vector.extract_strided_slice %broadcast_in_dim3A {offsets = [0, 0], sizes = [1, 32], strides = [1, 1]} : vector<1x128xf32> to vector<1x32xf32>
    %slice3A_10 = vector.extract_strided_slice %broadcast_in_dim3A {offsets = [0, 32], sizes = [1, 32], strides = [1, 1]} : vector<1x128xf32> to vector<1x32xf32>
    %add3A_11 = arith.addf %slice3A, %slice3A_10 : vector<1x32xf32>
    %slice3A_12 = vector.extract_strided_slice %broadcast_in_dim3A {offsets = [0, 64], sizes = [1, 32], strides = [1, 1]} : vector<1x128xf32> to vector<1x32xf32>
    %add3A_13 = arith.addf %add3A_11, %slice3A_12 : vector<1x32xf32>
    %slice3A_14 = vector.extract_strided_slice %broadcast_in_dim3A {offsets = [0, 96], sizes = [1, 32], strides = [1, 1]} : vector<1x128xf32> to vector<1x32xf32>
    %add3A_15 = arith.addf %add3A_13, %slice3A_14 : vector<1x32xf32>
    %mul3A = arith.mulf %add3A, %add3A : vector<2500x128xf32>
    %reduce_sum3A_16 = arith.constant dense<0.000000e+00> : vector<128xf32>
    %reduce_sum3A_17 = vector.multi_reduction <add>, %mul3A, %reduce_sum3A_16 [0] : vector<2500x128xf32> to vector<128xf32>
    %broadcast_in_dim3A_18 = vector.shape_cast %reduce_sum3A_17 : vector<128xf32> to vector<1x128xf32>
    %slice3A_19 = vector.extract_strided_slice %broadcast_in_dim3A_18 {offsets = [0, 0], sizes = [1, 32], strides = [1, 1]} : vector<1x128xf32> to vector<1x32xf32>
    %slice3A_20 = vector.extract_strided_slice %broadcast_in_dim3A_18 {offsets = [0, 32], sizes = [1, 32], strides = [1, 1]} : vector<1x128xf32> to vector<1x32xf32>
    %add3A_21 = arith.addf %slice3A_19, %slice3A_20 : vector<1x32xf32>
    %slice3A_22 = vector.extract_strided_slice %broadcast_in_dim3A_18 {offsets = [0, 64], sizes = [1, 32], strides = [1, 1]} : vector<1x128xf32> to vector<1x32xf32>
    %add3A_23 = arith.addf %add3A_21, %slice3A_22 : vector<1x32xf32>
    %slice3A_24 = vector.extract_strided_slice %broadcast_in_dim3A_18 {offsets = [0, 96], sizes = [1, 32], strides = [1, 1]} : vector<1x128xf32> to vector<1x32xf32>
    %add3A_25 = arith.addf %add3A_23, %slice3A_24 : vector<1x32xf32>
    %mul3A_26 = arith.constant 9.99999974E-5 : f32
    %mul3A_27 = vector.broadcast %mul3A_26 : f32 to vector<1x32xf32>
    %mul3A_28 = arith.mulf %add3A_15, %mul3A_27 : vector<1x32xf32>
    %mul3A_29 = arith.constant 9.99999974E-5 : f32
    %mul3A_30 = vector.broadcast %mul3A_29 : f32 to vector<1x32xf32>
    %mul3A_31 = arith.mulf %add3A_25, %mul3A_30 : vector<1x32xf32>
    %mul3A_32 = arith.mulf %mul3A_28, %mul3A_28 : vector<1x32xf32>
    %sub3A = arith.subf %mul3A_31, %mul3A_32 : vector<1x32xf32>
    %get3A_33 = arith.constant 0 : index
    %get3A_34 = arith.constant 0 : index
    %get3A_35 = vector.load %arg1[%get3A_33, %get3A_34] : memref<1x32xf32, #tpu.memory_space<vmem>>, vector<1x32xf32>
    %add3A_36 = arith.constant 9.99999974E-6 : f32
    %add3A_37 = vector.broadcast %add3A_36 : f32 to vector<1x32xf32>
    %add3A_38 = arith.addf %sub3A, %add3A_37 : vector<1x32xf32>
    %rsqrt3A = math.rsqrt %add3A_38 : vector<1x32xf32>
    %mul3A_39 = arith.mulf %get3A_35, %rsqrt3A : vector<1x32xf32>
    %get3A_40 = arith.constant 0 : index
    %get3A_41 = arith.constant 0 : index
    %get3A_42 = vector.load %arg2[%get3A_40, %get3A_41] : memref<1x32xf32, #tpu.memory_space<vmem>>, vector<1x32xf32>
    %mul3A_43 = arith.mulf %mul3A_28, %mul3A_39 : vector<1x32xf32>
    %sub3A_44 = arith.subf %get3A_42, %mul3A_43 : vector<1x32xf32>
    %concatenate3A = tpu.concatenate %mul3A_39, %mul3A_39, %mul3A_39, %mul3A_39 in 1 : vector<1x32xf32>, vector<1x32xf32>, vector<1x32xf32>, vector<1x32xf32> -> vector<1x128xf32>
    %concatenate3A_45 = tpu.concatenate %sub3A_44, %sub3A_44, %sub3A_44, %sub3A_44 in 1 : vector<1x32xf32>, vector<1x32xf32>, vector<1x32xf32>, vector<1x32xf32> -> vector<1x128xf32>
    %mul3A_46 = vector.broadcast %concatenate3A : vector<1x128xf32> to vector<2500x128xf32>
    %mul3A_47 = arith.mulf %add3A, %mul3A_46 : vector<2500x128xf32>
    %add3A_48 = vector.broadcast %concatenate3A_45 : vector<1x128xf32> to vector<2500x128xf32>
    %add3A_49 = arith.addf %mul3A_47, %add3A_48 : vector<2500x128xf32>
    %get3A_50 = arith.constant 0 : index
    %get3A_51 = arith.constant 0 : index
    %get3A_52 = vector.load %arg3[%get3A_50, %get3A_51] : memref<2500x128xf32, #tpu.memory_space<vmem>>, vector<2500x128xf32>
    %add3A_53 = arith.addf %get3A_52, %add3A_49 : vector<2500x128xf32>
    %max3A = arith.constant 0.000000e+00 : f32
    %max3A_54 = vector.broadcast %max3A : f32 to vector<2500x128xf32>
    %max3A_55 = arith.maximumf %add3A_53, %max3A_54 : vector<2500x128xf32>
    %swap3A = arith.constant 0 : index
    %swap3A_56 = arith.constant 0 : index
    %swap3A_57 = vector.load %arg4[%swap3A, %swap3A_56] : memref<2500x128xf32, #tpu.memory_space<vmem>>, vector<2500x128xf32>
    tpu.vector_store %arg4[%swap3A, %swap3A_56], %max3A_55 {strides = array<i32>} : memref<2500x128xf32, #tpu.memory_space<vmem>>, vector<2500x128xf32>,
    return
  }
}

</mosaic_0001>

<sc_bundles>
// kernel: kernel.11.cloned.1.call-start
scs
__scs_entry_jumppad:
0x0: {  	(pc) =	sbr.rel $0x88, $3  }
0x1: {  	(tag) =	ssettag $0x0;
	lr =	simm.s32 $0x1  }
0x2: {  	[smem:$0x3F93] =	sst lr;
	_ =	strace $0xD0000000  }
0x3: {  	_ = 	snop  }
0x4: {  	_ = 	snop  }
0x5: {  	_ = 	snop  }
0x6: {  	_ = 	snop  }
0x7: {  	_ = 	snop  }
__scs_overlays_trampoline_lowered:
0x8: {  	[smem:$0x3FA2] =	sst s0  }
0x9: {  	[smem:$0x3FA3] =	sst s1  }
0xa: {  	[smem:$0x3FA4] =	sst s2  }
0xb: {  	[smem:$0x3FA5] =	sst s3  }
0xc: {  	[smem:$0x3FA6] =	sst s4  }
0xd: {  	[smem:$0x3FA7] =	sst s5  }
0xe: {  	[smem:$0x3FA8] =	sst s6  }
0xf: {  	[smem:$0x3FA9] =	sst s7  }
0x10: {  	[smem:$0x3FAA] =	sst s8  }
0x11: {  	[smem:$0x3FAB] =	sst s9;
	s0 =	simm.s32 @!p0 $0x0  }
0x12: {  	s1 =	sld [smem:$0x3F91];
	s0 =	simm.s32 @p0 $0x1  }
0x13: {  	[smem:$0x3FAC] =	sst s0;
	s0 =	simm.s32 @!p1 $0x0  }
0x14: {  	s2 =	sld [smem:$0x3F90];
	s0 =	simm.s32 @p1 $0x1  }
0x15: {  	[smem:$0x3FAD] =	sst s0;
	s0 =	simm.s32 @!p2 $0x0  }
0x16: {  	s3 =	sld [smem:$0x3FDB];
	s0 =	simm.s32 @p2 $0x1  }
0x17: {  	s4 =	simm.s32 $0x1BF5;
	[smem:$0x3FAF] =	sst s0  }
0x18: {  	s0 =	sld [smem:$0x3F92];
	_ =	swait.ge [sflag:s4], $0x0  }
0x19: {  	s7 =	sld [smem:$0x3F93]  }
0x1a: {  	s8 =	sadd.s32 $0xFFFFE003, lr  }
0x1b: {  	s9 =	sadd.s32 $0xFFFFFEF7, lr;
	s5 =	simm.s32 $0xFFFFFFFF;
	p2 =	slt.u32 s8, $0xFFFFF086  }
0x1c: {  	p1 =	slt.u32 s9, $0xF7A;
	s5 =	simm.s32 @!p2 $0x0  }
0x1d: {  	s5 =	simm.s32 @p1 $0x1;
	p0 =	seq.s32 s7, s2  }
0x1e: {  	s7 =	smul.u32 @!p0 $0xF7A, s2;
	p2 =	seq.s32 @!p0 s5, $0x0  }
0x1f: {  	s9 =	smul.u32 $0xF7A, s1;
	s8 =	simm.s32 @!p0 $0x1BF5;
	p2 =	por !p2, p0  }
0x20: {  	[sflag:s8] =	ssyncset.s32 @!p0 $0xFFFFF086;
	s6 =	sadd.s32 @!p0 s3, s7;
	s7 =	simm.s32 @!p0 $0x108  }
0x21: {  	s3 =	sadd.s32 s3, s9;
	s6 =	sadd.s32 @!p0 $0x88, s6;
	s7 =	simm.s32 @p2 $0x1082  }
0x22: {  	[simem:s7], [sflag:s8] =	dma.local @!p0 [hbm:s6], $0xF7A  }
0x23: {  	s9 =	sor.u32 $0xD0000000, s2;
	s6 =	simm.s32 $0x108;
	_ =	swait.ge @!p0 [sflag:s8], $0x0  }
0x24: {  	s3 =	sadd.s32 $0x88, s3;
	s6 =	simm.s32 @!p1 $0x1082;
	[sflag:s4] =	ssyncset.s32 $0xFFFFF086  }
0x25: {  	[simem:s6], [sflag:s4] =	dma.local [hbm:s3], $0xF7A  }
0x26: {  	[smem:$0x3F93] =	sst s1;
	(tag) =	ssettag s2;
	_ =	strace s9  }
0x27: {  	s1 =	sld [smem:$0x3FA3]  }
0x28: {  	s2 =	sld [smem:$0x3FA4]  }
0x29: {  	s4 =	sld [smem:$0x3FA6]  }
0x2a: {  	p0 =	seq.s32 s5, $0x0;
	s5 =	sld [smem:$0x3FA7]  }
0x2b: {  	s6 =	sld [smem:$0x3FA8]  }
0x2c: {  	s7 =	sld [smem:$0x3FA9]  }
0x2d: {  	s3 =	simm.s32 $0x108;
	s8 =	sld [smem:$0x3FAA]  }
0x2e: {  	s3 =	simm.s32 @!p0 $0x1082;
	s9 =	sld [smem:$0x3FAB]  }
0x2f: {  	lr =	sadd.s32 s0, s3;
	s0 =	sld [smem:$0x3FA2]  }
0x30: {  	s3 =	sld [smem:$0x3FA5]  }
0x31: {  	[smem:$0x3FAE] =	sst s10  }
0x32: {  	s10 =	sld [smem:$0x3FAC];
	_ =	sdelay $0x3  }
0x33: {  	p0 =	seq.s32 s10, $0x1;
	s10 =	sld [smem:$0x3FAE];
	_ =	sdelay $0x3  }
0x34: {  	[smem:$0x3FAE] =	sst s10  }
0x35: {  	s10 =	sld [smem:$0x3FAD];
	_ =	sdelay $0x3  }
0x36: {  	p1 =	seq.s32 s10, $0x1;
	s10 =	sld [smem:$0x3FAE];
	_ =	sdelay $0x3  }
0x37: {  	[smem:$0x3FAE] =	sst s10  }
0x38: {  	s10 =	sld [smem:$0x3FAF]  }
0x39: {  	_ = 	snop;
	(pc) =	sbr.ind lr, $3  }
0x3a: {  	_ = 	snop  }
0x3b: {  	_ = 	snop  }
0x3c: {  	p2 =	seq.s32 s10, $0x1;
	s10 =	sld [smem:$0x3FAE]  }
0x3d: {  	_ =	shalt  }
0x3e: {  	_ =	shalt  }
0x3f: {  	_ =	shalt  }
0x40: {  	_ =	shalt  }
0x41: {  	_ =	shalt  }
0x42: {  	_ =	shalt  }
0x43: {  	_ =	shalt  }
0x44: {  	_ =	shalt  }
0x45: {  	_ =	shalt  }
0x46: {  	_ =	shalt  }
0x47: {  	_ =	shalt  }
0x48: {  	_ =	shalt  }
0x49: {  	_ =	shalt  }
0x4a: {  	_ =	shalt  }
0x4b: {  	_ =	shalt  }
0x4c: {  	_ =	shalt  }
0x4d: {  	_ =	shalt  }
0x4e: {  	_ =	shalt  }
0x4f: {  	_ =	shalt  }
0x50: {  	_ =	shalt  }
0x51: {  	_ =	shalt  }
0x52: {  	_ =	shalt  }
0x53: {  	_ =	shalt  }
0x54: {  	_ =	shalt  }
0x55: {  	_ =	shalt  }
0x56: {  	_ =	shalt  }
0x57: {  	_ =	shalt  }
0x58: {  	_ =	shalt  }
0x59: {  	_ =	shalt  }
0x5a: {  	_ =	shalt  }
0x5b: {  	_ =	shalt  }
0x5c: {  	_ =	shalt  }
0x5d: {  	_ =	shalt  }
0x5e: {  	_ =	shalt  }
0x5f: {  	_ =	shalt  }
0x60: {  	_ =	shalt  }
0x61: {  	_ =	shalt  }
0x62: {  	_ =	shalt  }
0x63: {  	_ =	shalt  }
0x64: {  	_ =	shalt  }
0x65: {  	_ =	shalt  }
0x66: {  	_ =	shalt  }
0x67: {  	_ =	shalt  }
0x68: {  	_ =	shalt  }
0x69: {  	_ =	shalt  }
0x6a: {  	_ =	shalt  }
0x6b: {  	_ =	shalt  }
0x6c: {  	_ =	shalt  }
0x6d: {  	_ =	shalt  }
0x6e: {  	_ =	shalt  }
0x6f: {  	_ =	shalt  }
0x70: {  	_ =	shalt  }
0x71: {  	_ =	shalt  }
0x72: {  	_ =	shalt  }
0x73: {  	_ =	shalt  }
0x74: {  	_ =	shalt  }
0x75: {  	_ =	shalt  }
0x76: {  	_ =	shalt  }
0x77: {  	_ =	shalt  }
0x78: {  	_ =	shalt  }
0x79: {  	_ =	shalt  }
0x7a: {  	_ =	shalt  }
0x7b: {  	_ =	shalt  }
0x7c: {  	_ =	shalt  }
0x7d: {  	_ =	shalt  }
0x7e: {  	_ =	shalt  }
0x7f: {  	_ =	shalt  }
0x80: {  	_ =	shalt  }
0x81: {  	_ =	shalt  }
0x82: {  	_ =	shalt  }
0x83: {  	_ =	shalt  }
0x84: {  	_ =	shalt  }
0x85: {  	_ =	shalt  }
0x86: {  	_ =	shalt  }
0x87: {  	_ =	shalt  }
.Lfunc_end0:
.L_simem_size_0:
called_computation_lowered:
.L_overlay_start_0:
0x88: {  	s2 =	sld [smem:$0x3FD9]  }
0x89: {  	s3 =	sld [smem:$0x3FFE];
	_ =	sdelay $0x1  }
0x8a: {  	s1 =	srdreg.scid  }
0x8b: {  	s0 =	sand.u32 $0x1, s1  }
0x8c: {  	s16 =	sshll.u32 s0, $0xA;
	s2 =	sadd.s32 s3, s2  }
0x8d: {  	s2 =	sadd.s32 s2, s16  }
0x8e: {  	[smem:$0x3FBA] =	sst s2  }
0x8f: {  	_ = 	snop  }
0x90: {  	(tm) =	ssettm $0x1  }
0x91: {  	s17 =	sld [smem:$0x3FFB];
	_ =	sdelay $0x3  }
0x92: {  	_ =	strace s17  }
0x93: {  	s2 =	sld [smem:$0x3FFC];
	_ =	sdelay $0x3  }
0x94: {  	_ =	strace s2  }
0x95: {  	s2 =	sld [smem:$0x3FFD];
	_ =	sdelay $0x3  }
0x96: {  	_ =	strace s2  }
0x97: {  	_ =	strace $0x8FFFFFFF  }
0x98: {  	s18 =	sld [smem:$0x3FDB];
	_ =	sdelay $0x1  }
0x99: {  	s19 =	simm.s32 $_scs_section_size  }
0x9a: {  	s4 =	simm.s32 $_size__tile_overlayer_lowered;
	s5 =	simm.s32 $_tile_overlayer_lowered  }
0x9b: {  	s22 =	simm.s32 $0x1BFF;
	s21 =	sshll.u32 s5, $0x1;
	s2 =	sadd.s32 s19, s18  }
0x9c: {  	s6 =	simm.s32 $0x0;
	s20 =	sshll.u32 s4, $0x1;
	s4 =	sadd.s32 s21, s2  }
0x9d: {  	[timem:s6], [sflag:s22] =	dma.local [hbm:s4], s20  }
0x9e: {  	_ =	swait.ge [sflag:s22], s20  }
0x9f: {  	s3 =	ssub.s32 $0x0, s20;
	[sflag:s22] =	ssyncset.done $0x0  }
0xa0: {  	[sflag:s22] =	ssyncadd.s32 s3;
	_ =	sdelay $0x1  }
0xa1: {  	s23 =	simm.s32 $0x1B8B  }
0xa2: {  	_ =	swait.ge [sflag:s23], $0x1  }
0xa3: {  	[sflag:s23] =	ssyncset.done $0x0  }
0xa4: {  	s25 =	simm.s32 $0x1B8E;
	s24 =	sld [smem:$0x3FFE];
	[sflag:s23] =	ssyncadd.s32 $0xFFFFFFFF  }
0xa5: {  	s26 =	simm.s32 $execute0_lowered;
	[smem:$0x3FD2] =	sst s25  }
0xa6: {  	s4 =	sshll.u32 s26, $0x1;
	_ =	strace $0x80000046;
	[dreg:$0x1] =	wrdreg $0xFFFFFFFF  }
0xa7: {  	s28 =	simm.s32 $_size_execute0_lowered;
	s2 =	sadd.s32 s2, s4;
	[dreg:$0x0] =	wrdreg $0x0  }
0xa8: {  	s4 =	sshll.u32 s28, $0x1;
	[dreg:$0x2] =	wrdreg s2  }
0xa9: {  	[dreg:$0x3] =	wrdreg s4  }
0xaa: {  	[dreg:$0x4] =	wrdreg $0xC0  }
0xab: {  	_ =	task [dreg:s6], $0x5FFFF  }
0xac: {  	[dreg:$0x1] =	wrdreg $0xFFFFFFFF  }
0xad: {  	[dreg:$0x0] =	wrdreg $0x60  }
0xae: {  	[dreg:$0x2] =	wrdreg s24  }
0xaf: {  	[dreg:$0x3] =	wrdreg $0x120000  }
0xb0: {  	[dreg:$0x4] =	wrdreg $0x9  }
0xb1: {  	_ =	task.clear_ibuf [dreg:s6], $0x5FFFF;
	_ =	strace $0x90000046  }
0xb2: {  	s29 =	simm.s32 $0x9;
	_ =	strace $0x80000048  }
0xb3: {  	_ =	swait.ge [sflag:s29], $0x1  }
0xb4: {  	[sflag:s29] =	ssyncadd.s32 $0xFFFFFFFF  }
0xb5: {  	_ =	strace $0x90000048  }
0xb6: {  	_ =	sfence  }
0xb7: {  	s30 =	sld [smem:$0x0];
	_ =	sdelay $0x2  }
0xb8: {  	s31 =	sshll.u32 s1, $0xD;
	s1 =	sshrl.u32 s1, $0x2  }
0xb9: {  	s3 =	sand.u32 $0x4000, s31;
	s1 =	sadd.s32 s1, s30  }
0xba: {  	s0 =	sor.u32 s3, s0;
	s1 =	sshll.u32 s1, $0x11  }
0xbb: {  	s0 =	sor.u32 s1, s0  }
0xbc: {  	s0 =	sadd.s32 $0x8F2B, s0  }
0xbd: {  	[sflag:s0] =	ssyncadd.remote.s32 $0x1  }
0xbe: {  	_ =	sfence.sel $0xFFFF  }
0xbf: {  	[dreg:$0x0] =	wrdreg $0xFFFFFFFF;
	(pc) =	sbr.abs _section_cstart, $3  }
0xc0: {  	[dreg:$0x1] =	wrdreg $0xFFFFFFFF  }
0xc1: {  	_ =	task.clear_ibuf [dreg:s6], $0x2FFFF;
	_ =	strace $0x9FFFFFFF  }
0xc2: {  	(tm) =	ssettm $0x7FFFFFFF  }
0xc3: {  	_ =	shalt  }
tec
execute0_lowered:
.L_overlay_start_1:
0x0: {  	(tag) =	ssettag $0x1  }
0x1: {  	s0 =	rddreg [dreg:$0x0]  }
0x2: {  	s2 =	rddreg [dreg:$0x1];
	s1 =	srdreg.scid  }
0x3: {  	s6 =	stileid.u32;
	s4 =	simm.s32 $0x0;
	s13 =	simm.s32 $0x1  }
0x4: {  	s14 =	simm.s32 $0x2;
	s15 =	simm.s32 $0x80;
	s16 =	simm.s32 $0x5000  }
0x5: {  	s17 =	simm.s32 $0x6000;
	s19 =	simm.s32 $0x7000;
	s21 =	simm.s32 $0x8000  }
0x6: {  	s28 =	simm.s32 $0xB000;
	s30 =	simm.s32 $0xC000;
	s31 =	simm.s32 $0x3  }
0x7: {  	s10 =	simm.s32 $0x5;
	s11 =	simm.s32 $0x6;
	s18 =	simm.s32 $0x7  }
0x8: {  	s20 =	simm.s32 $0x9;
	s22 =	simm.s32 $0xA;
	s29 =	simm.s32 $0xD  }
0x9: {  	s8 =	simm.s32 $0x0;
	s1 =	sand.u32 $0x1, s1;
	s3 =	smul.u32 $0x5000, s6  }
0xa: {  	[smem:$0x7FF] =	sst s4;
	s23 =	sshll.u32 s1, $0x4;
	s5 =	smul.u32 $0x50000, s1  }
0xb: {  	_ =	strace $0x80000047;
	s1 =	ssub.s32 $0x2, s1;
	s4 =	sor.u32 s6, s23  }
0xc: {  	s7 =	sshrl.u32 s1, $0x1;
	s23 =	simm.s32 $0x9000;
	s6 =	smul.u32 $0x500, s4  }
0xd: {  	s5 =	sadd.s32 s3, s5;
	s4 =	sadd.s32 $0x3A00, s0;
	s3 =	sadd.s32 s3, s2  }
0xe: {  	s1 =	ssub.s32 s1, s7;
	s5 =	sshrl.u32 s5, $0x3;
	[dreg:$0x5] =	wrdreg s3  }
0xf: {  	s26 =	smax.u32 s1, $0x1;
	s1 =	simm.s32 $0x8;
	s6 =	sadd.s32 s6, s0  }
0x10: {  	s3 =	simm.s32 $0xE;
	[dreg:$0x7] =	wrdreg s26;
	s24 =	sadd.s32 $0xDA00, s6  }
0x11: {  	s0 =	sadd.s32 s5, s0;
	s25 =	sadd.s32 $0x17A00, s6;
	[dreg:$0x3] =	wrdreg s24  }
0x12: {  	s26 =	simm.s32 $0xC;
	s0 =	sadd.s32 $0x21A00, s0;
	[dreg:$0x4] =	wrdreg s25  }
0x13: {  	s5 =	simm.s32 $0xF;
	s6 =	simm.s32 $0x10;
	[dreg:$0x6] =	wrdreg s0  }
0x14: {  	v0 =	vimm.f32 $0.0e+00;
	s25 =	simm.s32 $0xA000;
	s0 =	simm.s32 $0x4;
	s24 =	simm.s32 $0xB  }
.LBB2_1:
0x15: {  	s7 =	simm.s32 $0x0;
	s9 =	rddreg [dreg:$0x3]  }
0x16: {  	[tilespmem:s7], [sflag:$0x1] =	stream.linear.gather [hbm4b:s9+s7], $0x2800, $0x38;
	[tilespmem:$0x17000] =	vst v63  }
0x17: {  	s12 =	simm.s32 $0x2800;
	s9 =	rddreg [dreg:$0x4]  }
0x18: {  	[tilespmem:s12], [sflag:$0x2] =	stream.linear.gather [hbm4b:s9+s7], $0x2800, $0x38;
	[tilespmem:$0x17000] =	vst v63  }
0x19: {  	s7 =	simm.s32 $0x80;
	s9 =	simm.s32 $0x0  }
.LBB2_2:
0x1a: {  	p0 =	sne.s32 s7, $0x13F80;
	[tilespmem:s9+$0xD000] =	vst v0;
	s12 =	smov.u32 s7;
	s7 =	sadd.s32 $0x80, s7  }
.Ltmp0:
0x1b: {  	[tilespmem:s9+$0xD010] =	vst v0;
	(pc) =	sbr.rel @p0 .LBB2_2-.Ltmp0, $2  }
0x1c: {  	_ =	sdelay $0x2  }
0x1d: {  	s9 =	sshra.s32 s12, $0x2  }
0x1e: {  	[tilespmem:s9+$0xD000] =	vst v0  }
0x1f: {  	[tilespmem:s9+$0xD010] =	vst v0;
	s7 =	rddreg [dreg:$0x5];
	s12 =	simm.s32 $0xD000  }
0x20: {  	[spmem:s7] =	stream.linear.scatter [tilespmem:s12], [sflag:$0x11], $0x5000, $0x38;
	[tilespmem:$0x17000] =	vst v63  }
0x21: {  	s12 =	simm.s32 $0x11  }
0x22: {  	_ =	swait.ge [sflag:s12], $0x5000  }
0x23: {  	[sflag:s12] =	ssyncset.done $0x0  }
0x24: {  	[sflag:s12] =	ssyncadd.s32 $0xFFFFB000  }
0x25: {  	_ =	swait.ge [sflag:s13], $0x2800  }
0x26: {  	[sflag:s13] =	ssyncset.done $0x0  }
0x27: {  	[sflag:s13] =	ssyncadd.s32 $0xFFFFD800  }
0x28: {  	_ =	swait.ge [sflag:s14], $0x2800  }
0x29: {  	[sflag:s14] =	ssyncset.done $0x0  }
0x2a: {  	[sflag:s14] =	ssyncadd.s32 $0xFFFFD800  }
0x2b: {  	s9 =	simm.s32 $0x0;
	[bflag:$0x0] =	sbarrier.arrive $0xFFFF  }
0x2c: {  	[tilespmem:s16], [sflag:$0x1] =	stream.indirect.gather [hbm4b:s4+s15], $0x20, s9, s15, $0xb8;
	[tilespmem:$0x17000] =	vst v63  }
0x2d: {  	_ = 	snop  }
0x2e: {  	[tilespmem:s17], [sflag:$0x2] =	stream.indirect.gather [hbm4b:s4+s15], $0x20, s15, s15, $0xb8;
	[tilespmem:$0x17000] =	vst v63  }
0x2f: {  	s12 =	simm.s32 $0x100  }
0x30: {  	[tilespmem:s19], [sflag:$0x3] =	stream.indirect.gather [hbm4b:s4+s15], $0x20, s12, s15, $0xb8;
	[tilespmem:$0x17000] =	vst v63  }
0x31: {  	s9 =	simm.s32 $0x180  }
0x32: {  	[tilespmem:s21], [sflag:$0x4] =	stream.indirect.gather [hbm4b:s4+s15], $0x20, s9, s15, $0xb8;
	[tilespmem:$0x17000] =	vst v63  }
0x33: {  	s12 =	simm.s32 $0x200  }
0x34: {  	[tilespmem:s23], [sflag:$0x5] =	stream.indirect.gather [hbm4b:s4+s15], $0x20, s12, s15, $0xb8;
	[tilespmem:$0x17000] =	vst v63  }
0x35: {  	s9 =	simm.s32 $0x280  }
0x36: {  	[tilespmem:s25], [sflag:$0x6] =	stream.indirect.gather [hbm4b:s4+s15], $0x20, s9, s15, $0xb8;
	[tilespmem:$0x17000] =	vst v63  }
0x37: {  	s12 =	simm.s32 $0x300  }
0x38: {  	[tilespmem:s28], [sflag:$0x7] =	stream.indirect.gather [hbm4b:s4+s15], $0x20, s12, s15, $0xb8;
	[tilespmem:$0x17000] =	vst v63  }
0x39: {  	s9 =	simm.s32 $0x380  }
0x3a: {  	[tilespmem:s30], [sflag:$0x8] =	stream.indirect.gather [hbm4b:s4+s15], $0x20, s9, s15, $0xb8;
	[tilespmem:$0x17000] =	vst v63  }
0x3b: {  	_ =	swait.ge [sflag:s13], $0x1000  }
0x3c: {  	[sflag:s13] =	ssyncset.done $0x0  }
0x3d: {  	s12 =	simm.s32 $0x2800;
	[sflag:s13] =	ssyncadd.s32 $0xFFFFF000  }
0x3e: {  	[spmem:s2] =	stream.indirect.scatter.add.f32 [tilespmem:s16], [sflag:$0x9], $0x20, s12, s15, $0xb8;
	[tilespmem:$0x17000] =	vst v63  }
0x3f: {  	_ =	swait.ge [sflag:s14], $0x1000  }
0x40: {  	[sflag:s14] =	ssyncset.done $0x0  }
0x41: {  	s9 =	simm.s32 $0x2880;
	[sflag:s14] =	ssyncadd.s32 $0xFFFFF000  }
0x42: {  	[spmem:s2] =	stream.indirect.scatter.add.f32 [tilespmem:s17], [sflag:$0xA], $0x20, s9, s15, $0xb8;
	[tilespmem:$0x17000] =	vst v63  }
0x43: {  	_ =	swait.ge [sflag:s31], $0x1000  }
0x44: {  	[sflag:s31] =	ssyncset.done $0x0  }
0x45: {  	s12 =	simm.s32 $0x2900;
	[sflag:s31] =	ssyncadd.s32 $0xFFFFF000  }
0x46: {  	[spmem:s2] =	stream.indirect.scatter.add.f32 [tilespmem:s19], [sflag:$0xB], $0x20, s12, s15, $0xb8;
	[tilespmem:$0x17000] =	vst v63  }
0x47: {  	_ =	swait.ge [sflag:s0], $0x1000  }
0x48: {  	[sflag:s0] =	ssyncset.done $0x0  }
0x49: {  	s9 =	simm.s32 $0x2980;
	[sflag:s0] =	ssyncadd.s32 $0xFFFFF000  }
0x4a: {  	[spmem:s2] =	stream.indirect.scatter.add.f32 [tilespmem:s21], [sflag:$0xC], $0x20, s9, s15, $0xb8;
	[tilespmem:$0x17000] =	vst v63  }
0x4b: {  	_ =	swait.ge [sflag:s10], $0x1000  }
0x4c: {  	[sflag:s10] =	ssyncset.done $0x0  }
0x4d: {  	s12 =	simm.s32 $0x2A00;
	[sflag:s10] =	ssyncadd.s32 $0xFFFFF000  }
0x4e: {  	[spmem:s2] =	stream.indirect.scatter.add.f32 [tilespmem:s23], [sflag:$0xD], $0x20, s12, s15, $0xb8;
	[tilespmem:$0x17000] =	vst v63  }
0x4f: {  	_ =	swait.ge [sflag:s11], $0x1000  }
0x50: {  	[sflag:s11] =	ssyncset.done $0x0  }
0x51: {  	s9 =	simm.s32 $0x2A80;
	[sflag:s11] =	ssyncadd.s32 $0xFFFFF000  }
0x52: {  	[spmem:s2] =	stream.indirect.scatter.add.f32 [tilespmem:s25], [sflag:$0xE], $0x20, s9, s15, $0xb8;
	[tilespmem:$0x17000] =	vst v63  }
0x53: {  	_ =	swait.ge [sflag:s18], $0x1000  }
0x54: {  	[sflag:s18] =	ssyncset.done $0x0  }
0x55: {  	s12 =	simm.s32 $0x2B00;
	[sflag:s18] =	ssyncadd.s32 $0xFFFFF000  }
0x56: {  	[spmem:s2] =	stream.indirect.scatter.add.f32 [tilespmem:s28], [sflag:$0xF], $0x20, s12, s15, $0xb8;
	[tilespmem:$0x17000] =	vst v63  }
0x57: {  	_ =	swait.ge [sflag:s1], $0x1000  }
0x58: {  	[sflag:s1] =	ssyncset.done $0x0  }
0x59: {  	s9 =	simm.s32 $0x2B80;
	[sflag:s1] =	ssyncadd.s32 $0xFFFFF000  }
0x5a: {  	[spmem:s2] =	stream.indirect.scatter.add.f32 [tilespmem:s30], [sflag:$0x10], $0x20, s9, s15, $0xb8;
	[tilespmem:$0x17000] =	vst v63  }
0x5b: {  	_ =	swait.ge [sflag:s20], $0x1000  }
0x5c: {  	[sflag:s20] =	ssyncset.done $0x0  }
0x5d: {  	s12 =	simm.s32 $0x400;
	[sflag:s20] =	ssyncadd.s32 $0xFFFFF000  }
0x5e: {  	[tilespmem:s16], [sflag:$0x1] =	stream.indirect.gather [hbm4b:s4+s15], $0x20, s12, s15, $0xb8;
	[tilespmem:$0x17000] =	vst v63  }
0x5f: {  	_ =	swait.ge [sflag:s22], $0x1000  }
0x60: {  	[sflag:s22] =	ssyncset.done $0x0  }
0x61: {  	s9 =	simm.s32 $0x480;
	[sflag:s22] =	ssyncadd.s32 $0xFFFFF000  }
0x62: {  	[tilespmem:s17], [sflag:$0x2] =	stream.indirect.gather [hbm4b:s4+s15], $0x20, s9, s15, $0xb8;
	[tilespmem:$0x17000] =	vst v63  }
0x63: {  	_ =	swait.ge [sflag:s24], $0x1000  }
0x64: {  	[sflag:s24] =	ssyncset.done $0x0  }
0x65: {  	s12 =	simm.s32 $0x500;
	[sflag:s24] =	ssyncadd.s32 $0xFFFFF000  }
0x66: {  	[tilespmem:s19], [sflag:$0x3] =	stream.indirect.gather [hbm4b:s4+s15], $0x20, s12, s15, $0xb8;
	[tilespmem:$0x17000] =	vst v63  }
0x67: {  	_ =	swait.ge [sflag:s26], $0x1000  }
0x68: {  	[sflag:s26] =	ssyncset.done $0x0  }
0x69: {  	s9 =	simm.s32 $0x580;
	[sflag:s26] =	ssyncadd.s32 $0xFFFFF000  }
0x6a: {  	[tilespmem:s21], [sflag:$0x4] =	stream.indirect.gather [hbm4b:s4+s15], $0x20, s9, s15, $0xb8;
	[tilespmem:$0x17000] =	vst v63  }
0x6b: {  	_ =	swait.ge [sflag:s29], $0x1000  }
0x6c: {  	[sflag:s29] =	ssyncset.done $0x0  }
0x6d: {  	s12 =	simm.s32 $0x600;
	[sflag:s29] =	ssyncadd.s32 $0xFFFFF000  }
0x6e: {  	[tilespmem:s23], [sflag:$0x5] =	stream.indirect.gather [hbm4b:s4+s15], $0x20, s12, s15, $0xb8;
	[tilespmem:$0x17000] =	vst v63  }
0x6f: {  	_ =	swait.ge [sflag:s3], $0x1000  }
0x70: {  	[sflag:s3] =	ssyncset.done $0x0  }
0x71: {  	s9 =	simm.s32 $0x680;
	[sflag:s3] =	ssyncadd.s32 $0xFFFFF000  }
0x72: {  	[tilespmem:s25], [sflag:$0x6] =	stream.indirect.gather [hbm4b:s4+s15], $0x20, s9, s15, $0xb8;
	[tilespmem:$0x17000] =	vst v63  }
0x73: {  	_ =	swait.ge [sflag:s5], $0x1000  }
0x74: {  	[sflag:s5] =	ssyncset.done $0x0  }
0x75: {  	s12 =	simm.s32 $0x700;
	[sflag:s5] =	ssyncadd.s32 $0xFFFFF000  }
0x76: {  	[tilespmem:s28], [sflag:$0x7] =	stream.indirect.gather [hbm4b:s4+s15], $0x20, s12, s15, $0xb8;
	[tilespmem:$0x17000] =	vst v63  }
0x77: {  	_ =	swait.ge [sflag:s6], $0x1000  }
0x78: {  	[sflag:s6] =	ssyncset.done $0x0  }
0x79: {  	s7 =	simm.s32 $0x780;
	s9 =	simm.s32 $0x1000;
	[sflag:s6] =	ssyncadd.s32 $0xFFFFF000  }
.LBB2_4:
0x7a: {  	[tilespmem:s30], [sflag:$0x8] =	stream.indirect.gather [hbm4b:s4+s15], $0x20, s7, s15, $0xb8;
	[tilespmem:$0x17000] =	vst v63  }
0x7b: {  	s7 =	smov.u32 s9  }
0x7c: {  	p0 =	sne.s32 s9, $0x8000;
	s9 =	sadd.s32 $0x1000, s9;
	_ =	swait.ge [sflag:s13], $0x1000  }
0x7d: {  	s7 =	sshra.s32 s7, $0x2;
	[sflag:s13] =	ssyncset.done $0x0  }
0x7e: {  	s12 =	sadd.s32 $0x2800, s7;
	[sflag:s13] =	ssyncadd.s32 $0xFFFFF000  }
0x7f: {  	[spmem:s2] =	stream.indirect.scatter.add.f32 [tilespmem:s16], [sflag:$0x9], $0x20, s12, s15, $0xb8;
	[tilespmem:$0x17000] =	vst v63  }
0x80: {  	_ =	swait.ge [sflag:s14], $0x1000  }
0x81: {  	[sflag:s14] =	ssyncset.done $0x0  }
0x82: {  	s12 =	sadd.s32 $0x2880, s7;
	[sflag:s14] =	ssyncadd.s32 $0xFFFFF000  }
0x83: {  	[spmem:s2] =	stream.indirect.scatter.add.f32 [tilespmem:s17], [sflag:$0xA], $0x20, s12, s15, $0xb8;
	[tilespmem:$0x17000] =	vst v63  }
0x84: {  	_ =	swait.ge [sflag:s31], $0x1000  }
0x85: {  	[sflag:s31] =	ssyncset.done $0x0  }
0x86: {  	s12 =	sadd.s32 $0x2900, s7;
	[sflag:s31] =	ssyncadd.s32 $0xFFFFF000  }
0x87: {  	[spmem:s2] =	stream.indirect.scatter.add.f32 [tilespmem:s19], [sflag:$0xB], $0x20, s12, s15, $0xb8;
	[tilespmem:$0x17000] =	vst v63  }
0x88: {  	_ =	swait.ge [sflag:s0], $0x1000  }
0x89: {  	[sflag:s0] =	ssyncset.done $0x0  }
0x8a: {  	s12 =	sadd.s32 $0x2980, s7;
	[sflag:s0] =	ssyncadd.s32 $0xFFFFF000  }
0x8b: {  	[spmem:s2] =	stream.indirect.scatter.add.f32 [tilespmem:s21], [sflag:$0xC], $0x20, s12, s15, $0xb8;
	[tilespmem:$0x17000] =	vst v63  }
0x8c: {  	_ =	swait.ge [sflag:s10], $0x1000  }
0x8d: {  	[sflag:s10] =	ssyncset.done $0x0  }
0x8e: {  	s12 =	sadd.s32 $0x2A00, s7;
	[sflag:s10] =	ssyncadd.s32 $0xFFFFF000  }
0x8f: {  	[spmem:s2] =	stream.indirect.scatter.add.f32 [tilespmem:s23], [sflag:$0xD], $0x20, s12, s15, $0xb8;
	[tilespmem:$0x17000] =	vst v63  }
0x90: {  	_ =	swait.ge [sflag:s11], $0x1000  }
0x91: {  	[sflag:s11] =	ssyncset.done $0x0  }
0x92: {  	s12 =	sadd.s32 $0x2A80, s7;
	[sflag:s11] =	ssyncadd.s32 $0xFFFFF000  }
0x93: {  	[spmem:s2] =	stream.indirect.scatter.add.f32 [tilespmem:s25], [sflag:$0xE], $0x20, s12, s15, $0xb8;
	[tilespmem:$0x17000] =	vst v63  }
0x94: {  	_ =	swait.ge [sflag:s18], $0x1000  }
0x95: {  	[sflag:s18] =	ssyncset.done $0x0  }
0x96: {  	s12 =	sadd.s32 $0x2B00, s7;
	[sflag:s18] =	ssyncadd.s32 $0xFFFFF000  }
0x97: {  	[spmem:s2] =	stream.indirect.scatter.add.f32 [tilespmem:s28], [sflag:$0xF], $0x20, s12, s15, $0xb8;
	[tilespmem:$0x17000] =	vst v63  }
0x98: {  	_ =	swait.ge [sflag:s1], $0x1000  }
0x99: {  	[sflag:s1] =	ssyncset.done $0x0  }
0x9a: {  	s12 =	sadd.s32 $0x2B80, s7;
	[sflag:s1] =	ssyncadd.s32 $0xFFFFF000  }
0x9b: {  	[spmem:s2] =	stream.indirect.scatter.add.f32 [tilespmem:s30], [sflag:$0x10], $0x20, s12, s15, $0xb8;
	[tilespmem:$0x17000] =	vst v63  }
0x9c: {  	_ =	swait.ge [sflag:s20], $0x1000  }
0x9d: {  	[sflag:s20] =	ssyncset.done $0x0  }
0x9e: {  	s12 =	sadd.s32 $0x400, s7;
	[sflag:s20] =	ssyncadd.s32 $0xFFFFF000  }
0x9f: {  	[tilespmem:s16], [sflag:$0x1] =	stream.indirect.gather [hbm4b:s4+s15], $0x20, s12, s15, $0xb8;
	[tilespmem:$0x17000] =	vst v63  }
0xa0: {  	_ =	swait.ge [sflag:s22], $0x1000  }
0xa1: {  	[sflag:s22] =	ssyncset.done $0x0  }
0xa2: {  	s12 =	sadd.s32 $0x480, s7;
	[sflag:s22] =	ssyncadd.s32 $0xFFFFF000  }
0xa3: {  	[tilespmem:s17], [sflag:$0x2] =	stream.indirect.gather [hbm4b:s4+s15], $0x20, s12, s15, $0xb8;
	[tilespmem:$0x17000] =	vst v63  }
0xa4: {  	_ =	swait.ge [sflag:s24], $0x1000  }
0xa5: {  	[sflag:s24] =	ssyncset.done $0x0  }
0xa6: {  	s12 =	sadd.s32 $0x500, s7;
	[sflag:s24] =	ssyncadd.s32 $0xFFFFF000  }
0xa7: {  	[tilespmem:s19], [sflag:$0x3] =	stream.indirect.gather [hbm4b:s4+s15], $0x20, s12, s15, $0xb8;
	[tilespmem:$0x17000] =	vst v63  }
0xa8: {  	_ =	swait.ge [sflag:s26], $0x1000  }
0xa9: {  	[sflag:s26] =	ssyncset.done $0x0  }
0xaa: {  	s12 =	sadd.s32 $0x580, s7;
	[sflag:s26] =	ssyncadd.s32 $0xFFFFF000  }
0xab: {  	[tilespmem:s21], [sflag:$0x4] =	stream.indirect.gather [hbm4b:s4+s15], $0x20, s12, s15, $0xb8;
	[tilespmem:$0x17000] =	vst v63  }
0xac: {  	_ =	swait.ge [sflag:s29], $0x1000  }
0xad: {  	[sflag:s29] =	ssyncset.done $0x0  }
0xae: {  	s12 =	sadd.s32 $0x600, s7;
	[sflag:s29] =	ssyncadd.s32 $0xFFFFF000  }
0xaf: {  	[tilespmem:s23], [sflag:$0x5] =	stream.indirect.gather [hbm4b:s4+s15], $0x20, s12, s15, $0xb8;
	[tilespmem:$0x17000] =	vst v63  }
0xb0: {  	_ =	swait.ge [sflag:s3], $0x1000  }
0xb1: {  	[sflag:s3] =	ssyncset.done $0x0  }
0xb2: {  	s12 =	sadd.s32 $0x680, s7;
	[sflag:s3] =	ssyncadd.s32 $0xFFFFF000  }
0xb3: {  	[tilespmem:s25], [sflag:$0x6] =	stream.indirect.gather [hbm4b:s4+s15], $0x20, s12, s15, $0xb8;
	[tilespmem:$0x17000] =	vst v63  }
0xb4: {  	_ =	swait.ge [sflag:s5], $0x1000  }
0xb5: {  	[sflag:s5] =	ssyncset.done $0x0  }
.Ltmp1:
0xb6: {  	s12 =	sadd.s32 $0x700, s7;
	[sflag:s5] =	ssyncadd.s32 $0xFFFFF000;
	(pc) =	sbr.rel @p0 .LBB2_4-.Ltmp1, $4  }
0xb7: {  	[tilespmem:s28], [sflag:$0x7] =	stream.indirect.gather [hbm4b:s4+s15], $0x20, s12, s15, $0xb8;
	[tilespmem:$0x17000] =	vst v63  }
0xb8: {  	_ =	swait.ge [sflag:s6], $0x1000  }
0xb9: {  	[sflag:s6] =	ssyncset.done $0x0  }
0xba: {  	s7 =	sadd.s32 $0x780, s7;
	[sflag:s6] =	ssyncadd.s32 $0xFFFFF000  }
0xbb: {  	[tilespmem:s30], [sflag:$0x8] =	stream.indirect.gather [hbm4b:s4+s15], $0x20, s7, s15, $0xb8;
	[tilespmem:$0x17000] =	vst v63  }
0xbc: {  	_ =	swait.ge [sflag:s13], $0x1000  }
0xbd: {  	[sflag:s13] =	ssyncset.done $0x0  }
0xbe: {  	s9 =	simm.s32 $0x4C00;
	[sflag:s13] =	ssyncadd.s32 $0xFFFFF000  }
0xbf: {  	[spmem:s2] =	stream.indirect.scatter.add.f32 [tilespmem:s16], [sflag:$0x9], $0x20, s9, s15, $0xb8;
	[tilespmem:$0x17000] =	vst v63  }
0xc0: {  	_ =	swait.ge [sflag:s14], $0x1000  }
0xc1: {  	[sflag:s14] =	ssyncset.done $0x0  }
0xc2: {  	s12 =	simm.s32 $0x4C80;
	[sflag:s14] =	ssyncadd.s32 $0xFFFFF000  }
0xc3: {  	[spmem:s2] =	stream.indirect.scatter.add.f32 [tilespmem:s17], [sflag:$0xA], $0x20, s12, s15, $0xb8;
	[tilespmem:$0x17000] =	vst v63  }
0xc4: {  	_ =	swait.ge [sflag:s31], $0x1000  }
0xc5: {  	[sflag:s31] =	ssyncset.done $0x0  }
0xc6: {  	s9 =	simm.s32 $0x4D00;
	[sflag:s31] =	ssyncadd.s32 $0xFFFFF000  }
0xc7: {  	[spmem:s2] =	stream.indirect.scatter.add.f32 [tilespmem:s19], [sflag:$0xB], $0x20, s9, s15, $0xb8;
	[tilespmem:$0x17000] =	vst v63  }
0xc8: {  	_ =	swait.ge [sflag:s0], $0x1000  }
0xc9: {  	[sflag:s0] =	ssyncset.done $0x0  }
0xca: {  	s12 =	simm.s32 $0x4D80;
	[sflag:s0] =	ssyncadd.s32 $0xFFFFF000  }
0xcb: {  	[spmem:s2] =	stream.indirect.scatter.add.f32 [tilespmem:s21], [sflag:$0xC], $0x20, s12, s15, $0xb8;
	[tilespmem:$0x17000] =	vst v63  }
0xcc: {  	_ =	swait.ge [sflag:s10], $0x1000  }
0xcd: {  	[sflag:s10] =	ssyncset.done $0x0  }
0xce: {  	s9 =	simm.s32 $0x4E00;
	[sflag:s10] =	ssyncadd.s32 $0xFFFFF000  }
0xcf: {  	[spmem:s2] =	stream.indirect.scatter.add.f32 [tilespmem:s23], [sflag:$0xD], $0x20, s9, s15, $0xb8;
	[tilespmem:$0x17000] =	vst v63  }
0xd0: {  	_ =	swait.ge [sflag:s11], $0x1000  }
0xd1: {  	[sflag:s11] =	ssyncset.done $0x0  }
0xd2: {  	s12 =	simm.s32 $0x4E80;
	[sflag:s11] =	ssyncadd.s32 $0xFFFFF000  }
0xd3: {  	[spmem:s2] =	stream.indirect.scatter.add.f32 [tilespmem:s25], [sflag:$0xE], $0x20, s12, s15, $0xb8;
	[tilespmem:$0x17000] =	vst v63  }
0xd4: {  	_ =	swait.ge [sflag:s18], $0x1000  }
0xd5: {  	[sflag:s18] =	ssyncset.done $0x0  }
0xd6: {  	s9 =	simm.s32 $0x4F00;
	[sflag:s18] =	ssyncadd.s32 $0xFFFFF000  }
0xd7: {  	[spmem:s2] =	stream.indirect.scatter.add.f32 [tilespmem:s28], [sflag:$0xF], $0x20, s9, s15, $0xb8;
	[tilespmem:$0x17000] =	vst v63  }
0xd8: {  	_ =	swait.ge [sflag:s1], $0x1000  }
0xd9: {  	[sflag:s1] =	ssyncset.done $0x0  }
0xda: {  	s12 =	simm.s32 $0x4F80;
	[sflag:s1] =	ssyncadd.s32 $0xFFFFF000  }
0xdb: {  	[spmem:s2] =	stream.indirect.scatter.add.f32 [tilespmem:s30], [sflag:$0x10], $0x20, s12, s15, $0xb8;
	[tilespmem:$0x17000] =	vst v63  }
0xdc: {  	_ =	swait.ge [sflag:s20], $0x1000  }
0xdd: {  	[sflag:s20] =	ssyncset.done $0x0  }
0xde: {  	[sflag:s20] =	ssyncadd.s32 $0xFFFFF000  }
0xdf: {  	_ =	swait.ge [sflag:s22], $0x1000  }
0xe0: {  	[sflag:s22] =	ssyncset.done $0x0  }
0xe1: {  	[sflag:s22] =	ssyncadd.s32 $0xFFFFF000  }
0xe2: {  	_ =	swait.ge [sflag:s24], $0x1000  }
0xe3: {  	[sflag:s24] =	ssyncset.done $0x0  }
0xe4: {  	[sflag:s24] =	ssyncadd.s32 $0xFFFFF000  }
0xe5: {  	_ =	swait.ge [sflag:s26], $0x1000  }
0xe6: {  	[sflag:s26] =	ssyncset.done $0x0  }
0xe7: {  	[sflag:s26] =	ssyncadd.s32 $0xFFFFF000  }
0xe8: {  	_ =	swait.ge [sflag:s29], $0x1000  }
0xe9: {  	[sflag:s29] =	ssyncset.done $0x0  }
0xea: {  	[sflag:s29] =	ssyncadd.s32 $0xFFFFF000  }
0xeb: {  	_ =	swait.ge [sflag:s3], $0x1000  }
0xec: {  	[sflag:s3] =	ssyncset.done $0x0  }
0xed: {  	[sflag:s3] =	ssyncadd.s32 $0xFFFFF000  }
0xee: {  	_ =	swait.ge [sflag:s5], $0x1000  }
0xef: {  	[sflag:s5] =	ssyncset.done $0x0  }
0xf0: {  	[sflag:s5] =	ssyncadd.s32 $0xFFFFF000  }
0xf1: {  	_ =	swait.ge [sflag:s6], $0x1000  }
0xf2: {  	[sflag:s6] =	ssyncset.done $0x0  }
0xf3: {  	[sflag:s6] =	ssyncadd.s32 $0xFFFFF000  }
0xf4: {  	s9 =	stileid.u32;
	[bflag:$0x0] =	sbarrier.arrive $0xFFFF  }
0xf5: {  	s7 =	sshll.u32 s9, $0x6;
	s9 =	rddreg [dreg:$0x5]  }
0xf6: {  	s7 =	sor.u32 $0x1C11, s7;
	s12 =	rddreg [dreg:$0x6];
	s9 =	sshrl.u32 s9, $0x3  }
0xf7: {  	[hbm:s12], [sflag:s7] =	dma.local [spmem:s9], $0xA00  }
0xf8: {  	s9 =	simm.s32 $0x11  }
0xf9: {  	_ =	swait.ge [sflag:s9], $0xA00  }
0xfa: {  	s8 =	sadd.s32 $0x1, s8;
	s12 =	rddreg [dreg:$0x7]  }
0xfb: {  	p0 =	sne.s32 s8, s12  }
.Ltmp2:
0xfc: {  	_ = 	snop;
	(pc) =	sbr.rel @p0 .LBB2_1-.Ltmp2, $3  }
0xfd: {  	_ =	sdelay $0x1  }
0xfe: {  	[sflag:s9] =	ssyncset.done $0x0  }
0xff: {  	[sflag:s9] =	ssyncadd.s32 $0xFFFFF600  }
0x100: {  	_ =	sfence.sel $0x180000  }
0x101: {  	[bflag:$0x0] =	sbarrier.arrive $0xFFFF  }
0x102: {  	_ =	strace $0x90000047  }
0x103: {  	s0 =	stileid.u32;
	[bflag:$0x2] =	sbarrier.arrive $0xFFFF  }
0x104: {  	p0 =	sne.s32 s0, $0x0;
	s0 =	rddreg [dreg:$0x2]  }
0x105: {  	s0 =	sadd.s32 @!p0 $0x100000, s0  }
0x106: {  	[sflag:s0] =	ssyncadd.tile.s32 @!p0 $0x1;
	_ =	shalt  }
.Lfunc_end2:
_tile_overlayer_lowered:
.L_overlay_start_2:
0x107: {  	(tag) =	ssettag $0x2  }
0x108: {  	s0 =	rddreg [dreg:$0x0];
	s2 =	stileid.u32  }
0x109: {  	s1 =	rddreg [dreg:$0x1];
	p0 =	sne.s32 s2, $0x0  }
0x10a: {  	s3 =	rddreg [dreg:$0x2];
	[bflag:$0x3] =	sbarrier.arrive $0xFFFF;
	s2 =	simm.s32 @!p0 $0x1C11  }
0x10b: {  	[timem:s3], [sflag:s2] =	dma.local @!p0 [hbm:s0], s1  }
0x10c: {  	s0 =	simm.s32 @!p0 $0x11  }
0x10d: {  	_ =	swait.ge @!p0 [sflag:s0], s1  }
0x10e: {  	s1 =	ssub.s32 @!p0 $0x0, s1;
	[sflag:s0] =	ssyncset.done @!p0 $0x0  }
0x10f: {  	[sflag:s0] =	ssyncadd.s32 @!p0 s1  }
0x110: {  	[bflag:$0x3] =	sbarrier.arrive $0xFFFF  }
0x111: {  	_ =	shalt  }

// kernel: kernel.14.cloned.1.call-start
scs
__scs_entry_jumppad:
0x0: {  	(pc) =	sbr.rel $0x88, $3  }
0x1: {  	(tag) =	ssettag $0x0;
	lr =	simm.s32 $0x1  }
0x2: {  	[smem:$0x3F93] =	sst lr;
	_ =	strace $0xD0000000  }
0x3: {  	_ = 	snop  }
0x4: {  	_ = 	snop  }
0x5: {  	_ = 	snop  }
0x6: {  	_ = 	snop  }
0x7: {  	_ = 	snop  }
__scs_overlays_trampoline_lowered:
0x8: {  	[smem:$0x3FA2] =	sst s0  }
0x9: {  	[smem:$0x3FA3] =	sst s1  }
0xa: {  	[smem:$0x3FA4] =	sst s2  }
0xb: {  	[smem:$0x3FA5] =	sst s3  }
0xc: {  	[smem:$0x3FA6] =	sst s4  }
0xd: {  	[smem:$0x3FA7] =	sst s5  }
0xe: {  	[smem:$0x3FA8] =	sst s6  }
0xf: {  	[smem:$0x3FA9] =	sst s7  }
0x10: {  	[smem:$0x3FAA] =	sst s8  }
0x11: {  	[smem:$0x3FAB] =	sst s9;
	s0 =	simm.s32 @!p0 $0x0  }
0x12: {  	s1 =	sld [smem:$0x3F91];
	s0 =	simm.s32 @p0 $0x1  }
0x13: {  	[smem:$0x3FAC] =	sst s0;
	s0 =	simm.s32 @!p1 $0x0  }
0x14: {  	s2 =	sld [smem:$0x3F90];
	s0 =	simm.s32 @p1 $0x1  }
0x15: {  	[smem:$0x3FAD] =	sst s0;
	s0 =	simm.s32 @!p2 $0x0  }
0x16: {  	s3 =	sld [smem:$0x3FDB];
	s0 =	simm.s32 @p2 $0x1  }
0x17: {  	s4 =	simm.s32 $0x1BF5;
	[smem:$0x3FAF] =	sst s0  }
0x18: {  	s0 =	sld [smem:$0x3F92];
	_ =	swait.ge [sflag:s4], $0x0  }
0x19: {  	s7 =	sld [smem:$0x3F93]  }
0x1a: {  	s8 =	sadd.s32 $0xFFFFE003, lr  }
0x1b: {  	s9 =	sadd.s32 $0xFFFFFEF7, lr;
	s5 =	simm.s32 $0xFFFFFFFF;
	p2 =	slt.u32 s8, $0xFFFFF086  }
0x1c: {  	p1 =	slt.u32 s9, $0xF7A;
	s5 =	simm.s32 @!p2 $0x0  }
0x1d: {  	s5 =	simm.s32 @p1 $0x1;
	p0 =	seq.s32 s7, s2  }
0x1e: {  	s7 =	smul.u32 @!p0 $0xF7A, s2;
	p2 =	seq.s32 @!p0 s5, $0x0  }
0x1f: {  	s9 =	smul.u32 $0xF7A, s1;
	s8 =	simm.s32 @!p0 $0x1BF5;
	p2 =	por !p2, p0  }
0x20: {  	[sflag:s8] =	ssyncset.s32 @!p0 $0xFFFFF086;
	s6 =	sadd.s32 @!p0 s3, s7;
	s7 =	simm.s32 @!p0 $0x108  }
0x21: {  	s3 =	sadd.s32 s3, s9;
	s6 =	sadd.s32 @!p0 $0x88, s6;
	s7 =	simm.s32 @p2 $0x1082  }
0x22: {  	[simem:s7], [sflag:s8] =	dma.local @!p0 [hbm:s6], $0xF7A  }
0x23: {  	s9 =	sor.u32 $0xD0000000, s2;
	s6 =	simm.s32 $0x108;
	_ =	swait.ge @!p0 [sflag:s8], $0x0  }
0x24: {  	s3 =	sadd.s32 $0x88, s3;
	s6 =	simm.s32 @!p1 $0x1082;
	[sflag:s4] =	ssyncset.s32 $0xFFFFF086  }
0x25: {  	[simem:s6], [sflag:s4] =	dma.local [hbm:s3], $0xF7A  }
0x26: {  	[smem:$0x3F93] =	sst s1;
	(tag) =	ssettag s2;
	_ =	strace s9  }
0x27: {  	s1 =	sld [smem:$0x3FA3]  }
0x28: {  	s2 =	sld [smem:$0x3FA4]  }
0x29: {  	s4 =	sld [smem:$0x3FA6]  }
0x2a: {  	p0 =	seq.s32 s5, $0x0;
	s5 =	sld [smem:$0x3FA7]  }
0x2b: {  	s6 =	sld [smem:$0x3FA8]  }
0x2c: {  	s7 =	sld [smem:$0x3FA9]  }
0x2d: {  	s3 =	simm.s32 $0x108;
	s8 =	sld [smem:$0x3FAA]  }
0x2e: {  	s3 =	simm.s32 @!p0 $0x1082;
	s9 =	sld [smem:$0x3FAB]  }
0x2f: {  	lr =	sadd.s32 s0, s3;
	s0 =	sld [smem:$0x3FA2]  }
0x30: {  	s3 =	sld [smem:$0x3FA5]  }
0x31: {  	[smem:$0x3FAE] =	sst s10  }
0x32: {  	s10 =	sld [smem:$0x3FAC];
	_ =	sdelay $0x3  }
0x33: {  	p0 =	seq.s32 s10, $0x1;
	s10 =	sld [smem:$0x3FAE];
	_ =	sdelay $0x3  }
0x34: {  	[smem:$0x3FAE] =	sst s10  }
0x35: {  	s10 =	sld [smem:$0x3FAD];
	_ =	sdelay $0x3  }
0x36: {  	p1 =	seq.s32 s10, $0x1;
	s10 =	sld [smem:$0x3FAE];
	_ =	sdelay $0x3  }
0x37: {  	[smem:$0x3FAE] =	sst s10  }
0x38: {  	s10 =	sld [smem:$0x3FAF]  }
0x39: {  	_ = 	snop;
	(pc) =	sbr.ind lr, $3  }
0x3a: {  	_ = 	snop  }
0x3b: {  	_ = 	snop  }
0x3c: {  	p2 =	seq.s32 s10, $0x1;
	s10 =	sld [smem:$0x3FAE]  }
0x3d: {  	_ =	shalt  }
0x3e: {  	_ =	shalt  }
0x3f: {  	_ =	shalt  }
0x40: {  	_ =	shalt  }
0x41: {  	_ =	shalt  }
0x42: {  	_ =	shalt  }
0x43: {  	_ =	shalt  }
0x44: {  	_ =	shalt  }
0x45: {  	_ =	shalt  }
0x46: {  	_ =	shalt  }
0x47: {  	_ =	shalt  }
0x48: {  	_ =	shalt  }
0x49: {  	_ =	shalt  }
0x4a: {  	_ =	shalt  }
0x4b: {  	_ =	shalt  }
0x4c: {  	_ =	shalt  }
0x4d: {  	_ =	shalt  }
0x4e: {  	_ =	shalt  }
0x4f: {  	_ =	shalt  }
0x50: {  	_ =	shalt  }
0x51: {  	_ =	shalt  }
0x52: {  	_ =	shalt  }
0x53: {  	_ =	shalt  }
0x54: {  	_ =	shalt  }
0x55: {  	_ =	shalt  }
0x56: {  	_ =	shalt  }
0x57: {  	_ =	shalt  }
0x58: {  	_ =	shalt  }
0x59: {  	_ =	shalt  }
0x5a: {  	_ =	shalt  }
0x5b: {  	_ =	shalt  }
0x5c: {  	_ =	shalt  }
0x5d: {  	_ =	shalt  }
0x5e: {  	_ =	shalt  }
0x5f: {  	_ =	shalt  }
0x60: {  	_ =	shalt  }
0x61: {  	_ =	shalt  }
0x62: {  	_ =	shalt  }
0x63: {  	_ =	shalt  }
0x64: {  	_ =	shalt  }
0x65: {  	_ =	shalt  }
0x66: {  	_ =	shalt  }
0x67: {  	_ =	shalt  }
0x68: {  	_ =	shalt  }
0x69: {  	_ =	shalt  }
0x6a: {  	_ =	shalt  }
0x6b: {  	_ =	shalt  }
0x6c: {  	_ =	shalt  }
0x6d: {  	_ =	shalt  }
0x6e: {  	_ =	shalt  }
0x6f: {  	_ =	shalt  }
0x70: {  	_ =	shalt  }
0x71: {  	_ =	shalt  }
0x72: {  	_ =	shalt  }
0x73: {  	_ =	shalt  }
0x74: {  	_ =	shalt  }
0x75: {  	_ =	shalt  }
0x76: {  	_ =	shalt  }
0x77: {  	_ =	shalt  }
0x78: {  	_ =	shalt  }
0x79: {  	_ =	shalt  }
0x7a: {  	_ =	shalt  }
0x7b: {  	_ =	shalt  }
0x7c: {  	_ =	shalt  }
0x7d: {  	_ =	shalt  }
0x7e: {  	_ =	shalt  }
0x7f: {  	_ =	shalt  }
0x80: {  	_ =	shalt  }
0x81: {  	_ =	shalt  }
0x82: {  	_ =	shalt  }
0x83: {  	_ =	shalt  }
0x84: {  	_ =	shalt  }
0x85: {  	_ =	shalt  }
0x86: {  	_ =	shalt  }
0x87: {  	_ =	shalt  }
.Lfunc_end0:
.L_simem_size_0:
called_computation.1_lowered:
.L_overlay_start_0:
0x88: {  	s2 =	sld [smem:$0x3FD9]  }
0x89: {  	s3 =	sld [smem:$0x3FFE];
	_ =	sdelay $0x1  }
0x8a: {  	s1 =	srdreg.scid  }
0x8b: {  	s0 =	sand.u32 $0x1, s1  }
0x8c: {  	s16 =	sshll.u32 s0, $0xA;
	s2 =	sadd.s32 s3, s2  }
0x8d: {  	s2 =	sadd.s32 s2, s16  }
0x8e: {  	[smem:$0x3FBA] =	sst s2  }
0x8f: {  	_ = 	snop  }
0x90: {  	(tm) =	ssettm $0x1  }
0x91: {  	s17 =	sld [smem:$0x3FFB];
	_ =	sdelay $0x3  }
0x92: {  	_ =	strace s17  }
0x93: {  	s2 =	sld [smem:$0x3FFC];
	_ =	sdelay $0x3  }
0x94: {  	_ =	strace s2  }
0x95: {  	s2 =	sld [smem:$0x3FFD];
	_ =	sdelay $0x3  }
0x96: {  	_ =	strace s2  }
0x97: {  	_ =	strace $0x8FFFFFFF  }
0x98: {  	s18 =	sld [smem:$0x3FDB];
	_ =	sdelay $0x1  }
0x99: {  	s19 =	simm.s32 $_scs_section_size  }
0x9a: {  	s4 =	simm.s32 $_size__tile_overlayer_lowered;
	s5 =	simm.s32 $_tile_overlayer_lowered  }
0x9b: {  	s22 =	simm.s32 $0x1BFF;
	s21 =	sshll.u32 s5, $0x1;
	s2 =	sadd.s32 s19, s18  }
0x9c: {  	s6 =	simm.s32 $0x0;
	s20 =	sshll.u32 s4, $0x1;
	s4 =	sadd.s32 s21, s2  }
0x9d: {  	[timem:s6], [sflag:s22] =	dma.local [hbm:s4], s20  }
0x9e: {  	_ =	swait.ge [sflag:s22], s20  }
0x9f: {  	s3 =	ssub.s32 $0x0, s20;
	[sflag:s22] =	ssyncset.done $0x0  }
0xa0: {  	[sflag:s22] =	ssyncadd.s32 s3;
	_ =	sdelay $0x1  }
0xa1: {  	s23 =	simm.s32 $0x1B8B  }
0xa2: {  	_ =	swait.ge [sflag:s23], $0x1  }
0xa3: {  	[sflag:s23] =	ssyncset.done $0x0  }
0xa4: {  	s25 =	simm.s32 $0x1B8E;
	s24 =	sld [smem:$0x3FFE];
	[sflag:s23] =	ssyncadd.s32 $0xFFFFFFFF  }
0xa5: {  	s26 =	simm.s32 $execute0_lowered;
	[smem:$0x3FD2] =	sst s25  }
0xa6: {  	s4 =	sshll.u32 s26, $0x1;
	_ =	strace $0x80000049;
	[dreg:$0x1] =	wrdreg $0xFFFFFFFF  }
0xa7: {  	s28 =	simm.s32 $_size_execute0_lowered;
	s2 =	sadd.s32 s2, s4;
	[dreg:$0x0] =	wrdreg $0x0  }
0xa8: {  	s4 =	sshll.u32 s28, $0x1;
	[dreg:$0x2] =	wrdreg s2  }
0xa9: {  	[dreg:$0x3] =	wrdreg s4  }
0xaa: {  	[dreg:$0x4] =	wrdreg $0xC0  }
0xab: {  	_ =	task [dreg:s6], $0x5FFFF  }
0xac: {  	[dreg:$0x1] =	wrdreg $0xFFFFFFFF  }
0xad: {  	[dreg:$0x0] =	wrdreg $0x60  }
0xae: {  	[dreg:$0x2] =	wrdreg s24  }
0xaf: {  	[dreg:$0x3] =	wrdreg $0x120000  }
0xb0: {  	[dreg:$0x4] =	wrdreg $0x9  }
0xb1: {  	_ =	task.clear_ibuf [dreg:s6], $0x5FFFF;
	_ =	strace $0x90000049  }
0xb2: {  	s29 =	simm.s32 $0x9;
	_ =	strace $0x8000004B  }
0xb3: {  	_ =	swait.ge [sflag:s29], $0x1  }
0xb4: {  	[sflag:s29] =	ssyncadd.s32 $0xFFFFFFFF  }
0xb5: {  	_ =	strace $0x9000004B  }
0xb6: {  	_ =	sfence  }
0xb7: {  	s30 =	sld [smem:$0x0];
	_ =	sdelay $0x2  }
0xb8: {  	s31 =	sshll.u32 s1, $0xD;
	s1 =	sshrl.u32 s1, $0x2  }
0xb9: {  	s3 =	sand.u32 $0x4000, s31;
	s1 =	sadd.s32 s1, s30  }
0xba: {  	s0 =	sor.u32 s3, s0;
	s1 =	sshll.u32 s1, $0x11  }
0xbb: {  	s0 =	sor.u32 s1, s0  }
0xbc: {  	s0 =	sadd.s32 $0x8F2B, s0  }
0xbd: {  	[sflag:s0] =	ssyncadd.remote.s32 $0x1  }
0xbe: {  	_ =	sfence.sel $0xFFFF  }
0xbf: {  	[dreg:$0x0] =	wrdreg $0xFFFFFFFF;
	(pc) =	sbr.abs _section_cstart, $3  }
0xc0: {  	[dreg:$0x1] =	wrdreg $0xFFFFFFFF  }
0xc1: {  	_ =	task.clear_ibuf [dreg:s6], $0x2FFFF;
	_ =	strace $0x9FFFFFFF  }
0xc2: {  	(tm) =	ssettm $0x7FFFFFFF  }
0xc3: {  	_ =	shalt  }
tec
execute0_lowered:
.L_overlay_start_1:
0x0: {  	(tag) =	ssettag $0x1  }
0x1: {  	s0 =	rddreg [dreg:$0x0]  }
0x2: {  	s2 =	rddreg [dreg:$0x1];
	s1 =	srdreg.scid  }
0x3: {  	s6 =	stileid.u32;
	s4 =	simm.s32 $0x0;
	s13 =	simm.s32 $0x1  }
0x4: {  	s14 =	simm.s32 $0x2;
	s15 =	simm.s32 $0x80;
	s16 =	simm.s32 $0x5000  }
0x5: {  	s17 =	simm.s32 $0x6000;
	s19 =	simm.s32 $0x7000;
	s21 =	simm.s32 $0x8000  }
0x6: {  	s28 =	simm.s32 $0xB000;
	s30 =	simm.s32 $0xC000;
	s31 =	simm.s32 $0x3  }
0x7: {  	s10 =	simm.s32 $0x5;
	s11 =	simm.s32 $0x6;
	s18 =	simm.s32 $0x7  }
0x8: {  	s20 =	simm.s32 $0x9;
	s22 =	simm.s32 $0xA;
	s29 =	simm.s32 $0xD  }
0x9: {  	s8 =	simm.s32 $0x0;
	s1 =	sand.u32 $0x1, s1;
	s3 =	smul.u32 $0x5000, s6  }
0xa: {  	[smem:$0x7FF] =	sst s4;
	s23 =	sshll.u32 s1, $0x4;
	s5 =	smul.u32 $0x50000, s1  }
0xb: {  	_ =	strace $0x8000004A;
	s1 =	ssub.s32 $0x2, s1;
	s4 =	sor.u32 s6, s23  }
0xc: {  	s7 =	sshrl.u32 s1, $0x1;
	s23 =	simm.s32 $0x9000;
	s6 =	smul.u32 $0x500, s4  }
0xd: {  	s5 =	sadd.s32 s3, s5;
	s4 =	sadd.s32 $0x3A00, s0;
	s3 =	sadd.s32 s3, s2  }
0xe: {  	s1 =	ssub.s32 s1, s7;
	s5 =	sshrl.u32 s5, $0x3;
	[dreg:$0x5] =	wrdreg s3  }
0xf: {  	s26 =	smax.u32 s1, $0x1;
	s1 =	simm.s32 $0x8;
	s6 =	sadd.s32 s6, s0  }
0x10: {  	s3 =	simm.s32 $0xE;
	[dreg:$0x7] =	wrdreg s26;
	s24 =	sadd.s32 $0xDA00, s6  }
0x11: {  	s0 =	sadd.s32 s5, s0;
	s25 =	sadd.s32 $0x17A00, s6;
	[dreg:$0x3] =	wrdreg s24  }
0x12: {  	s26 =	simm.s32 $0xC;
	s0 =	sadd.s32 $0x21A00, s0;
	[dreg:$0x4] =	wrdreg s25  }
0x13: {  	s5 =	simm.s32 $0xF;
	s6 =	simm.s32 $0x10;
	[dreg:$0x6] =	wrdreg s0  }
0x14: {  	v0 =	vimm.f32 $0.0e+00;
	s25 =	simm.s32 $0xA000;
	s0 =	simm.s32 $0x4;
	s24 =	simm.s32 $0xB  }
.LBB2_1:
0x15: {  	s7 =	simm.s32 $0x0;
	s9 =	rddreg [dreg:$0x3]  }
0x16: {  	[tilespmem:s7], [sflag:$0x1] =	stream.linear.gather [hbm4b:s9+s7], $0x2800, $0x38;
	[tilespmem:$0x17000] =	vst v63  }
0x17: {  	s12 =	simm.s32 $0x2800;
	s9 =	rddreg [dreg:$0x4]  }
0x18: {  	[tilespmem:s12], [sflag:$0x2] =	stream.linear.gather [hbm4b:s9+s7], $0x2800, $0x38;
	[tilespmem:$0x17000] =	vst v63  }
0x19: {  	s7 =	simm.s32 $0x80;
	s9 =	simm.s32 $0x0  }
.LBB2_2:
0x1a: {  	p0 =	sne.s32 s7, $0x13F80;
	[tilespmem:s9+$0xD000] =	vst v0;
	s12 =	smov.u32 s7;
	s7 =	sadd.s32 $0x80, s7  }
.Ltmp0:
0x1b: {  	[tilespmem:s9+$0xD010] =	vst v0;
	(pc) =	sbr.rel @p0 .LBB2_2-.Ltmp0, $2  }
0x1c: {  	_ =	sdelay $0x2  }
0x1d: {  	s9 =	sshra.s32 s12, $0x2  }
0x1e: {  	[tilespmem:s9+$0xD000] =	vst v0  }
0x1f: {  	[tilespmem:s9+$0xD010] =	vst v0;
	s7 =	rddreg [dreg:$0x5];
	s12 =	simm.s32 $0xD000  }
0x20: {  	[spmem:s7] =	stream.linear.scatter [tilespmem:s12], [sflag:$0x11], $0x5000, $0x38;
	[tilespmem:$0x17000] =	vst v63  }
0x21: {  	s12 =	simm.s32 $0x11  }
0x22: {  	_ =	swait.ge [sflag:s12], $0x5000  }
0x23: {  	[sflag:s12] =	ssyncset.done $0x0  }
0x24: {  	[sflag:s12] =	ssyncadd.s32 $0xFFFFB000  }
0x25: {  	_ =	swait.ge [sflag:s13], $0x2800  }
0x26: {  	[sflag:s13] =	ssyncset.done $0x0  }
0x27: {  	[sflag:s13] =	ssyncadd.s32 $0xFFFFD800  }
0x28: {  	_ =	swait.ge [sflag:s14], $0x2800  }
0x29: {  	[sflag:s14] =	ssyncset.done $0x0  }
0x2a: {  	[sflag:s14] =	ssyncadd.s32 $0xFFFFD800  }
0x2b: {  	s9 =	simm.s32 $0x0;
	[bflag:$0x0] =	sbarrier.arrive $0xFFFF  }
0x2c: {  	[tilespmem:s16], [sflag:$0x1] =	stream.indirect.gather [hbm4b:s4+s15], $0x20, s9, s15, $0xb8;
	[tilespmem:$0x17000] =	vst v63  }
0x2d: {  	_ = 	snop  }
0x2e: {  	[tilespmem:s17], [sflag:$0x2] =	stream.indirect.gather [hbm4b:s4+s15], $0x20, s15, s15, $0xb8;
	[tilespmem:$0x17000] =	vst v63  }
0x2f: {  	s12 =	simm.s32 $0x100  }
0x30: {  	[tilespmem:s19], [sflag:$0x3] =	stream.indirect.gather [hbm4b:s4+s15], $0x20, s12, s15, $0xb8;
	[tilespmem:$0x17000] =	vst v63  }
0x31: {  	s9 =	simm.s32 $0x180  }
0x32: {  	[tilespmem:s21], [sflag:$0x4] =	stream.indirect.gather [hbm4b:s4+s15], $0x20, s9, s15, $0xb8;
	[tilespmem:$0x17000] =	vst v63  }
0x33: {  	s12 =	simm.s32 $0x200  }
0x34: {  	[tilespmem:s23], [sflag:$0x5] =	stream.indirect.gather [hbm4b:s4+s15], $0x20, s12, s15, $0xb8;
	[tilespmem:$0x17000] =	vst v63  }
0x35: {  	s9 =	simm.s32 $0x280  }
0x36: {  	[tilespmem:s25], [sflag:$0x6] =	stream.indirect.gather [hbm4b:s4+s15], $0x20, s9, s15, $0xb8;
	[tilespmem:$0x17000] =	vst v63  }
0x37: {  	s12 =	simm.s32 $0x300  }
0x38: {  	[tilespmem:s28], [sflag:$0x7] =	stream.indirect.gather [hbm4b:s4+s15], $0x20, s12, s15, $0xb8;
	[tilespmem:$0x17000] =	vst v63  }
0x39: {  	s9 =	simm.s32 $0x380  }
0x3a: {  	[tilespmem:s30], [sflag:$0x8] =	stream.indirect.gather [hbm4b:s4+s15], $0x20, s9, s15, $0xb8;
	[tilespmem:$0x17000] =	vst v63  }
0x3b: {  	_ =	swait.ge [sflag:s13], $0x1000  }
0x3c: {  	[sflag:s13] =	ssyncset.done $0x0  }
0x3d: {  	s12 =	simm.s32 $0x2800;
	[sflag:s13] =	ssyncadd.s32 $0xFFFFF000  }
0x3e: {  	[spmem:s2] =	stream.indirect.scatter.add.f32 [tilespmem:s16], [sflag:$0x9], $0x20, s12, s15, $0xb8;
	[tilespmem:$0x17000] =	vst v63  }
0x3f: {  	_ =	swait.ge [sflag:s14], $0x1000  }
0x40: {  	[sflag:s14] =	ssyncset.done $0x0  }
0x41: {  	s9 =	simm.s32 $0x2880;
	[sflag:s14] =	ssyncadd.s32 $0xFFFFF000  }
0x42: {  	[spmem:s2] =	stream.indirect.scatter.add.f32 [tilespmem:s17], [sflag:$0xA], $0x20, s9, s15, $0xb8;
	[tilespmem:$0x17000] =	vst v63  }
0x43: {  	_ =	swait.ge [sflag:s31], $0x1000  }
0x44: {  	[sflag:s31] =	ssyncset.done $0x0  }
0x45: {  	s12 =	simm.s32 $0x2900;
	[sflag:s31] =	ssyncadd.s32 $0xFFFFF000  }
0x46: {  	[spmem:s2] =	stream.indirect.scatter.add.f32 [tilespmem:s19], [sflag:$0xB], $0x20, s12, s15, $0xb8;
	[tilespmem:$0x17000] =	vst v63  }
0x47: {  	_ =	swait.ge [sflag:s0], $0x1000  }
0x48: {  	[sflag:s0] =	ssyncset.done $0x0  }
0x49: {  	s9 =	simm.s32 $0x2980;
	[sflag:s0] =	ssyncadd.s32 $0xFFFFF000  }
0x4a: {  	[spmem:s2] =	stream.indirect.scatter.add.f32 [tilespmem:s21], [sflag:$0xC], $0x20, s9, s15, $0xb8;
	[tilespmem:$0x17000] =	vst v63  }
0x4b: {  	_ =	swait.ge [sflag:s10], $0x1000  }
0x4c: {  	[sflag:s10] =	ssyncset.done $0x0  }
0x4d: {  	s12 =	simm.s32 $0x2A00;
	[sflag:s10] =	ssyncadd.s32 $0xFFFFF000  }
0x4e: {  	[spmem:s2] =	stream.indirect.scatter.add.f32 [tilespmem:s23], [sflag:$0xD], $0x20, s12, s15, $0xb8;
	[tilespmem:$0x17000] =	vst v63  }
0x4f: {  	_ =	swait.ge [sflag:s11], $0x1000  }
0x50: {  	[sflag:s11] =	ssyncset.done $0x0  }
0x51: {  	s9 =	simm.s32 $0x2A80;
	[sflag:s11] =	ssyncadd.s32 $0xFFFFF000  }
0x52: {  	[spmem:s2] =	stream.indirect.scatter.add.f32 [tilespmem:s25], [sflag:$0xE], $0x20, s9, s15, $0xb8;
	[tilespmem:$0x17000] =	vst v63  }
0x53: {  	_ =	swait.ge [sflag:s18], $0x1000  }
0x54: {  	[sflag:s18] =	ssyncset.done $0x0  }
0x55: {  	s12 =	simm.s32 $0x2B00;
	[sflag:s18] =	ssyncadd.s32 $0xFFFFF000  }
0x56: {  	[spmem:s2] =	stream.indirect.scatter.add.f32 [tilespmem:s28], [sflag:$0xF], $0x20, s12, s15, $0xb8;
	[tilespmem:$0x17000] =	vst v63  }
0x57: {  	_ =	swait.ge [sflag:s1], $0x1000  }
0x58: {  	[sflag:s1] =	ssyncset.done $0x0  }
0x59: {  	s9 =	simm.s32 $0x2B80;
	[sflag:s1] =	ssyncadd.s32 $0xFFFFF000  }
0x5a: {  	[spmem:s2] =	stream.indirect.scatter.add.f32 [tilespmem:s30], [sflag:$0x10], $0x20, s9, s15, $0xb8;
	[tilespmem:$0x17000] =	vst v63  }
0x5b: {  	_ =	swait.ge [sflag:s20], $0x1000  }
0x5c: {  	[sflag:s20] =	ssyncset.done $0x0  }
0x5d: {  	s12 =	simm.s32 $0x400;
	[sflag:s20] =	ssyncadd.s32 $0xFFFFF000  }
0x5e: {  	[tilespmem:s16], [sflag:$0x1] =	stream.indirect.gather [hbm4b:s4+s15], $0x20, s12, s15, $0xb8;
	[tilespmem:$0x17000] =	vst v63  }
0x5f: {  	_ =	swait.ge [sflag:s22], $0x1000  }
0x60: {  	[sflag:s22] =	ssyncset.done $0x0  }
0x61: {  	s9 =	simm.s32 $0x480;
	[sflag:s22] =	ssyncadd.s32 $0xFFFFF000  }
0x62: {  	[tilespmem:s17], [sflag:$0x2] =	stream.indirect.gather [hbm4b:s4+s15], $0x20, s9, s15, $0xb8;
	[tilespmem:$0x17000] =	vst v63  }
0x63: {  	_ =	swait.ge [sflag:s24], $0x1000  }
0x64: {  	[sflag:s24] =	ssyncset.done $0x0  }
0x65: {  	s12 =	simm.s32 $0x500;
	[sflag:s24] =	ssyncadd.s32 $0xFFFFF000  }
0x66: {  	[tilespmem:s19], [sflag:$0x3] =	stream.indirect.gather [hbm4b:s4+s15], $0x20, s12, s15, $0xb8;
	[tilespmem:$0x17000] =	vst v63  }
0x67: {  	_ =	swait.ge [sflag:s26], $0x1000  }
0x68: {  	[sflag:s26] =	ssyncset.done $0x0  }
0x69: {  	s9 =	simm.s32 $0x580;
	[sflag:s26] =	ssyncadd.s32 $0xFFFFF000  }
0x6a: {  	[tilespmem:s21], [sflag:$0x4] =	stream.indirect.gather [hbm4b:s4+s15], $0x20, s9, s15, $0xb8;
	[tilespmem:$0x17000] =	vst v63  }
0x6b: {  	_ =	swait.ge [sflag:s29], $0x1000  }
0x6c: {  	[sflag:s29] =	ssyncset.done $0x0  }
0x6d: {  	s12 =	simm.s32 $0x600;
	[sflag:s29] =	ssyncadd.s32 $0xFFFFF000  }
0x6e: {  	[tilespmem:s23], [sflag:$0x5] =	stream.indirect.gather [hbm4b:s4+s15], $0x20, s12, s15, $0xb8;
	[tilespmem:$0x17000] =	vst v63  }
0x6f: {  	_ =	swait.ge [sflag:s3], $0x1000  }
0x70: {  	[sflag:s3] =	ssyncset.done $0x0  }
0x71: {  	s9 =	simm.s32 $0x680;
	[sflag:s3] =	ssyncadd.s32 $0xFFFFF000  }
0x72: {  	[tilespmem:s25], [sflag:$0x6] =	stream.indirect.gather [hbm4b:s4+s15], $0x20, s9, s15, $0xb8;
	[tilespmem:$0x17000] =	vst v63  }
0x73: {  	_ =	swait.ge [sflag:s5], $0x1000  }
0x74: {  	[sflag:s5] =	ssyncset.done $0x0  }
0x75: {  	s12 =	simm.s32 $0x700;
	[sflag:s5] =	ssyncadd.s32 $0xFFFFF000  }
0x76: {  	[tilespmem:s28], [sflag:$0x7] =	stream.indirect.gather [hbm4b:s4+s15], $0x20, s12, s15, $0xb8;
	[tilespmem:$0x17000] =	vst v63  }
0x77: {  	_ =	swait.ge [sflag:s6], $0x1000  }
0x78: {  	[sflag:s6] =	ssyncset.done $0x0  }
0x79: {  	s7 =	simm.s32 $0x780;
	s9 =	simm.s32 $0x1000;
	[sflag:s6] =	ssyncadd.s32 $0xFFFFF000  }
.LBB2_4:
0x7a: {  	[tilespmem:s30], [sflag:$0x8] =	stream.indirect.gather [hbm4b:s4+s15], $0x20, s7, s15, $0xb8;
	[tilespmem:$0x17000] =	vst v63  }
0x7b: {  	s7 =	smov.u32 s9  }
0x7c: {  	p0 =	sne.s32 s9, $0x8000;
	s9 =	sadd.s32 $0x1000, s9;
	_ =	swait.ge [sflag:s13], $0x1000  }
0x7d: {  	s7 =	sshra.s32 s7, $0x2;
	[sflag:s13] =	ssyncset.done $0x0  }
0x7e: {  	s12 =	sadd.s32 $0x2800, s7;
	[sflag:s13] =	ssyncadd.s32 $0xFFFFF000  }
0x7f: {  	[spmem:s2] =	stream.indirect.scatter.add.f32 [tilespmem:s16], [sflag:$0x9], $0x20, s12, s15, $0xb8;
	[tilespmem:$0x17000] =	vst v63  }
0x80: {  	_ =	swait.ge [sflag:s14], $0x1000  }
0x81: {  	[sflag:s14] =	ssyncset.done $0x0  }
0x82: {  	s12 =	sadd.s32 $0x2880, s7;
	[sflag:s14] =	ssyncadd.s32 $0xFFFFF000  }
0x83: {  	[spmem:s2] =	stream.indirect.scatter.add.f32 [tilespmem:s17], [sflag:$0xA], $0x20, s12, s15, $0xb8;
	[tilespmem:$0x17000] =	vst v63  }
0x84: {  	_ =	swait.ge [sflag:s31], $0x1000  }
0x85: {  	[sflag:s31] =	ssyncset.done $0x0  }
0x86: {  	s12 =	sadd.s32 $0x2900, s7;
	[sflag:s31] =	ssyncadd.s32 $0xFFFFF000  }
0x87: {  	[spmem:s2] =	stream.indirect.scatter.add.f32 [tilespmem:s19], [sflag:$0xB], $0x20, s12, s15, $0xb8;
	[tilespmem:$0x17000] =	vst v63  }
0x88: {  	_ =	swait.ge [sflag:s0], $0x1000  }
0x89: {  	[sflag:s0] =	ssyncset.done $0x0  }
0x8a: {  	s12 =	sadd.s32 $0x2980, s7;
	[sflag:s0] =	ssyncadd.s32 $0xFFFFF000  }
0x8b: {  	[spmem:s2] =	stream.indirect.scatter.add.f32 [tilespmem:s21], [sflag:$0xC], $0x20, s12, s15, $0xb8;
	[tilespmem:$0x17000] =	vst v63  }
0x8c: {  	_ =	swait.ge [sflag:s10], $0x1000  }
0x8d: {  	[sflag:s10] =	ssyncset.done $0x0  }
0x8e: {  	s12 =	sadd.s32 $0x2A00, s7;
	[sflag:s10] =	ssyncadd.s32 $0xFFFFF000  }
0x8f: {  	[spmem:s2] =	stream.indirect.scatter.add.f32 [tilespmem:s23], [sflag:$0xD], $0x20, s12, s15, $0xb8;
	[tilespmem:$0x17000] =	vst v63  }
0x90: {  	_ =	swait.ge [sflag:s11], $0x1000  }
0x91: {  	[sflag:s11] =	ssyncset.done $0x0  }
0x92: {  	s12 =	sadd.s32 $0x2A80, s7;
	[sflag:s11] =	ssyncadd.s32 $0xFFFFF000  }
0x93: {  	[spmem:s2] =	stream.indirect.scatter.add.f32 [tilespmem:s25], [sflag:$0xE], $0x20, s12, s15, $0xb8;
	[tilespmem:$0x17000] =	vst v63  }
0x94: {  	_ =	swait.ge [sflag:s18], $0x1000  }
0x95: {  	[sflag:s18] =	ssyncset.done $0x0  }
0x96: {  	s12 =	sadd.s32 $0x2B00, s7;
	[sflag:s18] =	ssyncadd.s32 $0xFFFFF000  }
0x97: {  	[spmem:s2] =	stream.indirect.scatter.add.f32 [tilespmem:s28], [sflag:$0xF], $0x20, s12, s15, $0xb8;
	[tilespmem:$0x17000] =	vst v63  }
0x98: {  	_ =	swait.ge [sflag:s1], $0x1000  }
0x99: {  	[sflag:s1] =	ssyncset.done $0x0  }
0x9a: {  	s12 =	sadd.s32 $0x2B80, s7;
	[sflag:s1] =	ssyncadd.s32 $0xFFFFF000  }
0x9b: {  	[spmem:s2] =	stream.indirect.scatter.add.f32 [tilespmem:s30], [sflag:$0x10], $0x20, s12, s15, $0xb8;
	[tilespmem:$0x17000] =	vst v63  }
0x9c: {  	_ =	swait.ge [sflag:s20], $0x1000  }
0x9d: {  	[sflag:s20] =	ssyncset.done $0x0  }
0x9e: {  	s12 =	sadd.s32 $0x400, s7;
	[sflag:s20] =	ssyncadd.s32 $0xFFFFF000  }
0x9f: {  	[tilespmem:s16], [sflag:$0x1] =	stream.indirect.gather [hbm4b:s4+s15], $0x20, s12, s15, $0xb8;
	[tilespmem:$0x17000] =	vst v63  }
0xa0: {  	_ =	swait.ge [sflag:s22], $0x1000  }
0xa1: {  	[sflag:s22] =	ssyncset.done $0x0  }
0xa2: {  	s12 =	sadd.s32 $0x480, s7;
	[sflag:s22] =	ssyncadd.s32 $0xFFFFF000  }
0xa3: {  	[tilespmem:s17], [sflag:$0x2] =	stream.indirect.gather [hbm4b:s4+s15], $0x20, s12, s15, $0xb8;
	[tilespmem:$0x17000] =	vst v63  }
0xa4: {  	_ =	swait.ge [sflag:s24], $0x1000  }
0xa5: {  	[sflag:s24] =	ssyncset.done $0x0  }
0xa6: {  	s12 =	sadd.s32 $0x500, s7;
	[sflag:s24] =	ssyncadd.s32 $0xFFFFF000  }
0xa7: {  	[tilespmem:s19], [sflag:$0x3] =	stream.indirect.gather [hbm4b:s4+s15], $0x20, s12, s15, $0xb8;
	[tilespmem:$0x17000] =	vst v63  }
0xa8: {  	_ =	swait.ge [sflag:s26], $0x1000  }
0xa9: {  	[sflag:s26] =	ssyncset.done $0x0  }
0xaa: {  	s12 =	sadd.s32 $0x580, s7;
	[sflag:s26] =	ssyncadd.s32 $0xFFFFF000  }
0xab: {  	[tilespmem:s21], [sflag:$0x4] =	stream.indirect.gather [hbm4b:s4+s15], $0x20, s12, s15, $0xb8;
	[tilespmem:$0x17000] =	vst v63  }
0xac: {  	_ =	swait.ge [sflag:s29], $0x1000  }
0xad: {  	[sflag:s29] =	ssyncset.done $0x0  }
0xae: {  	s12 =	sadd.s32 $0x600, s7;
	[sflag:s29] =	ssyncadd.s32 $0xFFFFF000  }
0xaf: {  	[tilespmem:s23], [sflag:$0x5] =	stream.indirect.gather [hbm4b:s4+s15], $0x20, s12, s15, $0xb8;
	[tilespmem:$0x17000] =	vst v63  }
0xb0: {  	_ =	swait.ge [sflag:s3], $0x1000  }
0xb1: {  	[sflag:s3] =	ssyncset.done $0x0  }
0xb2: {  	s12 =	sadd.s32 $0x680, s7;
	[sflag:s3] =	ssyncadd.s32 $0xFFFFF000  }
0xb3: {  	[tilespmem:s25], [sflag:$0x6] =	stream.indirect.gather [hbm4b:s4+s15], $0x20, s12, s15, $0xb8;
	[tilespmem:$0x17000] =	vst v63  }
0xb4: {  	_ =	swait.ge [sflag:s5], $0x1000  }
0xb5: {  	[sflag:s5] =	ssyncset.done $0x0  }
.Ltmp1:
0xb6: {  	s12 =	sadd.s32 $0x700, s7;
	[sflag:s5] =	ssyncadd.s32 $0xFFFFF000;
	(pc) =	sbr.rel @p0 .LBB2_4-.Ltmp1, $4  }
0xb7: {  	[tilespmem:s28], [sflag:$0x7] =	stream.indirect.gather [hbm4b:s4+s15], $0x20, s12, s15, $0xb8;
	[tilespmem:$0x17000] =	vst v63  }
0xb8: {  	_ =	swait.ge [sflag:s6], $0x1000  }
0xb9: {  	[sflag:s6] =	ssyncset.done $0x0  }
0xba: {  	s7 =	sadd.s32 $0x780, s7;
	[sflag:s6] =	ssyncadd.s32 $0xFFFFF000  }
0xbb: {  	[tilespmem:s30], [sflag:$0x8] =	stream.indirect.gather [hbm4b:s4+s15], $0x20, s7, s15, $0xb8;
	[tilespmem:$0x17000] =	vst v63  }
0xbc: {  	_ =	swait.ge [sflag:s13], $0x1000  }
0xbd: {  	[sflag:s13] =	ssyncset.done $0x0  }
0xbe: {  	s9 =	simm.s32 $0x4C00;
	[sflag:s13] =	ssyncadd.s32 $0xFFFFF000  }
0xbf: {  	[spmem:s2] =	stream.indirect.scatter.add.f32 [tilespmem:s16], [sflag:$0x9], $0x20, s9, s15, $0xb8;
	[tilespmem:$0x17000] =	vst v63  }
0xc0: {  	_ =	swait.ge [sflag:s14], $0x1000  }
0xc1: {  	[sflag:s14] =	ssyncset.done $0x0  }
0xc2: {  	s12 =	simm.s32 $0x4C80;
	[sflag:s14] =	ssyncadd.s32 $0xFFFFF000  }
0xc3: {  	[spmem:s2] =	stream.indirect.scatter.add.f32 [tilespmem:s17], [sflag:$0xA], $0x20, s12, s15, $0xb8;
	[tilespmem:$0x17000] =	vst v63  }
0xc4: {  	_ =	swait.ge [sflag:s31], $0x1000  }
0xc5: {  	[sflag:s31] =	ssyncset.done $0x0  }
0xc6: {  	s9 =	simm.s32 $0x4D00;
	[sflag:s31] =	ssyncadd.s32 $0xFFFFF000  }
0xc7: {  	[spmem:s2] =	stream.indirect.scatter.add.f32 [tilespmem:s19], [sflag:$0xB], $0x20, s9, s15, $0xb8;
	[tilespmem:$0x17000] =	vst v63  }
0xc8: {  	_ =	swait.ge [sflag:s0], $0x1000  }
0xc9: {  	[sflag:s0] =	ssyncset.done $0x0  }
0xca: {  	s12 =	simm.s32 $0x4D80;
	[sflag:s0] =	ssyncadd.s32 $0xFFFFF000  }
0xcb: {  	[spmem:s2] =	stream.indirect.scatter.add.f32 [tilespmem:s21], [sflag:$0xC], $0x20, s12, s15, $0xb8;
	[tilespmem:$0x17000] =	vst v63  }
0xcc: {  	_ =	swait.ge [sflag:s10], $0x1000  }
0xcd: {  	[sflag:s10] =	ssyncset.done $0x0  }
0xce: {  	s9 =	simm.s32 $0x4E00;
	[sflag:s10] =	ssyncadd.s32 $0xFFFFF000  }
0xcf: {  	[spmem:s2] =	stream.indirect.scatter.add.f32 [tilespmem:s23], [sflag:$0xD], $0x20, s9, s15, $0xb8;
	[tilespmem:$0x17000] =	vst v63  }
0xd0: {  	_ =	swait.ge [sflag:s11], $0x1000  }
0xd1: {  	[sflag:s11] =	ssyncset.done $0x0  }
0xd2: {  	s12 =	simm.s32 $0x4E80;
	[sflag:s11] =	ssyncadd.s32 $0xFFFFF000  }
0xd3: {  	[spmem:s2] =	stream.indirect.scatter.add.f32 [tilespmem:s25], [sflag:$0xE], $0x20, s12, s15, $0xb8;
	[tilespmem:$0x17000] =	vst v63  }
0xd4: {  	_ =	swait.ge [sflag:s18], $0x1000  }
0xd5: {  	[sflag:s18] =	ssyncset.done $0x0  }
0xd6: {  	s9 =	simm.s32 $0x4F00;
	[sflag:s18] =	ssyncadd.s32 $0xFFFFF000  }
0xd7: {  	[spmem:s2] =	stream.indirect.scatter.add.f32 [tilespmem:s28], [sflag:$0xF], $0x20, s9, s15, $0xb8;
	[tilespmem:$0x17000] =	vst v63  }
0xd8: {  	_ =	swait.ge [sflag:s1], $0x1000  }
0xd9: {  	[sflag:s1] =	ssyncset.done $0x0  }
0xda: {  	s12 =	simm.s32 $0x4F80;
	[sflag:s1] =	ssyncadd.s32 $0xFFFFF000  }
0xdb: {  	[spmem:s2] =	stream.indirect.scatter.add.f32 [tilespmem:s30], [sflag:$0x10], $0x20, s12, s15, $0xb8;
	[tilespmem:$0x17000] =	vst v63  }
0xdc: {  	_ =	swait.ge [sflag:s20], $0x1000  }
0xdd: {  	[sflag:s20] =	ssyncset.done $0x0  }
0xde: {  	[sflag:s20] =	ssyncadd.s32 $0xFFFFF000  }
0xdf: {  	_ =	swait.ge [sflag:s22], $0x1000  }
0xe0: {  	[sflag:s22] =	ssyncset.done $0x0  }
0xe1: {  	[sflag:s22] =	ssyncadd.s32 $0xFFFFF000  }
0xe2: {  	_ =	swait.ge [sflag:s24], $0x1000  }
0xe3: {  	[sflag:s24] =	ssyncset.done $0x0  }
0xe4: {  	[sflag:s24] =	ssyncadd.s32 $0xFFFFF000  }
0xe5: {  	_ =	swait.ge [sflag:s26], $0x1000  }
0xe6: {  	[sflag:s26] =	ssyncset.done $0x0  }
0xe7: {  	[sflag:s26] =	ssyncadd.s32 $0xFFFFF000  }
0xe8: {  	_ =	swait.ge [sflag:s29], $0x1000  }
0xe9: {  	[sflag:s29] =	ssyncset.done $0x0  }
0xea: {  	[sflag:s29] =	ssyncadd.s32 $0xFFFFF000  }
0xeb: {  	_ =	swait.ge [sflag:s3], $0x1000  }
0xec: {  	[sflag:s3] =	ssyncset.done $0x0  }
0xed: {  	[sflag:s3] =	ssyncadd.s32 $0xFFFFF000  }
0xee: {  	_ =	swait.ge [sflag:s5], $0x1000  }
0xef: {  	[sflag:s5] =	ssyncset.done $0x0  }
0xf0: {  	[sflag:s5] =	ssyncadd.s32 $0xFFFFF000  }
0xf1: {  	_ =	swait.ge [sflag:s6], $0x1000  }
0xf2: {  	[sflag:s6] =	ssyncset.done $0x0  }
0xf3: {  	[sflag:s6] =	ssyncadd.s32 $0xFFFFF000  }
0xf4: {  	s9 =	stileid.u32;
	[bflag:$0x0] =	sbarrier.arrive $0xFFFF  }
0xf5: {  	s7 =	sshll.u32 s9, $0x6;
	s9 =	rddreg [dreg:$0x5]  }
0xf6: {  	s7 =	sor.u32 $0x1C11, s7;
	s12 =	rddreg [dreg:$0x6];
	s9 =	sshrl.u32 s9, $0x3  }
0xf7: {  	[hbm:s12], [sflag:s7] =	dma.local [spmem:s9], $0xA00  }
0xf8: {  	s9 =	simm.s32 $0x11  }
0xf9: {  	_ =	swait.ge [sflag:s9], $0xA00  }
0xfa: {  	s8 =	sadd.s32 $0x1, s8;
	s12 =	rddreg [dreg:$0x7]  }
0xfb: {  	p0 =	sne.s32 s8, s12  }
.Ltmp2:
0xfc: {  	_ = 	snop;
	(pc) =	sbr.rel @p0 .LBB2_1-.Ltmp2, $3  }
0xfd: {  	_ =	sdelay $0x1  }
0xfe: {  	[sflag:s9] =	ssyncset.done $0x0  }
0xff: {  	[sflag:s9] =	ssyncadd.s32 $0xFFFFF600  }
0x100: {  	_ =	sfence.sel $0x180000  }
0x101: {  	[bflag:$0x0] =	sbarrier.arrive $0xFFFF  }
0x102: {  	_ =	strace $0x9000004A  }
0x103: {  	s0 =	stileid.u32;
	[bflag:$0x2] =	sbarrier.arrive $0xFFFF  }
0x104: {  	p0 =	sne.s32 s0, $0x0;
	s0 =	rddreg [dreg:$0x2]  }
0x105: {  	s0 =	sadd.s32 @!p0 $0x100000, s0  }
0x106: {  	[sflag:s0] =	ssyncadd.tile.s32 @!p0 $0x1;
	_ =	shalt  }
.Lfunc_end2:
_tile_overlayer_lowered:
.L_overlay_start_2:
0x107: {  	(tag) =	ssettag $0x2  }
0x108: {  	s0 =	rddreg [dreg:$0x0];
	s2 =	stileid.u32  }
0x109: {  	s1 =	rddreg [dreg:$0x1];
	p0 =	sne.s32 s2, $0x0  }
0x10a: {  	s3 =	rddreg [dreg:$0x2];
	[bflag:$0x3] =	sbarrier.arrive $0xFFFF;
	s2 =	simm.s32 @!p0 $0x1C11  }
0x10b: {  	[timem:s3], [sflag:s2] =	dma.local @!p0 [hbm:s0], s1  }
0x10c: {  	s0 =	simm.s32 @!p0 $0x11  }
0x10d: {  	_ =	swait.ge @!p0 [sflag:s0], s1  }
0x10e: {  	s1 =	ssub.s32 @!p0 $0x0, s1;
	[sflag:s0] =	ssyncset.done @!p0 $0x0  }
0x10f: {  	[sflag:s0] =	ssyncadd.s32 @!p0 s1  }
0x110: {  	[bflag:$0x3] =	sbarrier.arrive $0xFFFF  }
0x111: {  	_ =	shalt  }

// kernel: kernel.17.cloned.1.call-start
scs
__scs_entry_jumppad:
0x0: {  	(pc) =	sbr.rel $0x88, $3  }
0x1: {  	(tag) =	ssettag $0x0;
	lr =	simm.s32 $0x1  }
0x2: {  	[smem:$0x3F93] =	sst lr;
	_ =	strace $0xD0000000  }
0x3: {  	_ = 	snop  }
0x4: {  	_ = 	snop  }
0x5: {  	_ = 	snop  }
0x6: {  	_ = 	snop  }
0x7: {  	_ = 	snop  }
__scs_overlays_trampoline_lowered:
0x8: {  	[smem:$0x3FA2] =	sst s0  }
0x9: {  	[smem:$0x3FA3] =	sst s1  }
0xa: {  	[smem:$0x3FA4] =	sst s2  }
0xb: {  	[smem:$0x3FA5] =	sst s3  }
0xc: {  	[smem:$0x3FA6] =	sst s4  }
0xd: {  	[smem:$0x3FA7] =	sst s5  }
0xe: {  	[smem:$0x3FA8] =	sst s6  }
0xf: {  	[smem:$0x3FA9] =	sst s7  }
0x10: {  	[smem:$0x3FAA] =	sst s8  }
0x11: {  	[smem:$0x3FAB] =	sst s9;
	s0 =	simm.s32 @!p0 $0x0  }
0x12: {  	s1 =	sld [smem:$0x3F91];
	s0 =	simm.s32 @p0 $0x1  }
0x13: {  	[smem:$0x3FAC] =	sst s0;
	s0 =	simm.s32 @!p1 $0x0  }
0x14: {  	s2 =	sld [smem:$0x3F90];
	s0 =	simm.s32 @p1 $0x1  }
0x15: {  	[smem:$0x3FAD] =	sst s0;
	s0 =	simm.s32 @!p2 $0x0  }
0x16: {  	s3 =	sld [smem:$0x3FDB];
	s0 =	simm.s32 @p2 $0x1  }
0x17: {  	s4 =	simm.s32 $0x1BF5;
	[smem:$0x3FAF] =	sst s0  }
0x18: {  	s0 =	sld [smem:$0x3F92];
	_ =	swait.ge [sflag:s4], $0x0  }
0x19: {  	s7 =	sld [smem:$0x3F93]  }
0x1a: {  	s8 =	sadd.s32 $0xFFFFE003, lr  }
0x1b: {  	s9 =	sadd.s32 $0xFFFFFEF7, lr;
	s5 =	simm.s32 $0xFFFFFFFF;
	p2 =	slt.u32 s8, $0xFFFFF086  }
0x1c: {  	p1 =	slt.u32 s9, $0xF7A;
	s5 =	simm.s32 @!p2 $0x0  }
0x1d: {  	s5 =	simm.s32 @p1 $0x1;
	p0 =	seq.s32 s7, s2  }
0x1e: {  	s7 =	smul.u32 @!p0 $0xF7A, s2;
	p2 =	seq.s32 @!p0 s5, $0x0  }
0x1f: {  	s9 =	smul.u32 $0xF7A, s1;
	s8 =	simm.s32 @!p0 $0x1BF5;
	p2 =	por !p2, p0  }
0x20: {  	[sflag:s8] =	ssyncset.s32 @!p0 $0xFFFFF086;
	s6 =	sadd.s32 @!p0 s3, s7;
	s7 =	simm.s32 @!p0 $0x108  }
0x21: {  	s3 =	sadd.s32 s3, s9;
	s6 =	sadd.s32 @!p0 $0x88, s6;
	s7 =	simm.s32 @p2 $0x1082  }
0x22: {  	[simem:s7], [sflag:s8] =	dma.local @!p0 [hbm:s6], $0xF7A  }
0x23: {  	s9 =	sor.u32 $0xD0000000, s2;
	s6 =	simm.s32 $0x108;
	_ =	swait.ge @!p0 [sflag:s8], $0x0  }
0x24: {  	s3 =	sadd.s32 $0x88, s3;
	s6 =	simm.s32 @!p1 $0x1082;
	[sflag:s4] =	ssyncset.s32 $0xFFFFF086  }
0x25: {  	[simem:s6], [sflag:s4] =	dma.local [hbm:s3], $0xF7A  }
0x26: {  	[smem:$0x3F93] =	sst s1;
	(tag) =	ssettag s2;
	_ =	strace s9  }
0x27: {  	s1 =	sld [smem:$0x3FA3]  }
0x28: {  	s2 =	sld [smem:$0x3FA4]  }
0x29: {  	s4 =	sld [smem:$0x3FA6]  }
0x2a: {  	p0 =	seq.s32 s5, $0x0;
	s5 =	sld [smem:$0x3FA7]  }
0x2b: {  	s6 =	sld [smem:$0x3FA8]  }
0x2c: {  	s7 =	sld [smem:$0x3FA9]  }
0x2d: {  	s3 =	simm.s32 $0x108;
	s8 =	sld [smem:$0x3FAA]  }
0x2e: {  	s3 =	simm.s32 @!p0 $0x1082;
	s9 =	sld [smem:$0x3FAB]  }
0x2f: {  	lr =	sadd.s32 s0, s3;
	s0 =	sld [smem:$0x3FA2]  }
0x30: {  	s3 =	sld [smem:$0x3FA5]  }
0x31: {  	[smem:$0x3FAE] =	sst s10  }
0x32: {  	s10 =	sld [smem:$0x3FAC];
	_ =	sdelay $0x3  }
0x33: {  	p0 =	seq.s32 s10, $0x1;
	s10 =	sld [smem:$0x3FAE];
	_ =	sdelay $0x3  }
0x34: {  	[smem:$0x3FAE] =	sst s10  }
0x35: {  	s10 =	sld [smem:$0x3FAD];
	_ =	sdelay $0x3  }
0x36: {  	p1 =	seq.s32 s10, $0x1;
	s10 =	sld [smem:$0x3FAE];
	_ =	sdelay $0x3  }
0x37: {  	[smem:$0x3FAE] =	sst s10  }
0x38: {  	s10 =	sld [smem:$0x3FAF]  }
0x39: {  	_ = 	snop;
	(pc) =	sbr.ind lr, $3  }
0x3a: {  	_ = 	snop  }
0x3b: {  	_ = 	snop  }
0x3c: {  	p2 =	seq.s32 s10, $0x1;
	s10 =	sld [smem:$0x3FAE]  }
0x3d: {  	_ =	shalt  }
0x3e: {  	_ =	shalt  }
0x3f: {  	_ =	shalt  }
0x40: {  	_ =	shalt  }
0x41: {  	_ =	shalt  }
0x42: {  	_ =	shalt  }
0x43: {  	_ =	shalt  }
0x44: {  	_ =	shalt  }
0x45: {  	_ =	shalt  }
0x46: {  	_ =	shalt  }
0x47: {  	_ =	shalt  }
0x48: {  	_ =	shalt  }
0x49: {  	_ =	shalt  }
0x4a: {  	_ =	shalt  }
0x4b: {  	_ =	shalt  }
0x4c: {  	_ =	shalt  }
0x4d: {  	_ =	shalt  }
0x4e: {  	_ =	shalt  }
0x4f: {  	_ =	shalt  }
0x50: {  	_ =	shalt  }
0x51: {  	_ =	shalt  }
0x52: {  	_ =	shalt  }
0x53: {  	_ =	shalt  }
0x54: {  	_ =	shalt  }
0x55: {  	_ =	shalt  }
0x56: {  	_ =	shalt  }
0x57: {  	_ =	shalt  }
0x58: {  	_ =	shalt  }
0x59: {  	_ =	shalt  }
0x5a: {  	_ =	shalt  }
0x5b: {  	_ =	shalt  }
0x5c: {  	_ =	shalt  }
0x5d: {  	_ =	shalt  }
0x5e: {  	_ =	shalt  }
0x5f: {  	_ =	shalt  }
0x60: {  	_ =	shalt  }
0x61: {  	_ =	shalt  }
0x62: {  	_ =	shalt  }
0x63: {  	_ =	shalt  }
0x64: {  	_ =	shalt  }
0x65: {  	_ =	shalt  }
0x66: {  	_ =	shalt  }
0x67: {  	_ =	shalt  }
0x68: {  	_ =	shalt  }
0x69: {  	_ =	shalt  }
0x6a: {  	_ =	shalt  }
0x6b: {  	_ =	shalt  }
0x6c: {  	_ =	shalt  }
0x6d: {  	_ =	shalt  }
0x6e: {  	_ =	shalt  }
0x6f: {  	_ =	shalt  }
0x70: {  	_ =	shalt  }
0x71: {  	_ =	shalt  }
0x72: {  	_ =	shalt  }
0x73: {  	_ =	shalt  }
0x74: {  	_ =	shalt  }
0x75: {  	_ =	shalt  }
0x76: {  	_ =	shalt  }
0x77: {  	_ =	shalt  }
0x78: {  	_ =	shalt  }
0x79: {  	_ =	shalt  }
0x7a: {  	_ =	shalt  }
0x7b: {  	_ =	shalt  }
0x7c: {  	_ =	shalt  }
0x7d: {  	_ =	shalt  }
0x7e: {  	_ =	shalt  }
0x7f: {  	_ =	shalt  }
0x80: {  	_ =	shalt  }
0x81: {  	_ =	shalt  }
0x82: {  	_ =	shalt  }
0x83: {  	_ =	shalt  }
0x84: {  	_ =	shalt  }
0x85: {  	_ =	shalt  }
0x86: {  	_ =	shalt  }
0x87: {  	_ =	shalt  }
.Lfunc_end0:
.L_simem_size_0:
called_computation.2_lowered:
.L_overlay_start_0:
0x88: {  	s2 =	sld [smem:$0x3FD9]  }
0x89: {  	s3 =	sld [smem:$0x3FFE];
	_ =	sdelay $0x1  }
0x8a: {  	s1 =	srdreg.scid  }
0x8b: {  	s0 =	sand.u32 $0x1, s1  }
0x8c: {  	s16 =	sshll.u32 s0, $0xA;
	s2 =	sadd.s32 s3, s2  }
0x8d: {  	s2 =	sadd.s32 s2, s16  }
0x8e: {  	[smem:$0x3FBA] =	sst s2  }
0x8f: {  	_ = 	snop  }
0x90: {  	(tm) =	ssettm $0x1  }
0x91: {  	s17 =	sld [smem:$0x3FFB];
	_ =	sdelay $0x3  }
0x92: {  	_ =	strace s17  }
0x93: {  	s2 =	sld [smem:$0x3FFC];
	_ =	sdelay $0x3  }
0x94: {  	_ =	strace s2  }
0x95: {  	s2 =	sld [smem:$0x3FFD];
	_ =	sdelay $0x3  }
0x96: {  	_ =	strace s2  }
0x97: {  	_ =	strace $0x8FFFFFFF  }
0x98: {  	s18 =	sld [smem:$0x3FDB];
	_ =	sdelay $0x1  }
0x99: {  	s19 =	simm.s32 $_scs_section_size  }
0x9a: {  	s4 =	simm.s32 $_size__tile_overlayer_lowered;
	s5 =	simm.s32 $_tile_overlayer_lowered  }
0x9b: {  	s22 =	simm.s32 $0x1BFF;
	s21 =	sshll.u32 s5, $0x1;
	s2 =	sadd.s32 s19, s18  }
0x9c: {  	s6 =	simm.s32 $0x0;
	s20 =	sshll.u32 s4, $0x1;
	s4 =	sadd.s32 s21, s2  }
0x9d: {  	[timem:s6], [sflag:s22] =	dma.local [hbm:s4], s20  }
0x9e: {  	_ =	swait.ge [sflag:s22], s20  }
0x9f: {  	s3 =	ssub.s32 $0x0, s20;
	[sflag:s22] =	ssyncset.done $0x0  }
0xa0: {  	[sflag:s22] =	ssyncadd.s32 s3;
	_ =	sdelay $0x1  }
0xa1: {  	s23 =	simm.s32 $0x1B8B  }
0xa2: {  	_ =	swait.ge [sflag:s23], $0x1  }
0xa3: {  	[sflag:s23] =	ssyncset.done $0x0  }
0xa4: {  	s25 =	simm.s32 $0x1B8E;
	s24 =	sld [smem:$0x3FFE];
	[sflag:s23] =	ssyncadd.s32 $0xFFFFFFFF  }
0xa5: {  	s26 =	simm.s32 $execute0_lowered;
	[smem:$0x3FD2] =	sst s25  }
0xa6: {  	s4 =	sshll.u32 s26, $0x1;
	_ =	strace $0x8000004C;
	[dreg:$0x1] =	wrdreg $0xFFFFFFFF  }
0xa7: {  	s28 =	simm.s32 $_size_execute0_lowered;
	s2 =	sadd.s32 s2, s4;
	[dreg:$0x0] =	wrdreg $0x0  }
0xa8: {  	s4 =	sshll.u32 s28, $0x1;
	[dreg:$0x2] =	wrdreg s2  }
0xa9: {  	[dreg:$0x3] =	wrdreg s4  }
0xaa: {  	[dreg:$0x4] =	wrdreg $0xC0  }
0xab: {  	_ =	task [dreg:s6], $0x5FFFF  }
0xac: {  	[dreg:$0x1] =	wrdreg $0xFFFFFFFF  }
0xad: {  	[dreg:$0x0] =	wrdreg $0x60  }
0xae: {  	[dreg:$0x2] =	wrdreg s24  }
0xaf: {  	[dreg:$0x3] =	wrdreg $0x120000  }
0xb0: {  	[dreg:$0x4] =	wrdreg $0x9  }
0xb1: {  	_ =	task.clear_ibuf [dreg:s6], $0x5FFFF;
	_ =	strace $0x9000004C  }
0xb2: {  	s29 =	simm.s32 $0x9;
	_ =	strace $0x8000004E  }
0xb3: {  	_ =	swait.ge [sflag:s29], $0x1  }
0xb4: {  	[sflag:s29] =	ssyncadd.s32 $0xFFFFFFFF  }
0xb5: {  	_ =	strace $0x9000004E  }
0xb6: {  	_ =	sfence  }
0xb7: {  	s30 =	sld [smem:$0x0];
	_ =	sdelay $0x2  }
0xb8: {  	s31 =	sshll.u32 s1, $0xD;
	s1 =	sshrl.u32 s1, $0x2  }
0xb9: {  	s3 =	sand.u32 $0x4000, s31;
	s1 =	sadd.s32 s1, s30  }
0xba: {  	s0 =	sor.u32 s3, s0;
	s1 =	sshll.u32 s1, $0x11  }
0xbb: {  	s0 =	sor.u32 s1, s0  }
0xbc: {  	s0 =	sadd.s32 $0x8F2B, s0  }
0xbd: {  	[sflag:s0] =	ssyncadd.remote.s32 $0x1  }
0xbe: {  	_ =	sfence.sel $0xFFFF  }
0xbf: {  	[dreg:$0x0] =	wrdreg $0xFFFFFFFF;
	(pc) =	sbr.abs _section_cstart, $3  }
0xc0: {  	[dreg:$0x1] =	wrdreg $0xFFFFFFFF  }
0xc1: {  	_ =	task.clear_ibuf [dreg:s6], $0x2FFFF;
	_ =	strace $0x9FFFFFFF  }
0xc2: {  	(tm) =	ssettm $0x7FFFFFFF  }
0xc3: {  	_ =	shalt  }
tec
execute0_lowered:
.L_overlay_start_1:
0x0: {  	(tag) =	ssettag $0x1  }
0x1: {  	s0 =	rddreg [dreg:$0x0]  }
0x2: {  	s2 =	rddreg [dreg:$0x1];
	s1 =	srdreg.scid  }
0x3: {  	s6 =	stileid.u32;
	s4 =	simm.s32 $0x0;
	s13 =	simm.s32 $0x1  }
0x4: {  	s14 =	simm.s32 $0x2;
	s15 =	simm.s32 $0x80;
	s16 =	simm.s32 $0x5000  }
0x5: {  	s17 =	simm.s32 $0x6000;
	s19 =	simm.s32 $0x7000;
	s21 =	simm.s32 $0x8000  }
0x6: {  	s28 =	simm.s32 $0xB000;
	s30 =	simm.s32 $0xC000;
	s31 =	simm.s32 $0x3  }
0x7: {  	s10 =	simm.s32 $0x5;
	s11 =	simm.s32 $0x6;
	s18 =	simm.s32 $0x7  }
0x8: {  	s20 =	simm.s32 $0x9;
	s22 =	simm.s32 $0xA;
	s29 =	simm.s32 $0xD  }
0x9: {  	s8 =	simm.s32 $0x0;
	s1 =	sand.u32 $0x1, s1;
	s3 =	smul.u32 $0x5000, s6  }
0xa: {  	[smem:$0x7FF] =	sst s4;
	s23 =	sshll.u32 s1, $0x4;
	s5 =	smul.u32 $0x50000, s1  }
0xb: {  	_ =	strace $0x8000004D;
	s1 =	ssub.s32 $0x2, s1;
	s4 =	sor.u32 s6, s23  }
0xc: {  	s7 =	sshrl.u32 s1, $0x1;
	s23 =	simm.s32 $0x9000;
	s6 =	smul.u32 $0x500, s4  }
0xd: {  	s5 =	sadd.s32 s3, s5;
	s4 =	sadd.s32 $0x3A00, s0;
	s3 =	sadd.s32 s3, s2  }
0xe: {  	s1 =	ssub.s32 s1, s7;
	s5 =	sshrl.u32 s5, $0x3;
	[dreg:$0x5] =	wrdreg s3  }
0xf: {  	s26 =	smax.u32 s1, $0x1;
	s1 =	simm.s32 $0x8;
	s6 =	sadd.s32 s6, s0  }
0x10: {  	s3 =	simm.s32 $0xE;
	[dreg:$0x7] =	wrdreg s26;
	s24 =	sadd.s32 $0xDA00, s6  }
0x11: {  	s0 =	sadd.s32 s5, s0;
	s25 =	sadd.s32 $0x17A00, s6;
	[dreg:$0x3] =	wrdreg s24  }
0x12: {  	s26 =	simm.s32 $0xC;
	s0 =	sadd.s32 $0x21A00, s0;
	[dreg:$0x4] =	wrdreg s25  }
0x13: {  	s5 =	simm.s32 $0xF;
	s6 =	simm.s32 $0x10;
	[dreg:$0x6] =	wrdreg s0  }
0x14: {  	v0 =	vimm.f32 $0.0e+00;
	s25 =	simm.s32 $0xA000;
	s0 =	simm.s32 $0x4;
	s24 =	simm.s32 $0xB  }
.LBB2_1:
0x15: {  	s7 =	simm.s32 $0x0;
	s9 =	rddreg [dreg:$0x3]  }
0x16: {  	[tilespmem:s7], [sflag:$0x1] =	stream.linear.gather [hbm4b:s9+s7], $0x2800, $0x38;
	[tilespmem:$0x17000] =	vst v63  }
0x17: {  	s12 =	simm.s32 $0x2800;
	s9 =	rddreg [dreg:$0x4]  }
0x18: {  	[tilespmem:s12], [sflag:$0x2] =	stream.linear.gather [hbm4b:s9+s7], $0x2800, $0x38;
	[tilespmem:$0x17000] =	vst v63  }
0x19: {  	s7 =	simm.s32 $0x80;
	s9 =	simm.s32 $0x0  }
.LBB2_2:
0x1a: {  	p0 =	sne.s32 s7, $0x13F80;
	[tilespmem:s9+$0xD000] =	vst v0;
	s12 =	smov.u32 s7;
	s7 =	sadd.s32 $0x80, s7  }
.Ltmp0:
0x1b: {  	[tilespmem:s9+$0xD010] =	vst v0;
	(pc) =	sbr.rel @p0 .LBB2_2-.Ltmp0, $2  }
0x1c: {  	_ =	sdelay $0x2  }
0x1d: {  	s9 =	sshra.s32 s12, $0x2  }
0x1e: {  	[tilespmem:s9+$0xD000] =	vst v0  }
0x1f: {  	[tilespmem:s9+$0xD010] =	vst v0;
	s7 =	rddreg [dreg:$0x5];
	s12 =	simm.s32 $0xD000  }
0x20: {  	[spmem:s7] =	stream.linear.scatter [tilespmem:s12], [sflag:$0x11], $0x5000, $0x38;
	[tilespmem:$0x17000] =	vst v63  }
0x21: {  	s12 =	simm.s32 $0x11  }
0x22: {  	_ =	swait.ge [sflag:s12], $0x5000  }
0x23: {  	[sflag:s12] =	ssyncset.done $0x0  }
0x24: {  	[sflag:s12] =	ssyncadd.s32 $0xFFFFB000  }
0x25: {  	_ =	swait.ge [sflag:s13], $0x2800  }
0x26: {  	[sflag:s13] =	ssyncset.done $0x0  }
0x27: {  	[sflag:s13] =	ssyncadd.s32 $0xFFFFD800  }
0x28: {  	_ =	swait.ge [sflag:s14], $0x2800  }
0x29: {  	[sflag:s14] =	ssyncset.done $0x0  }
0x2a: {  	[sflag:s14] =	ssyncadd.s32 $0xFFFFD800  }
0x2b: {  	s9 =	simm.s32 $0x0;
	[bflag:$0x0] =	sbarrier.arrive $0xFFFF  }
0x2c: {  	[tilespmem:s16], [sflag:$0x1] =	stream.indirect.gather [hbm4b:s4+s15], $0x20, s9, s15, $0xb8;
	[tilespmem:$0x17000] =	vst v63  }
0x2d: {  	_ = 	snop  }
0x2e: {  	[tilespmem:s17], [sflag:$0x2] =	stream.indirect.gather [hbm4b:s4+s15], $0x20, s15, s15, $0xb8;
	[tilespmem:$0x17000] =	vst v63  }
0x2f: {  	s12 =	simm.s32 $0x100  }
0x30: {  	[tilespmem:s19], [sflag:$0x3] =	stream.indirect.gather [hbm4b:s4+s15], $0x20, s12, s15, $0xb8;
	[tilespmem:$0x17000] =	vst v63  }
0x31: {  	s9 =	simm.s32 $0x180  }
0x32: {  	[tilespmem:s21], [sflag:$0x4] =	stream.indirect.gather [hbm4b:s4+s15], $0x20, s9, s15, $0xb8;
	[tilespmem:$0x17000] =	vst v63  }
0x33: {  	s12 =	simm.s32 $0x200  }
0x34: {  	[tilespmem:s23], [sflag:$0x5] =	stream.indirect.gather [hbm4b:s4+s15], $0x20, s12, s15, $0xb8;
	[tilespmem:$0x17000] =	vst v63  }
0x35: {  	s9 =	simm.s32 $0x280  }
0x36: {  	[tilespmem:s25], [sflag:$0x6] =	stream.indirect.gather [hbm4b:s4+s15], $0x20, s9, s15, $0xb8;
	[tilespmem:$0x17000] =	vst v63  }
0x37: {  	s12 =	simm.s32 $0x300  }
0x38: {  	[tilespmem:s28], [sflag:$0x7] =	stream.indirect.gather [hbm4b:s4+s15], $0x20, s12, s15, $0xb8;
	[tilespmem:$0x17000] =	vst v63  }
0x39: {  	s9 =	simm.s32 $0x380  }
0x3a: {  	[tilespmem:s30], [sflag:$0x8] =	stream.indirect.gather [hbm4b:s4+s15], $0x20, s9, s15, $0xb8;
	[tilespmem:$0x17000] =	vst v63  }
0x3b: {  	_ =	swait.ge [sflag:s13], $0x1000  }
0x3c: {  	[sflag:s13] =	ssyncset.done $0x0  }
0x3d: {  	s12 =	simm.s32 $0x2800;
	[sflag:s13] =	ssyncadd.s32 $0xFFFFF000  }
0x3e: {  	[spmem:s2] =	stream.indirect.scatter.add.f32 [tilespmem:s16], [sflag:$0x9], $0x20, s12, s15, $0xb8;
	[tilespmem:$0x17000] =	vst v63  }
0x3f: {  	_ =	swait.ge [sflag:s14], $0x1000  }
0x40: {  	[sflag:s14] =	ssyncset.done $0x0  }
0x41: {  	s9 =	simm.s32 $0x2880;
	[sflag:s14] =	ssyncadd.s32 $0xFFFFF000  }
0x42: {  	[spmem:s2] =	stream.indirect.scatter.add.f32 [tilespmem:s17], [sflag:$0xA], $0x20, s9, s15, $0xb8;
	[tilespmem:$0x17000] =	vst v63  }
0x43: {  	_ =	swait.ge [sflag:s31], $0x1000  }
0x44: {  	[sflag:s31] =	ssyncset.done $0x0  }
0x45: {  	s12 =	simm.s32 $0x2900;
	[sflag:s31] =	ssyncadd.s32 $0xFFFFF000  }
0x46: {  	[spmem:s2] =	stream.indirect.scatter.add.f32 [tilespmem:s19], [sflag:$0xB], $0x20, s12, s15, $0xb8;
	[tilespmem:$0x17000] =	vst v63  }
0x47: {  	_ =	swait.ge [sflag:s0], $0x1000  }
0x48: {  	[sflag:s0] =	ssyncset.done $0x0  }
0x49: {  	s9 =	simm.s32 $0x2980;
	[sflag:s0] =	ssyncadd.s32 $0xFFFFF000  }
0x4a: {  	[spmem:s2] =	stream.indirect.scatter.add.f32 [tilespmem:s21], [sflag:$0xC], $0x20, s9, s15, $0xb8;
	[tilespmem:$0x17000] =	vst v63  }
0x4b: {  	_ =	swait.ge [sflag:s10], $0x1000  }
0x4c: {  	[sflag:s10] =	ssyncset.done $0x0  }
0x4d: {  	s12 =	simm.s32 $0x2A00;
	[sflag:s10] =	ssyncadd.s32 $0xFFFFF000  }
0x4e: {  	[spmem:s2] =	stream.indirect.scatter.add.f32 [tilespmem:s23], [sflag:$0xD], $0x20, s12, s15, $0xb8;
	[tilespmem:$0x17000] =	vst v63  }
0x4f: {  	_ =	swait.ge [sflag:s11], $0x1000  }
0x50: {  	[sflag:s11] =	ssyncset.done $0x0  }
0x51: {  	s9 =	simm.s32 $0x2A80;
	[sflag:s11] =	ssyncadd.s32 $0xFFFFF000  }
0x52: {  	[spmem:s2] =	stream.indirect.scatter.add.f32 [tilespmem:s25], [sflag:$0xE], $0x20, s9, s15, $0xb8;
	[tilespmem:$0x17000] =	vst v63  }
0x53: {  	_ =	swait.ge [sflag:s18], $0x1000  }
0x54: {  	[sflag:s18] =	ssyncset.done $0x0  }
0x55: {  	s12 =	simm.s32 $0x2B00;
	[sflag:s18] =	ssyncadd.s32 $0xFFFFF000  }
0x56: {  	[spmem:s2] =	stream.indirect.scatter.add.f32 [tilespmem:s28], [sflag:$0xF], $0x20, s12, s15, $0xb8;
	[tilespmem:$0x17000] =	vst v63  }
0x57: {  	_ =	swait.ge [sflag:s1], $0x1000  }
0x58: {  	[sflag:s1] =	ssyncset.done $0x0  }
0x59: {  	s9 =	simm.s32 $0x2B80;
	[sflag:s1] =	ssyncadd.s32 $0xFFFFF000  }
0x5a: {  	[spmem:s2] =	stream.indirect.scatter.add.f32 [tilespmem:s30], [sflag:$0x10], $0x20, s9, s15, $0xb8;
	[tilespmem:$0x17000] =	vst v63  }
0x5b: {  	_ =	swait.ge [sflag:s20], $0x1000  }
0x5c: {  	[sflag:s20] =	ssyncset.done $0x0  }
0x5d: {  	s12 =	simm.s32 $0x400;
	[sflag:s20] =	ssyncadd.s32 $0xFFFFF000  }
0x5e: {  	[tilespmem:s16], [sflag:$0x1] =	stream.indirect.gather [hbm4b:s4+s15], $0x20, s12, s15, $0xb8;
	[tilespmem:$0x17000] =	vst v63  }
0x5f: {  	_ =	swait.ge [sflag:s22], $0x1000  }
0x60: {  	[sflag:s22] =	ssyncset.done $0x0  }
0x61: {  	s9 =	simm.s32 $0x480;
	[sflag:s22] =	ssyncadd.s32 $0xFFFFF000  }
0x62: {  	[tilespmem:s17], [sflag:$0x2] =	stream.indirect.gather [hbm4b:s4+s15], $0x20, s9, s15, $0xb8;
	[tilespmem:$0x17000] =	vst v63  }
0x63: {  	_ =	swait.ge [sflag:s24], $0x1000  }
0x64: {  	[sflag:s24] =	ssyncset.done $0x0  }
0x65: {  	s12 =	simm.s32 $0x500;
	[sflag:s24] =	ssyncadd.s32 $0xFFFFF000  }
0x66: {  	[tilespmem:s19], [sflag:$0x3] =	stream.indirect.gather [hbm4b:s4+s15], $0x20, s12, s15, $0xb8;
	[tilespmem:$0x17000] =	vst v63  }
0x67: {  	_ =	swait.ge [sflag:s26], $0x1000  }
0x68: {  	[sflag:s26] =	ssyncset.done $0x0  }
0x69: {  	s9 =	simm.s32 $0x580;
	[sflag:s26] =	ssyncadd.s32 $0xFFFFF000  }
0x6a: {  	[tilespmem:s21], [sflag:$0x4] =	stream.indirect.gather [hbm4b:s4+s15], $0x20, s9, s15, $0xb8;
	[tilespmem:$0x17000] =	vst v63  }
0x6b: {  	_ =	swait.ge [sflag:s29], $0x1000  }
0x6c: {  	[sflag:s29] =	ssyncset.done $0x0  }
0x6d: {  	s12 =	simm.s32 $0x600;
	[sflag:s29] =	ssyncadd.s32 $0xFFFFF000  }
0x6e: {  	[tilespmem:s23], [sflag:$0x5] =	stream.indirect.gather [hbm4b:s4+s15], $0x20, s12, s15, $0xb8;
	[tilespmem:$0x17000] =	vst v63  }
0x6f: {  	_ =	swait.ge [sflag:s3], $0x1000  }
0x70: {  	[sflag:s3] =	ssyncset.done $0x0  }
0x71: {  	s9 =	simm.s32 $0x680;
	[sflag:s3] =	ssyncadd.s32 $0xFFFFF000  }
0x72: {  	[tilespmem:s25], [sflag:$0x6] =	stream.indirect.gather [hbm4b:s4+s15], $0x20, s9, s15, $0xb8;
	[tilespmem:$0x17000] =	vst v63  }
0x73: {  	_ =	swait.ge [sflag:s5], $0x1000  }
0x74: {  	[sflag:s5] =	ssyncset.done $0x0  }
0x75: {  	s12 =	simm.s32 $0x700;
	[sflag:s5] =	ssyncadd.s32 $0xFFFFF000  }
0x76: {  	[tilespmem:s28], [sflag:$0x7] =	stream.indirect.gather [hbm4b:s4+s15], $0x20, s12, s15, $0xb8;
	[tilespmem:$0x17000] =	vst v63  }
0x77: {  	_ =	swait.ge [sflag:s6], $0x1000  }
0x78: {  	[sflag:s6] =	ssyncset.done $0x0  }
0x79: {  	s7 =	simm.s32 $0x780;
	s9 =	simm.s32 $0x1000;
	[sflag:s6] =	ssyncadd.s32 $0xFFFFF000  }
.LBB2_4:
0x7a: {  	[tilespmem:s30], [sflag:$0x8] =	stream.indirect.gather [hbm4b:s4+s15], $0x20, s7, s15, $0xb8;
	[tilespmem:$0x17000] =	vst v63  }
0x7b: {  	s7 =	smov.u32 s9  }
0x7c: {  	p0 =	sne.s32 s9, $0x8000;
	s9 =	sadd.s32 $0x1000, s9;
	_ =	swait.ge [sflag:s13], $0x1000  }
0x7d: {  	s7 =	sshra.s32 s7, $0x2;
	[sflag:s13] =	ssyncset.done $0x0  }
0x7e: {  	s12 =	sadd.s32 $0x2800, s7;
	[sflag:s13] =	ssyncadd.s32 $0xFFFFF000  }
0x7f: {  	[spmem:s2] =	stream.indirect.scatter.add.f32 [tilespmem:s16], [sflag:$0x9], $0x20, s12, s15, $0xb8;
	[tilespmem:$0x17000] =	vst v63  }
0x80: {  	_ =	swait.ge [sflag:s14], $0x1000  }
0x81: {  	[sflag:s14] =	ssyncset.done $0x0  }
0x82: {  	s12 =	sadd.s32 $0x2880, s7;
	[sflag:s14] =	ssyncadd.s32 $0xFFFFF000  }
0x83: {  	[spmem:s2] =	stream.indirect.scatter.add.f32 [tilespmem:s17], [sflag:$0xA], $0x20, s12, s15, $0xb8;
	[tilespmem:$0x17000] =	vst v63  }
0x84: {  	_ =	swait.ge [sflag:s31], $0x1000  }
0x85: {  	[sflag:s31] =	ssyncset.done $0x0  }
0x86: {  	s12 =	sadd.s32 $0x2900, s7;
	[sflag:s31] =	ssyncadd.s32 $0xFFFFF000  }
0x87: {  	[spmem:s2] =	stream.indirect.scatter.add.f32 [tilespmem:s19], [sflag:$0xB], $0x20, s12, s15, $0xb8;
	[tilespmem:$0x17000] =	vst v63  }
0x88: {  	_ =	swait.ge [sflag:s0], $0x1000  }
0x89: {  	[sflag:s0] =	ssyncset.done $0x0  }
0x8a: {  	s12 =	sadd.s32 $0x2980, s7;
	[sflag:s0] =	ssyncadd.s32 $0xFFFFF000  }
0x8b: {  	[spmem:s2] =	stream.indirect.scatter.add.f32 [tilespmem:s21], [sflag:$0xC], $0x20, s12, s15, $0xb8;
	[tilespmem:$0x17000] =	vst v63  }
0x8c: {  	_ =	swait.ge [sflag:s10], $0x1000  }
0x8d: {  	[sflag:s10] =	ssyncset.done $0x0  }
0x8e: {  	s12 =	sadd.s32 $0x2A00, s7;
	[sflag:s10] =	ssyncadd.s32 $0xFFFFF000  }
0x8f: {  	[spmem:s2] =	stream.indirect.scatter.add.f32 [tilespmem:s23], [sflag:$0xD], $0x20, s12, s15, $0xb8;
	[tilespmem:$0x17000] =	vst v63  }
0x90: {  	_ =	swait.ge [sflag:s11], $0x1000  }
0x91: {  	[sflag:s11] =	ssyncset.done $0x0  }
0x92: {  	s12 =	sadd.s32 $0x2A80, s7;
	[sflag:s11] =	ssyncadd.s32 $0xFFFFF000  }
0x93: {  	[spmem:s2] =	stream.indirect.scatter.add.f32 [tilespmem:s25], [sflag:$0xE], $0x20, s12, s15, $0xb8;
	[tilespmem:$0x17000] =	vst v63  }
0x94: {  	_ =	swait.ge [sflag:s18], $0x1000  }
0x95: {  	[sflag:s18] =	ssyncset.done $0x0  }
0x96: {  	s12 =	sadd.s32 $0x2B00, s7;
	[sflag:s18] =	ssyncadd.s32 $0xFFFFF000  }
0x97: {  	[spmem:s2] =	stream.indirect.scatter.add.f32 [tilespmem:s28], [sflag:$0xF], $0x20, s12, s15, $0xb8;
	[tilespmem:$0x17000] =	vst v63  }
0x98: {  	_ =	swait.ge [sflag:s1], $0x1000  }
0x99: {  	[sflag:s1] =	ssyncset.done $0x0  }
0x9a: {  	s12 =	sadd.s32 $0x2B80, s7;
	[sflag:s1] =	ssyncadd.s32 $0xFFFFF000  }
0x9b: {  	[spmem:s2] =	stream.indirect.scatter.add.f32 [tilespmem:s30], [sflag:$0x10], $0x20, s12, s15, $0xb8;
	[tilespmem:$0x17000] =	vst v63  }
0x9c: {  	_ =	swait.ge [sflag:s20], $0x1000  }
0x9d: {  	[sflag:s20] =	ssyncset.done $0x0  }
0x9e: {  	s12 =	sadd.s32 $0x400, s7;
	[sflag:s20] =	ssyncadd.s32 $0xFFFFF000  }
0x9f: {  	[tilespmem:s16], [sflag:$0x1] =	stream.indirect.gather [hbm4b:s4+s15], $0x20, s12, s15, $0xb8;
	[tilespmem:$0x17000] =	vst v63  }
0xa0: {  	_ =	swait.ge [sflag:s22], $0x1000  }
0xa1: {  	[sflag:s22] =	ssyncset.done $0x0  }
0xa2: {  	s12 =	sadd.s32 $0x480, s7;
	[sflag:s22] =	ssyncadd.s32 $0xFFFFF000  }
0xa3: {  	[tilespmem:s17], [sflag:$0x2] =	stream.indirect.gather [hbm4b:s4+s15], $0x20, s12, s15, $0xb8;
	[tilespmem:$0x17000] =	vst v63  }
0xa4: {  	_ =	swait.ge [sflag:s24], $0x1000  }
0xa5: {  	[sflag:s24] =	ssyncset.done $0x0  }
0xa6: {  	s12 =	sadd.s32 $0x500, s7;
	[sflag:s24] =	ssyncadd.s32 $0xFFFFF000  }
0xa7: {  	[tilespmem:s19], [sflag:$0x3] =	stream.indirect.gather [hbm4b:s4+s15], $0x20, s12, s15, $0xb8;
	[tilespmem:$0x17000] =	vst v63  }
0xa8: {  	_ =	swait.ge [sflag:s26], $0x1000  }
0xa9: {  	[sflag:s26] =	ssyncset.done $0x0  }
0xaa: {  	s12 =	sadd.s32 $0x580, s7;
	[sflag:s26] =	ssyncadd.s32 $0xFFFFF000  }
0xab: {  	[tilespmem:s21], [sflag:$0x4] =	stream.indirect.gather [hbm4b:s4+s15], $0x20, s12, s15, $0xb8;
	[tilespmem:$0x17000] =	vst v63  }
0xac: {  	_ =	swait.ge [sflag:s29], $0x1000  }
0xad: {  	[sflag:s29] =	ssyncset.done $0x0  }
0xae: {  	s12 =	sadd.s32 $0x600, s7;
	[sflag:s29] =	ssyncadd.s32 $0xFFFFF000  }
0xaf: {  	[tilespmem:s23], [sflag:$0x5] =	stream.indirect.gather [hbm4b:s4+s15], $0x20, s12, s15, $0xb8;
	[tilespmem:$0x17000] =	vst v63  }
0xb0: {  	_ =	swait.ge [sflag:s3], $0x1000  }
0xb1: {  	[sflag:s3] =	ssyncset.done $0x0  }
0xb2: {  	s12 =	sadd.s32 $0x680, s7;
	[sflag:s3] =	ssyncadd.s32 $0xFFFFF000  }
0xb3: {  	[tilespmem:s25], [sflag:$0x6] =	stream.indirect.gather [hbm4b:s4+s15], $0x20, s12, s15, $0xb8;
	[tilespmem:$0x17000] =	vst v63  }
0xb4: {  	_ =	swait.ge [sflag:s5], $0x1000  }
0xb5: {  	[sflag:s5] =	ssyncset.done $0x0  }
.Ltmp1:
0xb6: {  	s12 =	sadd.s32 $0x700, s7;
	[sflag:s5] =	ssyncadd.s32 $0xFFFFF000;
	(pc) =	sbr.rel @p0 .LBB2_4-.Ltmp1, $4  }
0xb7: {  	[tilespmem:s28], [sflag:$0x7] =	stream.indirect.gather [hbm4b:s4+s15], $0x20, s12, s15, $0xb8;
	[tilespmem:$0x17000] =	vst v63  }
0xb8: {  	_ =	swait.ge [sflag:s6], $0x1000  }
0xb9: {  	[sflag:s6] =	ssyncset.done $0x0  }
0xba: {  	s7 =	sadd.s32 $0x780, s7;
	[sflag:s6] =	ssyncadd.s32 $0xFFFFF000  }
0xbb: {  	[tilespmem:s30], [sflag:$0x8] =	stream.indirect.gather [hbm4b:s4+s15], $0x20, s7, s15, $0xb8;
	[tilespmem:$0x17000] =	vst v63  }
0xbc: {  	_ =	swait.ge [sflag:s13], $0x1000  }
0xbd: {  	[sflag:s13] =	ssyncset.done $0x0  }
0xbe: {  	s9 =	simm.s32 $0x4C00;
	[sflag:s13] =	ssyncadd.s32 $0xFFFFF000  }
0xbf: {  	[spmem:s2] =	stream.indirect.scatter.add.f32 [tilespmem:s16], [sflag:$0x9], $0x20, s9, s15, $0xb8;
	[tilespmem:$0x17000] =	vst v63  }
0xc0: {  	_ =	swait.ge [sflag:s14], $0x1000  }
0xc1: {  	[sflag:s14] =	ssyncset.done $0x0  }
0xc2: {  	s12 =	simm.s32 $0x4C80;
	[sflag:s14] =	ssyncadd.s32 $0xFFFFF000  }
0xc3: {  	[spmem:s2] =	stream.indirect.scatter.add.f32 [tilespmem:s17], [sflag:$0xA], $0x20, s12, s15, $0xb8;
	[tilespmem:$0x17000] =	vst v63  }
0xc4: {  	_ =	swait.ge [sflag:s31], $0x1000  }
0xc5: {  	[sflag:s31] =	ssyncset.done $0x0  }
0xc6: {  	s9 =	simm.s32 $0x4D00;
	[sflag:s31] =	ssyncadd.s32 $0xFFFFF000  }
0xc7: {  	[spmem:s2] =	stream.indirect.scatter.add.f32 [tilespmem:s19], [sflag:$0xB], $0x20, s9, s15, $0xb8;
	[tilespmem:$0x17000] =	vst v63  }
0xc8: {  	_ =	swait.ge [sflag:s0], $0x1000  }
0xc9: {  	[sflag:s0] =	ssyncset.done $0x0  }
0xca: {  	s12 =	simm.s32 $0x4D80;
	[sflag:s0] =	ssyncadd.s32 $0xFFFFF000  }
0xcb: {  	[spmem:s2] =	stream.indirect.scatter.add.f32 [tilespmem:s21], [sflag:$0xC], $0x20, s12, s15, $0xb8;
	[tilespmem:$0x17000] =	vst v63  }
0xcc: {  	_ =	swait.ge [sflag:s10], $0x1000  }
0xcd: {  	[sflag:s10] =	ssyncset.done $0x0  }
0xce: {  	s9 =	simm.s32 $0x4E00;
	[sflag:s10] =	ssyncadd.s32 $0xFFFFF000  }
0xcf: {  	[spmem:s2] =	stream.indirect.scatter.add.f32 [tilespmem:s23], [sflag:$0xD], $0x20, s9, s15, $0xb8;
	[tilespmem:$0x17000] =	vst v63  }
0xd0: {  	_ =	swait.ge [sflag:s11], $0x1000  }
0xd1: {  	[sflag:s11] =	ssyncset.done $0x0  }
0xd2: {  	s12 =	simm.s32 $0x4E80;
	[sflag:s11] =	ssyncadd.s32 $0xFFFFF000  }
0xd3: {  	[spmem:s2] =	stream.indirect.scatter.add.f32 [tilespmem:s25], [sflag:$0xE], $0x20, s12, s15, $0xb8;
	[tilespmem:$0x17000] =	vst v63  }
0xd4: {  	_ =	swait.ge [sflag:s18], $0x1000  }
0xd5: {  	[sflag:s18] =	ssyncset.done $0x0  }
0xd6: {  	s9 =	simm.s32 $0x4F00;
	[sflag:s18] =	ssyncadd.s32 $0xFFFFF000  }
0xd7: {  	[spmem:s2] =	stream.indirect.scatter.add.f32 [tilespmem:s28], [sflag:$0xF], $0x20, s9, s15, $0xb8;
	[tilespmem:$0x17000] =	vst v63  }
0xd8: {  	_ =	swait.ge [sflag:s1], $0x1000  }
0xd9: {  	[sflag:s1] =	ssyncset.done $0x0  }
0xda: {  	s12 =	simm.s32 $0x4F80;
	[sflag:s1] =	ssyncadd.s32 $0xFFFFF000  }
0xdb: {  	[spmem:s2] =	stream.indirect.scatter.add.f32 [tilespmem:s30], [sflag:$0x10], $0x20, s12, s15, $0xb8;
	[tilespmem:$0x17000] =	vst v63  }
0xdc: {  	_ =	swait.ge [sflag:s20], $0x1000  }
0xdd: {  	[sflag:s20] =	ssyncset.done $0x0  }
0xde: {  	[sflag:s20] =	ssyncadd.s32 $0xFFFFF000  }
0xdf: {  	_ =	swait.ge [sflag:s22], $0x1000  }
0xe0: {  	[sflag:s22] =	ssyncset.done $0x0  }
0xe1: {  	[sflag:s22] =	ssyncadd.s32 $0xFFFFF000  }
0xe2: {  	_ =	swait.ge [sflag:s24], $0x1000  }
0xe3: {  	[sflag:s24] =	ssyncset.done $0x0  }
0xe4: {  	[sflag:s24] =	ssyncadd.s32 $0xFFFFF000  }
0xe5: {  	_ =	swait.ge [sflag:s26], $0x1000  }
0xe6: {  	[sflag:s26] =	ssyncset.done $0x0  }
0xe7: {  	[sflag:s26] =	ssyncadd.s32 $0xFFFFF000  }
0xe8: {  	_ =	swait.ge [sflag:s29], $0x1000  }
0xe9: {  	[sflag:s29] =	ssyncset.done $0x0  }
0xea: {  	[sflag:s29] =	ssyncadd.s32 $0xFFFFF000  }
0xeb: {  	_ =	swait.ge [sflag:s3], $0x1000  }
0xec: {  	[sflag:s3] =	ssyncset.done $0x0  }
0xed: {  	[sflag:s3] =	ssyncadd.s32 $0xFFFFF000  }
0xee: {  	_ =	swait.ge [sflag:s5], $0x1000  }
0xef: {  	[sflag:s5] =	ssyncset.done $0x0  }
0xf0: {  	[sflag:s5] =	ssyncadd.s32 $0xFFFFF000  }
0xf1: {  	_ =	swait.ge [sflag:s6], $0x1000  }
0xf2: {  	[sflag:s6] =	ssyncset.done $0x0  }
0xf3: {  	[sflag:s6] =	ssyncadd.s32 $0xFFFFF000  }
0xf4: {  	s9 =	stileid.u32;
	[bflag:$0x0] =	sbarrier.arrive $0xFFFF  }
0xf5: {  	s7 =	sshll.u32 s9, $0x6;
	s9 =	rddreg [dreg:$0x5]  }
0xf6: {  	s7 =	sor.u32 $0x1C11, s7;
	s12 =	rddreg [dreg:$0x6];
	s9 =	sshrl.u32 s9, $0x3  }
0xf7: {  	[hbm:s12], [sflag:s7] =	dma.local [spmem:s9], $0xA00  }
0xf8: {  	s9 =	simm.s32 $0x11  }
0xf9: {  	_ =	swait.ge [sflag:s9], $0xA00  }
0xfa: {  	s8 =	sadd.s32 $0x1, s8;
	s12 =	rddreg [dreg:$0x7]  }
0xfb: {  	p0 =	sne.s32 s8, s12  }
.Ltmp2:
0xfc: {  	_ = 	snop;
	(pc) =	sbr.rel @p0 .LBB2_1-.Ltmp2, $3  }
0xfd: {  	_ =	sdelay $0x1  }
0xfe: {  	[sflag:s9] =	ssyncset.done $0x0  }
0xff: {  	[sflag:s9] =	ssyncadd.s32 $0xFFFFF600  }
0x100: {  	_ =	sfence.sel $0x180000  }
0x101: {  	[bflag:$0x0] =	sbarrier.arrive $0xFFFF  }
0x102: {  	_ =	strace $0x9000004D  }
0x103: {  	s0 =	stileid.u32;
	[bflag:$0x2] =	sbarrier.arrive $0xFFFF  }
0x104: {  	p0 =	sne.s32 s0, $0x0;
	s0 =	rddreg [dreg:$0x2]  }
0x105: {  	s0 =	sadd.s32 @!p0 $0x100000, s0  }
0x106: {  	[sflag:s0] =	ssyncadd.tile.s32 @!p0 $0x1;
	_ =	shalt  }
.Lfunc_end2:
_tile_overlayer_lowered:
.L_overlay_start_2:
0x107: {  	(tag) =	ssettag $0x2  }
0x108: {  	s0 =	rddreg [dreg:$0x0];
	s2 =	stileid.u32  }
0x109: {  	s1 =	rddreg [dreg:$0x1];
	p0 =	sne.s32 s2, $0x0  }
0x10a: {  	s3 =	rddreg [dreg:$0x2];
	[bflag:$0x3] =	sbarrier.arrive $0xFFFF;
	s2 =	simm.s32 @!p0 $0x1C11  }
0x10b: {  	[timem:s3], [sflag:s2] =	dma.local @!p0 [hbm:s0], s1  }
0x10c: {  	s0 =	simm.s32 @!p0 $0x11  }
0x10d: {  	_ =	swait.ge @!p0 [sflag:s0], s1  }
0x10e: {  	s1 =	ssub.s32 @!p0 $0x0, s1;
	[sflag:s0] =	ssyncset.done @!p0 $0x0  }
0x10f: {  	[sflag:s0] =	ssyncadd.s32 @!p0 s1  }
0x110: {  	[bflag:$0x3] =	sbarrier.arrive $0xFFFF  }
0x111: {  	_ =	shalt  }

// kernel: kernel.20.cloned.1.call-start
scs
__scs_entry_jumppad:
0x0: {  	(pc) =	sbr.rel $0x88, $3  }
0x1: {  	(tag) =	ssettag $0x0;
	lr =	simm.s32 $0x1  }
0x2: {  	[smem:$0x3F93] =	sst lr;
	_ =	strace $0xD0000000  }
0x3: {  	_ = 	snop  }
0x4: {  	_ = 	snop  }
0x5: {  	_ = 	snop  }
0x6: {  	_ = 	snop  }
0x7: {  	_ = 	snop  }
__scs_overlays_trampoline_lowered:
0x8: {  	[smem:$0x3FA2] =	sst s0  }
0x9: {  	[smem:$0x3FA3] =	sst s1  }
0xa: {  	[smem:$0x3FA4] =	sst s2  }
0xb: {  	[smem:$0x3FA5] =	sst s3  }
0xc: {  	[smem:$0x3FA6] =	sst s4  }
0xd: {  	[smem:$0x3FA7] =	sst s5  }
0xe: {  	[smem:$0x3FA8] =	sst s6  }
0xf: {  	[smem:$0x3FA9] =	sst s7  }
0x10: {  	[smem:$0x3FAA] =	sst s8  }
0x11: {  	[smem:$0x3FAB] =	sst s9;
	s0 =	simm.s32 @!p0 $0x0  }
0x12: {  	s1 =	sld [smem:$0x3F91];
	s0 =	simm.s32 @p0 $0x1  }
0x13: {  	[smem:$0x3FAC] =	sst s0;
	s0 =	simm.s32 @!p1 $0x0  }
0x14: {  	s2 =	sld [smem:$0x3F90];
	s0 =	simm.s32 @p1 $0x1  }
0x15: {  	[smem:$0x3FAD] =	sst s0;
	s0 =	simm.s32 @!p2 $0x0  }
0x16: {  	s3 =	sld [smem:$0x3FDB];
	s0 =	simm.s32 @p2 $0x1  }
0x17: {  	s4 =	simm.s32 $0x1BF5;
	[smem:$0x3FAF] =	sst s0  }
0x18: {  	s0 =	sld [smem:$0x3F92];
	_ =	swait.ge [sflag:s4], $0x0  }
0x19: {  	s7 =	sld [smem:$0x3F93]  }
0x1a: {  	s8 =	sadd.s32 $0xFFFFE003, lr  }
0x1b: {  	s9 =	sadd.s32 $0xFFFFFEF7, lr;
	s5 =	simm.s32 $0xFFFFFFFF;
	p2 =	slt.u32 s8, $0xFFFFF086  }
0x1c: {  	p1 =	slt.u32 s9, $0xF7A;
	s5 =	simm.s32 @!p2 $0x0  }
0x1d: {  	s5 =	simm.s32 @p1 $0x1;
	p0 =	seq.s32 s7, s2  }
0x1e: {  	s7 =	smul.u32 @!p0 $0xF7A, s2;
	p2 =	seq.s32 @!p0 s5, $0x0  }
0x1f: {  	s9 =	smul.u32 $0xF7A, s1;
	s8 =	simm.s32 @!p0 $0x1BF5;
	p2 =	por !p2, p0  }
0x20: {  	[sflag:s8] =	ssyncset.s32 @!p0 $0xFFFFF086;
	s6 =	sadd.s32 @!p0 s3, s7;
	s7 =	simm.s32 @!p0 $0x108  }
0x21: {  	s3 =	sadd.s32 s3, s9;
	s6 =	sadd.s32 @!p0 $0x88, s6;
	s7 =	simm.s32 @p2 $0x1082  }
0x22: {  	[simem:s7], [sflag:s8] =	dma.local @!p0 [hbm:s6], $0xF7A  }
0x23: {  	s9 =	sor.u32 $0xD0000000, s2;
	s6 =	simm.s32 $0x108;
	_ =	swait.ge @!p0 [sflag:s8], $0x0  }
0x24: {  	s3 =	sadd.s32 $0x88, s3;
	s6 =	simm.s32 @!p1 $0x1082;
	[sflag:s4] =	ssyncset.s32 $0xFFFFF086  }
0x25: {  	[simem:s6], [sflag:s4] =	dma.local [hbm:s3], $0xF7A  }
0x26: {  	[smem:$0x3F93] =	sst s1;
	(tag) =	ssettag s2;
	_ =	strace s9  }
0x27: {  	s1 =	sld [smem:$0x3FA3]  }
0x28: {  	s2 =	sld [smem:$0x3FA4]  }
0x29: {  	s4 =	sld [smem:$0x3FA6]  }
0x2a: {  	p0 =	seq.s32 s5, $0x0;
	s5 =	sld [smem:$0x3FA7]  }
0x2b: {  	s6 =	sld [smem:$0x3FA8]  }
0x2c: {  	s7 =	sld [smem:$0x3FA9]  }
0x2d: {  	s3 =	simm.s32 $0x108;
	s8 =	sld [smem:$0x3FAA]  }
0x2e: {  	s3 =	simm.s32 @!p0 $0x1082;
	s9 =	sld [smem:$0x3FAB]  }
0x2f: {  	lr =	sadd.s32 s0, s3;
	s0 =	sld [smem:$0x3FA2]  }
0x30: {  	s3 =	sld [smem:$0x3FA5]  }
0x31: {  	[smem:$0x3FAE] =	sst s10  }
0x32: {  	s10 =	sld [smem:$0x3FAC];
	_ =	sdelay $0x3  }
0x33: {  	p0 =	seq.s32 s10, $0x1;
	s10 =	sld [smem:$0x3FAE];
	_ =	sdelay $0x3  }
0x34: {  	[smem:$0x3FAE] =	sst s10  }
0x35: {  	s10 =	sld [smem:$0x3FAD];
	_ =	sdelay $0x3  }
0x36: {  	p1 =	seq.s32 s10, $0x1;
	s10 =	sld [smem:$0x3FAE];
	_ =	sdelay $0x3  }
0x37: {  	[smem:$0x3FAE] =	sst s10  }
0x38: {  	s10 =	sld [smem:$0x3FAF]  }
0x39: {  	_ = 	snop;
	(pc) =	sbr.ind lr, $3  }
0x3a: {  	_ = 	snop  }
0x3b: {  	_ = 	snop  }
0x3c: {  	p2 =	seq.s32 s10, $0x1;
	s10 =	sld [smem:$0x3FAE]  }
0x3d: {  	_ =	shalt  }
0x3e: {  	_ =	shalt  }
0x3f: {  	_ =	shalt  }
0x40: {  	_ =	shalt  }
0x41: {  	_ =	shalt  }
0x42: {  	_ =	shalt  }
0x43: {  	_ =	shalt  }
0x44: {  	_ =	shalt  }
0x45: {  	_ =	shalt  }
0x46: {  	_ =	shalt  }
0x47: {  	_ =	shalt  }
0x48: {  	_ =	shalt  }
0x49: {  	_ =	shalt  }
0x4a: {  	_ =	shalt  }
0x4b: {  	_ =	shalt  }
0x4c: {  	_ =	shalt  }
0x4d: {  	_ =	shalt  }
0x4e: {  	_ =	shalt  }
0x4f: {  	_ =	shalt  }
0x50: {  	_ =	shalt  }
0x51: {  	_ =	shalt  }
0x52: {  	_ =	shalt  }
0x53: {  	_ =	shalt  }
0x54: {  	_ =	shalt  }
0x55: {  	_ =	shalt  }
0x56: {  	_ =	shalt  }
0x57: {  	_ =	shalt  }
0x58: {  	_ =	shalt  }
0x59: {  	_ =	shalt  }
0x5a: {  	_ =	shalt  }
0x5b: {  	_ =	shalt  }
0x5c: {  	_ =	shalt  }
0x5d: {  	_ =	shalt  }
0x5e: {  	_ =	shalt  }
0x5f: {  	_ =	shalt  }
0x60: {  	_ =	shalt  }
0x61: {  	_ =	shalt  }
0x62: {  	_ =	shalt  }
0x63: {  	_ =	shalt  }
0x64: {  	_ =	shalt  }
0x65: {  	_ =	shalt  }
0x66: {  	_ =	shalt  }
0x67: {  	_ =	shalt  }
0x68: {  	_ =	shalt  }
0x69: {  	_ =	shalt  }
0x6a: {  	_ =	shalt  }
0x6b: {  	_ =	shalt  }
0x6c: {  	_ =	shalt  }
0x6d: {  	_ =	shalt  }
0x6e: {  	_ =	shalt  }
0x6f: {  	_ =	shalt  }
0x70: {  	_ =	shalt  }
0x71: {  	_ =	shalt  }
0x72: {  	_ =	shalt  }
0x73: {  	_ =	shalt  }
0x74: {  	_ =	shalt  }
0x75: {  	_ =	shalt  }
0x76: {  	_ =	shalt  }
0x77: {  	_ =	shalt  }
0x78: {  	_ =	shalt  }
0x79: {  	_ =	shalt  }
0x7a: {  	_ =	shalt  }
0x7b: {  	_ =	shalt  }
0x7c: {  	_ =	shalt  }
0x7d: {  	_ =	shalt  }
0x7e: {  	_ =	shalt  }
0x7f: {  	_ =	shalt  }
0x80: {  	_ =	shalt  }
0x81: {  	_ =	shalt  }
0x82: {  	_ =	shalt  }
0x83: {  	_ =	shalt  }
0x84: {  	_ =	shalt  }
0x85: {  	_ =	shalt  }
0x86: {  	_ =	shalt  }
0x87: {  	_ =	shalt  }
.Lfunc_end0:
.L_simem_size_0:
called_computation.3_lowered:
.L_overlay_start_0:
0x88: {  	s2 =	sld [smem:$0x3FD9]  }
0x89: {  	s3 =	sld [smem:$0x3FFE];
	_ =	sdelay $0x1  }
0x8a: {  	s1 =	srdreg.scid  }
0x8b: {  	s0 =	sand.u32 $0x1, s1  }
0x8c: {  	s16 =	sshll.u32 s0, $0xA;
	s2 =	sadd.s32 s3, s2  }
0x8d: {  	s2 =	sadd.s32 s2, s16  }
0x8e: {  	[smem:$0x3FBA] =	sst s2  }
0x8f: {  	_ = 	snop  }
0x90: {  	(tm) =	ssettm $0x1  }
0x91: {  	s17 =	sld [smem:$0x3FFB];
	_ =	sdelay $0x3  }
0x92: {  	_ =	strace s17  }
0x93: {  	s2 =	sld [smem:$0x3FFC];
	_ =	sdelay $0x3  }
0x94: {  	_ =	strace s2  }
0x95: {  	s2 =	sld [smem:$0x3FFD];
	_ =	sdelay $0x3  }
0x96: {  	_ =	strace s2  }
0x97: {  	_ =	strace $0x8FFFFFFF  }
0x98: {  	s18 =	sld [smem:$0x3FDB];
	_ =	sdelay $0x1  }
0x99: {  	s19 =	simm.s32 $_scs_section_size  }
0x9a: {  	s4 =	simm.s32 $_size__tile_overlayer_lowered;
	s5 =	simm.s32 $_tile_overlayer_lowered  }
0x9b: {  	s22 =	simm.s32 $0x1BFF;
	s21 =	sshll.u32 s5, $0x1;
	s2 =	sadd.s32 s19, s18  }
0x9c: {  	s6 =	simm.s32 $0x0;
	s20 =	sshll.u32 s4, $0x1;
	s4 =	sadd.s32 s21, s2  }
0x9d: {  	[timem:s6], [sflag:s22] =	dma.local [hbm:s4], s20  }
0x9e: {  	_ =	swait.ge [sflag:s22], s20  }
0x9f: {  	s3 =	ssub.s32 $0x0, s20;
	[sflag:s22] =	ssyncset.done $0x0  }
0xa0: {  	[sflag:s22] =	ssyncadd.s32 s3;
	_ =	sdelay $0x1  }
0xa1: {  	s23 =	simm.s32 $0x1B8B  }
0xa2: {  	_ =	swait.ge [sflag:s23], $0x1  }
0xa3: {  	[sflag:s23] =	ssyncset.done $0x0  }
0xa4: {  	s25 =	simm.s32 $0x1B8E;
	s24 =	sld [smem:$0x3FFE];
	[sflag:s23] =	ssyncadd.s32 $0xFFFFFFFF  }
0xa5: {  	s26 =	simm.s32 $execute0_lowered;
	[smem:$0x3FD2] =	sst s25  }
0xa6: {  	s4 =	sshll.u32 s26, $0x1;
	_ =	strace $0x8000004F;
	[dreg:$0x1] =	wrdreg $0xFFFFFFFF  }
0xa7: {  	s28 =	simm.s32 $_size_execute0_lowered;
	s2 =	sadd.s32 s2, s4;
	[dreg:$0x0] =	wrdreg $0x0  }
0xa8: {  	s4 =	sshll.u32 s28, $0x1;
	[dreg:$0x2] =	wrdreg s2  }
0xa9: {  	[dreg:$0x3] =	wrdreg s4  }
0xaa: {  	[dreg:$0x4] =	wrdreg $0xC0  }
0xab: {  	_ =	task [dreg:s6], $0x5FFFF  }
0xac: {  	[dreg:$0x1] =	wrdreg $0xFFFFFFFF  }
0xad: {  	[dreg:$0x0] =	wrdreg $0x60  }
0xae: {  	[dreg:$0x2] =	wrdreg s24  }
0xaf: {  	[dreg:$0x3] =	wrdreg $0x120000  }
0xb0: {  	[dreg:$0x4] =	wrdreg $0x9  }
0xb1: {  	_ =	task.clear_ibuf [dreg:s6], $0x5FFFF;
	_ =	strace $0x9000004F  }
0xb2: {  	s29 =	simm.s32 $0x9;
	_ =	strace $0x80000051  }
0xb3: {  	_ =	swait.ge [sflag:s29], $0x1  }
0xb4: {  	[sflag:s29] =	ssyncadd.s32 $0xFFFFFFFF  }
0xb5: {  	_ =	strace $0x90000051  }
0xb6: {  	_ =	sfence  }
0xb7: {  	s30 =	sld [smem:$0x0];
	_ =	sdelay $0x2  }
0xb8: {  	s31 =	sshll.u32 s1, $0xD;
	s1 =	sshrl.u32 s1, $0x2  }
0xb9: {  	s3 =	sand.u32 $0x4000, s31;
	s1 =	sadd.s32 s1, s30  }
0xba: {  	s0 =	sor.u32 s3, s0;
	s1 =	sshll.u32 s1, $0x11  }
0xbb: {  	s0 =	sor.u32 s1, s0  }
0xbc: {  	s0 =	sadd.s32 $0x8F2B, s0  }
0xbd: {  	[sflag:s0] =	ssyncadd.remote.s32 $0x1  }
0xbe: {  	_ =	sfence.sel $0xFFFF  }
0xbf: {  	[dreg:$0x0] =	wrdreg $0xFFFFFFFF;
	(pc) =	sbr.abs _section_cstart, $3  }
0xc0: {  	[dreg:$0x1] =	wrdreg $0xFFFFFFFF  }
0xc1: {  	_ =	task.clear_ibuf [dreg:s6], $0x2FFFF;
	_ =	strace $0x9FFFFFFF  }
0xc2: {  	(tm) =	ssettm $0x7FFFFFFF  }
0xc3: {  	_ =	shalt  }
tec
execute0_lowered:
.L_overlay_start_1:
0x0: {  	(tag) =	ssettag $0x1  }
0x1: {  	s0 =	rddreg [dreg:$0x0]  }
0x2: {  	s2 =	rddreg [dreg:$0x1];
	s1 =	srdreg.scid  }
0x3: {  	s6 =	stileid.u32;
	s4 =	simm.s32 $0x0;
	s13 =	simm.s32 $0x1  }
0x4: {  	s14 =	simm.s32 $0x2;
	s15 =	simm.s32 $0x80;
	s16 =	simm.s32 $0x5000  }
0x5: {  	s17 =	simm.s32 $0x6000;
	s19 =	simm.s32 $0x7000;
	s21 =	simm.s32 $0x8000  }
0x6: {  	s28 =	simm.s32 $0xB000;
	s30 =	simm.s32 $0xC000;
	s31 =	simm.s32 $0x3  }
0x7: {  	s10 =	simm.s32 $0x5;
	s11 =	simm.s32 $0x6;
	s18 =	simm.s32 $0x7  }
0x8: {  	s20 =	simm.s32 $0x9;
	s22 =	simm.s32 $0xA;
	s29 =	simm.s32 $0xD  }
0x9: {  	s8 =	simm.s32 $0x0;
	s1 =	sand.u32 $0x1, s1;
	s3 =	smul.u32 $0x5000, s6  }
0xa: {  	[smem:$0x7FF] =	sst s4;
	s23 =	sshll.u32 s1, $0x4;
	s5 =	smul.u32 $0x50000, s1  }
0xb: {  	_ =	strace $0x80000050;
	s1 =	ssub.s32 $0x2, s1;
	s4 =	sor.u32 s6, s23  }
0xc: {  	s7 =	sshrl.u32 s1, $0x1;
	s23 =	simm.s32 $0x9000;
	s6 =	smul.u32 $0x500, s4  }
0xd: {  	s5 =	sadd.s32 s3, s5;
	s4 =	sadd.s32 $0x3A00, s0;
	s3 =	sadd.s32 s3, s2  }
0xe: {  	s1 =	ssub.s32 s1, s7;
	s5 =	sshrl.u32 s5, $0x3;
	[dreg:$0x5] =	wrdreg s3  }
0xf: {  	s26 =	smax.u32 s1, $0x1;
	s1 =	simm.s32 $0x8;
	s6 =	sadd.s32 s6, s0  }
0x10: {  	s3 =	simm.s32 $0xE;
	[dreg:$0x7] =	wrdreg s26;
	s24 =	sadd.s32 $0xDA00, s6  }
0x11: {  	s0 =	sadd.s32 s5, s0;
	s25 =	sadd.s32 $0x17A00, s6;
	[dreg:$0x3] =	wrdreg s24  }
0x12: {  	s26 =	simm.s32 $0xC;
	s0 =	sadd.s32 $0x21A00, s0;
	[dreg:$0x4] =	wrdreg s25  }
0x13: {  	s5 =	simm.s32 $0xF;
	s6 =	simm.s32 $0x10;
	[dreg:$0x6] =	wrdreg s0  }
0x14: {  	v0 =	vimm.f32 $0.0e+00;
	s25 =	simm.s32 $0xA000;
	s0 =	simm.s32 $0x4;
	s24 =	simm.s32 $0xB  }
.LBB2_1:
0x15: {  	s7 =	simm.s32 $0x0;
	s9 =	rddreg [dreg:$0x3]  }
0x16: {  	[tilespmem:s7], [sflag:$0x1] =	stream.linear.gather [hbm4b:s9+s7], $0x2800, $0x38;
	[tilespmem:$0x17000] =	vst v63  }
0x17: {  	s12 =	simm.s32 $0x2800;
	s9 =	rddreg [dreg:$0x4]  }
0x18: {  	[tilespmem:s12], [sflag:$0x2] =	stream.linear.gather [hbm4b:s9+s7], $0x2800, $0x38;
	[tilespmem:$0x17000] =	vst v63  }
0x19: {  	s7 =	simm.s32 $0x80;
	s9 =	simm.s32 $0x0  }
.LBB2_2:
0x1a: {  	p0 =	sne.s32 s7, $0x13F80;
	[tilespmem:s9+$0xD000] =	vst v0;
	s12 =	smov.u32 s7;
	s7 =	sadd.s32 $0x80, s7  }
.Ltmp0:
0x1b: {  	[tilespmem:s9+$0xD010] =	vst v0;
	(pc) =	sbr.rel @p0 .LBB2_2-.Ltmp0, $2  }
0x1c: {  	_ =	sdelay $0x2  }
0x1d: {  	s9 =	sshra.s32 s12, $0x2  }
0x1e: {  	[tilespmem:s9+$0xD000] =	vst v0  }
0x1f: {  	[tilespmem:s9+$0xD010] =	vst v0;
	s7 =	rddreg [dreg:$0x5];
	s12 =	simm.s32 $0xD000  }
0x20: {  	[spmem:s7] =	stream.linear.scatter [tilespmem:s12], [sflag:$0x11], $0x5000, $0x38;
	[tilespmem:$0x17000] =	vst v63  }
0x21: {  	s12 =	simm.s32 $0x11  }
0x22: {  	_ =	swait.ge [sflag:s12], $0x5000  }
0x23: {  	[sflag:s12] =	ssyncset.done $0x0  }
0x24: {  	[sflag:s12] =	ssyncadd.s32 $0xFFFFB000  }
0x25: {  	_ =	swait.ge [sflag:s13], $0x2800  }
0x26: {  	[sflag:s13] =	ssyncset.done $0x0  }
0x27: {  	[sflag:s13] =	ssyncadd.s32 $0xFFFFD800  }
0x28: {  	_ =	swait.ge [sflag:s14], $0x2800  }
0x29: {  	[sflag:s14] =	ssyncset.done $0x0  }
0x2a: {  	[sflag:s14] =	ssyncadd.s32 $0xFFFFD800  }
0x2b: {  	s9 =	simm.s32 $0x0;
	[bflag:$0x0] =	sbarrier.arrive $0xFFFF  }
0x2c: {  	[tilespmem:s16], [sflag:$0x1] =	stream.indirect.gather [hbm4b:s4+s15], $0x20, s9, s15, $0xb8;
	[tilespmem:$0x17000] =	vst v63  }
0x2d: {  	_ = 	snop  }
0x2e: {  	[tilespmem:s17], [sflag:$0x2] =	stream.indirect.gather [hbm4b:s4+s15], $0x20, s15, s15, $0xb8;
	[tilespmem:$0x17000] =	vst v63  }
0x2f: {  	s12 =	simm.s32 $0x100  }
0x30: {  	[tilespmem:s19], [sflag:$0x3] =	stream.indirect.gather [hbm4b:s4+s15], $0x20, s12, s15, $0xb8;
	[tilespmem:$0x17000] =	vst v63  }
0x31: {  	s9 =	simm.s32 $0x180  }
0x32: {  	[tilespmem:s21], [sflag:$0x4] =	stream.indirect.gather [hbm4b:s4+s15], $0x20, s9, s15, $0xb8;
	[tilespmem:$0x17000] =	vst v63  }
0x33: {  	s12 =	simm.s32 $0x200  }
0x34: {  	[tilespmem:s23], [sflag:$0x5] =	stream.indirect.gather [hbm4b:s4+s15], $0x20, s12, s15, $0xb8;
	[tilespmem:$0x17000] =	vst v63  }
0x35: {  	s9 =	simm.s32 $0x280  }
0x36: {  	[tilespmem:s25], [sflag:$0x6] =	stream.indirect.gather [hbm4b:s4+s15], $0x20, s9, s15, $0xb8;
	[tilespmem:$0x17000] =	vst v63  }
0x37: {  	s12 =	simm.s32 $0x300  }
0x38: {  	[tilespmem:s28], [sflag:$0x7] =	stream.indirect.gather [hbm4b:s4+s15], $0x20, s12, s15, $0xb8;
	[tilespmem:$0x17000] =	vst v63  }
0x39: {  	s9 =	simm.s32 $0x380  }
0x3a: {  	[tilespmem:s30], [sflag:$0x8] =	stream.indirect.gather [hbm4b:s4+s15], $0x20, s9, s15, $0xb8;
	[tilespmem:$0x17000] =	vst v63  }
0x3b: {  	_ =	swait.ge [sflag:s13], $0x1000  }
0x3c: {  	[sflag:s13] =	ssyncset.done $0x0  }
0x3d: {  	s12 =	simm.s32 $0x2800;
	[sflag:s13] =	ssyncadd.s32 $0xFFFFF000  }
0x3e: {  	[spmem:s2] =	stream.indirect.scatter.add.f32 [tilespmem:s16], [sflag:$0x9], $0x20, s12, s15, $0xb8;
	[tilespmem:$0x17000] =	vst v63  }
0x3f: {  	_ =	swait.ge [sflag:s14], $0x1000  }
0x40: {  	[sflag:s14] =	ssyncset.done $0x0  }
0x41: {  	s9 =	simm.s32 $0x2880;
	[sflag:s14] =	ssyncadd.s32 $0xFFFFF000  }
0x42: {  	[spmem:s2] =	stream.indirect.scatter.add.f32 [tilespmem:s17], [sflag:$0xA], $0x20, s9, s15, $0xb8;
	[tilespmem:$0x17000] =	vst v63  }
0x43: {  	_ =	swait.ge [sflag:s31], $0x1000  }
0x44: {  	[sflag:s31] =	ssyncset.done $0x0  }
0x45: {  	s12 =	simm.s32 $0x2900;
	[sflag:s31] =	ssyncadd.s32 $0xFFFFF000  }
0x46: {  	[spmem:s2] =	stream.indirect.scatter.add.f32 [tilespmem:s19], [sflag:$0xB], $0x20, s12, s15, $0xb8;
	[tilespmem:$0x17000] =	vst v63  }
0x47: {  	_ =	swait.ge [sflag:s0], $0x1000  }
0x48: {  	[sflag:s0] =	ssyncset.done $0x0  }
0x49: {  	s9 =	simm.s32 $0x2980;
	[sflag:s0] =	ssyncadd.s32 $0xFFFFF000  }
0x4a: {  	[spmem:s2] =	stream.indirect.scatter.add.f32 [tilespmem:s21], [sflag:$0xC], $0x20, s9, s15, $0xb8;
	[tilespmem:$0x17000] =	vst v63  }
0x4b: {  	_ =	swait.ge [sflag:s10], $0x1000  }
0x4c: {  	[sflag:s10] =	ssyncset.done $0x0  }
0x4d: {  	s12 =	simm.s32 $0x2A00;
	[sflag:s10] =	ssyncadd.s32 $0xFFFFF000  }
0x4e: {  	[spmem:s2] =	stream.indirect.scatter.add.f32 [tilespmem:s23], [sflag:$0xD], $0x20, s12, s15, $0xb8;
	[tilespmem:$0x17000] =	vst v63  }
0x4f: {  	_ =	swait.ge [sflag:s11], $0x1000  }
0x50: {  	[sflag:s11] =	ssyncset.done $0x0  }
0x51: {  	s9 =	simm.s32 $0x2A80;
	[sflag:s11] =	ssyncadd.s32 $0xFFFFF000  }
0x52: {  	[spmem:s2] =	stream.indirect.scatter.add.f32 [tilespmem:s25], [sflag:$0xE], $0x20, s9, s15, $0xb8;
	[tilespmem:$0x17000] =	vst v63  }
0x53: {  	_ =	swait.ge [sflag:s18], $0x1000  }
0x54: {  	[sflag:s18] =	ssyncset.done $0x0  }
0x55: {  	s12 =	simm.s32 $0x2B00;
	[sflag:s18] =	ssyncadd.s32 $0xFFFFF000  }
0x56: {  	[spmem:s2] =	stream.indirect.scatter.add.f32 [tilespmem:s28], [sflag:$0xF], $0x20, s12, s15, $0xb8;
	[tilespmem:$0x17000] =	vst v63  }
0x57: {  	_ =	swait.ge [sflag:s1], $0x1000  }
0x58: {  	[sflag:s1] =	ssyncset.done $0x0  }
0x59: {  	s9 =	simm.s32 $0x2B80;
	[sflag:s1] =	ssyncadd.s32 $0xFFFFF000  }
0x5a: {  	[spmem:s2] =	stream.indirect.scatter.add.f32 [tilespmem:s30], [sflag:$0x10], $0x20, s9, s15, $0xb8;
	[tilespmem:$0x17000] =	vst v63  }
0x5b: {  	_ =	swait.ge [sflag:s20], $0x1000  }
0x5c: {  	[sflag:s20] =	ssyncset.done $0x0  }
0x5d: {  	s12 =	simm.s32 $0x400;
	[sflag:s20] =	ssyncadd.s32 $0xFFFFF000  }
0x5e: {  	[tilespmem:s16], [sflag:$0x1] =	stream.indirect.gather [hbm4b:s4+s15], $0x20, s12, s15, $0xb8;
	[tilespmem:$0x17000] =	vst v63  }
0x5f: {  	_ =	swait.ge [sflag:s22], $0x1000  }
0x60: {  	[sflag:s22] =	ssyncset.done $0x0  }
0x61: {  	s9 =	simm.s32 $0x480;
	[sflag:s22] =	ssyncadd.s32 $0xFFFFF000  }
0x62: {  	[tilespmem:s17], [sflag:$0x2] =	stream.indirect.gather [hbm4b:s4+s15], $0x20, s9, s15, $0xb8;
	[tilespmem:$0x17000] =	vst v63  }
0x63: {  	_ =	swait.ge [sflag:s24], $0x1000  }
0x64: {  	[sflag:s24] =	ssyncset.done $0x0  }
0x65: {  	s12 =	simm.s32 $0x500;
	[sflag:s24] =	ssyncadd.s32 $0xFFFFF000  }
0x66: {  	[tilespmem:s19], [sflag:$0x3] =	stream.indirect.gather [hbm4b:s4+s15], $0x20, s12, s15, $0xb8;
	[tilespmem:$0x17000] =	vst v63  }
0x67: {  	_ =	swait.ge [sflag:s26], $0x1000  }
0x68: {  	[sflag:s26] =	ssyncset.done $0x0  }
0x69: {  	s9 =	simm.s32 $0x580;
	[sflag:s26] =	ssyncadd.s32 $0xFFFFF000  }
0x6a: {  	[tilespmem:s21], [sflag:$0x4] =	stream.indirect.gather [hbm4b:s4+s15], $0x20, s9, s15, $0xb8;
	[tilespmem:$0x17000] =	vst v63  }
0x6b: {  	_ =	swait.ge [sflag:s29], $0x1000  }
0x6c: {  	[sflag:s29] =	ssyncset.done $0x0  }
0x6d: {  	s12 =	simm.s32 $0x600;
	[sflag:s29] =	ssyncadd.s32 $0xFFFFF000  }
0x6e: {  	[tilespmem:s23], [sflag:$0x5] =	stream.indirect.gather [hbm4b:s4+s15], $0x20, s12, s15, $0xb8;
	[tilespmem:$0x17000] =	vst v63  }
0x6f: {  	_ =	swait.ge [sflag:s3], $0x1000  }
0x70: {  	[sflag:s3] =	ssyncset.done $0x0  }
0x71: {  	s9 =	simm.s32 $0x680;
	[sflag:s3] =	ssyncadd.s32 $0xFFFFF000  }
0x72: {  	[tilespmem:s25], [sflag:$0x6] =	stream.indirect.gather [hbm4b:s4+s15], $0x20, s9, s15, $0xb8;
	[tilespmem:$0x17000] =	vst v63  }
0x73: {  	_ =	swait.ge [sflag:s5], $0x1000  }
0x74: {  	[sflag:s5] =	ssyncset.done $0x0  }
0x75: {  	s12 =	simm.s32 $0x700;
	[sflag:s5] =	ssyncadd.s32 $0xFFFFF000  }
0x76: {  	[tilespmem:s28], [sflag:$0x7] =	stream.indirect.gather [hbm4b:s4+s15], $0x20, s12, s15, $0xb8;
	[tilespmem:$0x17000] =	vst v63  }
0x77: {  	_ =	swait.ge [sflag:s6], $0x1000  }
0x78: {  	[sflag:s6] =	ssyncset.done $0x0  }
0x79: {  	s7 =	simm.s32 $0x780;
	s9 =	simm.s32 $0x1000;
	[sflag:s6] =	ssyncadd.s32 $0xFFFFF000  }
.LBB2_4:
0x7a: {  	[tilespmem:s30], [sflag:$0x8] =	stream.indirect.gather [hbm4b:s4+s15], $0x20, s7, s15, $0xb8;
	[tilespmem:$0x17000] =	vst v63  }
0x7b: {  	s7 =	smov.u32 s9  }
0x7c: {  	p0 =	sne.s32 s9, $0x8000;
	s9 =	sadd.s32 $0x1000, s9;
	_ =	swait.ge [sflag:s13], $0x1000  }
0x7d: {  	s7 =	sshra.s32 s7, $0x2;
	[sflag:s13] =	ssyncset.done $0x0  }
0x7e: {  	s12 =	sadd.s32 $0x2800, s7;
	[sflag:s13] =	ssyncadd.s32 $0xFFFFF000  }
0x7f: {  	[spmem:s2] =	stream.indirect.scatter.add.f32 [tilespmem:s16], [sflag:$0x9], $0x20, s12, s15, $0xb8;
	[tilespmem:$0x17000] =	vst v63  }
0x80: {  	_ =	swait.ge [sflag:s14], $0x1000  }
0x81: {  	[sflag:s14] =	ssyncset.done $0x0  }
0x82: {  	s12 =	sadd.s32 $0x2880, s7;
	[sflag:s14] =	ssyncadd.s32 $0xFFFFF000  }
0x83: {  	[spmem:s2] =	stream.indirect.scatter.add.f32 [tilespmem:s17], [sflag:$0xA], $0x20, s12, s15, $0xb8;
	[tilespmem:$0x17000] =	vst v63  }
0x84: {  	_ =	swait.ge [sflag:s31], $0x1000  }
0x85: {  	[sflag:s31] =	ssyncset.done $0x0  }
0x86: {  	s12 =	sadd.s32 $0x2900, s7;
	[sflag:s31] =	ssyncadd.s32 $0xFFFFF000  }
0x87: {  	[spmem:s2] =	stream.indirect.scatter.add.f32 [tilespmem:s19], [sflag:$0xB], $0x20, s12, s15, $0xb8;
	[tilespmem:$0x17000] =	vst v63  }
0x88: {  	_ =	swait.ge [sflag:s0], $0x1000  }
0x89: {  	[sflag:s0] =	ssyncset.done $0x0  }
0x8a: {  	s12 =	sadd.s32 $0x2980, s7;
	[sflag:s0] =	ssyncadd.s32 $0xFFFFF000  }
0x8b: {  	[spmem:s2] =	stream.indirect.scatter.add.f32 [tilespmem:s21], [sflag:$0xC], $0x20, s12, s15, $0xb8;
	[tilespmem:$0x17000] =	vst v63  }
0x8c: {  	_ =	swait.ge [sflag:s10], $0x1000  }
0x8d: {  	[sflag:s10] =	ssyncset.done $0x0  }
0x8e: {  	s12 =	sadd.s32 $0x2A00, s7;
	[sflag:s10] =	ssyncadd.s32 $0xFFFFF000  }
0x8f: {  	[spmem:s2] =	stream.indirect.scatter.add.f32 [tilespmem:s23], [sflag:$0xD], $0x20, s12, s15, $0xb8;
	[tilespmem:$0x17000] =	vst v63  }
0x90: {  	_ =	swait.ge [sflag:s11], $0x1000  }
0x91: {  	[sflag:s11] =	ssyncset.done $0x0  }
0x92: {  	s12 =	sadd.s32 $0x2A80, s7;
	[sflag:s11] =	ssyncadd.s32 $0xFFFFF000  }
0x93: {  	[spmem:s2] =	stream.indirect.scatter.add.f32 [tilespmem:s25], [sflag:$0xE], $0x20, s12, s15, $0xb8;
	[tilespmem:$0x17000] =	vst v63  }
0x94: {  	_ =	swait.ge [sflag:s18], $0x1000  }
0x95: {  	[sflag:s18] =	ssyncset.done $0x0  }
0x96: {  	s12 =	sadd.s32 $0x2B00, s7;
	[sflag:s18] =	ssyncadd.s32 $0xFFFFF000  }
0x97: {  	[spmem:s2] =	stream.indirect.scatter.add.f32 [tilespmem:s28], [sflag:$0xF], $0x20, s12, s15, $0xb8;
	[tilespmem:$0x17000] =	vst v63  }
0x98: {  	_ =	swait.ge [sflag:s1], $0x1000  }
0x99: {  	[sflag:s1] =	ssyncset.done $0x0  }
0x9a: {  	s12 =	sadd.s32 $0x2B80, s7;
	[sflag:s1] =	ssyncadd.s32 $0xFFFFF000  }
0x9b: {  	[spmem:s2] =	stream.indirect.scatter.add.f32 [tilespmem:s30], [sflag:$0x10], $0x20, s12, s15, $0xb8;
	[tilespmem:$0x17000] =	vst v63  }
0x9c: {  	_ =	swait.ge [sflag:s20], $0x1000  }
0x9d: {  	[sflag:s20] =	ssyncset.done $0x0  }
0x9e: {  	s12 =	sadd.s32 $0x400, s7;
	[sflag:s20] =	ssyncadd.s32 $0xFFFFF000  }
0x9f: {  	[tilespmem:s16], [sflag:$0x1] =	stream.indirect.gather [hbm4b:s4+s15], $0x20, s12, s15, $0xb8;
	[tilespmem:$0x17000] =	vst v63  }
0xa0: {  	_ =	swait.ge [sflag:s22], $0x1000  }
0xa1: {  	[sflag:s22] =	ssyncset.done $0x0  }
0xa2: {  	s12 =	sadd.s32 $0x480, s7;
	[sflag:s22] =	ssyncadd.s32 $0xFFFFF000  }
0xa3: {  	[tilespmem:s17], [sflag:$0x2] =	stream.indirect.gather [hbm4b:s4+s15], $0x20, s12, s15, $0xb8;
	[tilespmem:$0x17000] =	vst v63  }
0xa4: {  	_ =	swait.ge [sflag:s24], $0x1000  }
0xa5: {  	[sflag:s24] =	ssyncset.done $0x0  }
0xa6: {  	s12 =	sadd.s32 $0x500, s7;
	[sflag:s24] =	ssyncadd.s32 $0xFFFFF000  }
0xa7: {  	[tilespmem:s19], [sflag:$0x3] =	stream.indirect.gather [hbm4b:s4+s15], $0x20, s12, s15, $0xb8;
	[tilespmem:$0x17000] =	vst v63  }
0xa8: {  	_ =	swait.ge [sflag:s26], $0x1000  }
0xa9: {  	[sflag:s26] =	ssyncset.done $0x0  }
0xaa: {  	s12 =	sadd.s32 $0x580, s7;
	[sflag:s26] =	ssyncadd.s32 $0xFFFFF000  }
0xab: {  	[tilespmem:s21], [sflag:$0x4] =	stream.indirect.gather [hbm4b:s4+s15], $0x20, s12, s15, $0xb8;
	[tilespmem:$0x17000] =	vst v63  }
0xac: {  	_ =	swait.ge [sflag:s29], $0x1000  }
0xad: {  	[sflag:s29] =	ssyncset.done $0x0  }
0xae: {  	s12 =	sadd.s32 $0x600, s7;
	[sflag:s29] =	ssyncadd.s32 $0xFFFFF000  }
0xaf: {  	[tilespmem:s23], [sflag:$0x5] =	stream.indirect.gather [hbm4b:s4+s15], $0x20, s12, s15, $0xb8;
	[tilespmem:$0x17000] =	vst v63  }
0xb0: {  	_ =	swait.ge [sflag:s3], $0x1000  }
0xb1: {  	[sflag:s3] =	ssyncset.done $0x0  }
0xb2: {  	s12 =	sadd.s32 $0x680, s7;
	[sflag:s3] =	ssyncadd.s32 $0xFFFFF000  }
0xb3: {  	[tilespmem:s25], [sflag:$0x6] =	stream.indirect.gather [hbm4b:s4+s15], $0x20, s12, s15, $0xb8;
	[tilespmem:$0x17000] =	vst v63  }
0xb4: {  	_ =	swait.ge [sflag:s5], $0x1000  }
0xb5: {  	[sflag:s5] =	ssyncset.done $0x0  }
.Ltmp1:
0xb6: {  	s12 =	sadd.s32 $0x700, s7;
	[sflag:s5] =	ssyncadd.s32 $0xFFFFF000;
	(pc) =	sbr.rel @p0 .LBB2_4-.Ltmp1, $4  }
0xb7: {  	[tilespmem:s28], [sflag:$0x7] =	stream.indirect.gather [hbm4b:s4+s15], $0x20, s12, s15, $0xb8;
	[tilespmem:$0x17000] =	vst v63  }
0xb8: {  	_ =	swait.ge [sflag:s6], $0x1000  }
0xb9: {  	[sflag:s6] =	ssyncset.done $0x0  }
0xba: {  	s7 =	sadd.s32 $0x780, s7;
	[sflag:s6] =	ssyncadd.s32 $0xFFFFF000  }
0xbb: {  	[tilespmem:s30], [sflag:$0x8] =	stream.indirect.gather [hbm4b:s4+s15], $0x20, s7, s15, $0xb8;
	[tilespmem:$0x17000] =	vst v63  }
0xbc: {  	_ =	swait.ge [sflag:s13], $0x1000  }
0xbd: {  	[sflag:s13] =	ssyncset.done $0x0  }
0xbe: {  	s9 =	simm.s32 $0x4C00;
	[sflag:s13] =	ssyncadd.s32 $0xFFFFF000  }
0xbf: {  	[spmem:s2] =	stream.indirect.scatter.add.f32 [tilespmem:s16], [sflag:$0x9], $0x20, s9, s15, $0xb8;
	[tilespmem:$0x17000] =	vst v63  }
0xc0: {  	_ =	swait.ge [sflag:s14], $0x1000  }
0xc1: {  	[sflag:s14] =	ssyncset.done $0x0  }
0xc2: {  	s12 =	simm.s32 $0x4C80;
	[sflag:s14] =	ssyncadd.s32 $0xFFFFF000  }
0xc3: {  	[spmem:s2] =	stream.indirect.scatter.add.f32 [tilespmem:s17], [sflag:$0xA], $0x20, s12, s15, $0xb8;
	[tilespmem:$0x17000] =	vst v63  }
0xc4: {  	_ =	swait.ge [sflag:s31], $0x1000  }
0xc5: {  	[sflag:s31] =	ssyncset.done $0x0  }
0xc6: {  	s9 =	simm.s32 $0x4D00;
	[sflag:s31] =	ssyncadd.s32 $0xFFFFF000  }
0xc7: {  	[spmem:s2] =	stream.indirect.scatter.add.f32 [tilespmem:s19], [sflag:$0xB], $0x20, s9, s15, $0xb8;
	[tilespmem:$0x17000] =	vst v63  }
0xc8: {  	_ =	swait.ge [sflag:s0], $0x1000  }
0xc9: {  	[sflag:s0] =	ssyncset.done $0x0  }
0xca: {  	s12 =	simm.s32 $0x4D80;
	[sflag:s0] =	ssyncadd.s32 $0xFFFFF000  }
0xcb: {  	[spmem:s2] =	stream.indirect.scatter.add.f32 [tilespmem:s21], [sflag:$0xC], $0x20, s12, s15, $0xb8;
	[tilespmem:$0x17000] =	vst v63  }
0xcc: {  	_ =	swait.ge [sflag:s10], $0x1000  }
0xcd: {  	[sflag:s10] =	ssyncset.done $0x0  }
0xce: {  	s9 =	simm.s32 $0x4E00;
	[sflag:s10] =	ssyncadd.s32 $0xFFFFF000  }
0xcf: {  	[spmem:s2] =	stream.indirect.scatter.add.f32 [tilespmem:s23], [sflag:$0xD], $0x20, s9, s15, $0xb8;
	[tilespmem:$0x17000] =	vst v63  }
0xd0: {  	_ =	swait.ge [sflag:s11], $0x1000  }
0xd1: {  	[sflag:s11] =	ssyncset.done $0x0  }
0xd2: {  	s12 =	simm.s32 $0x4E80;
	[sflag:s11] =	ssyncadd.s32 $0xFFFFF000  }
0xd3: {  	[spmem:s2] =	stream.indirect.scatter.add.f32 [tilespmem:s25], [sflag:$0xE], $0x20, s12, s15, $0xb8;
	[tilespmem:$0x17000] =	vst v63  }
0xd4: {  	_ =	swait.ge [sflag:s18], $0x1000  }
0xd5: {  	[sflag:s18] =	ssyncset.done $0x0  }
0xd6: {  	s9 =	simm.s32 $0x4F00;
	[sflag:s18] =	ssyncadd.s32 $0xFFFFF000  }
0xd7: {  	[spmem:s2] =	stream.indirect.scatter.add.f32 [tilespmem:s28], [sflag:$0xF], $0x20, s9, s15, $0xb8;
	[tilespmem:$0x17000] =	vst v63  }
0xd8: {  	_ =	swait.ge [sflag:s1], $0x1000  }
0xd9: {  	[sflag:s1] =	ssyncset.done $0x0  }
0xda: {  	s12 =	simm.s32 $0x4F80;
	[sflag:s1] =	ssyncadd.s32 $0xFFFFF000  }
0xdb: {  	[spmem:s2] =	stream.indirect.scatter.add.f32 [tilespmem:s30], [sflag:$0x10], $0x20, s12, s15, $0xb8;
	[tilespmem:$0x17000] =	vst v63  }
0xdc: {  	_ =	swait.ge [sflag:s20], $0x1000  }
0xdd: {  	[sflag:s20] =	ssyncset.done $0x0  }
0xde: {  	[sflag:s20] =	ssyncadd.s32 $0xFFFFF000  }
0xdf: {  	_ =	swait.ge [sflag:s22], $0x1000  }
0xe0: {  	[sflag:s22] =	ssyncset.done $0x0  }
0xe1: {  	[sflag:s22] =	ssyncadd.s32 $0xFFFFF000  }
0xe2: {  	_ =	swait.ge [sflag:s24], $0x1000  }
0xe3: {  	[sflag:s24] =	ssyncset.done $0x0  }
0xe4: {  	[sflag:s24] =	ssyncadd.s32 $0xFFFFF000  }
0xe5: {  	_ =	swait.ge [sflag:s26], $0x1000  }
0xe6: {  	[sflag:s26] =	ssyncset.done $0x0  }
0xe7: {  	[sflag:s26] =	ssyncadd.s32 $0xFFFFF000  }
0xe8: {  	_ =	swait.ge [sflag:s29], $0x1000  }
0xe9: {  	[sflag:s29] =	ssyncset.done $0x0  }
0xea: {  	[sflag:s29] =	ssyncadd.s32 $0xFFFFF000  }
0xeb: {  	_ =	swait.ge [sflag:s3], $0x1000  }
0xec: {  	[sflag:s3] =	ssyncset.done $0x0  }
0xed: {  	[sflag:s3] =	ssyncadd.s32 $0xFFFFF000  }
0xee: {  	_ =	swait.ge [sflag:s5], $0x1000  }
0xef: {  	[sflag:s5] =	ssyncset.done $0x0  }
0xf0: {  	[sflag:s5] =	ssyncadd.s32 $0xFFFFF000  }
0xf1: {  	_ =	swait.ge [sflag:s6], $0x1000  }
0xf2: {  	[sflag:s6] =	ssyncset.done $0x0  }
0xf3: {  	[sflag:s6] =	ssyncadd.s32 $0xFFFFF000  }
0xf4: {  	s9 =	stileid.u32;
	[bflag:$0x0] =	sbarrier.arrive $0xFFFF  }
0xf5: {  	s7 =	sshll.u32 s9, $0x6;
	s9 =	rddreg [dreg:$0x5]  }
0xf6: {  	s7 =	sor.u32 $0x1C11, s7;
	s12 =	rddreg [dreg:$0x6];
	s9 =	sshrl.u32 s9, $0x3  }
0xf7: {  	[hbm:s12], [sflag:s7] =	dma.local [spmem:s9], $0xA00  }
0xf8: {  	s9 =	simm.s32 $0x11  }
0xf9: {  	_ =	swait.ge [sflag:s9], $0xA00  }
0xfa: {  	s8 =	sadd.s32 $0x1, s8;
	s12 =	rddreg [dreg:$0x7]  }
0xfb: {  	p0 =	sne.s32 s8, s12  }
.Ltmp2:
0xfc: {  	_ = 	snop;
	(pc) =	sbr.rel @p0 .LBB2_1-.Ltmp2, $3  }
0xfd: {  	_ =	sdelay $0x1  }
0xfe: {  	[sflag:s9] =	ssyncset.done $0x0  }
0xff: {  	[sflag:s9] =	ssyncadd.s32 $0xFFFFF600  }
0x100: {  	_ =	sfence.sel $0x180000  }
0x101: {  	[bflag:$0x0] =	sbarrier.arrive $0xFFFF  }
0x102: {  	_ =	strace $0x90000050  }
0x103: {  	s0 =	stileid.u32;
	[bflag:$0x2] =	sbarrier.arrive $0xFFFF  }
0x104: {  	p0 =	sne.s32 s0, $0x0;
	s0 =	rddreg [dreg:$0x2]  }
0x105: {  	s0 =	sadd.s32 @!p0 $0x100000, s0  }
0x106: {  	[sflag:s0] =	ssyncadd.tile.s32 @!p0 $0x1;
	_ =	shalt  }
.Lfunc_end2:
_tile_overlayer_lowered:
.L_overlay_start_2:
0x107: {  	(tag) =	ssettag $0x2  }
0x108: {  	s0 =	rddreg [dreg:$0x0];
	s2 =	stileid.u32  }
0x109: {  	s1 =	rddreg [dreg:$0x1];
	p0 =	sne.s32 s2, $0x0  }
0x10a: {  	s3 =	rddreg [dreg:$0x2];
	[bflag:$0x3] =	sbarrier.arrive $0xFFFF;
	s2 =	simm.s32 @!p0 $0x1C11  }
0x10b: {  	[timem:s3], [sflag:s2] =	dma.local @!p0 [hbm:s0], s1  }
0x10c: {  	s0 =	simm.s32 @!p0 $0x11  }
0x10d: {  	_ =	swait.ge @!p0 [sflag:s0], s1  }
0x10e: {  	s1 =	ssub.s32 @!p0 $0x0, s1;
	[sflag:s0] =	ssyncset.done @!p0 $0x0  }
0x10f: {  	[sflag:s0] =	ssyncadd.s32 @!p0 s1  }
0x110: {  	[bflag:$0x3] =	sbarrier.arrive $0xFFFF  }
0x111: {  	_ =	shalt  }

</sc_bundles>
